<compile_context>
chip_gen: v7x
topology: tpu7x:2x2x1
jax: 0.10.2.dev20260603
libtpu: 0.0.44.dev20260713+nightly
codegen_flags: <defaults>
</compile_context>

<pallas_src>
import functools

import jax
import jax.numpy as jnp
from jax import lax
from jax.experimental import pallas as pl
from jax.experimental.pallas import tpu as pltpu
from jax.experimental.pallas import tpu_sc as plsc

N_NODES = 10000
D_FEAT = 128
CH = 16

NC = 2
NS = 16
NW = NC * NS
B = 128
NPAD = 10240
RPT = NPAD // NS

_MESH = plsc.VectorSubcoreMesh(core_axis_name="c", subcore_axis_name="s")


def _deg_body(ei_hbm, out_hbm, dstbuf, ones_v, zbuf, degbuf, bbuf, deg_sh,
              dsem, isem):
    c = lax.axis_index("c")
    s = lax.axis_index("s")
    w = c * NS + s
    T = dstbuf.shape[0]
    NCHUNK = ei_hbm.shape[0]
    cnt = NCHUNK // NW + jnp.where(w < NCHUNK % NW, 1, 0)

    @pl.loop(0, T)
    def _ifetch(j):
        @pl.when(j < cnt)
        def _():
            pltpu.async_copy(ei_hbm.at[j * NW + w, 1], dstbuf.at[j], isem)

    z16 = jnp.zeros((16,), jnp.float32)
    o16 = jnp.ones((16,), jnp.float32)

    @pl.loop(0, RPT // 16)
    def _zero(i):
        zbuf[pl.ds(i * 16, 16)] = z16

    @pl.loop(0, B // 16)
    def _ones(i):
        ones_v[pl.ds(i * 16, 16)] = o16

    pltpu.sync_copy(zbuf, deg_sh.at[pl.ds(s * RPT, RPT)])

    @pl.loop(0, T)
    def _idrain(j):
        @pl.when(j < cnt)
        def _():
            pltpu.make_async_copy(ei_hbm.at[j * NW + w, 1], dstbuf.at[j],
                                  isem).wait()

    plsc.subcore_barrier()

    K = 16

    @pl.loop(0, T, step=K)
    def _accum(jj):
        for b in range(K):
            @pl.when(jj + b < cnt)
            def _():
                pltpu.async_copy(ones_v, deg_sh.at[dstbuf.at[jj + b]], dsem,
                                 add=True)
        for b in range(K):
            @pl.when(jj + b < cnt)
            def _():
                pltpu.make_async_copy(ones_v, deg_sh.at[dstbuf.at[jj + b]],
                                      dsem).wait()

    plsc.subcore_barrier()
    pltpu.sync_copy(deg_sh.at[pl.ds(s * RPT, RPT)], degbuf)

    @pl.loop(0, RPT)
    def _bcast(v):
        val16 = plsc.load_gather(degbuf, [jnp.full((16,), v, jnp.int32)])
        bbuf[v // 8, pl.ds((v % 8) * 16, 16)] = val16

    FR = RPT * CH // 128
    pltpu.sync_copy(bbuf, out_hbm.at[c, pl.ds(s * FR, FR)])


NB = 8


def _agg_body(y_hbm, ei_hbm, out_hbm,
              srcbuf, dstbuf, rows, acc, gsem, ssem, isem):
    c = lax.axis_index("c")
    s = lax.axis_index("s")
    w = c * NS + s
    T = srcbuf.shape[0]
    NCHUNK = ei_hbm.shape[0]
    cnt = NCHUNK // NW + jnp.where(w < NCHUNK % NW, 1, 0)

    @pl.loop(0, T)
    def _ifetch(j):
        @pl.when(j < cnt)
        def _():
            pltpu.async_copy(ei_hbm.at[j * NW + w, 0], srcbuf.at[j], isem)
            pltpu.async_copy(ei_hbm.at[j * NW + w, 1], dstbuf.at[j], isem)

    z16 = jnp.zeros((16,), jnp.float32)

    @pl.loop(0, B)
    def _zero(i):
        rows[0, i] = z16

    @pl.loop(0, RPT // B)
    def _init(i):
        pltpu.sync_copy(rows.at[0], acc.at[pl.ds(s * RPT + i * B, B)])

    @pl.loop(0, T)
    def _idrain(j):
        @pl.when(j < cnt)
        def _():
            pltpu.make_async_copy(ei_hbm.at[j * NW + w, 0], srcbuf.at[j],
                                  isem).wait()
            pltpu.make_async_copy(ei_hbm.at[j * NW + w, 1], dstbuf.at[j],
                                  isem).wait()

    plsc.subcore_barrier()

    for b in range(NB):
        pltpu.async_copy(y_hbm.at[srcbuf.at[b]], rows.at[b], gsem.at[b])

    @pl.loop(0, T, step=NB)
    def _edges(jj):
        for b in range(NB):
            j = jj + b

            @pl.when(j < cnt)
            def _():
                pltpu.make_async_copy(y_hbm.at[srcbuf.at[j]], rows.at[b],
                                      gsem.at[b]).wait()
                pltpu.async_copy(rows.at[b], acc.at[dstbuf.at[j]], ssem.at[b],
                                 add=True)
        for b in range(NB):
            j = jj + b

            @pl.when(j < cnt)
            def _():
                pltpu.make_async_copy(rows.at[b], acc.at[dstbuf.at[j]],
                                      ssem.at[b]).wait()

            @pl.when(j + NB < cnt)
            def _prefetch():
                pltpu.async_copy(y_hbm.at[srcbuf.at[j + NB]], rows.at[b],
                                 gsem.at[b])

    plsc.subcore_barrier()
    pltpu.sync_copy(acc.at[pl.ds(s * RPT, RPT)],
                    out_hbm.at[c, pl.ds(s * RPT, RPT)])


def _make_deg_call(T):
    return pl.kernel(
        _deg_body,
        out_type=jax.ShapeDtypeStruct((NC, NPAD * CH // 128, 128),
                                      jnp.float32),
        mesh=_MESH,
        scratch_types=[
            pltpu.VMEM((T, B), jnp.int32),
            pltpu.VMEM((B,), jnp.float32),
            pltpu.VMEM((RPT,), jnp.float32),
            pltpu.VMEM((RPT,), jnp.float32),
            pltpu.VMEM((RPT * CH // 128, 128), jnp.float32),
            pltpu.VMEM_SHARED((NPAD,), jnp.float32),
            pltpu.SemaphoreType.DMA,
            pltpu.SemaphoreType.DMA,
        ],
        compiler_params=pltpu.CompilerParams(needs_layout_passes=False),
    )


def _make_agg_call(T):
    return pl.kernel(
        _agg_body,
        out_type=jax.ShapeDtypeStruct((NC, NPAD, CH), jnp.float32),
        mesh=_MESH,
        scratch_types=[
            pltpu.VMEM((T, B), jnp.int32),
            pltpu.VMEM((T, B), jnp.int32),
            pltpu.VMEM((NB, B, CH), jnp.float32),
            pltpu.VMEM_SHARED((NPAD, CH), jnp.float32),
            pltpu.SemaphoreType.DMA((NB,)),
            pltpu.SemaphoreType.DMA((NB,)),
            pltpu.SemaphoreType.DMA,
        ],
        compiler_params=pltpu.CompilerParams(use_tc_tiling_on_sc=False),
    )


_GRID = 8
_RB = NPAD // _GRID
FLAT = (NPAD * CH // 128, 128)


def _tc0_body(x_ref, w1_ref, h_ref):
    h_ref[...] = jnp.dot(x_ref[...], w1_ref[...],
                         preferred_element_type=jnp.float32)


NFR = N_NODES * CH // 128


def _tc1_body(h_ref, degb_ref, y1_ref, dinvb_ref):
    dinvb = 1.0 / jnp.sqrt(degb_ref[0] + degb_ref[1] + 1.0)
    y1_ref[...] = jnp.pad(h_ref[...], ((0, FLAT[0] - NFR), (0, 0))) * dinvb
    dinvb_ref[...] = dinvb


def _tc2_body(p_ref, y1_ref, dinvb_ref, y2_ref):
    agg = (p_ref[0] + p_ref[1] + y1_ref[...]) * dinvb_ref[...]
    y2_ref[...] = jnp.maximum(agg, 0.0) * dinvb_ref[...]


def _tc3_body(q_ref, y2_ref, dinvb_ref, w2bd_ref, gsum_ref, out_ref):
    zf = (q_ref[0] + q_ref[1] + y2_ref[...]) * dinvb_ref[...]
    z = jnp.dot(zf, w2bd_ref[...], preferred_element_type=jnp.float32)
    e = jnp.exp(z - jnp.max(z, axis=-1, keepdims=True))
    denom = jnp.dot(e, gsum_ref[...], preferred_element_type=jnp.float32)
    out_ref[...] = (e / denom)[:NFR]


_tc0 = pl.pallas_call(
    _tc0_body,
    grid=(10,),
    in_specs=[pl.BlockSpec((N_NODES // 10, D_FEAT), lambda i: (i, 0)),
              pl.BlockSpec((D_FEAT, CH), lambda i: (0, 0))],
    out_specs=pl.BlockSpec((N_NODES // 10, CH), lambda i: (i, 0)),
    out_shape=jax.ShapeDtypeStruct((N_NODES, CH), jnp.float32),
)

_tc1 = pl.pallas_call(
    _tc1_body,
    out_shape=[
        jax.ShapeDtypeStruct(FLAT, jnp.float32),
        jax.ShapeDtypeStruct(FLAT, jnp.float32),
    ],
)

_tc2 = pl.pallas_call(
    _tc2_body,
    out_shape=jax.ShapeDtypeStruct(FLAT, jnp.float32),
)

_tc3 = pl.pallas_call(
    _tc3_body,
    out_shape=jax.ShapeDtypeStruct((N_NODES * CH // 128, 128), jnp.float32),
)


def kernel(x, edge_index, W1, W2):
    E = edge_index.shape[1]
    NCHUNK = E // B
    T = -(-NCHUNK // NW)
    T = -(-T // NB) * NB

    ei = jnp.transpose(edge_index.astype(jnp.int32).reshape(2, NCHUNK, B),
                       (1, 0, 2))

    deg_call = _make_deg_call(T)
    agg_call = _make_agg_call(T)

    w2bd = jnp.kron(jnp.eye(8, dtype=jnp.float32), W2)
    gsum = jnp.kron(jnp.eye(8, dtype=jnp.float32),
                    jnp.ones((CH, CH), jnp.float32))

    h = _tc0(x.astype(jnp.float32), W1)
    degb = deg_call(ei)
    hf = h.reshape(NFR, 128)
    y1, dinvb = _tc1(hf, degb)
    p = agg_call(y1.reshape(NPAD, CH), ei)
    y2 = _tc2(p.reshape(NC, *FLAT), y1, dinvb)
    q = agg_call(y2.reshape(NPAD, CH), ei)
    outf = _tc3(q.reshape(NC, *FLAT), y2, dinvb, w2bd, gsum)
    return outf.reshape(N_NODES, CH)

# --- scband reference (transcript-rebuilt; emitter-appended) ---
"""Pipeline reference for scband-my-model-51677046505874 (READ-ONLY COPY).

The authoritative reference and input builder live on the scoring server;
editing this copy changes nothing except your own understanding.
"""

import jax, jax.numpy as jnp
import numpy as np

N_NODES = 10000
N_EDGES = 320000
D_FEAT = 128
CHANNELS = 16
N_CLASSES = 16


def setup_inputs(seed: int = 0) -> dict:
    key = jax.random.key(seed)
    k1, k2, k3, k4 = jax.random.split(key, 4)
    x = jax.random.normal(k1, (N_NODES, D_FEAT), dtype=jnp.float32)
    edge_index = jax.random.randint(k2, (2, N_EDGES), 0, N_NODES)
    W1 = jax.random.normal(k3, (D_FEAT, CHANNELS), dtype=jnp.float32) * (1.0 / np.sqrt(D_FEAT))
    W2 = jax.random.normal(k4, (CHANNELS, N_CLASSES), dtype=jnp.float32) * (1.0 / np.sqrt(CHANNELS))
    return {"x": x, "edge_index": edge_index, "W1": W1, "W2": W2}


def _gcn_conv(x, src, dst, norm, W, n_nodes):
    # GraphConv (Kipf & Welling): D^-1/2 (A+I) D^-1/2 X W, no bias
    h = x @ W
    msg = jnp.take(h, src, axis=0) * norm[:, None]
    return jax.ops.segment_sum(msg, dst, num_segments=n_nodes)


def reference(x, edge_index, W1, W2):
    n = x.shape[0]
    # add self-loops (A_hat = A + I)
    loop = jnp.arange(n, dtype=edge_index.dtype)
    src = jnp.concatenate([edge_index[0], loop])
    dst = jnp.concatenate([edge_index[1], loop])
    # symmetric degree normalization
    deg = jax.ops.segment_sum(jnp.ones(src.shape[0], dtype=x.dtype), dst, num_segments=n)
    dinv = jnp.where(deg > 0, 1.0 / jnp.sqrt(deg), 0.0)
    norm = dinv[src] * dinv[dst]
    # Dropout layers are identity at inference time
    h = _gcn_conv(x, src, dst, norm, W1, n)
    h = jax.nn.relu(h)
    out = _gcn_conv(h, src, dst, norm, W2, n)
    return jax.nn.softmax(out, axis=-1)

if __name__ == "__main__":
    import jax
    _d = setup_inputs()
    print(jax.jit(kernel)(*tuple(_d.values())))

</pallas_src>

<mosaic_0001>
#map = affine_map<(d0, d1) -> (0, 0)>
#map1 = affine_map<(d0, d1) -> (0, 0, 0)>
module attributes {stable_mosaic.version = 14 : i64} {
  func.func @_agg_body(%arg0: i32, %arg1: i32, %arg2: memref<10240x16xf32, #tpu.memory_space<hbm>>, %arg3: memref<2500x2x128xi32, #tpu.memory_space<hbm>>, %arg4: memref<2x10240x16xf32, #tpu.memory_space<hbm>>, %arg5: memref<80x128xi32, #tpu.memory_space<vmem>>, %arg6: memref<80x128xi32, #tpu.memory_space<vmem>>, %arg7: memref<8x128x16xf32, #tpu.memory_space<vmem>>, %arg8: memref<10240x16xf32, #tpu.memory_space<vmem_shared>>, %arg9: memref<8x!tpu.dma_semaphore, #tpu.memory_space<semaphore_mem>>, %arg10: memref<8x!tpu.dma_semaphore, #tpu.memory_space<semaphore_mem>>, %arg11: memref<!tpu.dma_semaphore, #tpu.memory_space<semaphore_mem>>) attributes {dimension_semantics = [#tpu.dimension_semantics<core_parallel>, #tpu.dimension_semantics<subcore_parallel>], iteration_bounds = array<i64: 2, 16>, scalar_prefetch = 0 : i64, scratch_operands = 7 : i64, tpu.core_type = #tpu.core_type<sc_vector_subcore>, window_params = [{transform_indices = #map}, {transform_indices = #map1}, {transform_indices = #map1}]} {
    %mul3A = arith.constant 16 : i32
    %mul3A_0 = arith.muli %arg0, %mul3A : i32
    %add3A = arith.addi %mul3A_0, %arg1 : i32
    %lt3A = arith.constant 4 : i32
    %lt3A_1 = arith.cmpi slt, %add3A, %lt3A : i32
    %jit3A = arith.constant 1 : i32
    %jit3A_2 = arith.constant 0 : i32
    %select_n3A = arith.select %lt3A_1, %jit3A, %jit3A_2 : i32
    %add3A_3 = arith.constant 78 : i32
    %add3A_4 = arith.addi %add3A_3, %select_n3A : i32
    %scan3A = arith.constant 0 : i32
    %scan3A_5 = arith.constant 80 : i32
    %scan3A_6 = arith.addi %scan3A, %scan3A_5 : i32
    %scan3A_7 = arith.constant 1 : i32
    scf.for %scan3A_154 = %scan3A to %scan3A_6 step %scan3A_7  : i32 {
      %mul3A_155 = arith.constant 1 : i32
      %mul3A_156 = arith.muli %scan3A_154, %mul3A_155 : i32
      %add3A_157 = arith.constant 0 : i32
      %add3A_158 = arith.addi %add3A_157, %mul3A_156 : i32
      %lt3A_159 = arith.cmpi slt, %add3A_158, %add3A_4 : i32
      %convert_element_type3A = arith.extui %lt3A_159 : i1 to i32
      %cond3A = arith.constant 0 : i32
      %cond3A_160 = arith.cmpi ne, %convert_element_type3A, %cond3A : i32
      scf.if %cond3A_160 {
        %mul3A_161 = arith.constant 32 : i32
        %mul3A_162 = arith.muli %add3A_158, %mul3A_161 : i32
        %add3A_163 = arith.addi %mul3A_162, %add3A : i32
        %dma_start3A_164 = arith.constant 0 : i32
        %dma_start3A_165 = arith.constant 0 : i32
        %dma_start3A_166 = tpu.memref_slice %arg5[%add3A_158, %dma_start3A_165] : memref<80x128xi32, #tpu.memory_space<vmem>> -> memref<1x128xi32, #tpu.memory_space<vmem>>
        %dma_start3A_167 = tpu.memref_squeeze %dma_start3A_166 : memref<1x128xi32, #tpu.memory_space<vmem>> -> memref<128xi32, #tpu.memory_space<vmem>>
        %dma_start3A_168 = arith.constant 0 : i32
        %dma_start3A_169 = tpu.memref_slice %arg3[%add3A_163, %dma_start3A_164, %dma_start3A_168] : memref<2500x2x128xi32, #tpu.memory_space<hbm>> -> memref<1x1x128xi32, #tpu.memory_space<hbm>>
        %dma_start3A_170 = tpu.memref_squeeze %dma_start3A_169 : memref<1x1x128xi32, #tpu.memory_space<hbm>> -> memref<128xi32, #tpu.memory_space<hbm>>
        %dma_start3A_171 = arith.constant 0 : i32
        %dma_start3A_172 = tpu.memref_slice %arg5[%add3A_158, %dma_start3A_171] : memref<80x128xi32, #tpu.memory_space<vmem>> -> memref<1x128xi32, #tpu.memory_space<vmem>>
        %dma_start3A_173 = tpu.memref_squeeze %dma_start3A_172 : memref<1x128xi32, #tpu.memory_space<vmem>> -> memref<128xi32, #tpu.memory_space<vmem>>
        %dma_start3A_174 = arith.constant 0 : i32
        %dma_start3A_175 = tpu.memref_slice %arg3[%add3A_163, %dma_start3A_164, %dma_start3A_174] : memref<2500x2x128xi32, #tpu.memory_space<hbm>> -> memref<1x1x128xi32, #tpu.memory_space<hbm>>
        %dma_start3A_176 = tpu.memref_squeeze %dma_start3A_175 : memref<1x1x128xi32, #tpu.memory_space<hbm>> -> memref<128xi32, #tpu.memory_space<hbm>>
        tpu.enqueue_dma source(%dma_start3A_176 : memref<128xi32, #tpu.memory_space<hbm>>) target(%dma_start3A_173 : memref<128xi32, #tpu.memory_space<vmem>>) target_semaphore(%arg11 : memref<!tpu.dma_semaphore, #tpu.memory_space<semaphore_mem>>)
        %mul3A_177 = arith.constant 32 : i32
        %mul3A_178 = arith.muli %add3A_158, %mul3A_177 : i32
        %add3A_179 = arith.addi %mul3A_178, %add3A : i32
        %dma_start3A_180 = arith.constant 1 : i32
        %dma_start3A_181 = arith.constant 0 : i32
        %dma_start3A_182 = tpu.memref_slice %arg6[%add3A_158, %dma_start3A_181] : memref<80x128xi32, #tpu.memory_space<vmem>> -> memref<1x128xi32, #tpu.memory_space<vmem>>
        %dma_start3A_183 = tpu.memref_squeeze %dma_start3A_182 : memref<1x128xi32, #tpu.memory_space<vmem>> -> memref<128xi32, #tpu.memory_space<vmem>>
        %dma_start3A_184 = arith.constant 0 : i32
        %dma_start3A_185 = tpu.memref_slice %arg3[%add3A_179, %dma_start3A_180, %dma_start3A_184] : memref<2500x2x128xi32, #tpu.memory_space<hbm>> -> memref<1x1x128xi32, #tpu.memory_space<hbm>>
        %dma_start3A_186 = tpu.memref_squeeze %dma_start3A_185 : memref<1x1x128xi32, #tpu.memory_space<hbm>> -> memref<128xi32, #tpu.memory_space<hbm>>
        %dma_start3A_187 = arith.constant 0 : i32
        %dma_start3A_188 = tpu.memref_slice %arg6[%add3A_158, %dma_start3A_187] : memref<80x128xi32, #tpu.memory_space<vmem>> -> memref<1x128xi32, #tpu.memory_space<vmem>>
        %dma_start3A_189 = tpu.memref_squeeze %dma_start3A_188 : memref<1x128xi32, #tpu.memory_space<vmem>> -> memref<128xi32, #tpu.memory_space<vmem>>
        %dma_start3A_190 = arith.constant 0 : i32
        %dma_start3A_191 = tpu.memref_slice %arg3[%add3A_179, %dma_start3A_180, %dma_start3A_190] : memref<2500x2x128xi32, #tpu.memory_space<hbm>> -> memref<1x1x128xi32, #tpu.memory_space<hbm>>
        %dma_start3A_192 = tpu.memref_squeeze %dma_start3A_191 : memref<1x1x128xi32, #tpu.memory_space<hbm>> -> memref<128xi32, #tpu.memory_space<hbm>>
        tpu.enqueue_dma source(%dma_start3A_192 : memref<128xi32, #tpu.memory_space<hbm>>) target(%dma_start3A_189 : memref<128xi32, #tpu.memory_space<vmem>>) target_semaphore(%arg11 : memref<!tpu.dma_semaphore, #tpu.memory_space<semaphore_mem>>)
      } else {
      }
    }
    %scan3A_8 = arith.constant 80 : i32
    %broadcast_in_dim3A = arith.constant 0.000000e+00 : f32
    %broadcast_in_dim3A_9 = vector.broadcast %broadcast_in_dim3A : f32 to vector<16xf32>
    %scan3A_10 = arith.constant 0 : i32
    %scan3A_11 = arith.constant 128 : i32
    %scan3A_12 = arith.addi %scan3A_10, %scan3A_11 : i32
    %scan3A_13 = arith.constant 1 : i32
    scf.for %scan3A_154 = %scan3A_10 to %scan3A_12 step %scan3A_13  : i32 {
      %mul3A_155 = arith.constant 1 : i32
      %mul3A_156 = arith.muli %scan3A_154, %mul3A_155 : i32
      %add3A_157 = arith.constant 0 : i32
      %add3A_158 = arith.addi %add3A_157, %mul3A_156 : i32
      %swap3A = arith.constant 0 : i32
      %swap3A_159 = arith.index_cast %swap3A : i32 to index
      %swap3A_160 = arith.index_cast %add3A_158 : i32 to index
      %swap3A_161 = arith.constant 0 : index
      %swap3A_162 = tpu.vector_load %arg7[%swap3A_159, %swap3A_160, %swap3A_161] {strides = array<i32>} : memref<8x128x16xf32, #tpu.memory_space<vmem>>, vector<1x1x16xf32>,
      %swap3A_163 = vector.shape_cast %swap3A_162 : vector<1x1x16xf32> to vector<16xf32>
      %swap3A_164 = vector.shape_cast %broadcast_in_dim3A_9 : vector<16xf32> to vector<1x1x16xf32>
      tpu.vector_store %arg7[%swap3A_159, %swap3A_160, %swap3A_161], %swap3A_164 {strides = array<i32>} : memref<8x128x16xf32, #tpu.memory_space<vmem>>, vector<1x1x16xf32>,
    }
    %scan3A_14 = arith.constant 128 : i32
    %scan3A_15 = arith.constant 0 : i32
    %scan3A_16 = arith.constant 5 : i32
    %scan3A_17 = arith.addi %scan3A_15, %scan3A_16 : i32
    %scan3A_18 = arith.constant 1 : i32
    scf.for %scan3A_154 = %scan3A_15 to %scan3A_17 step %scan3A_18  : i32 {
      %mul3A_155 = arith.constant 1 : i32
      %mul3A_156 = arith.muli %scan3A_154, %mul3A_155 : i32
      %add3A_157 = arith.constant 0 : i32
      %add3A_158 = arith.addi %add3A_157, %mul3A_156 : i32
      %mul3A_159 = arith.constant 640 : i32
      %mul3A_160 = arith.muli %arg1, %mul3A_159 : i32
      %mul3A_161 = arith.constant 128 : i32
      %mul3A_162 = arith.muli %add3A_158, %mul3A_161 : i32
      %add3A_163 = arith.addi %mul3A_160, %mul3A_162 : i32
      %run_scoped3A = arith.constant 0 : i32
      "tpu.region"() ({
        %run_scoped3A_164 = tpu.sem_alloc : memref<!tpu.dma_semaphore, #tpu.memory_space<semaphore_mem>>
        %dma_start3A_165 = arith.constant 0 : i32
        %dma_start3A_166 = arith.constant 0 : i32
        %dma_start3A_167 = tpu.memref_slice %arg7[%run_scoped3A, %dma_start3A_165, %dma_start3A_166] : memref<8x128x16xf32, #tpu.memory_space<vmem>> -> memref<1x128x16xf32, #tpu.memory_space<vmem>>
        %dma_start3A_168 = tpu.memref_squeeze %dma_start3A_167 : memref<1x128x16xf32, #tpu.memory_space<vmem>> -> memref<128x16xf32, #tpu.memory_space<vmem>>
        %dma_start3A_169 = arith.constant 0 : i32
        %dma_start3A_170 = tpu.memref_slice %arg8[%add3A_163, %dma_start3A_169] : memref<10240x16xf32, #tpu.memory_space<vmem_shared>> -> memref<128x16xf32, #tpu.memory_space<vmem_shared>>
        %dma_start3A_171 = arith.constant 0 : i32
        %dma_start3A_172 = tpu.memref_slice %arg8[%add3A_163, %dma_start3A_171] : memref<10240x16xf32, #tpu.memory_space<vmem_shared>> -> memref<128x16xf32, #tpu.memory_space<vmem_shared>>
        %dma_start3A_173 = arith.constant 0 : i32
        %dma_start3A_174 = arith.constant 0 : i32
        %dma_start3A_175 = tpu.memref_slice %arg7[%run_scoped3A, %dma_start3A_173, %dma_start3A_174] : memref<8x128x16xf32, #tpu.memory_space<vmem>> -> memref<1x128x16xf32, #tpu.memory_space<vmem>>
        %dma_start3A_176 = tpu.memref_squeeze %dma_start3A_175 : memref<1x128x16xf32, #tpu.memory_space<vmem>> -> memref<128x16xf32, #tpu.memory_space<vmem>>
        tpu.enqueue_dma source(%dma_start3A_176 : memref<128x16xf32, #tpu.memory_space<vmem>>) target(%dma_start3A_172 : memref<128x16xf32, #tpu.memory_space<vmem_shared>>) target_semaphore(%run_scoped3A_164 : memref<!tpu.dma_semaphore, #tpu.memory_space<semaphore_mem>>)
        %dma_wait3A = arith.constant 0 : i32
        %dma_wait3A_177 = arith.constant 0 : i32
        %dma_wait3A_178 = tpu.memref_slice %arg7[%run_scoped3A, %dma_wait3A, %dma_wait3A_177] : memref<8x128x16xf32, #tpu.memory_space<vmem>> -> memref<1x128x16xf32, #tpu.memory_space<vmem>>
        %dma_wait3A_179 = tpu.memref_squeeze %dma_wait3A_178 : memref<1x128x16xf32, #tpu.memory_space<vmem>> -> memref<128x16xf32, #tpu.memory_space<vmem>>
        %dma_wait3A_180 = arith.constant 0 : i32
        %dma_wait3A_181 = tpu.memref_slice %arg8[%add3A_163, %dma_wait3A_180] : memref<10240x16xf32, #tpu.memory_space<vmem_shared>> -> memref<128x16xf32, #tpu.memory_space<vmem_shared>>
        %dma_wait3A_182 = arith.constant 0 : i32
        %dma_wait3A_183 = tpu.memref_slice %arg8[%add3A_163, %dma_wait3A_182] : memref<10240x16xf32, #tpu.memory_space<vmem_shared>> -> memref<128x16xf32, #tpu.memory_space<vmem_shared>>
        %dma_wait3A_184 = arith.constant 0 : i32
        %dma_wait3A_185 = arith.constant 0 : i32
        %dma_wait3A_186 = tpu.memref_slice %arg7[%run_scoped3A, %dma_wait3A_184, %dma_wait3A_185] : memref<8x128x16xf32, #tpu.memory_space<vmem>> -> memref<1x128x16xf32, #tpu.memory_space<vmem>>
        %dma_wait3A_187 = tpu.memref_squeeze %dma_wait3A_186 : memref<1x128x16xf32, #tpu.memory_space<vmem>> -> memref<128x16xf32, #tpu.memory_space<vmem>>
        tpu.wait_dma2 semaphore(%run_scoped3A_164 : memref<!tpu.dma_semaphore, #tpu.memory_space<semaphore_mem>>) src(%dma_wait3A_187 : memref<128x16xf32, #tpu.memory_space<vmem>>) dst(%dma_wait3A_183 : memref<128x16xf32, #tpu.memory_space<vmem_shared>>)
        tpu.yield
      }) : () -> ()
    }
    %scan3A_19 = arith.constant 5 : i32
    %scan3A_20 = arith.constant 0 : i32
    %scan3A_21 = arith.constant 80 : i32
    %scan3A_22 = arith.addi %scan3A_20, %scan3A_21 : i32
    %scan3A_23 = arith.constant 1 : i32
    scf.for %scan3A_154 = %scan3A_20 to %scan3A_22 step %scan3A_23  : i32 {
      %mul3A_155 = arith.constant 1 : i32
      %mul3A_156 = arith.muli %scan3A_154, %mul3A_155 : i32
      %add3A_157 = arith.constant 0 : i32
      %add3A_158 = arith.addi %add3A_157, %mul3A_156 : i32
      %lt3A_159 = arith.cmpi slt, %add3A_158, %add3A_4 : i32
      %convert_element_type3A = arith.extui %lt3A_159 : i1 to i32
      %cond3A = arith.constant 0 : i32
      %cond3A_160 = arith.cmpi ne, %convert_element_type3A, %cond3A : i32
      scf.if %cond3A_160 {
        %mul3A_161 = arith.constant 32 : i32
        %mul3A_162 = arith.muli %add3A_158, %mul3A_161 : i32
        %add3A_163 = arith.addi %mul3A_162, %add3A : i32
        %dma_wait3A = arith.constant 0 : i32
        %dma_wait3A_164 = arith.constant 0 : i32
        %dma_wait3A_165 = tpu.memref_slice %arg5[%add3A_158, %dma_wait3A_164] : memref<80x128xi32, #tpu.memory_space<vmem>> -> memref<1x128xi32, #tpu.memory_space<vmem>>
        %dma_wait3A_166 = tpu.memref_squeeze %dma_wait3A_165 : memref<1x128xi32, #tpu.memory_space<vmem>> -> memref<128xi32, #tpu.memory_space<vmem>>
        %dma_wait3A_167 = arith.constant 0 : i32
        %dma_wait3A_168 = tpu.memref_slice %arg3[%add3A_163, %dma_wait3A, %dma_wait3A_167] : memref<2500x2x128xi32, #tpu.memory_space<hbm>> -> memref<1x1x128xi32, #tpu.memory_space<hbm>>
        %dma_wait3A_169 = tpu.memref_squeeze %dma_wait3A_168 : memref<1x1x128xi32, #tpu.memory_space<hbm>> -> memref<128xi32, #tpu.memory_space<hbm>>
        %dma_wait3A_170 = arith.constant 0 : i32
        %dma_wait3A_171 = tpu.memref_slice %arg5[%add3A_158, %dma_wait3A_170] : memref<80x128xi32, #tpu.memory_space<vmem>> -> memref<1x128xi32, #tpu.memory_space<vmem>>
        %dma_wait3A_172 = tpu.memref_squeeze %dma_wait3A_171 : memref<1x128xi32, #tpu.memory_space<vmem>> -> memref<128xi32, #tpu.memory_space<vmem>>
        %dma_wait3A_173 = arith.constant 0 : i32
        %dma_wait3A_174 = tpu.memref_slice %arg3[%add3A_163, %dma_wait3A, %dma_wait3A_173] : memref<2500x2x128xi32, #tpu.memory_space<hbm>> -> memref<1x1x128xi32, #tpu.memory_space<hbm>>
        %dma_wait3A_175 = tpu.memref_squeeze %dma_wait3A_174 : memref<1x1x128xi32, #tpu.memory_space<hbm>> -> memref<128xi32, #tpu.memory_space<hbm>>
        tpu.wait_dma2 semaphore(%arg11 : memref<!tpu.dma_semaphore, #tpu.memory_space<semaphore_mem>>) src(%dma_wait3A_175 : memref<128xi32, #tpu.memory_space<hbm>>) dst(%dma_wait3A_172 : memref<128xi32, #tpu.memory_space<vmem>>)
        %mul3A_176 = arith.constant 32 : i32
        %mul3A_177 = arith.muli %add3A_158, %mul3A_176 : i32
        %add3A_178 = arith.addi %mul3A_177, %add3A : i32
        %dma_wait3A_179 = arith.constant 1 : i32
        %dma_wait3A_180 = arith.constant 0 : i32
        %dma_wait3A_181 = tpu.memref_slice %arg6[%add3A_158, %dma_wait3A_180] : memref<80x128xi32, #tpu.memory_space<vmem>> -> memref<1x128xi32, #tpu.memory_space<vmem>>
        %dma_wait3A_182 = tpu.memref_squeeze %dma_wait3A_181 : memref<1x128xi32, #tpu.memory_space<vmem>> -> memref<128xi32, #tpu.memory_space<vmem>>
        %dma_wait3A_183 = arith.constant 0 : i32
        %dma_wait3A_184 = tpu.memref_slice %arg3[%add3A_178, %dma_wait3A_179, %dma_wait3A_183] : memref<2500x2x128xi32, #tpu.memory_space<hbm>> -> memref<1x1x128xi32, #tpu.memory_space<hbm>>
        %dma_wait3A_185 = tpu.memref_squeeze %dma_wait3A_184 : memref<1x1x128xi32, #tpu.memory_space<hbm>> -> memref<128xi32, #tpu.memory_space<hbm>>
        %dma_wait3A_186 = arith.constant 0 : i32
        %dma_wait3A_187 = tpu.memref_slice %arg6[%add3A_158, %dma_wait3A_186] : memref<80x128xi32, #tpu.memory_space<vmem>> -> memref<1x128xi32, #tpu.memory_space<vmem>>
        %dma_wait3A_188 = tpu.memref_squeeze %dma_wait3A_187 : memref<1x128xi32, #tpu.memory_space<vmem>> -> memref<128xi32, #tpu.memory_space<vmem>>
        %dma_wait3A_189 = arith.constant 0 : i32
        %dma_wait3A_190 = tpu.memref_slice %arg3[%add3A_178, %dma_wait3A_179, %dma_wait3A_189] : memref<2500x2x128xi32, #tpu.memory_space<hbm>> -> memref<1x1x128xi32, #tpu.memory_space<hbm>>
        %dma_wait3A_191 = tpu.memref_squeeze %dma_wait3A_190 : memref<1x1x128xi32, #tpu.memory_space<hbm>> -> memref<128xi32, #tpu.memory_space<hbm>>
        tpu.wait_dma2 semaphore(%arg11 : memref<!tpu.dma_semaphore, #tpu.memory_space<semaphore_mem>>) src(%dma_wait3A_191 : memref<128xi32, #tpu.memory_space<hbm>>) dst(%dma_wait3A_188 : memref<128xi32, #tpu.memory_space<vmem>>)
      } else {
      }
    }
    %scan3A_24 = arith.constant 80 : i32
    %barrier3A = arith.constant 0 : index
    tpu.barrier barrier_id(%barrier3A)
    %dma_start3A = arith.constant 0 : i32
    %dma_start3A_25 = arith.constant 0 : i32
    %dma_start3A_26 = arith.constant 0 : i32
    %dma_start3A_27 = arith.constant 0 : i32
    %dma_start3A_28 = arith.constant 0 : i32
    %dma_start3A_29 = tpu.memref_slice %arg7[%dma_start3A_25, %dma_start3A_27, %dma_start3A_28] : memref<8x128x16xf32, #tpu.memory_space<vmem>> -> memref<1x128x16xf32, #tpu.memory_space<vmem>>
    %dma_start3A_30 = tpu.memref_squeeze %dma_start3A_29 : memref<1x128x16xf32, #tpu.memory_space<vmem>> -> memref<128x16xf32, #tpu.memory_space<vmem>>
    %dma_start3A_31 = arith.constant 0 : i32
    %dma_start3A_32 = tpu.memref_slice %arg5[%dma_start3A, %dma_start3A_31] : memref<80x128xi32, #tpu.memory_space<vmem>> -> memref<1x128xi32, #tpu.memory_space<vmem>>
    %dma_start3A_33 = tpu.memref_squeeze %dma_start3A_32 : memref<1x128xi32, #tpu.memory_space<vmem>> -> memref<128xi32, #tpu.memory_space<vmem>>
    %dma_start3A_34 = arith.constant 0 : i32
    %dma_start3A_35 = arith.constant 0 : i32
    %dma_start3A_36 = tpu.memref_slice %arg2[%dma_start3A_34, %dma_start3A_35] : memref<10240x16xf32, #tpu.memory_space<hbm>> -> memref<10240x16xf32, #tpu.memory_space<hbm>>
    %dma_start3A_37 = tpu.memref_slice %arg9[%dma_start3A_26] : memref<8x!tpu.dma_semaphore, #tpu.memory_space<semaphore_mem>> -> memref<1x!tpu.dma_semaphore, #tpu.memory_space<semaphore_mem>>
    %dma_start3A_38 = tpu.memref_squeeze %dma_start3A_37 : memref<1x!tpu.dma_semaphore, #tpu.memory_space<semaphore_mem>> -> memref<!tpu.dma_semaphore, #tpu.memory_space<semaphore_mem>>
    tpu.enqueue_indirect_dma source(%dma_start3A_36 : memref<10240x16xf32, #tpu.memory_space<hbm>>) target(%dma_start3A_30 : memref<128x16xf32, #tpu.memory_space<vmem>>) offsets(%dma_start3A_33 : memref<128xi32, #tpu.memory_space<vmem>>) semaphore(%dma_start3A_38 : memref<!tpu.dma_semaphore, #tpu.memory_space<semaphore_mem>>)
    %dma_start3A_39 = arith.constant 1 : i32
    %dma_start3A_40 = arith.constant 1 : i32
    %dma_start3A_41 = arith.constant 1 : i32
    %dma_start3A_42 = arith.constant 0 : i32
    %dma_start3A_43 = arith.constant 0 : i32
    %dma_start3A_44 = tpu.memref_slice %arg7[%dma_start3A_40, %dma_start3A_42, %dma_start3A_43] : memref<8x128x16xf32, #tpu.memory_space<vmem>> -> memref<1x128x16xf32, #tpu.memory_space<vmem>>
    %dma_start3A_45 = tpu.memref_squeeze %dma_start3A_44 : memref<1x128x16xf32, #tpu.memory_space<vmem>> -> memref<128x16xf32, #tpu.memory_space<vmem>>
    %dma_start3A_46 = arith.constant 0 : i32
    %dma_start3A_47 = tpu.memref_slice %arg5[%dma_start3A_39, %dma_start3A_46] : memref<80x128xi32, #tpu.memory_space<vmem>> -> memref<1x128xi32, #tpu.memory_space<vmem>>
    %dma_start3A_48 = tpu.memref_squeeze %dma_start3A_47 : memref<1x128xi32, #tpu.memory_space<vmem>> -> memref<128xi32, #tpu.memory_space<vmem>>
    %dma_start3A_49 = arith.constant 0 : i32
    %dma_start3A_50 = arith.constant 0 : i32
    %dma_start3A_51 = tpu.memref_slice %arg2[%dma_start3A_49, %dma_start3A_50] : memref<10240x16xf32, #tpu.memory_space<hbm>> -> memref<10240x16xf32, #tpu.memory_space<hbm>>
    %dma_start3A_52 = tpu.memref_slice %arg9[%dma_start3A_41] : memref<8x!tpu.dma_semaphore, #tpu.memory_space<semaphore_mem>> -> memref<1x!tpu.dma_semaphore, #tpu.memory_space<semaphore_mem>>
    %dma_start3A_53 = tpu.memref_squeeze %dma_start3A_52 : memref<1x!tpu.dma_semaphore, #tpu.memory_space<semaphore_mem>> -> memref<!tpu.dma_semaphore, #tpu.memory_space<semaphore_mem>>
    tpu.enqueue_indirect_dma source(%dma_start3A_51 : memref<10240x16xf32, #tpu.memory_space<hbm>>) target(%dma_start3A_45 : memref<128x16xf32, #tpu.memory_space<vmem>>) offsets(%dma_start3A_48 : memref<128xi32, #tpu.memory_space<vmem>>) semaphore(%dma_start3A_53 : memref<!tpu.dma_semaphore, #tpu.memory_space<semaphore_mem>>)
    %dma_start3A_54 = arith.constant 2 : i32
    %dma_start3A_55 = arith.constant 2 : i32
    %dma_start3A_56 = arith.constant 2 : i32
    %dma_start3A_57 = arith.constant 0 : i32
    %dma_start3A_58 = arith.constant 0 : i32
    %dma_start3A_59 = tpu.memref_slice %arg7[%dma_start3A_55, %dma_start3A_57, %dma_start3A_58] : memref<8x128x16xf32, #tpu.memory_space<vmem>> -> memref<1x128x16xf32, #tpu.memory_space<vmem>>
    %dma_start3A_60 = tpu.memref_squeeze %dma_start3A_59 : memref<1x128x16xf32, #tpu.memory_space<vmem>> -> memref<128x16xf32, #tpu.memory_space<vmem>>
    %dma_start3A_61 = arith.constant 0 : i32
    %dma_start3A_62 = tpu.memref_slice %arg5[%dma_start3A_54, %dma_start3A_61] : memref<80x128xi32, #tpu.memory_space<vmem>> -> memref<1x128xi32, #tpu.memory_space<vmem>>
    %dma_start3A_63 = tpu.memref_squeeze %dma_start3A_62 : memref<1x128xi32, #tpu.memory_space<vmem>> -> memref<128xi32, #tpu.memory_space<vmem>>
    %dma_start3A_64 = arith.constant 0 : i32
    %dma_start3A_65 = arith.constant 0 : i32
    %dma_start3A_66 = tpu.memref_slice %arg2[%dma_start3A_64, %dma_start3A_65] : memref<10240x16xf32, #tpu.memory_space<hbm>> -> memref<10240x16xf32, #tpu.memory_space<hbm>>
    %dma_start3A_67 = tpu.memref_slice %arg9[%dma_start3A_56] : memref<8x!tpu.dma_semaphore, #tpu.memory_space<semaphore_mem>> -> memref<1x!tpu.dma_semaphore, #tpu.memory_space<semaphore_mem>>
    %dma_start3A_68 = tpu.memref_squeeze %dma_start3A_67 : memref<1x!tpu.dma_semaphore, #tpu.memory_space<semaphore_mem>> -> memref<!tpu.dma_semaphore, #tpu.memory_space<semaphore_mem>>
    tpu.enqueue_indirect_dma source(%dma_start3A_66 : memref<10240x16xf32, #tpu.memory_space<hbm>>) target(%dma_start3A_60 : memref<128x16xf32, #tpu.memory_space<vmem>>) offsets(%dma_start3A_63 : memref<128xi32, #tpu.memory_space<vmem>>) semaphore(%dma_start3A_68 : memref<!tpu.dma_semaphore, #tpu.memory_space<semaphore_mem>>)
    %dma_start3A_69 = arith.constant 3 : i32
    %dma_start3A_70 = arith.constant 3 : i32
    %dma_start3A_71 = arith.constant 3 : i32
    %dma_start3A_72 = arith.constant 0 : i32
    %dma_start3A_73 = arith.constant 0 : i32
    %dma_start3A_74 = tpu.memref_slice %arg7[%dma_start3A_70, %dma_start3A_72, %dma_start3A_73] : memref<8x128x16xf32, #tpu.memory_space<vmem>> -> memref<1x128x16xf32, #tpu.memory_space<vmem>>
    %dma_start3A_75 = tpu.memref_squeeze %dma_start3A_74 : memref<1x128x16xf32, #tpu.memory_space<vmem>> -> memref<128x16xf32, #tpu.memory_space<vmem>>
    %dma_start3A_76 = arith.constant 0 : i32
    %dma_start3A_77 = tpu.memref_slice %arg5[%dma_start3A_69, %dma_start3A_76] : memref<80x128xi32, #tpu.memory_space<vmem>> -> memref<1x128xi32, #tpu.memory_space<vmem>>
    %dma_start3A_78 = tpu.memref_squeeze %dma_start3A_77 : memref<1x128xi32, #tpu.memory_space<vmem>> -> memref<128xi32, #tpu.memory_space<vmem>>
    %dma_start3A_79 = arith.constant 0 : i32
    %dma_start3A_80 = arith.constant 0 : i32
    %dma_start3A_81 = tpu.memref_slice %arg2[%dma_start3A_79, %dma_start3A_80] : memref<10240x16xf32, #tpu.memory_space<hbm>> -> memref<10240x16xf32, #tpu.memory_space<hbm>>
    %dma_start3A_82 = tpu.memref_slice %arg9[%dma_start3A_71] : memref<8x!tpu.dma_semaphore, #tpu.memory_space<semaphore_mem>> -> memref<1x!tpu.dma_semaphore, #tpu.memory_space<semaphore_mem>>
    %dma_start3A_83 = tpu.memref_squeeze %dma_start3A_82 : memref<1x!tpu.dma_semaphore, #tpu.memory_space<semaphore_mem>> -> memref<!tpu.dma_semaphore, #tpu.memory_space<semaphore_mem>>
    tpu.enqueue_indirect_dma source(%dma_start3A_81 : memref<10240x16xf32, #tpu.memory_space<hbm>>) target(%dma_start3A_75 : memref<128x16xf32, #tpu.memory_space<vmem>>) offsets(%dma_start3A_78 : memref<128xi32, #tpu.memory_space<vmem>>) semaphore(%dma_start3A_83 : memref<!tpu.dma_semaphore, #tpu.memory_space<semaphore_mem>>)
    %dma_start3A_84 = arith.constant 4 : i32
    %dma_start3A_85 = arith.constant 4 : i32
    %dma_start3A_86 = arith.constant 4 : i32
    %dma_start3A_87 = arith.constant 0 : i32
    %dma_start3A_88 = arith.constant 0 : i32
    %dma_start3A_89 = tpu.memref_slice %arg7[%dma_start3A_85, %dma_start3A_87, %dma_start3A_88] : memref<8x128x16xf32, #tpu.memory_space<vmem>> -> memref<1x128x16xf32, #tpu.memory_space<vmem>>
    %dma_start3A_90 = tpu.memref_squeeze %dma_start3A_89 : memref<1x128x16xf32, #tpu.memory_space<vmem>> -> memref<128x16xf32, #tpu.memory_space<vmem>>
    %dma_start3A_91 = arith.constant 0 : i32
    %dma_start3A_92 = tpu.memref_slice %arg5[%dma_start3A_84, %dma_start3A_91] : memref<80x128xi32, #tpu.memory_space<vmem>> -> memref<1x128xi32, #tpu.memory_space<vmem>>
    %dma_start3A_93 = tpu.memref_squeeze %dma_start3A_92 : memref<1x128xi32, #tpu.memory_space<vmem>> -> memref<128xi32, #tpu.memory_space<vmem>>
    %dma_start3A_94 = arith.constant 0 : i32
    %dma_start3A_95 = arith.constant 0 : i32
    %dma_start3A_96 = tpu.memref_slice %arg2[%dma_start3A_94, %dma_start3A_95] : memref<10240x16xf32, #tpu.memory_space<hbm>> -> memref<10240x16xf32, #tpu.memory_space<hbm>>
    %dma_start3A_97 = tpu.memref_slice %arg9[%dma_start3A_86] : memref<8x!tpu.dma_semaphore, #tpu.memory_space<semaphore_mem>> -> memref<1x!tpu.dma_semaphore, #tpu.memory_space<semaphore_mem>>
    %dma_start3A_98 = tpu.memref_squeeze %dma_start3A_97 : memref<1x!tpu.dma_semaphore, #tpu.memory_space<semaphore_mem>> -> memref<!tpu.dma_semaphore, #tpu.memory_space<semaphore_mem>>
    tpu.enqueue_indirect_dma source(%dma_start3A_96 : memref<10240x16xf32, #tpu.memory_space<hbm>>) target(%dma_start3A_90 : memref<128x16xf32, #tpu.memory_space<vmem>>) offsets(%dma_start3A_93 : memref<128xi32, #tpu.memory_space<vmem>>) semaphore(%dma_start3A_98 : memref<!tpu.dma_semaphore, #tpu.memory_space<semaphore_mem>>)
    %dma_start3A_99 = arith.constant 5 : i32
    %dma_start3A_100 = arith.constant 5 : i32
    %dma_start3A_101 = arith.constant 5 : i32
    %dma_start3A_102 = arith.constant 0 : i32
    %dma_start3A_103 = arith.constant 0 : i32
    %dma_start3A_104 = tpu.memref_slice %arg7[%dma_start3A_100, %dma_start3A_102, %dma_start3A_103] : memref<8x128x16xf32, #tpu.memory_space<vmem>> -> memref<1x128x16xf32, #tpu.memory_space<vmem>>
    %dma_start3A_105 = tpu.memref_squeeze %dma_start3A_104 : memref<1x128x16xf32, #tpu.memory_space<vmem>> -> memref<128x16xf32, #tpu.memory_space<vmem>>
    %dma_start3A_106 = arith.constant 0 : i32
    %dma_start3A_107 = tpu.memref_slice %arg5[%dma_start3A_99, %dma_start3A_106] : memref<80x128xi32, #tpu.memory_space<vmem>> -> memref<1x128xi32, #tpu.memory_space<vmem>>
    %dma_start3A_108 = tpu.memref_squeeze %dma_start3A_107 : memref<1x128xi32, #tpu.memory_space<vmem>> -> memref<128xi32, #tpu.memory_space<vmem>>
    %dma_start3A_109 = arith.constant 0 : i32
    %dma_start3A_110 = arith.constant 0 : i32
    %dma_start3A_111 = tpu.memref_slice %arg2[%dma_start3A_109, %dma_start3A_110] : memref<10240x16xf32, #tpu.memory_space<hbm>> -> memref<10240x16xf32, #tpu.memory_space<hbm>>
    %dma_start3A_112 = tpu.memref_slice %arg9[%dma_start3A_101] : memref<8x!tpu.dma_semaphore, #tpu.memory_space<semaphore_mem>> -> memref<1x!tpu.dma_semaphore, #tpu.memory_space<semaphore_mem>>
    %dma_start3A_113 = tpu.memref_squeeze %dma_start3A_112 : memref<1x!tpu.dma_semaphore, #tpu.memory_space<semaphore_mem>> -> memref<!tpu.dma_semaphore, #tpu.memory_space<semaphore_mem>>
    tpu.enqueue_indirect_dma source(%dma_start3A_111 : memref<10240x16xf32, #tpu.memory_space<hbm>>) target(%dma_start3A_105 : memref<128x16xf32, #tpu.memory_space<vmem>>) offsets(%dma_start3A_108 : memref<128xi32, #tpu.memory_space<vmem>>) semaphore(%dma_start3A_113 : memref<!tpu.dma_semaphore, #tpu.memory_space<semaphore_mem>>)
    %dma_start3A_114 = arith.constant 6 : i32
    %dma_start3A_115 = arith.constant 6 : i32
    %dma_start3A_116 = arith.constant 6 : i32
    %dma_start3A_117 = arith.constant 0 : i32
    %dma_start3A_118 = arith.constant 0 : i32
    %dma_start3A_119 = tpu.memref_slice %arg7[%dma_start3A_115, %dma_start3A_117, %dma_start3A_118] : memref<8x128x16xf32, #tpu.memory_space<vmem>> -> memref<1x128x16xf32, #tpu.memory_space<vmem>>
    %dma_start3A_120 = tpu.memref_squeeze %dma_start3A_119 : memref<1x128x16xf32, #tpu.memory_space<vmem>> -> memref<128x16xf32, #tpu.memory_space<vmem>>
    %dma_start3A_121 = arith.constant 0 : i32
    %dma_start3A_122 = tpu.memref_slice %arg5[%dma_start3A_114, %dma_start3A_121] : memref<80x128xi32, #tpu.memory_space<vmem>> -> memref<1x128xi32, #tpu.memory_space<vmem>>
    %dma_start3A_123 = tpu.memref_squeeze %dma_start3A_122 : memref<1x128xi32, #tpu.memory_space<vmem>> -> memref<128xi32, #tpu.memory_space<vmem>>
    %dma_start3A_124 = arith.constant 0 : i32
    %dma_start3A_125 = arith.constant 0 : i32
    %dma_start3A_126 = tpu.memref_slice %arg2[%dma_start3A_124, %dma_start3A_125] : memref<10240x16xf32, #tpu.memory_space<hbm>> -> memref<10240x16xf32, #tpu.memory_space<hbm>>
    %dma_start3A_127 = tpu.memref_slice %arg9[%dma_start3A_116] : memref<8x!tpu.dma_semaphore, #tpu.memory_space<semaphore_mem>> -> memref<1x!tpu.dma_semaphore, #tpu.memory_space<semaphore_mem>>
    %dma_start3A_128 = tpu.memref_squeeze %dma_start3A_127 : memref<1x!tpu.dma_semaphore, #tpu.memory_space<semaphore_mem>> -> memref<!tpu.dma_semaphore, #tpu.memory_space<semaphore_mem>>
    tpu.enqueue_indirect_dma source(%dma_start3A_126 : memref<10240x16xf32, #tpu.memory_space<hbm>>) target(%dma_start3A_120 : memref<128x16xf32, #tpu.memory_space<vmem>>) offsets(%dma_start3A_123 : memref<128xi32, #tpu.memory_space<vmem>>) semaphore(%dma_start3A_128 : memref<!tpu.dma_semaphore, #tpu.memory_space<semaphore_mem>>)
    %dma_start3A_129 = arith.constant 7 : i32
    %dma_start3A_130 = arith.constant 7 : i32
    %dma_start3A_131 = arith.constant 7 : i32
    %dma_start3A_132 = arith.constant 0 : i32
    %dma_start3A_133 = arith.constant 0 : i32
    %dma_start3A_134 = tpu.memref_slice %arg7[%dma_start3A_130, %dma_start3A_132, %dma_start3A_133] : memref<8x128x16xf32, #tpu.memory_space<vmem>> -> memref<1x128x16xf32, #tpu.memory_space<vmem>>
    %dma_start3A_135 = tpu.memref_squeeze %dma_start3A_134 : memref<1x128x16xf32, #tpu.memory_space<vmem>> -> memref<128x16xf32, #tpu.memory_space<vmem>>
    %dma_start3A_136 = arith.constant 0 : i32
    %dma_start3A_137 = tpu.memref_slice %arg5[%dma_start3A_129, %dma_start3A_136] : memref<80x128xi32, #tpu.memory_space<vmem>> -> memref<1x128xi32, #tpu.memory_space<vmem>>
    %dma_start3A_138 = tpu.memref_squeeze %dma_start3A_137 : memref<1x128xi32, #tpu.memory_space<vmem>> -> memref<128xi32, #tpu.memory_space<vmem>>
    %dma_start3A_139 = arith.constant 0 : i32
    %dma_start3A_140 = arith.constant 0 : i32
    %dma_start3A_141 = tpu.memref_slice %arg2[%dma_start3A_139, %dma_start3A_140] : memref<10240x16xf32, #tpu.memory_space<hbm>> -> memref<10240x16xf32, #tpu.memory_space<hbm>>
    %dma_start3A_142 = tpu.memref_slice %arg9[%dma_start3A_131] : memref<8x!tpu.dma_semaphore, #tpu.memory_space<semaphore_mem>> -> memref<1x!tpu.dma_semaphore, #tpu.memory_space<semaphore_mem>>
    %dma_start3A_143 = tpu.memref_squeeze %dma_start3A_142 : memref<1x!tpu.dma_semaphore, #tpu.memory_space<semaphore_mem>> -> memref<!tpu.dma_semaphore, #tpu.memory_space<semaphore_mem>>
    tpu.enqueue_indirect_dma source(%dma_start3A_141 : memref<10240x16xf32, #tpu.memory_space<hbm>>) target(%dma_start3A_135 : memref<128x16xf32, #tpu.memory_space<vmem>>) offsets(%dma_start3A_138 : memref<128xi32, #tpu.memory_space<vmem>>) semaphore(%dma_start3A_143 : memref<!tpu.dma_semaphore, #tpu.memory_space<semaphore_mem>>)
    %scan3A_144 = arith.constant 0 : i32
    %scan3A_145 = arith.constant 10 : i32
    %scan3A_146 = arith.addi %scan3A_144, %scan3A_145 : i32
    %scan3A_147 = arith.constant 1 : i32
    scf.for %scan3A_154 = %scan3A_144 to %scan3A_146 step %scan3A_147  : i32 {
      %mul3A_155 = arith.constant 8 : i32
      %mul3A_156 = arith.muli %scan3A_154, %mul3A_155 : i32
      %add3A_157 = arith.constant 0 : i32
      %add3A_158 = arith.addi %add3A_157, %mul3A_156 : i32
      %add3A_159 = arith.constant 0 : i32
      %add3A_160 = arith.addi %add3A_158, %add3A_159 : i32
      %lt3A_161 = arith.cmpi slt, %add3A_160, %add3A_4 : i32
      %convert_element_type3A = arith.extui %lt3A_161 : i1 to i32
      %cond3A = arith.constant 0 : i32
      %cond3A_162 = arith.cmpi ne, %convert_element_type3A, %cond3A : i32
      scf.if %cond3A_162 {
        %dma_wait3A = arith.constant 0 : i32
        %dma_wait3A_301 = arith.constant 0 : i32
        %dma_wait3A_302 = arith.constant 0 : i32
        %dma_wait3A_303 = arith.constant 0 : i32
        %dma_wait3A_304 = tpu.memref_slice %arg7[%dma_wait3A, %dma_wait3A_302, %dma_wait3A_303] : memref<8x128x16xf32, #tpu.memory_space<vmem>> -> memref<1x128x16xf32, #tpu.memory_space<vmem>>
        %dma_wait3A_305 = tpu.memref_squeeze %dma_wait3A_304 : memref<1x128x16xf32, #tpu.memory_space<vmem>> -> memref<128x16xf32, #tpu.memory_space<vmem>>
        %dma_wait3A_306 = arith.constant 0 : i32
        %dma_wait3A_307 = tpu.memref_slice %arg5[%add3A_160, %dma_wait3A_306] : memref<80x128xi32, #tpu.memory_space<vmem>> -> memref<1x128xi32, #tpu.memory_space<vmem>>
        %dma_wait3A_308 = tpu.memref_squeeze %dma_wait3A_307 : memref<1x128xi32, #tpu.memory_space<vmem>> -> memref<128xi32, #tpu.memory_space<vmem>>
        %dma_wait3A_309 = arith.constant 0 : i32
        %dma_wait3A_310 = arith.constant 0 : i32
        %dma_wait3A_311 = tpu.memref_slice %arg2[%dma_wait3A_309, %dma_wait3A_310] : memref<10240x16xf32, #tpu.memory_space<hbm>> -> memref<10240x16xf32, #tpu.memory_space<hbm>>
        %dma_wait3A_312 = tpu.memref_slice %arg9[%dma_wait3A_301] : memref<8x!tpu.dma_semaphore, #tpu.memory_space<semaphore_mem>> -> memref<1x!tpu.dma_semaphore, #tpu.memory_space<semaphore_mem>>
        %dma_wait3A_313 = tpu.memref_squeeze %dma_wait3A_312 : memref<1x!tpu.dma_semaphore, #tpu.memory_space<semaphore_mem>> -> memref<!tpu.dma_semaphore, #tpu.memory_space<semaphore_mem>>
        tpu.wait_indirect_dma semaphore(%dma_wait3A_313 : memref<!tpu.dma_semaphore, #tpu.memory_space<semaphore_mem>>) src(%dma_wait3A_311 : memref<10240x16xf32, #tpu.memory_space<hbm>>) dst(%dma_wait3A_305 : memref<128x16xf32, #tpu.memory_space<vmem>>)
        %dma_start3A_314 = arith.constant 0 : i32
        %dma_start3A_315 = arith.constant 0 : i32
        %dma_start3A_316 = arith.constant 0 : i32
        %dma_start3A_317 = arith.constant 0 : i32
        %dma_start3A_318 = tpu.memref_slice %arg7[%dma_start3A_314, %dma_start3A_316, %dma_start3A_317] : memref<8x128x16xf32, #tpu.memory_space<vmem>> -> memref<1x128x16xf32, #tpu.memory_space<vmem>>
        %dma_start3A_319 = tpu.memref_squeeze %dma_start3A_318 : memref<1x128x16xf32, #tpu.memory_space<vmem>> -> memref<128x16xf32, #tpu.memory_space<vmem>>
        %dma_start3A_320 = arith.constant 0 : i32
        %dma_start3A_321 = tpu.memref_slice %arg6[%add3A_160, %dma_start3A_320] : memref<80x128xi32, #tpu.memory_space<vmem>> -> memref<1x128xi32, #tpu.memory_space<vmem>>
        %dma_start3A_322 = tpu.memref_squeeze %dma_start3A_321 : memref<1x128xi32, #tpu.memory_space<vmem>> -> memref<128xi32, #tpu.memory_space<vmem>>
        %dma_start3A_323 = arith.constant 0 : i32
        %dma_start3A_324 = arith.constant 0 : i32
        %dma_start3A_325 = tpu.memref_slice %arg8[%dma_start3A_323, %dma_start3A_324] : memref<10240x16xf32, #tpu.memory_space<vmem_shared>> -> memref<10240x16xf32, #tpu.memory_space<vmem_shared>>
        %dma_start3A_326 = tpu.memref_slice %arg10[%dma_start3A_315] : memref<8x!tpu.dma_semaphore, #tpu.memory_space<semaphore_mem>> -> memref<1x!tpu.dma_semaphore, #tpu.memory_space<semaphore_mem>>
        %dma_start3A_327 = tpu.memref_squeeze %dma_start3A_326 : memref<1x!tpu.dma_semaphore, #tpu.memory_space<semaphore_mem>> -> memref<!tpu.dma_semaphore, #tpu.memory_space<semaphore_mem>>
        tpu.enqueue_indirect_dma source(%dma_start3A_319 : memref<128x16xf32, #tpu.memory_space<vmem>>) target(%dma_start3A_325 : memref<10240x16xf32, #tpu.memory_space<vmem_shared>>) offsets(%dma_start3A_322 : memref<128xi32, #tpu.memory_space<vmem>>) semaphore(%dma_start3A_327 : memref<!tpu.dma_semaphore, #tpu.memory_space<semaphore_mem>>) {add = true}
      } else {
      }
      %add3A_163 = arith.constant 1 : i32
      %add3A_164 = arith.addi %add3A_158, %add3A_163 : i32
      %lt3A_165 = arith.cmpi slt, %add3A_164, %add3A_4 : i32
      %convert_element_type3A_166 = arith.extui %lt3A_165 : i1 to i32
      %cond3A_167 = arith.constant 0 : i32
      %cond3A_168 = arith.cmpi ne, %convert_element_type3A_166, %cond3A_167 : i32
      scf.if %cond3A_168 {
        %dma_wait3A = arith.constant 1 : i32
        %dma_wait3A_301 = arith.constant 1 : i32
        %dma_wait3A_302 = arith.constant 0 : i32
        %dma_wait3A_303 = arith.constant 0 : i32
        %dma_wait3A_304 = tpu.memref_slice %arg7[%dma_wait3A, %dma_wait3A_302, %dma_wait3A_303] : memref<8x128x16xf32, #tpu.memory_space<vmem>> -> memref<1x128x16xf32, #tpu.memory_space<vmem>>
        %dma_wait3A_305 = tpu.memref_squeeze %dma_wait3A_304 : memref<1x128x16xf32, #tpu.memory_space<vmem>> -> memref<128x16xf32, #tpu.memory_space<vmem>>
        %dma_wait3A_306 = arith.constant 0 : i32
        %dma_wait3A_307 = tpu.memref_slice %arg5[%add3A_164, %dma_wait3A_306] : memref<80x128xi32, #tpu.memory_space<vmem>> -> memref<1x128xi32, #tpu.memory_space<vmem>>
        %dma_wait3A_308 = tpu.memref_squeeze %dma_wait3A_307 : memref<1x128xi32, #tpu.memory_space<vmem>> -> memref<128xi32, #tpu.memory_space<vmem>>
        %dma_wait3A_309 = arith.constant 0 : i32
        %dma_wait3A_310 = arith.constant 0 : i32
        %dma_wait3A_311 = tpu.memref_slice %arg2[%dma_wait3A_309, %dma_wait3A_310] : memref<10240x16xf32, #tpu.memory_space<hbm>> -> memref<10240x16xf32, #tpu.memory_space<hbm>>
        %dma_wait3A_312 = tpu.memref_slice %arg9[%dma_wait3A_301] : memref<8x!tpu.dma_semaphore, #tpu.memory_space<semaphore_mem>> -> memref<1x!tpu.dma_semaphore, #tpu.memory_space<semaphore_mem>>
        %dma_wait3A_313 = tpu.memref_squeeze %dma_wait3A_312 : memref<1x!tpu.dma_semaphore, #tpu.memory_space<semaphore_mem>> -> memref<!tpu.dma_semaphore, #tpu.memory_space<semaphore_mem>>
        tpu.wait_indirect_dma semaphore(%dma_wait3A_313 : memref<!tpu.dma_semaphore, #tpu.memory_space<semaphore_mem>>) src(%dma_wait3A_311 : memref<10240x16xf32, #tpu.memory_space<hbm>>) dst(%dma_wait3A_305 : memref<128x16xf32, #tpu.memory_space<vmem>>)
        %dma_start3A_314 = arith.constant 1 : i32
        %dma_start3A_315 = arith.constant 1 : i32
        %dma_start3A_316 = arith.constant 0 : i32
        %dma_start3A_317 = arith.constant 0 : i32
        %dma_start3A_318 = tpu.memref_slice %arg7[%dma_start3A_314, %dma_start3A_316, %dma_start3A_317] : memref<8x128x16xf32, #tpu.memory_space<vmem>> -> memref<1x128x16xf32, #tpu.memory_space<vmem>>
        %dma_start3A_319 = tpu.memref_squeeze %dma_start3A_318 : memref<1x128x16xf32, #tpu.memory_space<vmem>> -> memref<128x16xf32, #tpu.memory_space<vmem>>
        %dma_start3A_320 = arith.constant 0 : i32
        %dma_start3A_321 = tpu.memref_slice %arg6[%add3A_164, %dma_start3A_320] : memref<80x128xi32, #tpu.memory_space<vmem>> -> memref<1x128xi32, #tpu.memory_space<vmem>>
        %dma_start3A_322 = tpu.memref_squeeze %dma_start3A_321 : memref<1x128xi32, #tpu.memory_space<vmem>> -> memref<128xi32, #tpu.memory_space<vmem>>
        %dma_start3A_323 = arith.constant 0 : i32
        %dma_start3A_324 = arith.constant 0 : i32
        %dma_start3A_325 = tpu.memref_slice %arg8[%dma_start3A_323, %dma_start3A_324] : memref<10240x16xf32, #tpu.memory_space<vmem_shared>> -> memref<10240x16xf32, #tpu.memory_space<vmem_shared>>
        %dma_start3A_326 = tpu.memref_slice %arg10[%dma_start3A_315] : memref<8x!tpu.dma_semaphore, #tpu.memory_space<semaphore_mem>> -> memref<1x!tpu.dma_semaphore, #tpu.memory_space<semaphore_mem>>
        %dma_start3A_327 = tpu.memref_squeeze %dma_start3A_326 : memref<1x!tpu.dma_semaphore, #tpu.memory_space<semaphore_mem>> -> memref<!tpu.dma_semaphore, #tpu.memory_space<semaphore_mem>>
        tpu.enqueue_indirect_dma source(%dma_start3A_319 : memref<128x16xf32, #tpu.memory_space<vmem>>) target(%dma_start3A_325 : memref<10240x16xf32, #tpu.memory_space<vmem_shared>>) offsets(%dma_start3A_322 : memref<128xi32, #tpu.memory_space<vmem>>) semaphore(%dma_start3A_327 : memref<!tpu.dma_semaphore, #tpu.memory_space<semaphore_mem>>) {add = true}
      } else {
      }
      %add3A_169 = arith.constant 2 : i32
      %add3A_170 = arith.addi %add3A_158, %add3A_169 : i32
      %lt3A_171 = arith.cmpi slt, %add3A_170, %add3A_4 : i32
      %convert_element_type3A_172 = arith.extui %lt3A_171 : i1 to i32
      %cond3A_173 = arith.constant 0 : i32
      %cond3A_174 = arith.cmpi ne, %convert_element_type3A_172, %cond3A_173 : i32
      scf.if %cond3A_174 {
        %dma_wait3A = arith.constant 2 : i32
        %dma_wait3A_301 = arith.constant 2 : i32
        %dma_wait3A_302 = arith.constant 0 : i32
        %dma_wait3A_303 = arith.constant 0 : i32
        %dma_wait3A_304 = tpu.memref_slice %arg7[%dma_wait3A, %dma_wait3A_302, %dma_wait3A_303] : memref<8x128x16xf32, #tpu.memory_space<vmem>> -> memref<1x128x16xf32, #tpu.memory_space<vmem>>
        %dma_wait3A_305 = tpu.memref_squeeze %dma_wait3A_304 : memref<1x128x16xf32, #tpu.memory_space<vmem>> -> memref<128x16xf32, #tpu.memory_space<vmem>>
        %dma_wait3A_306 = arith.constant 0 : i32
        %dma_wait3A_307 = tpu.memref_slice %arg5[%add3A_170, %dma_wait3A_306] : memref<80x128xi32, #tpu.memory_space<vmem>> -> memref<1x128xi32, #tpu.memory_space<vmem>>
        %dma_wait3A_308 = tpu.memref_squeeze %dma_wait3A_307 : memref<1x128xi32, #tpu.memory_space<vmem>> -> memref<128xi32, #tpu.memory_space<vmem>>
        %dma_wait3A_309 = arith.constant 0 : i32
        %dma_wait3A_310 = arith.constant 0 : i32
        %dma_wait3A_311 = tpu.memref_slice %arg2[%dma_wait3A_309, %dma_wait3A_310] : memref<10240x16xf32, #tpu.memory_space<hbm>> -> memref<10240x16xf32, #tpu.memory_space<hbm>>
        %dma_wait3A_312 = tpu.memref_slice %arg9[%dma_wait3A_301] : memref<8x!tpu.dma_semaphore, #tpu.memory_space<semaphore_mem>> -> memref<1x!tpu.dma_semaphore, #tpu.memory_space<semaphore_mem>>
        %dma_wait3A_313 = tpu.memref_squeeze %dma_wait3A_312 : memref<1x!tpu.dma_semaphore, #tpu.memory_space<semaphore_mem>> -> memref<!tpu.dma_semaphore, #tpu.memory_space<semaphore_mem>>
        tpu.wait_indirect_dma semaphore(%dma_wait3A_313 : memref<!tpu.dma_semaphore, #tpu.memory_space<semaphore_mem>>) src(%dma_wait3A_311 : memref<10240x16xf32, #tpu.memory_space<hbm>>) dst(%dma_wait3A_305 : memref<128x16xf32, #tpu.memory_space<vmem>>)
        %dma_start3A_314 = arith.constant 2 : i32
        %dma_start3A_315 = arith.constant 2 : i32
        %dma_start3A_316 = arith.constant 0 : i32
        %dma_start3A_317 = arith.constant 0 : i32
        %dma_start3A_318 = tpu.memref_slice %arg7[%dma_start3A_314, %dma_start3A_316, %dma_start3A_317] : memref<8x128x16xf32, #tpu.memory_space<vmem>> -> memref<1x128x16xf32, #tpu.memory_space<vmem>>
        %dma_start3A_319 = tpu.memref_squeeze %dma_start3A_318 : memref<1x128x16xf32, #tpu.memory_space<vmem>> -> memref<128x16xf32, #tpu.memory_space<vmem>>
        %dma_start3A_320 = arith.constant 0 : i32
        %dma_start3A_321 = tpu.memref_slice %arg6[%add3A_170, %dma_start3A_320] : memref<80x128xi32, #tpu.memory_space<vmem>> -> memref<1x128xi32, #tpu.memory_space<vmem>>
        %dma_start3A_322 = tpu.memref_squeeze %dma_start3A_321 : memref<1x128xi32, #tpu.memory_space<vmem>> -> memref<128xi32, #tpu.memory_space<vmem>>
        %dma_start3A_323 = arith.constant 0 : i32
        %dma_start3A_324 = arith.constant 0 : i32
        %dma_start3A_325 = tpu.memref_slice %arg8[%dma_start3A_323, %dma_start3A_324] : memref<10240x16xf32, #tpu.memory_space<vmem_shared>> -> memref<10240x16xf32, #tpu.memory_space<vmem_shared>>
        %dma_start3A_326 = tpu.memref_slice %arg10[%dma_start3A_315] : memref<8x!tpu.dma_semaphore, #tpu.memory_space<semaphore_mem>> -> memref<1x!tpu.dma_semaphore, #tpu.memory_space<semaphore_mem>>
        %dma_start3A_327 = tpu.memref_squeeze %dma_start3A_326 : memref<1x!tpu.dma_semaphore, #tpu.memory_space<semaphore_mem>> -> memref<!tpu.dma_semaphore, #tpu.memory_space<semaphore_mem>>
        tpu.enqueue_indirect_dma source(%dma_start3A_319 : memref<128x16xf32, #tpu.memory_space<vmem>>) target(%dma_start3A_325 : memref<10240x16xf32, #tpu.memory_space<vmem_shared>>) offsets(%dma_start3A_322 : memref<128xi32, #tpu.memory_space<vmem>>) semaphore(%dma_start3A_327 : memref<!tpu.dma_semaphore, #tpu.memory_space<semaphore_mem>>) {add = true}
      } else {
      }
      %add3A_175 = arith.constant 3 : i32
      %add3A_176 = arith.addi %add3A_158, %add3A_175 : i32
      %lt3A_177 = arith.cmpi slt, %add3A_176, %add3A_4 : i32
      %convert_element_type3A_178 = arith.extui %lt3A_177 : i1 to i32
      %cond3A_179 = arith.constant 0 : i32
      %cond3A_180 = arith.cmpi ne, %convert_element_type3A_178, %cond3A_179 : i32
      scf.if %cond3A_180 {
        %dma_wait3A = arith.constant 3 : i32
        %dma_wait3A_301 = arith.constant 3 : i32
        %dma_wait3A_302 = arith.constant 0 : i32
        %dma_wait3A_303 = arith.constant 0 : i32
        %dma_wait3A_304 = tpu.memref_slice %arg7[%dma_wait3A, %dma_wait3A_302, %dma_wait3A_303] : memref<8x128x16xf32, #tpu.memory_space<vmem>> -> memref<1x128x16xf32, #tpu.memory_space<vmem>>
        %dma_wait3A_305 = tpu.memref_squeeze %dma_wait3A_304 : memref<1x128x16xf32, #tpu.memory_space<vmem>> -> memref<128x16xf32, #tpu.memory_space<vmem>>
        %dma_wait3A_306 = arith.constant 0 : i32
        %dma_wait3A_307 = tpu.memref_slice %arg5[%add3A_176, %dma_wait3A_306] : memref<80x128xi32, #tpu.memory_space<vmem>> -> memref<1x128xi32, #tpu.memory_space<vmem>>
        %dma_wait3A_308 = tpu.memref_squeeze %dma_wait3A_307 : memref<1x128xi32, #tpu.memory_space<vmem>> -> memref<128xi32, #tpu.memory_space<vmem>>
        %dma_wait3A_309 = arith.constant 0 : i32
        %dma_wait3A_310 = arith.constant 0 : i32
        %dma_wait3A_311 = tpu.memref_slice %arg2[%dma_wait3A_309, %dma_wait3A_310] : memref<10240x16xf32, #tpu.memory_space<hbm>> -> memref<10240x16xf32, #tpu.memory_space<hbm>>
        %dma_wait3A_312 = tpu.memref_slice %arg9[%dma_wait3A_301] : memref<8x!tpu.dma_semaphore, #tpu.memory_space<semaphore_mem>> -> memref<1x!tpu.dma_semaphore, #tpu.memory_space<semaphore_mem>>
        %dma_wait3A_313 = tpu.memref_squeeze %dma_wait3A_312 : memref<1x!tpu.dma_semaphore, #tpu.memory_space<semaphore_mem>> -> memref<!tpu.dma_semaphore, #tpu.memory_space<semaphore_mem>>
        tpu.wait_indirect_dma semaphore(%dma_wait3A_313 : memref<!tpu.dma_semaphore, #tpu.memory_space<semaphore_mem>>) src(%dma_wait3A_311 : memref<10240x16xf32, #tpu.memory_space<hbm>>) dst(%dma_wait3A_305 : memref<128x16xf32, #tpu.memory_space<vmem>>)
        %dma_start3A_314 = arith.constant 3 : i32
        %dma_start3A_315 = arith.constant 3 : i32
        %dma_start3A_316 = arith.constant 0 : i32
        %dma_start3A_317 = arith.constant 0 : i32
        %dma_start3A_318 = tpu.memref_slice %arg7[%dma_start3A_314, %dma_start3A_316, %dma_start3A_317] : memref<8x128x16xf32, #tpu.memory_space<vmem>> -> memref<1x128x16xf32, #tpu.memory_space<vmem>>
        %dma_start3A_319 = tpu.memref_squeeze %dma_start3A_318 : memref<1x128x16xf32, #tpu.memory_space<vmem>> -> memref<128x16xf32, #tpu.memory_space<vmem>>
        %dma_start3A_320 = arith.constant 0 : i32
        %dma_start3A_321 = tpu.memref_slice %arg6[%add3A_176, %dma_start3A_320] : memref<80x128xi32, #tpu.memory_space<vmem>> -> memref<1x128xi32, #tpu.memory_space<vmem>>
        %dma_start3A_322 = tpu.memref_squeeze %dma_start3A_321 : memref<1x128xi32, #tpu.memory_space<vmem>> -> memref<128xi32, #tpu.memory_space<vmem>>
        %dma_start3A_323 = arith.constant 0 : i32
        %dma_start3A_324 = arith.constant 0 : i32
        %dma_start3A_325 = tpu.memref_slice %arg8[%dma_start3A_323, %dma_start3A_324] : memref<10240x16xf32, #tpu.memory_space<vmem_shared>> -> memref<10240x16xf32, #tpu.memory_space<vmem_shared>>
        %dma_start3A_326 = tpu.memref_slice %arg10[%dma_start3A_315] : memref<8x!tpu.dma_semaphore, #tpu.memory_space<semaphore_mem>> -> memref<1x!tpu.dma_semaphore, #tpu.memory_space<semaphore_mem>>
        %dma_start3A_327 = tpu.memref_squeeze %dma_start3A_326 : memref<1x!tpu.dma_semaphore, #tpu.memory_space<semaphore_mem>> -> memref<!tpu.dma_semaphore, #tpu.memory_space<semaphore_mem>>
        tpu.enqueue_indirect_dma source(%dma_start3A_319 : memref<128x16xf32, #tpu.memory_space<vmem>>) target(%dma_start3A_325 : memref<10240x16xf32, #tpu.memory_space<vmem_shared>>) offsets(%dma_start3A_322 : memref<128xi32, #tpu.memory_space<vmem>>) semaphore(%dma_start3A_327 : memref<!tpu.dma_semaphore, #tpu.memory_space<semaphore_mem>>) {add = true}
      } else {
      }
      %add3A_181 = arith.constant 4 : i32
      %add3A_182 = arith.addi %add3A_158, %add3A_181 : i32
      %lt3A_183 = arith.cmpi slt, %add3A_182, %add3A_4 : i32
      %convert_element_type3A_184 = arith.extui %lt3A_183 : i1 to i32
      %cond3A_185 = arith.constant 0 : i32
      %cond3A_186 = arith.cmpi ne, %convert_element_type3A_184, %cond3A_185 : i32
      scf.if %cond3A_186 {
        %dma_wait3A = arith.constant 4 : i32
        %dma_wait3A_301 = arith.constant 4 : i32
        %dma_wait3A_302 = arith.constant 0 : i32
        %dma_wait3A_303 = arith.constant 0 : i32
        %dma_wait3A_304 = tpu.memref_slice %arg7[%dma_wait3A, %dma_wait3A_302, %dma_wait3A_303] : memref<8x128x16xf32, #tpu.memory_space<vmem>> -> memref<1x128x16xf32, #tpu.memory_space<vmem>>
        %dma_wait3A_305 = tpu.memref_squeeze %dma_wait3A_304 : memref<1x128x16xf32, #tpu.memory_space<vmem>> -> memref<128x16xf32, #tpu.memory_space<vmem>>
        %dma_wait3A_306 = arith.constant 0 : i32
        %dma_wait3A_307 = tpu.memref_slice %arg5[%add3A_182, %dma_wait3A_306] : memref<80x128xi32, #tpu.memory_space<vmem>> -> memref<1x128xi32, #tpu.memory_space<vmem>>
        %dma_wait3A_308 = tpu.memref_squeeze %dma_wait3A_307 : memref<1x128xi32, #tpu.memory_space<vmem>> -> memref<128xi32, #tpu.memory_space<vmem>>
        %dma_wait3A_309 = arith.constant 0 : i32
        %dma_wait3A_310 = arith.constant 0 : i32
        %dma_wait3A_311 = tpu.memref_slice %arg2[%dma_wait3A_309, %dma_wait3A_310] : memref<10240x16xf32, #tpu.memory_space<hbm>> -> memref<10240x16xf32, #tpu.memory_space<hbm>>
        %dma_wait3A_312 = tpu.memref_slice %arg9[%dma_wait3A_301] : memref<8x!tpu.dma_semaphore, #tpu.memory_space<semaphore_mem>> -> memref<1x!tpu.dma_semaphore, #tpu.memory_space<semaphore_mem>>
        %dma_wait3A_313 = tpu.memref_squeeze %dma_wait3A_312 : memref<1x!tpu.dma_semaphore, #tpu.memory_space<semaphore_mem>> -> memref<!tpu.dma_semaphore, #tpu.memory_space<semaphore_mem>>
        tpu.wait_indirect_dma semaphore(%dma_wait3A_313 : memref<!tpu.dma_semaphore, #tpu.memory_space<semaphore_mem>>) src(%dma_wait3A_311 : memref<10240x16xf32, #tpu.memory_space<hbm>>) dst(%dma_wait3A_305 : memref<128x16xf32, #tpu.memory_space<vmem>>)
        %dma_start3A_314 = arith.constant 4 : i32
        %dma_start3A_315 = arith.constant 4 : i32
        %dma_start3A_316 = arith.constant 0 : i32
        %dma_start3A_317 = arith.constant 0 : i32
        %dma_start3A_318 = tpu.memref_slice %arg7[%dma_start3A_314, %dma_start3A_316, %dma_start3A_317] : memref<8x128x16xf32, #tpu.memory_space<vmem>> -> memref<1x128x16xf32, #tpu.memory_space<vmem>>
        %dma_start3A_319 = tpu.memref_squeeze %dma_start3A_318 : memref<1x128x16xf32, #tpu.memory_space<vmem>> -> memref<128x16xf32, #tpu.memory_space<vmem>>
        %dma_start3A_320 = arith.constant 0 : i32
        %dma_start3A_321 = tpu.memref_slice %arg6[%add3A_182, %dma_start3A_320] : memref<80x128xi32, #tpu.memory_space<vmem>> -> memref<1x128xi32, #tpu.memory_space<vmem>>
        %dma_start3A_322 = tpu.memref_squeeze %dma_start3A_321 : memref<1x128xi32, #tpu.memory_space<vmem>> -> memref<128xi32, #tpu.memory_space<vmem>>
        %dma_start3A_323 = arith.constant 0 : i32
        %dma_start3A_324 = arith.constant 0 : i32
        %dma_start3A_325 = tpu.memref_slice %arg8[%dma_start3A_323, %dma_start3A_324] : memref<10240x16xf32, #tpu.memory_space<vmem_shared>> -> memref<10240x16xf32, #tpu.memory_space<vmem_shared>>
        %dma_start3A_326 = tpu.memref_slice %arg10[%dma_start3A_315] : memref<8x!tpu.dma_semaphore, #tpu.memory_space<semaphore_mem>> -> memref<1x!tpu.dma_semaphore, #tpu.memory_space<semaphore_mem>>
        %dma_start3A_327 = tpu.memref_squeeze %dma_start3A_326 : memref<1x!tpu.dma_semaphore, #tpu.memory_space<semaphore_mem>> -> memref<!tpu.dma_semaphore, #tpu.memory_space<semaphore_mem>>
        tpu.enqueue_indirect_dma source(%dma_start3A_319 : memref<128x16xf32, #tpu.memory_space<vmem>>) target(%dma_start3A_325 : memref<10240x16xf32, #tpu.memory_space<vmem_shared>>) offsets(%dma_start3A_322 : memref<128xi32, #tpu.memory_space<vmem>>) semaphore(%dma_start3A_327 : memref<!tpu.dma_semaphore, #tpu.memory_space<semaphore_mem>>) {add = true}
      } else {
      }
      %add3A_187 = arith.constant 5 : i32
      %add3A_188 = arith.addi %add3A_158, %add3A_187 : i32
      %lt3A_189 = arith.cmpi slt, %add3A_188, %add3A_4 : i32
      %convert_element_type3A_190 = arith.extui %lt3A_189 : i1 to i32
      %cond3A_191 = arith.constant 0 : i32
      %cond3A_192 = arith.cmpi ne, %convert_element_type3A_190, %cond3A_191 : i32
      scf.if %cond3A_192 {
        %dma_wait3A = arith.constant 5 : i32
        %dma_wait3A_301 = arith.constant 5 : i32
        %dma_wait3A_302 = arith.constant 0 : i32
        %dma_wait3A_303 = arith.constant 0 : i32
        %dma_wait3A_304 = tpu.memref_slice %arg7[%dma_wait3A, %dma_wait3A_302, %dma_wait3A_303] : memref<8x128x16xf32, #tpu.memory_space<vmem>> -> memref<1x128x16xf32, #tpu.memory_space<vmem>>
        %dma_wait3A_305 = tpu.memref_squeeze %dma_wait3A_304 : memref<1x128x16xf32, #tpu.memory_space<vmem>> -> memref<128x16xf32, #tpu.memory_space<vmem>>
        %dma_wait3A_306 = arith.constant 0 : i32
        %dma_wait3A_307 = tpu.memref_slice %arg5[%add3A_188, %dma_wait3A_306] : memref<80x128xi32, #tpu.memory_space<vmem>> -> memref<1x128xi32, #tpu.memory_space<vmem>>
        %dma_wait3A_308 = tpu.memref_squeeze %dma_wait3A_307 : memref<1x128xi32, #tpu.memory_space<vmem>> -> memref<128xi32, #tpu.memory_space<vmem>>
        %dma_wait3A_309 = arith.constant 0 : i32
        %dma_wait3A_310 = arith.constant 0 : i32
        %dma_wait3A_311 = tpu.memref_slice %arg2[%dma_wait3A_309, %dma_wait3A_310] : memref<10240x16xf32, #tpu.memory_space<hbm>> -> memref<10240x16xf32, #tpu.memory_space<hbm>>
        %dma_wait3A_312 = tpu.memref_slice %arg9[%dma_wait3A_301] : memref<8x!tpu.dma_semaphore, #tpu.memory_space<semaphore_mem>> -> memref<1x!tpu.dma_semaphore, #tpu.memory_space<semaphore_mem>>
        %dma_wait3A_313 = tpu.memref_squeeze %dma_wait3A_312 : memref<1x!tpu.dma_semaphore, #tpu.memory_space<semaphore_mem>> -> memref<!tpu.dma_semaphore, #tpu.memory_space<semaphore_mem>>
        tpu.wait_indirect_dma semaphore(%dma_wait3A_313 : memref<!tpu.dma_semaphore, #tpu.memory_space<semaphore_mem>>) src(%dma_wait3A_311 : memref<10240x16xf32, #tpu.memory_space<hbm>>) dst(%dma_wait3A_305 : memref<128x16xf32, #tpu.memory_space<vmem>>)
        %dma_start3A_314 = arith.constant 5 : i32
        %dma_start3A_315 = arith.constant 5 : i32
        %dma_start3A_316 = arith.constant 0 : i32
        %dma_start3A_317 = arith.constant 0 : i32
        %dma_start3A_318 = tpu.memref_slice %arg7[%dma_start3A_314, %dma_start3A_316, %dma_start3A_317] : memref<8x128x16xf32, #tpu.memory_space<vmem>> -> memref<1x128x16xf32, #tpu.memory_space<vmem>>
        %dma_start3A_319 = tpu.memref_squeeze %dma_start3A_318 : memref<1x128x16xf32, #tpu.memory_space<vmem>> -> memref<128x16xf32, #tpu.memory_space<vmem>>
        %dma_start3A_320 = arith.constant 0 : i32
        %dma_start3A_321 = tpu.memref_slice %arg6[%add3A_188, %dma_start3A_320] : memref<80x128xi32, #tpu.memory_space<vmem>> -> memref<1x128xi32, #tpu.memory_space<vmem>>
        %dma_start3A_322 = tpu.memref_squeeze %dma_start3A_321 : memref<1x128xi32, #tpu.memory_space<vmem>> -> memref<128xi32, #tpu.memory_space<vmem>>
        %dma_start3A_323 = arith.constant 0 : i32
        %dma_start3A_324 = arith.constant 0 : i32
        %dma_start3A_325 = tpu.memref_slice %arg8[%dma_start3A_323, %dma_start3A_324] : memref<10240x16xf32, #tpu.memory_space<vmem_shared>> -> memref<10240x16xf32, #tpu.memory_space<vmem_shared>>
        %dma_start3A_326 = tpu.memref_slice %arg10[%dma_start3A_315] : memref<8x!tpu.dma_semaphore, #tpu.memory_space<semaphore_mem>> -> memref<1x!tpu.dma_semaphore, #tpu.memory_space<semaphore_mem>>
        %dma_start3A_327 = tpu.memref_squeeze %dma_start3A_326 : memref<1x!tpu.dma_semaphore, #tpu.memory_space<semaphore_mem>> -> memref<!tpu.dma_semaphore, #tpu.memory_space<semaphore_mem>>
        tpu.enqueue_indirect_dma source(%dma_start3A_319 : memref<128x16xf32, #tpu.memory_space<vmem>>) target(%dma_start3A_325 : memref<10240x16xf32, #tpu.memory_space<vmem_shared>>) offsets(%dma_start3A_322 : memref<128xi32, #tpu.memory_space<vmem>>) semaphore(%dma_start3A_327 : memref<!tpu.dma_semaphore, #tpu.memory_space<semaphore_mem>>) {add = true}
      } else {
      }
      %add3A_193 = arith.constant 6 : i32
      %add3A_194 = arith.addi %add3A_158, %add3A_193 : i32
      %lt3A_195 = arith.cmpi slt, %add3A_194, %add3A_4 : i32
      %convert_element_type3A_196 = arith.extui %lt3A_195 : i1 to i32
      %cond3A_197 = arith.constant 0 : i32
      %cond3A_198 = arith.cmpi ne, %convert_element_type3A_196, %cond3A_197 : i32
      scf.if %cond3A_198 {
        %dma_wait3A = arith.constant 6 : i32
        %dma_wait3A_301 = arith.constant 6 : i32
        %dma_wait3A_302 = arith.constant 0 : i32
        %dma_wait3A_303 = arith.constant 0 : i32
        %dma_wait3A_304 = tpu.memref_slice %arg7[%dma_wait3A, %dma_wait3A_302, %dma_wait3A_303] : memref<8x128x16xf32, #tpu.memory_space<vmem>> -> memref<1x128x16xf32, #tpu.memory_space<vmem>>
        %dma_wait3A_305 = tpu.memref_squeeze %dma_wait3A_304 : memref<1x128x16xf32, #tpu.memory_space<vmem>> -> memref<128x16xf32, #tpu.memory_space<vmem>>
        %dma_wait3A_306 = arith.constant 0 : i32
        %dma_wait3A_307 = tpu.memref_slice %arg5[%add3A_194, %dma_wait3A_306] : memref<80x128xi32, #tpu.memory_space<vmem>> -> memref<1x128xi32, #tpu.memory_space<vmem>>
        %dma_wait3A_308 = tpu.memref_squeeze %dma_wait3A_307 : memref<1x128xi32, #tpu.memory_space<vmem>> -> memref<128xi32, #tpu.memory_space<vmem>>
        %dma_wait3A_309 = arith.constant 0 : i32
        %dma_wait3A_310 = arith.constant 0 : i32
        %dma_wait3A_311 = tpu.memref_slice %arg2[%dma_wait3A_309, %dma_wait3A_310] : memref<10240x16xf32, #tpu.memory_space<hbm>> -> memref<10240x16xf32, #tpu.memory_space<hbm>>
        %dma_wait3A_312 = tpu.memref_slice %arg9[%dma_wait3A_301] : memref<8x!tpu.dma_semaphore, #tpu.memory_space<semaphore_mem>> -> memref<1x!tpu.dma_semaphore, #tpu.memory_space<semaphore_mem>>
        %dma_wait3A_313 = tpu.memref_squeeze %dma_wait3A_312 : memref<1x!tpu.dma_semaphore, #tpu.memory_space<semaphore_mem>> -> memref<!tpu.dma_semaphore, #tpu.memory_space<semaphore_mem>>
        tpu.wait_indirect_dma semaphore(%dma_wait3A_313 : memref<!tpu.dma_semaphore, #tpu.memory_space<semaphore_mem>>) src(%dma_wait3A_311 : memref<10240x16xf32, #tpu.memory_space<hbm>>) dst(%dma_wait3A_305 : memref<128x16xf32, #tpu.memory_space<vmem>>)
        %dma_start3A_314 = arith.constant 6 : i32
        %dma_start3A_315 = arith.constant 6 : i32
        %dma_start3A_316 = arith.constant 0 : i32
        %dma_start3A_317 = arith.constant 0 : i32
        %dma_start3A_318 = tpu.memref_slice %arg7[%dma_start3A_314, %dma_start3A_316, %dma_start3A_317] : memref<8x128x16xf32, #tpu.memory_space<vmem>> -> memref<1x128x16xf32, #tpu.memory_space<vmem>>
        %dma_start3A_319 = tpu.memref_squeeze %dma_start3A_318 : memref<1x128x16xf32, #tpu.memory_space<vmem>> -> memref<128x16xf32, #tpu.memory_space<vmem>>
        %dma_start3A_320 = arith.constant 0 : i32
        %dma_start3A_321 = tpu.memref_slice %arg6[%add3A_194, %dma_start3A_320] : memref<80x128xi32, #tpu.memory_space<vmem>> -> memref<1x128xi32, #tpu.memory_space<vmem>>
        %dma_start3A_322 = tpu.memref_squeeze %dma_start3A_321 : memref<1x128xi32, #tpu.memory_space<vmem>> -> memref<128xi32, #tpu.memory_space<vmem>>
        %dma_start3A_323 = arith.constant 0 : i32
        %dma_start3A_324 = arith.constant 0 : i32
        %dma_start3A_325 = tpu.memref_slice %arg8[%dma_start3A_323, %dma_start3A_324] : memref<10240x16xf32, #tpu.memory_space<vmem_shared>> -> memref<10240x16xf32, #tpu.memory_space<vmem_shared>>
        %dma_start3A_326 = tpu.memref_slice %arg10[%dma_start3A_315] : memref<8x!tpu.dma_semaphore, #tpu.memory_space<semaphore_mem>> -> memref<1x!tpu.dma_semaphore, #tpu.memory_space<semaphore_mem>>
        %dma_start3A_327 = tpu.memref_squeeze %dma_start3A_326 : memref<1x!tpu.dma_semaphore, #tpu.memory_space<semaphore_mem>> -> memref<!tpu.dma_semaphore, #tpu.memory_space<semaphore_mem>>
        tpu.enqueue_indirect_dma source(%dma_start3A_319 : memref<128x16xf32, #tpu.memory_space<vmem>>) target(%dma_start3A_325 : memref<10240x16xf32, #tpu.memory_space<vmem_shared>>) offsets(%dma_start3A_322 : memref<128xi32, #tpu.memory_space<vmem>>) semaphore(%dma_start3A_327 : memref<!tpu.dma_semaphore, #tpu.memory_space<semaphore_mem>>) {add = true}
      } else {
      }
      %add3A_199 = arith.constant 7 : i32
      %add3A_200 = arith.addi %add3A_158, %add3A_199 : i32
      %lt3A_201 = arith.cmpi slt, %add3A_200, %add3A_4 : i32
      %convert_element_type3A_202 = arith.extui %lt3A_201 : i1 to i32
      %cond3A_203 = arith.constant 0 : i32
      %cond3A_204 = arith.cmpi ne, %convert_element_type3A_202, %cond3A_203 : i32
      scf.if %cond3A_204 {
        %dma_wait3A = arith.constant 7 : i32
        %dma_wait3A_301 = arith.constant 7 : i32
        %dma_wait3A_302 = arith.constant 0 : i32
        %dma_wait3A_303 = arith.constant 0 : i32
        %dma_wait3A_304 = tpu.memref_slice %arg7[%dma_wait3A, %dma_wait3A_302, %dma_wait3A_303] : memref<8x128x16xf32, #tpu.memory_space<vmem>> -> memref<1x128x16xf32, #tpu.memory_space<vmem>>
        %dma_wait3A_305 = tpu.memref_squeeze %dma_wait3A_304 : memref<1x128x16xf32, #tpu.memory_space<vmem>> -> memref<128x16xf32, #tpu.memory_space<vmem>>
        %dma_wait3A_306 = arith.constant 0 : i32
        %dma_wait3A_307 = tpu.memref_slice %arg5[%add3A_200, %dma_wait3A_306] : memref<80x128xi32, #tpu.memory_space<vmem>> -> memref<1x128xi32, #tpu.memory_space<vmem>>
        %dma_wait3A_308 = tpu.memref_squeeze %dma_wait3A_307 : memref<1x128xi32, #tpu.memory_space<vmem>> -> memref<128xi32, #tpu.memory_space<vmem>>
        %dma_wait3A_309 = arith.constant 0 : i32
        %dma_wait3A_310 = arith.constant 0 : i32
        %dma_wait3A_311 = tpu.memref_slice %arg2[%dma_wait3A_309, %dma_wait3A_310] : memref<10240x16xf32, #tpu.memory_space<hbm>> -> memref<10240x16xf32, #tpu.memory_space<hbm>>
        %dma_wait3A_312 = tpu.memref_slice %arg9[%dma_wait3A_301] : memref<8x!tpu.dma_semaphore, #tpu.memory_space<semaphore_mem>> -> memref<1x!tpu.dma_semaphore, #tpu.memory_space<semaphore_mem>>
        %dma_wait3A_313 = tpu.memref_squeeze %dma_wait3A_312 : memref<1x!tpu.dma_semaphore, #tpu.memory_space<semaphore_mem>> -> memref<!tpu.dma_semaphore, #tpu.memory_space<semaphore_mem>>
        tpu.wait_indirect_dma semaphore(%dma_wait3A_313 : memref<!tpu.dma_semaphore, #tpu.memory_space<semaphore_mem>>) src(%dma_wait3A_311 : memref<10240x16xf32, #tpu.memory_space<hbm>>) dst(%dma_wait3A_305 : memref<128x16xf32, #tpu.memory_space<vmem>>)
        %dma_start3A_314 = arith.constant 7 : i32
        %dma_start3A_315 = arith.constant 7 : i32
        %dma_start3A_316 = arith.constant 0 : i32
        %dma_start3A_317 = arith.constant 0 : i32
        %dma_start3A_318 = tpu.memref_slice %arg7[%dma_start3A_314, %dma_start3A_316, %dma_start3A_317] : memref<8x128x16xf32, #tpu.memory_space<vmem>> -> memref<1x128x16xf32, #tpu.memory_space<vmem>>
        %dma_start3A_319 = tpu.memref_squeeze %dma_start3A_318 : memref<1x128x16xf32, #tpu.memory_space<vmem>> -> memref<128x16xf32, #tpu.memory_space<vmem>>
        %dma_start3A_320 = arith.constant 0 : i32
        %dma_start3A_321 = tpu.memref_slice %arg6[%add3A_200, %dma_start3A_320] : memref<80x128xi32, #tpu.memory_space<vmem>> -> memref<1x128xi32, #tpu.memory_space<vmem>>
        %dma_start3A_322 = tpu.memref_squeeze %dma_start3A_321 : memref<1x128xi32, #tpu.memory_space<vmem>> -> memref<128xi32, #tpu.memory_space<vmem>>
        %dma_start3A_323 = arith.constant 0 : i32
        %dma_start3A_324 = arith.constant 0 : i32
        %dma_start3A_325 = tpu.memref_slice %arg8[%dma_start3A_323, %dma_start3A_324] : memref<10240x16xf32, #tpu.memory_space<vmem_shared>> -> memref<10240x16xf32, #tpu.memory_space<vmem_shared>>
        %dma_start3A_326 = tpu.memref_slice %arg10[%dma_start3A_315] : memref<8x!tpu.dma_semaphore, #tpu.memory_space<semaphore_mem>> -> memref<1x!tpu.dma_semaphore, #tpu.memory_space<semaphore_mem>>
        %dma_start3A_327 = tpu.memref_squeeze %dma_start3A_326 : memref<1x!tpu.dma_semaphore, #tpu.memory_space<semaphore_mem>> -> memref<!tpu.dma_semaphore, #tpu.memory_space<semaphore_mem>>
        tpu.enqueue_indirect_dma source(%dma_start3A_319 : memref<128x16xf32, #tpu.memory_space<vmem>>) target(%dma_start3A_325 : memref<10240x16xf32, #tpu.memory_space<vmem_shared>>) offsets(%dma_start3A_322 : memref<128xi32, #tpu.memory_space<vmem>>) semaphore(%dma_start3A_327 : memref<!tpu.dma_semaphore, #tpu.memory_space<semaphore_mem>>) {add = true}
      } else {
      }
      %add3A_205 = arith.constant 0 : i32
      %add3A_206 = arith.addi %add3A_158, %add3A_205 : i32
      %lt3A_207 = arith.cmpi slt, %add3A_206, %add3A_4 : i32
      %convert_element_type3A_208 = arith.extui %lt3A_207 : i1 to i32
      %cond3A_209 = arith.constant 0 : i32
      %cond3A_210 = arith.cmpi ne, %convert_element_type3A_208, %cond3A_209 : i32
      scf.if %cond3A_210 {
        %dma_wait3A = arith.constant 0 : i32
        %dma_wait3A_301 = arith.constant 0 : i32
        %dma_wait3A_302 = arith.constant 0 : i32
        %dma_wait3A_303 = arith.constant 0 : i32
        %dma_wait3A_304 = tpu.memref_slice %arg7[%dma_wait3A, %dma_wait3A_302, %dma_wait3A_303] : memref<8x128x16xf32, #tpu.memory_space<vmem>> -> memref<1x128x16xf32, #tpu.memory_space<vmem>>
        %dma_wait3A_305 = tpu.memref_squeeze %dma_wait3A_304 : memref<1x128x16xf32, #tpu.memory_space<vmem>> -> memref<128x16xf32, #tpu.memory_space<vmem>>
        %dma_wait3A_306 = arith.constant 0 : i32
        %dma_wait3A_307 = tpu.memref_slice %arg6[%add3A_206, %dma_wait3A_306] : memref<80x128xi32, #tpu.memory_space<vmem>> -> memref<1x128xi32, #tpu.memory_space<vmem>>
        %dma_wait3A_308 = tpu.memref_squeeze %dma_wait3A_307 : memref<1x128xi32, #tpu.memory_space<vmem>> -> memref<128xi32, #tpu.memory_space<vmem>>
        %dma_wait3A_309 = arith.constant 0 : i32
        %dma_wait3A_310 = arith.constant 0 : i32
        %dma_wait3A_311 = tpu.memref_slice %arg8[%dma_wait3A_309, %dma_wait3A_310] : memref<10240x16xf32, #tpu.memory_space<vmem_shared>> -> memref<10240x16xf32, #tpu.memory_space<vmem_shared>>
        %dma_wait3A_312 = tpu.memref_slice %arg10[%dma_wait3A_301] : memref<8x!tpu.dma_semaphore, #tpu.memory_space<semaphore_mem>> -> memref<1x!tpu.dma_semaphore, #tpu.memory_space<semaphore_mem>>
        %dma_wait3A_313 = tpu.memref_squeeze %dma_wait3A_312 : memref<1x!tpu.dma_semaphore, #tpu.memory_space<semaphore_mem>> -> memref<!tpu.dma_semaphore, #tpu.memory_space<semaphore_mem>>
        tpu.wait_indirect_dma semaphore(%dma_wait3A_313 : memref<!tpu.dma_semaphore, #tpu.memory_space<semaphore_mem>>) src(%dma_wait3A_305 : memref<128x16xf32, #tpu.memory_space<vmem>>) dst(%dma_wait3A_311 : memref<10240x16xf32, #tpu.memory_space<vmem_shared>>)
      } else {
      }
      %add3A_211 = arith.constant 8 : i32
      %add3A_212 = arith.addi %add3A_206, %add3A_211 : i32
      %lt3A_213 = arith.cmpi slt, %add3A_212, %add3A_4 : i32
      %convert_element_type3A_214 = arith.extui %lt3A_213 : i1 to i32
      %cond3A_215 = arith.constant 0 : i32
      %cond3A_216 = arith.cmpi ne, %convert_element_type3A_214, %cond3A_215 : i32
      scf.if %cond3A_216 {
        %add3A_301 = arith.constant 8 : i32
        %add3A_302 = arith.addi %add3A_206, %add3A_301 : i32
        %dma_start3A_303 = arith.constant 0 : i32
        %dma_start3A_304 = arith.constant 0 : i32
        %dma_start3A_305 = arith.constant 0 : i32
        %dma_start3A_306 = arith.constant 0 : i32
        %dma_start3A_307 = tpu.memref_slice %arg7[%dma_start3A_303, %dma_start3A_305, %dma_start3A_306] : memref<8x128x16xf32, #tpu.memory_space<vmem>> -> memref<1x128x16xf32, #tpu.memory_space<vmem>>
        %dma_start3A_308 = tpu.memref_squeeze %dma_start3A_307 : memref<1x128x16xf32, #tpu.memory_space<vmem>> -> memref<128x16xf32, #tpu.memory_space<vmem>>
        %dma_start3A_309 = arith.constant 0 : i32
        %dma_start3A_310 = tpu.memref_slice %arg5[%add3A_302, %dma_start3A_309] : memref<80x128xi32, #tpu.memory_space<vmem>> -> memref<1x128xi32, #tpu.memory_space<vmem>>
        %dma_start3A_311 = tpu.memref_squeeze %dma_start3A_310 : memref<1x128xi32, #tpu.memory_space<vmem>> -> memref<128xi32, #tpu.memory_space<vmem>>
        %dma_start3A_312 = arith.constant 0 : i32
        %dma_start3A_313 = arith.constant 0 : i32
        %dma_start3A_314 = tpu.memref_slice %arg2[%dma_start3A_312, %dma_start3A_313] : memref<10240x16xf32, #tpu.memory_space<hbm>> -> memref<10240x16xf32, #tpu.memory_space<hbm>>
        %dma_start3A_315 = tpu.memref_slice %arg9[%dma_start3A_304] : memref<8x!tpu.dma_semaphore, #tpu.memory_space<semaphore_mem>> -> memref<1x!tpu.dma_semaphore, #tpu.memory_space<semaphore_mem>>
        %dma_start3A_316 = tpu.memref_squeeze %dma_start3A_315 : memref<1x!tpu.dma_semaphore, #tpu.memory_space<semaphore_mem>> -> memref<!tpu.dma_semaphore, #tpu.memory_space<semaphore_mem>>
        tpu.enqueue_indirect_dma source(%dma_start3A_314 : memref<10240x16xf32, #tpu.memory_space<hbm>>) target(%dma_start3A_308 : memref<128x16xf32, #tpu.memory_space<vmem>>) offsets(%dma_start3A_311 : memref<128xi32, #tpu.memory_space<vmem>>) semaphore(%dma_start3A_316 : memref<!tpu.dma_semaphore, #tpu.memory_space<semaphore_mem>>)
      } else {
      }
      %add3A_217 = arith.constant 1 : i32
      %add3A_218 = arith.addi %add3A_158, %add3A_217 : i32
      %lt3A_219 = arith.cmpi slt, %add3A_218, %add3A_4 : i32
      %convert_element_type3A_220 = arith.extui %lt3A_219 : i1 to i32
      %cond3A_221 = arith.constant 0 : i32
      %cond3A_222 = arith.cmpi ne, %convert_element_type3A_220, %cond3A_221 : i32
      scf.if %cond3A_222 {
        %dma_wait3A = arith.constant 1 : i32
        %dma_wait3A_301 = arith.constant 1 : i32
        %dma_wait3A_302 = arith.constant 0 : i32
        %dma_wait3A_303 = arith.constant 0 : i32
        %dma_wait3A_304 = tpu.memref_slice %arg7[%dma_wait3A, %dma_wait3A_302, %dma_wait3A_303] : memref<8x128x16xf32, #tpu.memory_space<vmem>> -> memref<1x128x16xf32, #tpu.memory_space<vmem>>
        %dma_wait3A_305 = tpu.memref_squeeze %dma_wait3A_304 : memref<1x128x16xf32, #tpu.memory_space<vmem>> -> memref<128x16xf32, #tpu.memory_space<vmem>>
        %dma_wait3A_306 = arith.constant 0 : i32
        %dma_wait3A_307 = tpu.memref_slice %arg6[%add3A_218, %dma_wait3A_306] : memref<80x128xi32, #tpu.memory_space<vmem>> -> memref<1x128xi32, #tpu.memory_space<vmem>>
        %dma_wait3A_308 = tpu.memref_squeeze %dma_wait3A_307 : memref<1x128xi32, #tpu.memory_space<vmem>> -> memref<128xi32, #tpu.memory_space<vmem>>
        %dma_wait3A_309 = arith.constant 0 : i32
        %dma_wait3A_310 = arith.constant 0 : i32
        %dma_wait3A_311 = tpu.memref_slice %arg8[%dma_wait3A_309, %dma_wait3A_310] : memref<10240x16xf32, #tpu.memory_space<vmem_shared>> -> memref<10240x16xf32, #tpu.memory_space<vmem_shared>>
        %dma_wait3A_312 = tpu.memref_slice %arg10[%dma_wait3A_301] : memref<8x!tpu.dma_semaphore, #tpu.memory_space<semaphore_mem>> -> memref<1x!tpu.dma_semaphore, #tpu.memory_space<semaphore_mem>>
        %dma_wait3A_313 = tpu.memref_squeeze %dma_wait3A_312 : memref<1x!tpu.dma_semaphore, #tpu.memory_space<semaphore_mem>> -> memref<!tpu.dma_semaphore, #tpu.memory_space<semaphore_mem>>
        tpu.wait_indirect_dma semaphore(%dma_wait3A_313 : memref<!tpu.dma_semaphore, #tpu.memory_space<semaphore_mem>>) src(%dma_wait3A_305 : memref<128x16xf32, #tpu.memory_space<vmem>>) dst(%dma_wait3A_311 : memref<10240x16xf32, #tpu.memory_space<vmem_shared>>)
      } else {
      }
      %add3A_223 = arith.constant 8 : i32
      %add3A_224 = arith.addi %add3A_218, %add3A_223 : i32
      %lt3A_225 = arith.cmpi slt, %add3A_224, %add3A_4 : i32
      %convert_element_type3A_226 = arith.extui %lt3A_225 : i1 to i32
      %cond3A_227 = arith.constant 0 : i32
      %cond3A_228 = arith.cmpi ne, %convert_element_type3A_226, %cond3A_227 : i32
      scf.if %cond3A_228 {
        %add3A_301 = arith.constant 8 : i32
        %add3A_302 = arith.addi %add3A_218, %add3A_301 : i32
        %dma_start3A_303 = arith.constant 1 : i32
        %dma_start3A_304 = arith.constant 1 : i32
        %dma_start3A_305 = arith.constant 0 : i32
        %dma_start3A_306 = arith.constant 0 : i32
        %dma_start3A_307 = tpu.memref_slice %arg7[%dma_start3A_303, %dma_start3A_305, %dma_start3A_306] : memref<8x128x16xf32, #tpu.memory_space<vmem>> -> memref<1x128x16xf32, #tpu.memory_space<vmem>>
        %dma_start3A_308 = tpu.memref_squeeze %dma_start3A_307 : memref<1x128x16xf32, #tpu.memory_space<vmem>> -> memref<128x16xf32, #tpu.memory_space<vmem>>
        %dma_start3A_309 = arith.constant 0 : i32
        %dma_start3A_310 = tpu.memref_slice %arg5[%add3A_302, %dma_start3A_309] : memref<80x128xi32, #tpu.memory_space<vmem>> -> memref<1x128xi32, #tpu.memory_space<vmem>>
        %dma_start3A_311 = tpu.memref_squeeze %dma_start3A_310 : memref<1x128xi32, #tpu.memory_space<vmem>> -> memref<128xi32, #tpu.memory_space<vmem>>
        %dma_start3A_312 = arith.constant 0 : i32
        %dma_start3A_313 = arith.constant 0 : i32
        %dma_start3A_314 = tpu.memref_slice %arg2[%dma_start3A_312, %dma_start3A_313] : memref<10240x16xf32, #tpu.memory_space<hbm>> -> memref<10240x16xf32, #tpu.memory_space<hbm>>
        %dma_start3A_315 = tpu.memref_slice %arg9[%dma_start3A_304] : memref<8x!tpu.dma_semaphore, #tpu.memory_space<semaphore_mem>> -> memref<1x!tpu.dma_semaphore, #tpu.memory_space<semaphore_mem>>
        %dma_start3A_316 = tpu.memref_squeeze %dma_start3A_315 : memref<1x!tpu.dma_semaphore, #tpu.memory_space<semaphore_mem>> -> memref<!tpu.dma_semaphore, #tpu.memory_space<semaphore_mem>>
        tpu.enqueue_indirect_dma source(%dma_start3A_314 : memref<10240x16xf32, #tpu.memory_space<hbm>>) target(%dma_start3A_308 : memref<128x16xf32, #tpu.memory_space<vmem>>) offsets(%dma_start3A_311 : memref<128xi32, #tpu.memory_space<vmem>>) semaphore(%dma_start3A_316 : memref<!tpu.dma_semaphore, #tpu.memory_space<semaphore_mem>>)
      } else {
      }
      %add3A_229 = arith.constant 2 : i32
      %add3A_230 = arith.addi %add3A_158, %add3A_229 : i32
      %lt3A_231 = arith.cmpi slt, %add3A_230, %add3A_4 : i32
      %convert_element_type3A_232 = arith.extui %lt3A_231 : i1 to i32
      %cond3A_233 = arith.constant 0 : i32
      %cond3A_234 = arith.cmpi ne, %convert_element_type3A_232, %cond3A_233 : i32
      scf.if %cond3A_234 {
        %dma_wait3A = arith.constant 2 : i32
        %dma_wait3A_301 = arith.constant 2 : i32
        %dma_wait3A_302 = arith.constant 0 : i32
        %dma_wait3A_303 = arith.constant 0 : i32
        %dma_wait3A_304 = tpu.memref_slice %arg7[%dma_wait3A, %dma_wait3A_302, %dma_wait3A_303] : memref<8x128x16xf32, #tpu.memory_space<vmem>> -> memref<1x128x16xf32, #tpu.memory_space<vmem>>
        %dma_wait3A_305 = tpu.memref_squeeze %dma_wait3A_304 : memref<1x128x16xf32, #tpu.memory_space<vmem>> -> memref<128x16xf32, #tpu.memory_space<vmem>>
        %dma_wait3A_306 = arith.constant 0 : i32
        %dma_wait3A_307 = tpu.memref_slice %arg6[%add3A_230, %dma_wait3A_306] : memref<80x128xi32, #tpu.memory_space<vmem>> -> memref<1x128xi32, #tpu.memory_space<vmem>>
        %dma_wait3A_308 = tpu.memref_squeeze %dma_wait3A_307 : memref<1x128xi32, #tpu.memory_space<vmem>> -> memref<128xi32, #tpu.memory_space<vmem>>
        %dma_wait3A_309 = arith.constant 0 : i32
        %dma_wait3A_310 = arith.constant 0 : i32
        %dma_wait3A_311 = tpu.memref_slice %arg8[%dma_wait3A_309, %dma_wait3A_310] : memref<10240x16xf32, #tpu.memory_space<vmem_shared>> -> memref<10240x16xf32, #tpu.memory_space<vmem_shared>>
        %dma_wait3A_312 = tpu.memref_slice %arg10[%dma_wait3A_301] : memref<8x!tpu.dma_semaphore, #tpu.memory_space<semaphore_mem>> -> memref<1x!tpu.dma_semaphore, #tpu.memory_space<semaphore_mem>>
        %dma_wait3A_313 = tpu.memref_squeeze %dma_wait3A_312 : memref<1x!tpu.dma_semaphore, #tpu.memory_space<semaphore_mem>> -> memref<!tpu.dma_semaphore, #tpu.memory_space<semaphore_mem>>
        tpu.wait_indirect_dma semaphore(%dma_wait3A_313 : memref<!tpu.dma_semaphore, #tpu.memory_space<semaphore_mem>>) src(%dma_wait3A_305 : memref<128x16xf32, #tpu.memory_space<vmem>>) dst(%dma_wait3A_311 : memref<10240x16xf32, #tpu.memory_space<vmem_shared>>)
      } else {
      }
      %add3A_235 = arith.constant 8 : i32
      %add3A_236 = arith.addi %add3A_230, %add3A_235 : i32
      %lt3A_237 = arith.cmpi slt, %add3A_236, %add3A_4 : i32
      %convert_element_type3A_238 = arith.extui %lt3A_237 : i1 to i32
      %cond3A_239 = arith.constant 0 : i32
      %cond3A_240 = arith.cmpi ne, %convert_element_type3A_238, %cond3A_239 : i32
      scf.if %cond3A_240 {
        %add3A_301 = arith.constant 8 : i32
        %add3A_302 = arith.addi %add3A_230, %add3A_301 : i32
        %dma_start3A_303 = arith.constant 2 : i32
        %dma_start3A_304 = arith.constant 2 : i32
        %dma_start3A_305 = arith.constant 0 : i32
        %dma_start3A_306 = arith.constant 0 : i32
        %dma_start3A_307 = tpu.memref_slice %arg7[%dma_start3A_303, %dma_start3A_305, %dma_start3A_306] : memref<8x128x16xf32, #tpu.memory_space<vmem>> -> memref<1x128x16xf32, #tpu.memory_space<vmem>>
        %dma_start3A_308 = tpu.memref_squeeze %dma_start3A_307 : memref<1x128x16xf32, #tpu.memory_space<vmem>> -> memref<128x16xf32, #tpu.memory_space<vmem>>
        %dma_start3A_309 = arith.constant 0 : i32
        %dma_start3A_310 = tpu.memref_slice %arg5[%add3A_302, %dma_start3A_309] : memref<80x128xi32, #tpu.memory_space<vmem>> -> memref<1x128xi32, #tpu.memory_space<vmem>>
        %dma_start3A_311 = tpu.memref_squeeze %dma_start3A_310 : memref<1x128xi32, #tpu.memory_space<vmem>> -> memref<128xi32, #tpu.memory_space<vmem>>
        %dma_start3A_312 = arith.constant 0 : i32
        %dma_start3A_313 = arith.constant 0 : i32
        %dma_start3A_314 = tpu.memref_slice %arg2[%dma_start3A_312, %dma_start3A_313] : memref<10240x16xf32, #tpu.memory_space<hbm>> -> memref<10240x16xf32, #tpu.memory_space<hbm>>
        %dma_start3A_315 = tpu.memref_slice %arg9[%dma_start3A_304] : memref<8x!tpu.dma_semaphore, #tpu.memory_space<semaphore_mem>> -> memref<1x!tpu.dma_semaphore, #tpu.memory_space<semaphore_mem>>
        %dma_start3A_316 = tpu.memref_squeeze %dma_start3A_315 : memref<1x!tpu.dma_semaphore, #tpu.memory_space<semaphore_mem>> -> memref<!tpu.dma_semaphore, #tpu.memory_space<semaphore_mem>>
        tpu.enqueue_indirect_dma source(%dma_start3A_314 : memref<10240x16xf32, #tpu.memory_space<hbm>>) target(%dma_start3A_308 : memref<128x16xf32, #tpu.memory_space<vmem>>) offsets(%dma_start3A_311 : memref<128xi32, #tpu.memory_space<vmem>>) semaphore(%dma_start3A_316 : memref<!tpu.dma_semaphore, #tpu.memory_space<semaphore_mem>>)
      } else {
      }
      %add3A_241 = arith.constant 3 : i32
      %add3A_242 = arith.addi %add3A_158, %add3A_241 : i32
      %lt3A_243 = arith.cmpi slt, %add3A_242, %add3A_4 : i32
      %convert_element_type3A_244 = arith.extui %lt3A_243 : i1 to i32
      %cond3A_245 = arith.constant 0 : i32
      %cond3A_246 = arith.cmpi ne, %convert_element_type3A_244, %cond3A_245 : i32
      scf.if %cond3A_246 {
        %dma_wait3A = arith.constant 3 : i32
        %dma_wait3A_301 = arith.constant 3 : i32
        %dma_wait3A_302 = arith.constant 0 : i32
        %dma_wait3A_303 = arith.constant 0 : i32
        %dma_wait3A_304 = tpu.memref_slice %arg7[%dma_wait3A, %dma_wait3A_302, %dma_wait3A_303] : memref<8x128x16xf32, #tpu.memory_space<vmem>> -> memref<1x128x16xf32, #tpu.memory_space<vmem>>
        %dma_wait3A_305 = tpu.memref_squeeze %dma_wait3A_304 : memref<1x128x16xf32, #tpu.memory_space<vmem>> -> memref<128x16xf32, #tpu.memory_space<vmem>>
        %dma_wait3A_306 = arith.constant 0 : i32
        %dma_wait3A_307 = tpu.memref_slice %arg6[%add3A_242, %dma_wait3A_306] : memref<80x128xi32, #tpu.memory_space<vmem>> -> memref<1x128xi32, #tpu.memory_space<vmem>>
        %dma_wait3A_308 = tpu.memref_squeeze %dma_wait3A_307 : memref<1x128xi32, #tpu.memory_space<vmem>> -> memref<128xi32, #tpu.memory_space<vmem>>
        %dma_wait3A_309 = arith.constant 0 : i32
        %dma_wait3A_310 = arith.constant 0 : i32
        %dma_wait3A_311 = tpu.memref_slice %arg8[%dma_wait3A_309, %dma_wait3A_310] : memref<10240x16xf32, #tpu.memory_space<vmem_shared>> -> memref<10240x16xf32, #tpu.memory_space<vmem_shared>>
        %dma_wait3A_312 = tpu.memref_slice %arg10[%dma_wait3A_301] : memref<8x!tpu.dma_semaphore, #tpu.memory_space<semaphore_mem>> -> memref<1x!tpu.dma_semaphore, #tpu.memory_space<semaphore_mem>>
        %dma_wait3A_313 = tpu.memref_squeeze %dma_wait3A_312 : memref<1x!tpu.dma_semaphore, #tpu.memory_space<semaphore_mem>> -> memref<!tpu.dma_semaphore, #tpu.memory_space<semaphore_mem>>
        tpu.wait_indirect_dma semaphore(%dma_wait3A_313 : memref<!tpu.dma_semaphore, #tpu.memory_space<semaphore_mem>>) src(%dma_wait3A_305 : memref<128x16xf32, #tpu.memory_space<vmem>>) dst(%dma_wait3A_311 : memref<10240x16xf32, #tpu.memory_space<vmem_shared>>)
      } else {
      }
      %add3A_247 = arith.constant 8 : i32
      %add3A_248 = arith.addi %add3A_242, %add3A_247 : i32
      %lt3A_249 = arith.cmpi slt, %add3A_248, %add3A_4 : i32
      %convert_element_type3A_250 = arith.extui %lt3A_249 : i1 to i32
      %cond3A_251 = arith.constant 0 : i32
      %cond3A_252 = arith.cmpi ne, %convert_element_type3A_250, %cond3A_251 : i32
      scf.if %cond3A_252 {
        %add3A_301 = arith.constant 8 : i32
        %add3A_302 = arith.addi %add3A_242, %add3A_301 : i32
        %dma_start3A_303 = arith.constant 3 : i32
        %dma_start3A_304 = arith.constant 3 : i32
        %dma_start3A_305 = arith.constant 0 : i32
        %dma_start3A_306 = arith.constant 0 : i32
        %dma_start3A_307 = tpu.memref_slice %arg7[%dma_start3A_303, %dma_start3A_305, %dma_start3A_306] : memref<8x128x16xf32, #tpu.memory_space<vmem>> -> memref<1x128x16xf32, #tpu.memory_space<vmem>>
        %dma_start3A_308 = tpu.memref_squeeze %dma_start3A_307 : memref<1x128x16xf32, #tpu.memory_space<vmem>> -> memref<128x16xf32, #tpu.memory_space<vmem>>
        %dma_start3A_309 = arith.constant 0 : i32
        %dma_start3A_310 = tpu.memref_slice %arg5[%add3A_302, %dma_start3A_309] : memref<80x128xi32, #tpu.memory_space<vmem>> -> memref<1x128xi32, #tpu.memory_space<vmem>>
        %dma_start3A_311 = tpu.memref_squeeze %dma_start3A_310 : memref<1x128xi32, #tpu.memory_space<vmem>> -> memref<128xi32, #tpu.memory_space<vmem>>
        %dma_start3A_312 = arith.constant 0 : i32
        %dma_start3A_313 = arith.constant 0 : i32
        %dma_start3A_314 = tpu.memref_slice %arg2[%dma_start3A_312, %dma_start3A_313] : memref<10240x16xf32, #tpu.memory_space<hbm>> -> memref<10240x16xf32, #tpu.memory_space<hbm>>
        %dma_start3A_315 = tpu.memref_slice %arg9[%dma_start3A_304] : memref<8x!tpu.dma_semaphore, #tpu.memory_space<semaphore_mem>> -> memref<1x!tpu.dma_semaphore, #tpu.memory_space<semaphore_mem>>
        %dma_start3A_316 = tpu.memref_squeeze %dma_start3A_315 : memref<1x!tpu.dma_semaphore, #tpu.memory_space<semaphore_mem>> -> memref<!tpu.dma_semaphore, #tpu.memory_space<semaphore_mem>>
        tpu.enqueue_indirect_dma source(%dma_start3A_314 : memref<10240x16xf32, #tpu.memory_space<hbm>>) target(%dma_start3A_308 : memref<128x16xf32, #tpu.memory_space<vmem>>) offsets(%dma_start3A_311 : memref<128xi32, #tpu.memory_space<vmem>>) semaphore(%dma_start3A_316 : memref<!tpu.dma_semaphore, #tpu.memory_space<semaphore_mem>>)
      } else {
      }
      %add3A_253 = arith.constant 4 : i32
      %add3A_254 = arith.addi %add3A_158, %add3A_253 : i32
      %lt3A_255 = arith.cmpi slt, %add3A_254, %add3A_4 : i32
      %convert_element_type3A_256 = arith.extui %lt3A_255 : i1 to i32
      %cond3A_257 = arith.constant 0 : i32
      %cond3A_258 = arith.cmpi ne, %convert_element_type3A_256, %cond3A_257 : i32
      scf.if %cond3A_258 {
        %dma_wait3A = arith.constant 4 : i32
        %dma_wait3A_301 = arith.constant 4 : i32
        %dma_wait3A_302 = arith.constant 0 : i32
        %dma_wait3A_303 = arith.constant 0 : i32
        %dma_wait3A_304 = tpu.memref_slice %arg7[%dma_wait3A, %dma_wait3A_302, %dma_wait3A_303] : memref<8x128x16xf32, #tpu.memory_space<vmem>> -> memref<1x128x16xf32, #tpu.memory_space<vmem>>
        %dma_wait3A_305 = tpu.memref_squeeze %dma_wait3A_304 : memref<1x128x16xf32, #tpu.memory_space<vmem>> -> memref<128x16xf32, #tpu.memory_space<vmem>>
        %dma_wait3A_306 = arith.constant 0 : i32
        %dma_wait3A_307 = tpu.memref_slice %arg6[%add3A_254, %dma_wait3A_306] : memref<80x128xi32, #tpu.memory_space<vmem>> -> memref<1x128xi32, #tpu.memory_space<vmem>>
        %dma_wait3A_308 = tpu.memref_squeeze %dma_wait3A_307 : memref<1x128xi32, #tpu.memory_space<vmem>> -> memref<128xi32, #tpu.memory_space<vmem>>
        %dma_wait3A_309 = arith.constant 0 : i32
        %dma_wait3A_310 = arith.constant 0 : i32
        %dma_wait3A_311 = tpu.memref_slice %arg8[%dma_wait3A_309, %dma_wait3A_310] : memref<10240x16xf32, #tpu.memory_space<vmem_shared>> -> memref<10240x16xf32, #tpu.memory_space<vmem_shared>>
        %dma_wait3A_312 = tpu.memref_slice %arg10[%dma_wait3A_301] : memref<8x!tpu.dma_semaphore, #tpu.memory_space<semaphore_mem>> -> memref<1x!tpu.dma_semaphore, #tpu.memory_space<semaphore_mem>>
        %dma_wait3A_313 = tpu.memref_squeeze %dma_wait3A_312 : memref<1x!tpu.dma_semaphore, #tpu.memory_space<semaphore_mem>> -> memref<!tpu.dma_semaphore, #tpu.memory_space<semaphore_mem>>
        tpu.wait_indirect_dma semaphore(%dma_wait3A_313 : memref<!tpu.dma_semaphore, #tpu.memory_space<semaphore_mem>>) src(%dma_wait3A_305 : memref<128x16xf32, #tpu.memory_space<vmem>>) dst(%dma_wait3A_311 : memref<10240x16xf32, #tpu.memory_space<vmem_shared>>)
      } else {
      }
      %add3A_259 = arith.constant 8 : i32
      %add3A_260 = arith.addi %add3A_254, %add3A_259 : i32
      %lt3A_261 = arith.cmpi slt, %add3A_260, %add3A_4 : i32
      %convert_element_type3A_262 = arith.extui %lt3A_261 : i1 to i32
      %cond3A_263 = arith.constant 0 : i32
      %cond3A_264 = arith.cmpi ne, %convert_element_type3A_262, %cond3A_263 : i32
      scf.if %cond3A_264 {
        %add3A_301 = arith.constant 8 : i32
        %add3A_302 = arith.addi %add3A_254, %add3A_301 : i32
        %dma_start3A_303 = arith.constant 4 : i32
        %dma_start3A_304 = arith.constant 4 : i32
        %dma_start3A_305 = arith.constant 0 : i32
        %dma_start3A_306 = arith.constant 0 : i32
        %dma_start3A_307 = tpu.memref_slice %arg7[%dma_start3A_303, %dma_start3A_305, %dma_start3A_306] : memref<8x128x16xf32, #tpu.memory_space<vmem>> -> memref<1x128x16xf32, #tpu.memory_space<vmem>>
        %dma_start3A_308 = tpu.memref_squeeze %dma_start3A_307 : memref<1x128x16xf32, #tpu.memory_space<vmem>> -> memref<128x16xf32, #tpu.memory_space<vmem>>
        %dma_start3A_309 = arith.constant 0 : i32
        %dma_start3A_310 = tpu.memref_slice %arg5[%add3A_302, %dma_start3A_309] : memref<80x128xi32, #tpu.memory_space<vmem>> -> memref<1x128xi32, #tpu.memory_space<vmem>>
        %dma_start3A_311 = tpu.memref_squeeze %dma_start3A_310 : memref<1x128xi32, #tpu.memory_space<vmem>> -> memref<128xi32, #tpu.memory_space<vmem>>
        %dma_start3A_312 = arith.constant 0 : i32
        %dma_start3A_313 = arith.constant 0 : i32
        %dma_start3A_314 = tpu.memref_slice %arg2[%dma_start3A_312, %dma_start3A_313] : memref<10240x16xf32, #tpu.memory_space<hbm>> -> memref<10240x16xf32, #tpu.memory_space<hbm>>
        %dma_start3A_315 = tpu.memref_slice %arg9[%dma_start3A_304] : memref<8x!tpu.dma_semaphore, #tpu.memory_space<semaphore_mem>> -> memref<1x!tpu.dma_semaphore, #tpu.memory_space<semaphore_mem>>
        %dma_start3A_316 = tpu.memref_squeeze %dma_start3A_315 : memref<1x!tpu.dma_semaphore, #tpu.memory_space<semaphore_mem>> -> memref<!tpu.dma_semaphore, #tpu.memory_space<semaphore_mem>>
        tpu.enqueue_indirect_dma source(%dma_start3A_314 : memref<10240x16xf32, #tpu.memory_space<hbm>>) target(%dma_start3A_308 : memref<128x16xf32, #tpu.memory_space<vmem>>) offsets(%dma_start3A_311 : memref<128xi32, #tpu.memory_space<vmem>>) semaphore(%dma_start3A_316 : memref<!tpu.dma_semaphore, #tpu.memory_space<semaphore_mem>>)
      } else {
      }
      %add3A_265 = arith.constant 5 : i32
      %add3A_266 = arith.addi %add3A_158, %add3A_265 : i32
      %lt3A_267 = arith.cmpi slt, %add3A_266, %add3A_4 : i32
      %convert_element_type3A_268 = arith.extui %lt3A_267 : i1 to i32
      %cond3A_269 = arith.constant 0 : i32
      %cond3A_270 = arith.cmpi ne, %convert_element_type3A_268, %cond3A_269 : i32
      scf.if %cond3A_270 {
        %dma_wait3A = arith.constant 5 : i32
        %dma_wait3A_301 = arith.constant 5 : i32
        %dma_wait3A_302 = arith.constant 0 : i32
        %dma_wait3A_303 = arith.constant 0 : i32
        %dma_wait3A_304 = tpu.memref_slice %arg7[%dma_wait3A, %dma_wait3A_302, %dma_wait3A_303] : memref<8x128x16xf32, #tpu.memory_space<vmem>> -> memref<1x128x16xf32, #tpu.memory_space<vmem>>
        %dma_wait3A_305 = tpu.memref_squeeze %dma_wait3A_304 : memref<1x128x16xf32, #tpu.memory_space<vmem>> -> memref<128x16xf32, #tpu.memory_space<vmem>>
        %dma_wait3A_306 = arith.constant 0 : i32
        %dma_wait3A_307 = tpu.memref_slice %arg6[%add3A_266, %dma_wait3A_306] : memref<80x128xi32, #tpu.memory_space<vmem>> -> memref<1x128xi32, #tpu.memory_space<vmem>>
        %dma_wait3A_308 = tpu.memref_squeeze %dma_wait3A_307 : memref<1x128xi32, #tpu.memory_space<vmem>> -> memref<128xi32, #tpu.memory_space<vmem>>
        %dma_wait3A_309 = arith.constant 0 : i32
        %dma_wait3A_310 = arith.constant 0 : i32
        %dma_wait3A_311 = tpu.memref_slice %arg8[%dma_wait3A_309, %dma_wait3A_310] : memref<10240x16xf32, #tpu.memory_space<vmem_shared>> -> memref<10240x16xf32, #tpu.memory_space<vmem_shared>>
        %dma_wait3A_312 = tpu.memref_slice %arg10[%dma_wait3A_301] : memref<8x!tpu.dma_semaphore, #tpu.memory_space<semaphore_mem>> -> memref<1x!tpu.dma_semaphore, #tpu.memory_space<semaphore_mem>>
        %dma_wait3A_313 = tpu.memref_squeeze %dma_wait3A_312 : memref<1x!tpu.dma_semaphore, #tpu.memory_space<semaphore_mem>> -> memref<!tpu.dma_semaphore, #tpu.memory_space<semaphore_mem>>
        tpu.wait_indirect_dma semaphore(%dma_wait3A_313 : memref<!tpu.dma_semaphore, #tpu.memory_space<semaphore_mem>>) src(%dma_wait3A_305 : memref<128x16xf32, #tpu.memory_space<vmem>>) dst(%dma_wait3A_311 : memref<10240x16xf32, #tpu.memory_space<vmem_shared>>)
      } else {
      }
      %add3A_271 = arith.constant 8 : i32
      %add3A_272 = arith.addi %add3A_266, %add3A_271 : i32
      %lt3A_273 = arith.cmpi slt, %add3A_272, %add3A_4 : i32
      %convert_element_type3A_274 = arith.extui %lt3A_273 : i1 to i32
      %cond3A_275 = arith.constant 0 : i32
      %cond3A_276 = arith.cmpi ne, %convert_element_type3A_274, %cond3A_275 : i32
      scf.if %cond3A_276 {
        %add3A_301 = arith.constant 8 : i32
        %add3A_302 = arith.addi %add3A_266, %add3A_301 : i32
        %dma_start3A_303 = arith.constant 5 : i32
        %dma_start3A_304 = arith.constant 5 : i32
        %dma_start3A_305 = arith.constant 0 : i32
        %dma_start3A_306 = arith.constant 0 : i32
        %dma_start3A_307 = tpu.memref_slice %arg7[%dma_start3A_303, %dma_start3A_305, %dma_start3A_306] : memref<8x128x16xf32, #tpu.memory_space<vmem>> -> memref<1x128x16xf32, #tpu.memory_space<vmem>>
        %dma_start3A_308 = tpu.memref_squeeze %dma_start3A_307 : memref<1x128x16xf32, #tpu.memory_space<vmem>> -> memref<128x16xf32, #tpu.memory_space<vmem>>
        %dma_start3A_309 = arith.constant 0 : i32
        %dma_start3A_310 = tpu.memref_slice %arg5[%add3A_302, %dma_start3A_309] : memref<80x128xi32, #tpu.memory_space<vmem>> -> memref<1x128xi32, #tpu.memory_space<vmem>>
        %dma_start3A_311 = tpu.memref_squeeze %dma_start3A_310 : memref<1x128xi32, #tpu.memory_space<vmem>> -> memref<128xi32, #tpu.memory_space<vmem>>
        %dma_start3A_312 = arith.constant 0 : i32
        %dma_start3A_313 = arith.constant 0 : i32
        %dma_start3A_314 = tpu.memref_slice %arg2[%dma_start3A_312, %dma_start3A_313] : memref<10240x16xf32, #tpu.memory_space<hbm>> -> memref<10240x16xf32, #tpu.memory_space<hbm>>
        %dma_start3A_315 = tpu.memref_slice %arg9[%dma_start3A_304] : memref<8x!tpu.dma_semaphore, #tpu.memory_space<semaphore_mem>> -> memref<1x!tpu.dma_semaphore, #tpu.memory_space<semaphore_mem>>
        %dma_start3A_316 = tpu.memref_squeeze %dma_start3A_315 : memref<1x!tpu.dma_semaphore, #tpu.memory_space<semaphore_mem>> -> memref<!tpu.dma_semaphore, #tpu.memory_space<semaphore_mem>>
        tpu.enqueue_indirect_dma source(%dma_start3A_314 : memref<10240x16xf32, #tpu.memory_space<hbm>>) target(%dma_start3A_308 : memref<128x16xf32, #tpu.memory_space<vmem>>) offsets(%dma_start3A_311 : memref<128xi32, #tpu.memory_space<vmem>>) semaphore(%dma_start3A_316 : memref<!tpu.dma_semaphore, #tpu.memory_space<semaphore_mem>>)
      } else {
      }
      %add3A_277 = arith.constant 6 : i32
      %add3A_278 = arith.addi %add3A_158, %add3A_277 : i32
      %lt3A_279 = arith.cmpi slt, %add3A_278, %add3A_4 : i32
      %convert_element_type3A_280 = arith.extui %lt3A_279 : i1 to i32
      %cond3A_281 = arith.constant 0 : i32
      %cond3A_282 = arith.cmpi ne, %convert_element_type3A_280, %cond3A_281 : i32
      scf.if %cond3A_282 {
        %dma_wait3A = arith.constant 6 : i32
        %dma_wait3A_301 = arith.constant 6 : i32
        %dma_wait3A_302 = arith.constant 0 : i32
        %dma_wait3A_303 = arith.constant 0 : i32
        %dma_wait3A_304 = tpu.memref_slice %arg7[%dma_wait3A, %dma_wait3A_302, %dma_wait3A_303] : memref<8x128x16xf32, #tpu.memory_space<vmem>> -> memref<1x128x16xf32, #tpu.memory_space<vmem>>
        %dma_wait3A_305 = tpu.memref_squeeze %dma_wait3A_304 : memref<1x128x16xf32, #tpu.memory_space<vmem>> -> memref<128x16xf32, #tpu.memory_space<vmem>>
        %dma_wait3A_306 = arith.constant 0 : i32
        %dma_wait3A_307 = tpu.memref_slice %arg6[%add3A_278, %dma_wait3A_306] : memref<80x128xi32, #tpu.memory_space<vmem>> -> memref<1x128xi32, #tpu.memory_space<vmem>>
        %dma_wait3A_308 = tpu.memref_squeeze %dma_wait3A_307 : memref<1x128xi32, #tpu.memory_space<vmem>> -> memref<128xi32, #tpu.memory_space<vmem>>
        %dma_wait3A_309 = arith.constant 0 : i32
        %dma_wait3A_310 = arith.constant 0 : i32
        %dma_wait3A_311 = tpu.memref_slice %arg8[%dma_wait3A_309, %dma_wait3A_310] : memref<10240x16xf32, #tpu.memory_space<vmem_shared>> -> memref<10240x16xf32, #tpu.memory_space<vmem_shared>>
        %dma_wait3A_312 = tpu.memref_slice %arg10[%dma_wait3A_301] : memref<8x!tpu.dma_semaphore, #tpu.memory_space<semaphore_mem>> -> memref<1x!tpu.dma_semaphore, #tpu.memory_space<semaphore_mem>>
        %dma_wait3A_313 = tpu.memref_squeeze %dma_wait3A_312 : memref<1x!tpu.dma_semaphore, #tpu.memory_space<semaphore_mem>> -> memref<!tpu.dma_semaphore, #tpu.memory_space<semaphore_mem>>
        tpu.wait_indirect_dma semaphore(%dma_wait3A_313 : memref<!tpu.dma_semaphore, #tpu.memory_space<semaphore_mem>>) src(%dma_wait3A_305 : memref<128x16xf32, #tpu.memory_space<vmem>>) dst(%dma_wait3A_311 : memref<10240x16xf32, #tpu.memory_space<vmem_shared>>)
      } else {
      }
      %add3A_283 = arith.constant 8 : i32
      %add3A_284 = arith.addi %add3A_278, %add3A_283 : i32
      %lt3A_285 = arith.cmpi slt, %add3A_284, %add3A_4 : i32
      %convert_element_type3A_286 = arith.extui %lt3A_285 : i1 to i32
      %cond3A_287 = arith.constant 0 : i32
      %cond3A_288 = arith.cmpi ne, %convert_element_type3A_286, %cond3A_287 : i32
      scf.if %cond3A_288 {
        %add3A_301 = arith.constant 8 : i32
        %add3A_302 = arith.addi %add3A_278, %add3A_301 : i32
        %dma_start3A_303 = arith.constant 6 : i32
        %dma_start3A_304 = arith.constant 6 : i32
        %dma_start3A_305 = arith.constant 0 : i32
        %dma_start3A_306 = arith.constant 0 : i32
        %dma_start3A_307 = tpu.memref_slice %arg7[%dma_start3A_303, %dma_start3A_305, %dma_start3A_306] : memref<8x128x16xf32, #tpu.memory_space<vmem>> -> memref<1x128x16xf32, #tpu.memory_space<vmem>>
        %dma_start3A_308 = tpu.memref_squeeze %dma_start3A_307 : memref<1x128x16xf32, #tpu.memory_space<vmem>> -> memref<128x16xf32, #tpu.memory_space<vmem>>
        %dma_start3A_309 = arith.constant 0 : i32
        %dma_start3A_310 = tpu.memref_slice %arg5[%add3A_302, %dma_start3A_309] : memref<80x128xi32, #tpu.memory_space<vmem>> -> memref<1x128xi32, #tpu.memory_space<vmem>>
        %dma_start3A_311 = tpu.memref_squeeze %dma_start3A_310 : memref<1x128xi32, #tpu.memory_space<vmem>> -> memref<128xi32, #tpu.memory_space<vmem>>
        %dma_start3A_312 = arith.constant 0 : i32
        %dma_start3A_313 = arith.constant 0 : i32
        %dma_start3A_314 = tpu.memref_slice %arg2[%dma_start3A_312, %dma_start3A_313] : memref<10240x16xf32, #tpu.memory_space<hbm>> -> memref<10240x16xf32, #tpu.memory_space<hbm>>
        %dma_start3A_315 = tpu.memref_slice %arg9[%dma_start3A_304] : memref<8x!tpu.dma_semaphore, #tpu.memory_space<semaphore_mem>> -> memref<1x!tpu.dma_semaphore, #tpu.memory_space<semaphore_mem>>
        %dma_start3A_316 = tpu.memref_squeeze %dma_start3A_315 : memref<1x!tpu.dma_semaphore, #tpu.memory_space<semaphore_mem>> -> memref<!tpu.dma_semaphore, #tpu.memory_space<semaphore_mem>>
        tpu.enqueue_indirect_dma source(%dma_start3A_314 : memref<10240x16xf32, #tpu.memory_space<hbm>>) target(%dma_start3A_308 : memref<128x16xf32, #tpu.memory_space<vmem>>) offsets(%dma_start3A_311 : memref<128xi32, #tpu.memory_space<vmem>>) semaphore(%dma_start3A_316 : memref<!tpu.dma_semaphore, #tpu.memory_space<semaphore_mem>>)
      } else {
      }
      %add3A_289 = arith.constant 7 : i32
      %add3A_290 = arith.addi %add3A_158, %add3A_289 : i32
      %lt3A_291 = arith.cmpi slt, %add3A_290, %add3A_4 : i32
      %convert_element_type3A_292 = arith.extui %lt3A_291 : i1 to i32
      %cond3A_293 = arith.constant 0 : i32
      %cond3A_294 = arith.cmpi ne, %convert_element_type3A_292, %cond3A_293 : i32
      scf.if %cond3A_294 {
        %dma_wait3A = arith.constant 7 : i32
        %dma_wait3A_301 = arith.constant 7 : i32
        %dma_wait3A_302 = arith.constant 0 : i32
        %dma_wait3A_303 = arith.constant 0 : i32
        %dma_wait3A_304 = tpu.memref_slice %arg7[%dma_wait3A, %dma_wait3A_302, %dma_wait3A_303] : memref<8x128x16xf32, #tpu.memory_space<vmem>> -> memref<1x128x16xf32, #tpu.memory_space<vmem>>
        %dma_wait3A_305 = tpu.memref_squeeze %dma_wait3A_304 : memref<1x128x16xf32, #tpu.memory_space<vmem>> -> memref<128x16xf32, #tpu.memory_space<vmem>>
        %dma_wait3A_306 = arith.constant 0 : i32
        %dma_wait3A_307 = tpu.memref_slice %arg6[%add3A_290, %dma_wait3A_306] : memref<80x128xi32, #tpu.memory_space<vmem>> -> memref<1x128xi32, #tpu.memory_space<vmem>>
        %dma_wait3A_308 = tpu.memref_squeeze %dma_wait3A_307 : memref<1x128xi32, #tpu.memory_space<vmem>> -> memref<128xi32, #tpu.memory_space<vmem>>
        %dma_wait3A_309 = arith.constant 0 : i32
        %dma_wait3A_310 = arith.constant 0 : i32
        %dma_wait3A_311 = tpu.memref_slice %arg8[%dma_wait3A_309, %dma_wait3A_310] : memref<10240x16xf32, #tpu.memory_space<vmem_shared>> -> memref<10240x16xf32, #tpu.memory_space<vmem_shared>>
        %dma_wait3A_312 = tpu.memref_slice %arg10[%dma_wait3A_301] : memref<8x!tpu.dma_semaphore, #tpu.memory_space<semaphore_mem>> -> memref<1x!tpu.dma_semaphore, #tpu.memory_space<semaphore_mem>>
        %dma_wait3A_313 = tpu.memref_squeeze %dma_wait3A_312 : memref<1x!tpu.dma_semaphore, #tpu.memory_space<semaphore_mem>> -> memref<!tpu.dma_semaphore, #tpu.memory_space<semaphore_mem>>
        tpu.wait_indirect_dma semaphore(%dma_wait3A_313 : memref<!tpu.dma_semaphore, #tpu.memory_space<semaphore_mem>>) src(%dma_wait3A_305 : memref<128x16xf32, #tpu.memory_space<vmem>>) dst(%dma_wait3A_311 : memref<10240x16xf32, #tpu.memory_space<vmem_shared>>)
      } else {
      }
      %add3A_295 = arith.constant 8 : i32
      %add3A_296 = arith.addi %add3A_290, %add3A_295 : i32
      %lt3A_297 = arith.cmpi slt, %add3A_296, %add3A_4 : i32
      %convert_element_type3A_298 = arith.extui %lt3A_297 : i1 to i32
      %cond3A_299 = arith.constant 0 : i32
      %cond3A_300 = arith.cmpi ne, %convert_element_type3A_298, %cond3A_299 : i32
      scf.if %cond3A_300 {
        %add3A_301 = arith.constant 8 : i32
        %add3A_302 = arith.addi %add3A_290, %add3A_301 : i32
        %dma_start3A_303 = arith.constant 7 : i32
        %dma_start3A_304 = arith.constant 7 : i32
        %dma_start3A_305 = arith.constant 0 : i32
        %dma_start3A_306 = arith.constant 0 : i32
        %dma_start3A_307 = tpu.memref_slice %arg7[%dma_start3A_303, %dma_start3A_305, %dma_start3A_306] : memref<8x128x16xf32, #tpu.memory_space<vmem>> -> memref<1x128x16xf32, #tpu.memory_space<vmem>>
        %dma_start3A_308 = tpu.memref_squeeze %dma_start3A_307 : memref<1x128x16xf32, #tpu.memory_space<vmem>> -> memref<128x16xf32, #tpu.memory_space<vmem>>
        %dma_start3A_309 = arith.constant 0 : i32
        %dma_start3A_310 = tpu.memref_slice %arg5[%add3A_302, %dma_start3A_309] : memref<80x128xi32, #tpu.memory_space<vmem>> -> memref<1x128xi32, #tpu.memory_space<vmem>>
        %dma_start3A_311 = tpu.memref_squeeze %dma_start3A_310 : memref<1x128xi32, #tpu.memory_space<vmem>> -> memref<128xi32, #tpu.memory_space<vmem>>
        %dma_start3A_312 = arith.constant 0 : i32
        %dma_start3A_313 = arith.constant 0 : i32
        %dma_start3A_314 = tpu.memref_slice %arg2[%dma_start3A_312, %dma_start3A_313] : memref<10240x16xf32, #tpu.memory_space<hbm>> -> memref<10240x16xf32, #tpu.memory_space<hbm>>
        %dma_start3A_315 = tpu.memref_slice %arg9[%dma_start3A_304] : memref<8x!tpu.dma_semaphore, #tpu.memory_space<semaphore_mem>> -> memref<1x!tpu.dma_semaphore, #tpu.memory_space<semaphore_mem>>
        %dma_start3A_316 = tpu.memref_squeeze %dma_start3A_315 : memref<1x!tpu.dma_semaphore, #tpu.memory_space<semaphore_mem>> -> memref<!tpu.dma_semaphore, #tpu.memory_space<semaphore_mem>>
        tpu.enqueue_indirect_dma source(%dma_start3A_314 : memref<10240x16xf32, #tpu.memory_space<hbm>>) target(%dma_start3A_308 : memref<128x16xf32, #tpu.memory_space<vmem>>) offsets(%dma_start3A_311 : memref<128xi32, #tpu.memory_space<vmem>>) semaphore(%dma_start3A_316 : memref<!tpu.dma_semaphore, #tpu.memory_space<semaphore_mem>>)
      } else {
      }
    }
    %scan3A_148 = arith.constant 10 : i32
    %barrier3A_149 = arith.constant 0 : index
    tpu.barrier barrier_id(%barrier3A_149)
    %mul3A_150 = arith.constant 640 : i32
    %mul3A_151 = arith.muli %arg1, %mul3A_150 : i32
    %mul3A_152 = arith.constant 640 : i32
    %mul3A_153 = arith.muli %arg1, %mul3A_152 : i32
    "tpu.region"() ({
      %run_scoped3A = tpu.sem_alloc : memref<!tpu.dma_semaphore, #tpu.memory_space<semaphore_mem>>
      %dma_start3A_154 = arith.constant 0 : i32
      %dma_start3A_155 = tpu.memref_slice %arg4[%arg0, %mul3A_153, %dma_start3A_154] : memref<2x10240x16xf32, #tpu.memory_space<hbm>> -> memref<1x640x16xf32, #tpu.memory_space<hbm>>
      %dma_start3A_156 = tpu.memref_squeeze %dma_start3A_155 : memref<1x640x16xf32, #tpu.memory_space<hbm>> -> memref<640x16xf32, #tpu.memory_space<hbm>>
      %dma_start3A_157 = arith.constant 0 : i32
      %dma_start3A_158 = tpu.memref_slice %arg8[%mul3A_151, %dma_start3A_157] : memref<10240x16xf32, #tpu.memory_space<vmem_shared>> -> memref<640x16xf32, #tpu.memory_space<vmem_shared>>
      tpu.enqueue_dma source(%dma_start3A_158 : memref<640x16xf32, #tpu.memory_space<vmem_shared>>) target(%dma_start3A_156 : memref<640x16xf32, #tpu.memory_space<hbm>>) target_semaphore(%run_scoped3A : memref<!tpu.dma_semaphore, #tpu.memory_space<semaphore_mem>>)
      %dma_wait3A = arith.constant 0 : i32
      %dma_wait3A_159 = tpu.memref_slice %arg4[%arg0, %mul3A_153, %dma_wait3A] : memref<2x10240x16xf32, #tpu.memory_space<hbm>> -> memref<1x640x16xf32, #tpu.memory_space<hbm>>
      %dma_wait3A_160 = tpu.memref_squeeze %dma_wait3A_159 : memref<1x640x16xf32, #tpu.memory_space<hbm>> -> memref<640x16xf32, #tpu.memory_space<hbm>>
      %dma_wait3A_161 = arith.constant 0 : i32
      %dma_wait3A_162 = tpu.memref_slice %arg8[%mul3A_151, %dma_wait3A_161] : memref<10240x16xf32, #tpu.memory_space<vmem_shared>> -> memref<640x16xf32, #tpu.memory_space<vmem_shared>>
      tpu.wait_dma2 semaphore(%run_scoped3A : memref<!tpu.dma_semaphore, #tpu.memory_space<semaphore_mem>>) src(%dma_wait3A_162 : memref<640x16xf32, #tpu.memory_space<vmem_shared>>) dst(%dma_wait3A_160 : memref<640x16xf32, #tpu.memory_space<hbm>>)
      tpu.yield
    }) : () -> ()
    return
  }
}

#map = affine_map<(d0, d1) -> (0, 0, 0)>
module attributes {stable_mosaic.version = 14 : i64} {
  func.func @_deg_body(%arg0: i32, %arg1: i32, %arg2: memref<2500x2x128xi32, #tpu.memory_space<hbm>>, %arg3: memref<2x1280x128xf32, #tpu.memory_space<hbm>>, %arg4: memref<80x128xi32, #tpu.memory_space<vmem>>, %arg5: memref<128xf32, #tpu.memory_space<vmem>>, %arg6: memref<640xf32, #tpu.memory_space<vmem>>, %arg7: memref<640xf32, #tpu.memory_space<vmem>>, %arg8: memref<80x128xf32, #tpu.memory_space<vmem>>, %arg9: memref<10240xf32, #tpu.memory_space<vmem_shared>>, %arg10: memref<!tpu.dma_semaphore, #tpu.memory_space<semaphore_mem>>, %arg11: memref<!tpu.dma_semaphore, #tpu.memory_space<semaphore_mem>>) attributes {dimension_semantics = [#tpu.dimension_semantics<core_parallel>, #tpu.dimension_semantics<subcore_parallel>], iteration_bounds = array<i64: 2, 16>, scalar_prefetch = 0 : i64, scratch_operands = 8 : i64, tpu.core_type = #tpu.core_type<sc_vector_subcore>, window_params = [{transform_indices = #map}, {transform_indices = #map}]} {
    %mul3A = arith.constant 16 : i32
    %mul3A_0 = arith.muli %arg0, %mul3A : i32
    %add3A = arith.addi %mul3A_0, %arg1 : i32
    %lt3A = arith.constant 4 : i32
    %lt3A_1 = arith.cmpi slt, %add3A, %lt3A : i32
    %jit3A = arith.constant 1 : i32
    %jit3A_2 = arith.constant 0 : i32
    %select_n3A = arith.select %lt3A_1, %jit3A, %jit3A_2 : i32
    %add3A_3 = arith.constant 78 : i32
    %add3A_4 = arith.addi %add3A_3, %select_n3A : i32
    %scan3A = arith.constant 0 : i32
    %scan3A_5 = arith.constant 80 : i32
    %scan3A_6 = arith.addi %scan3A, %scan3A_5 : i32
    %scan3A_7 = arith.constant 1 : i32
    scf.for %scan3A_44 = %scan3A to %scan3A_6 step %scan3A_7  : i32 {
      %mul3A_45 = arith.constant 1 : i32
      %mul3A_46 = arith.muli %scan3A_44, %mul3A_45 : i32
      %add3A_47 = arith.constant 0 : i32
      %add3A_48 = arith.addi %add3A_47, %mul3A_46 : i32
      %lt3A_49 = arith.cmpi slt, %add3A_48, %add3A_4 : i32
      %convert_element_type3A = arith.extui %lt3A_49 : i1 to i32
      %cond3A = arith.constant 0 : i32
      %cond3A_50 = arith.cmpi ne, %convert_element_type3A, %cond3A : i32
      scf.if %cond3A_50 {
        %mul3A_51 = arith.constant 32 : i32
        %mul3A_52 = arith.muli %add3A_48, %mul3A_51 : i32
        %add3A_53 = arith.addi %mul3A_52, %add3A : i32
        %dma_start3A = arith.constant 1 : i32
        %dma_start3A_54 = arith.constant 0 : i32
        %dma_start3A_55 = tpu.memref_slice %arg4[%add3A_48, %dma_start3A_54] : memref<80x128xi32, #tpu.memory_space<vmem>> -> memref<1x128xi32, #tpu.memory_space<vmem>>
        %dma_start3A_56 = tpu.memref_squeeze %dma_start3A_55 : memref<1x128xi32, #tpu.memory_space<vmem>> -> memref<128xi32, #tpu.memory_space<vmem>>
        %dma_start3A_57 = arith.constant 0 : i32
        %dma_start3A_58 = tpu.memref_slice %arg2[%add3A_53, %dma_start3A, %dma_start3A_57] : memref<2500x2x128xi32, #tpu.memory_space<hbm>> -> memref<1x1x128xi32, #tpu.memory_space<hbm>>
        %dma_start3A_59 = tpu.memref_squeeze %dma_start3A_58 : memref<1x1x128xi32, #tpu.memory_space<hbm>> -> memref<128xi32, #tpu.memory_space<hbm>>
        %dma_start3A_60 = arith.constant 0 : i32
        %dma_start3A_61 = tpu.memref_slice %arg4[%add3A_48, %dma_start3A_60] : memref<80x128xi32, #tpu.memory_space<vmem>> -> memref<1x128xi32, #tpu.memory_space<vmem>>
        %dma_start3A_62 = tpu.memref_squeeze %dma_start3A_61 : memref<1x128xi32, #tpu.memory_space<vmem>> -> memref<128xi32, #tpu.memory_space<vmem>>
        %dma_start3A_63 = arith.constant 0 : i32
        %dma_start3A_64 = tpu.memref_slice %arg2[%add3A_53, %dma_start3A, %dma_start3A_63] : memref<2500x2x128xi32, #tpu.memory_space<hbm>> -> memref<1x1x128xi32, #tpu.memory_space<hbm>>
        %dma_start3A_65 = tpu.memref_squeeze %dma_start3A_64 : memref<1x1x128xi32, #tpu.memory_space<hbm>> -> memref<128xi32, #tpu.memory_space<hbm>>
        tpu.enqueue_dma source(%dma_start3A_65 : memref<128xi32, #tpu.memory_space<hbm>>) target(%dma_start3A_62 : memref<128xi32, #tpu.memory_space<vmem>>) target_semaphore(%arg11 : memref<!tpu.dma_semaphore, #tpu.memory_space<semaphore_mem>>)
      } else {
      }
    }
    %scan3A_8 = arith.constant 80 : i32
    %broadcast_in_dim3A = arith.constant 0.000000e+00 : f32
    %broadcast_in_dim3A_9 = vector.broadcast %broadcast_in_dim3A : f32 to vector<16xf32>
    %broadcast_in_dim3A_10 = arith.constant 1.000000e+00 : f32
    %broadcast_in_dim3A_11 = vector.broadcast %broadcast_in_dim3A_10 : f32 to vector<16xf32>
    %scan3A_12 = arith.constant 0 : i32
    %scan3A_13 = arith.constant 40 : i32
    %scan3A_14 = arith.addi %scan3A_12, %scan3A_13 : i32
    %scan3A_15 = arith.constant 1 : i32
    scf.for %scan3A_44 = %scan3A_12 to %scan3A_14 step %scan3A_15  : i32 {
      %mul3A_45 = arith.constant 1 : i32
      %mul3A_46 = arith.muli %scan3A_44, %mul3A_45 : i32
      %add3A_47 = arith.constant 0 : i32
      %add3A_48 = arith.addi %add3A_47, %mul3A_46 : i32
      %mul3A_49 = arith.constant 16 : i32
      %mul3A_50 = arith.muli %add3A_48, %mul3A_49 : i32
      %swap3A = arith.index_cast %mul3A_50 : i32 to index
      %swap3A_51 = tpu.vector_load %arg6[%swap3A] {strides = array<i32>} : memref<640xf32, #tpu.memory_space<vmem>>, vector<16xf32>,
      tpu.vector_store %arg6[%swap3A], %broadcast_in_dim3A_9 {strides = array<i32>} : memref<640xf32, #tpu.memory_space<vmem>>, vector<16xf32>,
    }
    %scan3A_16 = arith.constant 40 : i32
    %scan3A_17 = arith.constant 0 : i32
    %scan3A_18 = arith.constant 8 : i32
    %scan3A_19 = arith.addi %scan3A_17, %scan3A_18 : i32
    %scan3A_20 = arith.constant 1 : i32
    scf.for %scan3A_44 = %scan3A_17 to %scan3A_19 step %scan3A_20  : i32 {
      %mul3A_45 = arith.constant 1 : i32
      %mul3A_46 = arith.muli %scan3A_44, %mul3A_45 : i32
      %add3A_47 = arith.constant 0 : i32
      %add3A_48 = arith.addi %add3A_47, %mul3A_46 : i32
      %mul3A_49 = arith.constant 16 : i32
      %mul3A_50 = arith.muli %add3A_48, %mul3A_49 : i32
      %swap3A = arith.index_cast %mul3A_50 : i32 to index
      %swap3A_51 = tpu.vector_load %arg5[%swap3A] {strides = array<i32>} : memref<128xf32, #tpu.memory_space<vmem>>, vector<16xf32>,
      tpu.vector_store %arg5[%swap3A], %broadcast_in_dim3A_11 {strides = array<i32>} : memref<128xf32, #tpu.memory_space<vmem>>, vector<16xf32>,
    }
    %scan3A_21 = arith.constant 8 : i32
    %mul3A_22 = arith.constant 640 : i32
    %mul3A_23 = arith.muli %arg1, %mul3A_22 : i32
    "tpu.region"() ({
      %run_scoped3A = tpu.sem_alloc : memref<!tpu.dma_semaphore, #tpu.memory_space<semaphore_mem>>
      %dma_start3A = tpu.memref_slice %arg9[%mul3A_23] : memref<10240xf32, #tpu.memory_space<vmem_shared>> -> memref<640xf32, #tpu.memory_space<vmem_shared>>
      %dma_start3A_44 = tpu.memref_slice %arg9[%mul3A_23] : memref<10240xf32, #tpu.memory_space<vmem_shared>> -> memref<640xf32, #tpu.memory_space<vmem_shared>>
      tpu.enqueue_dma source(%arg6 : memref<640xf32, #tpu.memory_space<vmem>>) target(%dma_start3A_44 : memref<640xf32, #tpu.memory_space<vmem_shared>>) target_semaphore(%run_scoped3A : memref<!tpu.dma_semaphore, #tpu.memory_space<semaphore_mem>>)
      %dma_wait3A = tpu.memref_slice %arg9[%mul3A_23] : memref<10240xf32, #tpu.memory_space<vmem_shared>> -> memref<640xf32, #tpu.memory_space<vmem_shared>>
      %dma_wait3A_45 = tpu.memref_slice %arg9[%mul3A_23] : memref<10240xf32, #tpu.memory_space<vmem_shared>> -> memref<640xf32, #tpu.memory_space<vmem_shared>>
      tpu.wait_dma2 semaphore(%run_scoped3A : memref<!tpu.dma_semaphore, #tpu.memory_space<semaphore_mem>>) src(%arg6 : memref<640xf32, #tpu.memory_space<vmem>>) dst(%dma_wait3A_45 : memref<640xf32, #tpu.memory_space<vmem_shared>>)
      tpu.yield
    }) : () -> ()
    %scan3A_24 = arith.constant 0 : i32
    %scan3A_25 = arith.constant 80 : i32
    %scan3A_26 = arith.addi %scan3A_24, %scan3A_25 : i32
    %scan3A_27 = arith.constant 1 : i32
    scf.for %scan3A_44 = %scan3A_24 to %scan3A_26 step %scan3A_27  : i32 {
      %mul3A_45 = arith.constant 1 : i32
      %mul3A_46 = arith.muli %scan3A_44, %mul3A_45 : i32
      %add3A_47 = arith.constant 0 : i32
      %add3A_48 = arith.addi %add3A_47, %mul3A_46 : i32
      %lt3A_49 = arith.cmpi slt, %add3A_48, %add3A_4 : i32
      %convert_element_type3A = arith.extui %lt3A_49 : i1 to i32
      %cond3A = arith.constant 0 : i32
      %cond3A_50 = arith.cmpi ne, %convert_element_type3A, %cond3A : i32
      scf.if %cond3A_50 {
        %mul3A_51 = arith.constant 32 : i32
        %mul3A_52 = arith.muli %add3A_48, %mul3A_51 : i32
        %add3A_53 = arith.addi %mul3A_52, %add3A : i32
        %dma_wait3A = arith.constant 1 : i32
        %dma_wait3A_54 = arith.constant 0 : i32
        %dma_wait3A_55 = tpu.memref_slice %arg4[%add3A_48, %dma_wait3A_54] : memref<80x128xi32, #tpu.memory_space<vmem>> -> memref<1x128xi32, #tpu.memory_space<vmem>>
        %dma_wait3A_56 = tpu.memref_squeeze %dma_wait3A_55 : memref<1x128xi32, #tpu.memory_space<vmem>> -> memref<128xi32, #tpu.memory_space<vmem>>
        %dma_wait3A_57 = arith.constant 0 : i32
        %dma_wait3A_58 = tpu.memref_slice %arg2[%add3A_53, %dma_wait3A, %dma_wait3A_57] : memref<2500x2x128xi32, #tpu.memory_space<hbm>> -> memref<1x1x128xi32, #tpu.memory_space<hbm>>
        %dma_wait3A_59 = tpu.memref_squeeze %dma_wait3A_58 : memref<1x1x128xi32, #tpu.memory_space<hbm>> -> memref<128xi32, #tpu.memory_space<hbm>>
        %dma_wait3A_60 = arith.constant 0 : i32
        %dma_wait3A_61 = tpu.memref_slice %arg4[%add3A_48, %dma_wait3A_60] : memref<80x128xi32, #tpu.memory_space<vmem>> -> memref<1x128xi32, #tpu.memory_space<vmem>>
        %dma_wait3A_62 = tpu.memref_squeeze %dma_wait3A_61 : memref<1x128xi32, #tpu.memory_space<vmem>> -> memref<128xi32, #tpu.memory_space<vmem>>
        %dma_wait3A_63 = arith.constant 0 : i32
        %dma_wait3A_64 = tpu.memref_slice %arg2[%add3A_53, %dma_wait3A, %dma_wait3A_63] : memref<2500x2x128xi32, #tpu.memory_space<hbm>> -> memref<1x1x128xi32, #tpu.memory_space<hbm>>
        %dma_wait3A_65 = tpu.memref_squeeze %dma_wait3A_64 : memref<1x1x128xi32, #tpu.memory_space<hbm>> -> memref<128xi32, #tpu.memory_space<hbm>>
        tpu.wait_dma2 semaphore(%arg11 : memref<!tpu.dma_semaphore, #tpu.memory_space<semaphore_mem>>) src(%dma_wait3A_65 : memref<128xi32, #tpu.memory_space<hbm>>) dst(%dma_wait3A_62 : memref<128xi32, #tpu.memory_space<vmem>>)
      } else {
      }
    }
    %scan3A_28 = arith.constant 80 : i32
    %barrier3A = arith.constant 0 : index
    tpu.barrier barrier_id(%barrier3A)
    %scan3A_29 = arith.constant 0 : i32
    %scan3A_30 = arith.constant 5 : i32
    %scan3A_31 = arith.addi %scan3A_29, %scan3A_30 : i32
    %scan3A_32 = arith.constant 1 : i32
    scf.for %scan3A_44 = %scan3A_29 to %scan3A_31 step %scan3A_32  : i32 {
      %mul3A_45 = arith.constant 16 : i32
      %mul3A_46 = arith.muli %scan3A_44, %mul3A_45 : i32
      %add3A_47 = arith.constant 0 : i32
      %add3A_48 = arith.addi %add3A_47, %mul3A_46 : i32
      %add3A_49 = arith.constant 0 : i32
      %add3A_50 = arith.addi %add3A_48, %add3A_49 : i32
      %lt3A_51 = arith.cmpi slt, %add3A_50, %add3A_4 : i32
      %convert_element_type3A = arith.extui %lt3A_51 : i1 to i32
      %cond3A = arith.constant 0 : i32
      %cond3A_52 = arith.cmpi ne, %convert_element_type3A, %cond3A : i32
      scf.if %cond3A_52 {
        %add3A_239 = arith.constant 0 : i32
        %add3A_240 = arith.addi %add3A_48, %add3A_239 : i32
        %dma_start3A = arith.constant 0 : i32
        %dma_start3A_241 = tpu.memref_slice %arg4[%add3A_240, %dma_start3A] : memref<80x128xi32, #tpu.memory_space<vmem>> -> memref<1x128xi32, #tpu.memory_space<vmem>>
        %dma_start3A_242 = tpu.memref_squeeze %dma_start3A_241 : memref<1x128xi32, #tpu.memory_space<vmem>> -> memref<128xi32, #tpu.memory_space<vmem>>
        %dma_start3A_243 = arith.constant 0 : i32
        %dma_start3A_244 = tpu.memref_slice %arg9[%dma_start3A_243] : memref<10240xf32, #tpu.memory_space<vmem_shared>> -> memref<10240xf32, #tpu.memory_space<vmem_shared>>
        tpu.enqueue_indirect_dma source(%arg5 : memref<128xf32, #tpu.memory_space<vmem>>) target(%dma_start3A_244 : memref<10240xf32, #tpu.memory_space<vmem_shared>>) offsets(%dma_start3A_242 : memref<128xi32, #tpu.memory_space<vmem>>) semaphore(%arg10 : memref<!tpu.dma_semaphore, #tpu.memory_space<semaphore_mem>>) {add = true}
      } else {
      }
      %add3A_53 = arith.constant 1 : i32
      %add3A_54 = arith.addi %add3A_48, %add3A_53 : i32
      %lt3A_55 = arith.cmpi slt, %add3A_54, %add3A_4 : i32
      %convert_element_type3A_56 = arith.extui %lt3A_55 : i1 to i32
      %cond3A_57 = arith.constant 0 : i32
      %cond3A_58 = arith.cmpi ne, %convert_element_type3A_56, %cond3A_57 : i32
      scf.if %cond3A_58 {
        %add3A_239 = arith.constant 1 : i32
        %add3A_240 = arith.addi %add3A_48, %add3A_239 : i32
        %dma_start3A = arith.constant 0 : i32
        %dma_start3A_241 = tpu.memref_slice %arg4[%add3A_240, %dma_start3A] : memref<80x128xi32, #tpu.memory_space<vmem>> -> memref<1x128xi32, #tpu.memory_space<vmem>>
        %dma_start3A_242 = tpu.memref_squeeze %dma_start3A_241 : memref<1x128xi32, #tpu.memory_space<vmem>> -> memref<128xi32, #tpu.memory_space<vmem>>
        %dma_start3A_243 = arith.constant 0 : i32
        %dma_start3A_244 = tpu.memref_slice %arg9[%dma_start3A_243] : memref<10240xf32, #tpu.memory_space<vmem_shared>> -> memref<10240xf32, #tpu.memory_space<vmem_shared>>
        tpu.enqueue_indirect_dma source(%arg5 : memref<128xf32, #tpu.memory_space<vmem>>) target(%dma_start3A_244 : memref<10240xf32, #tpu.memory_space<vmem_shared>>) offsets(%dma_start3A_242 : memref<128xi32, #tpu.memory_space<vmem>>) semaphore(%arg10 : memref<!tpu.dma_semaphore, #tpu.memory_space<semaphore_mem>>) {add = true}
      } else {
      }
      %add3A_59 = arith.constant 2 : i32
      %add3A_60 = arith.addi %add3A_48, %add3A_59 : i32
      %lt3A_61 = arith.cmpi slt, %add3A_60, %add3A_4 : i32
      %convert_element_type3A_62 = arith.extui %lt3A_61 : i1 to i32
      %cond3A_63 = arith.constant 0 : i32
      %cond3A_64 = arith.cmpi ne, %convert_element_type3A_62, %cond3A_63 : i32
      scf.if %cond3A_64 {
        %add3A_239 = arith.constant 2 : i32
        %add3A_240 = arith.addi %add3A_48, %add3A_239 : i32
        %dma_start3A = arith.constant 0 : i32
        %dma_start3A_241 = tpu.memref_slice %arg4[%add3A_240, %dma_start3A] : memref<80x128xi32, #tpu.memory_space<vmem>> -> memref<1x128xi32, #tpu.memory_space<vmem>>
        %dma_start3A_242 = tpu.memref_squeeze %dma_start3A_241 : memref<1x128xi32, #tpu.memory_space<vmem>> -> memref<128xi32, #tpu.memory_space<vmem>>
        %dma_start3A_243 = arith.constant 0 : i32
        %dma_start3A_244 = tpu.memref_slice %arg9[%dma_start3A_243] : memref<10240xf32, #tpu.memory_space<vmem_shared>> -> memref<10240xf32, #tpu.memory_space<vmem_shared>>
        tpu.enqueue_indirect_dma source(%arg5 : memref<128xf32, #tpu.memory_space<vmem>>) target(%dma_start3A_244 : memref<10240xf32, #tpu.memory_space<vmem_shared>>) offsets(%dma_start3A_242 : memref<128xi32, #tpu.memory_space<vmem>>) semaphore(%arg10 : memref<!tpu.dma_semaphore, #tpu.memory_space<semaphore_mem>>) {add = true}
      } else {
      }
      %add3A_65 = arith.constant 3 : i32
      %add3A_66 = arith.addi %add3A_48, %add3A_65 : i32
      %lt3A_67 = arith.cmpi slt, %add3A_66, %add3A_4 : i32
      %convert_element_type3A_68 = arith.extui %lt3A_67 : i1 to i32
      %cond3A_69 = arith.constant 0 : i32
      %cond3A_70 = arith.cmpi ne, %convert_element_type3A_68, %cond3A_69 : i32
      scf.if %cond3A_70 {
        %add3A_239 = arith.constant 3 : i32
        %add3A_240 = arith.addi %add3A_48, %add3A_239 : i32
        %dma_start3A = arith.constant 0 : i32
        %dma_start3A_241 = tpu.memref_slice %arg4[%add3A_240, %dma_start3A] : memref<80x128xi32, #tpu.memory_space<vmem>> -> memref<1x128xi32, #tpu.memory_space<vmem>>
        %dma_start3A_242 = tpu.memref_squeeze %dma_start3A_241 : memref<1x128xi32, #tpu.memory_space<vmem>> -> memref<128xi32, #tpu.memory_space<vmem>>
        %dma_start3A_243 = arith.constant 0 : i32
        %dma_start3A_244 = tpu.memref_slice %arg9[%dma_start3A_243] : memref<10240xf32, #tpu.memory_space<vmem_shared>> -> memref<10240xf32, #tpu.memory_space<vmem_shared>>
        tpu.enqueue_indirect_dma source(%arg5 : memref<128xf32, #tpu.memory_space<vmem>>) target(%dma_start3A_244 : memref<10240xf32, #tpu.memory_space<vmem_shared>>) offsets(%dma_start3A_242 : memref<128xi32, #tpu.memory_space<vmem>>) semaphore(%arg10 : memref<!tpu.dma_semaphore, #tpu.memory_space<semaphore_mem>>) {add = true}
      } else {
      }
      %add3A_71 = arith.constant 4 : i32
      %add3A_72 = arith.addi %add3A_48, %add3A_71 : i32
      %lt3A_73 = arith.cmpi slt, %add3A_72, %add3A_4 : i32
      %convert_element_type3A_74 = arith.extui %lt3A_73 : i1 to i32
      %cond3A_75 = arith.constant 0 : i32
      %cond3A_76 = arith.cmpi ne, %convert_element_type3A_74, %cond3A_75 : i32
      scf.if %cond3A_76 {
        %add3A_239 = arith.constant 4 : i32
        %add3A_240 = arith.addi %add3A_48, %add3A_239 : i32
        %dma_start3A = arith.constant 0 : i32
        %dma_start3A_241 = tpu.memref_slice %arg4[%add3A_240, %dma_start3A] : memref<80x128xi32, #tpu.memory_space<vmem>> -> memref<1x128xi32, #tpu.memory_space<vmem>>
        %dma_start3A_242 = tpu.memref_squeeze %dma_start3A_241 : memref<1x128xi32, #tpu.memory_space<vmem>> -> memref<128xi32, #tpu.memory_space<vmem>>
        %dma_start3A_243 = arith.constant 0 : i32
        %dma_start3A_244 = tpu.memref_slice %arg9[%dma_start3A_243] : memref<10240xf32, #tpu.memory_space<vmem_shared>> -> memref<10240xf32, #tpu.memory_space<vmem_shared>>
        tpu.enqueue_indirect_dma source(%arg5 : memref<128xf32, #tpu.memory_space<vmem>>) target(%dma_start3A_244 : memref<10240xf32, #tpu.memory_space<vmem_shared>>) offsets(%dma_start3A_242 : memref<128xi32, #tpu.memory_space<vmem>>) semaphore(%arg10 : memref<!tpu.dma_semaphore, #tpu.memory_space<semaphore_mem>>) {add = true}
      } else {
      }
      %add3A_77 = arith.constant 5 : i32
      %add3A_78 = arith.addi %add3A_48, %add3A_77 : i32
      %lt3A_79 = arith.cmpi slt, %add3A_78, %add3A_4 : i32
      %convert_element_type3A_80 = arith.extui %lt3A_79 : i1 to i32
      %cond3A_81 = arith.constant 0 : i32
      %cond3A_82 = arith.cmpi ne, %convert_element_type3A_80, %cond3A_81 : i32
      scf.if %cond3A_82 {
        %add3A_239 = arith.constant 5 : i32
        %add3A_240 = arith.addi %add3A_48, %add3A_239 : i32
        %dma_start3A = arith.constant 0 : i32
        %dma_start3A_241 = tpu.memref_slice %arg4[%add3A_240, %dma_start3A] : memref<80x128xi32, #tpu.memory_space<vmem>> -> memref<1x128xi32, #tpu.memory_space<vmem>>
        %dma_start3A_242 = tpu.memref_squeeze %dma_start3A_241 : memref<1x128xi32, #tpu.memory_space<vmem>> -> memref<128xi32, #tpu.memory_space<vmem>>
        %dma_start3A_243 = arith.constant 0 : i32
        %dma_start3A_244 = tpu.memref_slice %arg9[%dma_start3A_243] : memref<10240xf32, #tpu.memory_space<vmem_shared>> -> memref<10240xf32, #tpu.memory_space<vmem_shared>>
        tpu.enqueue_indirect_dma source(%arg5 : memref<128xf32, #tpu.memory_space<vmem>>) target(%dma_start3A_244 : memref<10240xf32, #tpu.memory_space<vmem_shared>>) offsets(%dma_start3A_242 : memref<128xi32, #tpu.memory_space<vmem>>) semaphore(%arg10 : memref<!tpu.dma_semaphore, #tpu.memory_space<semaphore_mem>>) {add = true}
      } else {
      }
      %add3A_83 = arith.constant 6 : i32
      %add3A_84 = arith.addi %add3A_48, %add3A_83 : i32
      %lt3A_85 = arith.cmpi slt, %add3A_84, %add3A_4 : i32
      %convert_element_type3A_86 = arith.extui %lt3A_85 : i1 to i32
      %cond3A_87 = arith.constant 0 : i32
      %cond3A_88 = arith.cmpi ne, %convert_element_type3A_86, %cond3A_87 : i32
      scf.if %cond3A_88 {
        %add3A_239 = arith.constant 6 : i32
        %add3A_240 = arith.addi %add3A_48, %add3A_239 : i32
        %dma_start3A = arith.constant 0 : i32
        %dma_start3A_241 = tpu.memref_slice %arg4[%add3A_240, %dma_start3A] : memref<80x128xi32, #tpu.memory_space<vmem>> -> memref<1x128xi32, #tpu.memory_space<vmem>>
        %dma_start3A_242 = tpu.memref_squeeze %dma_start3A_241 : memref<1x128xi32, #tpu.memory_space<vmem>> -> memref<128xi32, #tpu.memory_space<vmem>>
        %dma_start3A_243 = arith.constant 0 : i32
        %dma_start3A_244 = tpu.memref_slice %arg9[%dma_start3A_243] : memref<10240xf32, #tpu.memory_space<vmem_shared>> -> memref<10240xf32, #tpu.memory_space<vmem_shared>>
        tpu.enqueue_indirect_dma source(%arg5 : memref<128xf32, #tpu.memory_space<vmem>>) target(%dma_start3A_244 : memref<10240xf32, #tpu.memory_space<vmem_shared>>) offsets(%dma_start3A_242 : memref<128xi32, #tpu.memory_space<vmem>>) semaphore(%arg10 : memref<!tpu.dma_semaphore, #tpu.memory_space<semaphore_mem>>) {add = true}
      } else {
      }
      %add3A_89 = arith.constant 7 : i32
      %add3A_90 = arith.addi %add3A_48, %add3A_89 : i32
      %lt3A_91 = arith.cmpi slt, %add3A_90, %add3A_4 : i32
      %convert_element_type3A_92 = arith.extui %lt3A_91 : i1 to i32
      %cond3A_93 = arith.constant 0 : i32
      %cond3A_94 = arith.cmpi ne, %convert_element_type3A_92, %cond3A_93 : i32
      scf.if %cond3A_94 {
        %add3A_239 = arith.constant 7 : i32
        %add3A_240 = arith.addi %add3A_48, %add3A_239 : i32
        %dma_start3A = arith.constant 0 : i32
        %dma_start3A_241 = tpu.memref_slice %arg4[%add3A_240, %dma_start3A] : memref<80x128xi32, #tpu.memory_space<vmem>> -> memref<1x128xi32, #tpu.memory_space<vmem>>
        %dma_start3A_242 = tpu.memref_squeeze %dma_start3A_241 : memref<1x128xi32, #tpu.memory_space<vmem>> -> memref<128xi32, #tpu.memory_space<vmem>>
        %dma_start3A_243 = arith.constant 0 : i32
        %dma_start3A_244 = tpu.memref_slice %arg9[%dma_start3A_243] : memref<10240xf32, #tpu.memory_space<vmem_shared>> -> memref<10240xf32, #tpu.memory_space<vmem_shared>>
        tpu.enqueue_indirect_dma source(%arg5 : memref<128xf32, #tpu.memory_space<vmem>>) target(%dma_start3A_244 : memref<10240xf32, #tpu.memory_space<vmem_shared>>) offsets(%dma_start3A_242 : memref<128xi32, #tpu.memory_space<vmem>>) semaphore(%arg10 : memref<!tpu.dma_semaphore, #tpu.memory_space<semaphore_mem>>) {add = true}
      } else {
      }
      %add3A_95 = arith.constant 8 : i32
      %add3A_96 = arith.addi %add3A_48, %add3A_95 : i32
      %lt3A_97 = arith.cmpi slt, %add3A_96, %add3A_4 : i32
      %convert_element_type3A_98 = arith.extui %lt3A_97 : i1 to i32
      %cond3A_99 = arith.constant 0 : i32
      %cond3A_100 = arith.cmpi ne, %convert_element_type3A_98, %cond3A_99 : i32
      scf.if %cond3A_100 {
        %add3A_239 = arith.constant 8 : i32
        %add3A_240 = arith.addi %add3A_48, %add3A_239 : i32
        %dma_start3A = arith.constant 0 : i32
        %dma_start3A_241 = tpu.memref_slice %arg4[%add3A_240, %dma_start3A] : memref<80x128xi32, #tpu.memory_space<vmem>> -> memref<1x128xi32, #tpu.memory_space<vmem>>
        %dma_start3A_242 = tpu.memref_squeeze %dma_start3A_241 : memref<1x128xi32, #tpu.memory_space<vmem>> -> memref<128xi32, #tpu.memory_space<vmem>>
        %dma_start3A_243 = arith.constant 0 : i32
        %dma_start3A_244 = tpu.memref_slice %arg9[%dma_start3A_243] : memref<10240xf32, #tpu.memory_space<vmem_shared>> -> memref<10240xf32, #tpu.memory_space<vmem_shared>>
        tpu.enqueue_indirect_dma source(%arg5 : memref<128xf32, #tpu.memory_space<vmem>>) target(%dma_start3A_244 : memref<10240xf32, #tpu.memory_space<vmem_shared>>) offsets(%dma_start3A_242 : memref<128xi32, #tpu.memory_space<vmem>>) semaphore(%arg10 : memref<!tpu.dma_semaphore, #tpu.memory_space<semaphore_mem>>) {add = true}
      } else {
      }
      %add3A_101 = arith.constant 9 : i32
      %add3A_102 = arith.addi %add3A_48, %add3A_101 : i32
      %lt3A_103 = arith.cmpi slt, %add3A_102, %add3A_4 : i32
      %convert_element_type3A_104 = arith.extui %lt3A_103 : i1 to i32
      %cond3A_105 = arith.constant 0 : i32
      %cond3A_106 = arith.cmpi ne, %convert_element_type3A_104, %cond3A_105 : i32
      scf.if %cond3A_106 {
        %add3A_239 = arith.constant 9 : i32
        %add3A_240 = arith.addi %add3A_48, %add3A_239 : i32
        %dma_start3A = arith.constant 0 : i32
        %dma_start3A_241 = tpu.memref_slice %arg4[%add3A_240, %dma_start3A] : memref<80x128xi32, #tpu.memory_space<vmem>> -> memref<1x128xi32, #tpu.memory_space<vmem>>
        %dma_start3A_242 = tpu.memref_squeeze %dma_start3A_241 : memref<1x128xi32, #tpu.memory_space<vmem>> -> memref<128xi32, #tpu.memory_space<vmem>>
        %dma_start3A_243 = arith.constant 0 : i32
        %dma_start3A_244 = tpu.memref_slice %arg9[%dma_start3A_243] : memref<10240xf32, #tpu.memory_space<vmem_shared>> -> memref<10240xf32, #tpu.memory_space<vmem_shared>>
        tpu.enqueue_indirect_dma source(%arg5 : memref<128xf32, #tpu.memory_space<vmem>>) target(%dma_start3A_244 : memref<10240xf32, #tpu.memory_space<vmem_shared>>) offsets(%dma_start3A_242 : memref<128xi32, #tpu.memory_space<vmem>>) semaphore(%arg10 : memref<!tpu.dma_semaphore, #tpu.memory_space<semaphore_mem>>) {add = true}
      } else {
      }
      %add3A_107 = arith.constant 10 : i32
      %add3A_108 = arith.addi %add3A_48, %add3A_107 : i32
      %lt3A_109 = arith.cmpi slt, %add3A_108, %add3A_4 : i32
      %convert_element_type3A_110 = arith.extui %lt3A_109 : i1 to i32
      %cond3A_111 = arith.constant 0 : i32
      %cond3A_112 = arith.cmpi ne, %convert_element_type3A_110, %cond3A_111 : i32
      scf.if %cond3A_112 {
        %add3A_239 = arith.constant 10 : i32
        %add3A_240 = arith.addi %add3A_48, %add3A_239 : i32
        %dma_start3A = arith.constant 0 : i32
        %dma_start3A_241 = tpu.memref_slice %arg4[%add3A_240, %dma_start3A] : memref<80x128xi32, #tpu.memory_space<vmem>> -> memref<1x128xi32, #tpu.memory_space<vmem>>
        %dma_start3A_242 = tpu.memref_squeeze %dma_start3A_241 : memref<1x128xi32, #tpu.memory_space<vmem>> -> memref<128xi32, #tpu.memory_space<vmem>>
        %dma_start3A_243 = arith.constant 0 : i32
        %dma_start3A_244 = tpu.memref_slice %arg9[%dma_start3A_243] : memref<10240xf32, #tpu.memory_space<vmem_shared>> -> memref<10240xf32, #tpu.memory_space<vmem_shared>>
        tpu.enqueue_indirect_dma source(%arg5 : memref<128xf32, #tpu.memory_space<vmem>>) target(%dma_start3A_244 : memref<10240xf32, #tpu.memory_space<vmem_shared>>) offsets(%dma_start3A_242 : memref<128xi32, #tpu.memory_space<vmem>>) semaphore(%arg10 : memref<!tpu.dma_semaphore, #tpu.memory_space<semaphore_mem>>) {add = true}
      } else {
      }
      %add3A_113 = arith.constant 11 : i32
      %add3A_114 = arith.addi %add3A_48, %add3A_113 : i32
      %lt3A_115 = arith.cmpi slt, %add3A_114, %add3A_4 : i32
      %convert_element_type3A_116 = arith.extui %lt3A_115 : i1 to i32
      %cond3A_117 = arith.constant 0 : i32
      %cond3A_118 = arith.cmpi ne, %convert_element_type3A_116, %cond3A_117 : i32
      scf.if %cond3A_118 {
        %add3A_239 = arith.constant 11 : i32
        %add3A_240 = arith.addi %add3A_48, %add3A_239 : i32
        %dma_start3A = arith.constant 0 : i32
        %dma_start3A_241 = tpu.memref_slice %arg4[%add3A_240, %dma_start3A] : memref<80x128xi32, #tpu.memory_space<vmem>> -> memref<1x128xi32, #tpu.memory_space<vmem>>
        %dma_start3A_242 = tpu.memref_squeeze %dma_start3A_241 : memref<1x128xi32, #tpu.memory_space<vmem>> -> memref<128xi32, #tpu.memory_space<vmem>>
        %dma_start3A_243 = arith.constant 0 : i32
        %dma_start3A_244 = tpu.memref_slice %arg9[%dma_start3A_243] : memref<10240xf32, #tpu.memory_space<vmem_shared>> -> memref<10240xf32, #tpu.memory_space<vmem_shared>>
        tpu.enqueue_indirect_dma source(%arg5 : memref<128xf32, #tpu.memory_space<vmem>>) target(%dma_start3A_244 : memref<10240xf32, #tpu.memory_space<vmem_shared>>) offsets(%dma_start3A_242 : memref<128xi32, #tpu.memory_space<vmem>>) semaphore(%arg10 : memref<!tpu.dma_semaphore, #tpu.memory_space<semaphore_mem>>) {add = true}
      } else {
      }
      %add3A_119 = arith.constant 12 : i32
      %add3A_120 = arith.addi %add3A_48, %add3A_119 : i32
      %lt3A_121 = arith.cmpi slt, %add3A_120, %add3A_4 : i32
      %convert_element_type3A_122 = arith.extui %lt3A_121 : i1 to i32
      %cond3A_123 = arith.constant 0 : i32
      %cond3A_124 = arith.cmpi ne, %convert_element_type3A_122, %cond3A_123 : i32
      scf.if %cond3A_124 {
        %add3A_239 = arith.constant 12 : i32
        %add3A_240 = arith.addi %add3A_48, %add3A_239 : i32
        %dma_start3A = arith.constant 0 : i32
        %dma_start3A_241 = tpu.memref_slice %arg4[%add3A_240, %dma_start3A] : memref<80x128xi32, #tpu.memory_space<vmem>> -> memref<1x128xi32, #tpu.memory_space<vmem>>
        %dma_start3A_242 = tpu.memref_squeeze %dma_start3A_241 : memref<1x128xi32, #tpu.memory_space<vmem>> -> memref<128xi32, #tpu.memory_space<vmem>>
        %dma_start3A_243 = arith.constant 0 : i32
        %dma_start3A_244 = tpu.memref_slice %arg9[%dma_start3A_243] : memref<10240xf32, #tpu.memory_space<vmem_shared>> -> memref<10240xf32, #tpu.memory_space<vmem_shared>>
        tpu.enqueue_indirect_dma source(%arg5 : memref<128xf32, #tpu.memory_space<vmem>>) target(%dma_start3A_244 : memref<10240xf32, #tpu.memory_space<vmem_shared>>) offsets(%dma_start3A_242 : memref<128xi32, #tpu.memory_space<vmem>>) semaphore(%arg10 : memref<!tpu.dma_semaphore, #tpu.memory_space<semaphore_mem>>) {add = true}
      } else {
      }
      %add3A_125 = arith.constant 13 : i32
      %add3A_126 = arith.addi %add3A_48, %add3A_125 : i32
      %lt3A_127 = arith.cmpi slt, %add3A_126, %add3A_4 : i32
      %convert_element_type3A_128 = arith.extui %lt3A_127 : i1 to i32
      %cond3A_129 = arith.constant 0 : i32
      %cond3A_130 = arith.cmpi ne, %convert_element_type3A_128, %cond3A_129 : i32
      scf.if %cond3A_130 {
        %add3A_239 = arith.constant 13 : i32
        %add3A_240 = arith.addi %add3A_48, %add3A_239 : i32
        %dma_start3A = arith.constant 0 : i32
        %dma_start3A_241 = tpu.memref_slice %arg4[%add3A_240, %dma_start3A] : memref<80x128xi32, #tpu.memory_space<vmem>> -> memref<1x128xi32, #tpu.memory_space<vmem>>
        %dma_start3A_242 = tpu.memref_squeeze %dma_start3A_241 : memref<1x128xi32, #tpu.memory_space<vmem>> -> memref<128xi32, #tpu.memory_space<vmem>>
        %dma_start3A_243 = arith.constant 0 : i32
        %dma_start3A_244 = tpu.memref_slice %arg9[%dma_start3A_243] : memref<10240xf32, #tpu.memory_space<vmem_shared>> -> memref<10240xf32, #tpu.memory_space<vmem_shared>>
        tpu.enqueue_indirect_dma source(%arg5 : memref<128xf32, #tpu.memory_space<vmem>>) target(%dma_start3A_244 : memref<10240xf32, #tpu.memory_space<vmem_shared>>) offsets(%dma_start3A_242 : memref<128xi32, #tpu.memory_space<vmem>>) semaphore(%arg10 : memref<!tpu.dma_semaphore, #tpu.memory_space<semaphore_mem>>) {add = true}
      } else {
      }
      %add3A_131 = arith.constant 14 : i32
      %add3A_132 = arith.addi %add3A_48, %add3A_131 : i32
      %lt3A_133 = arith.cmpi slt, %add3A_132, %add3A_4 : i32
      %convert_element_type3A_134 = arith.extui %lt3A_133 : i1 to i32
      %cond3A_135 = arith.constant 0 : i32
      %cond3A_136 = arith.cmpi ne, %convert_element_type3A_134, %cond3A_135 : i32
      scf.if %cond3A_136 {
        %add3A_239 = arith.constant 14 : i32
        %add3A_240 = arith.addi %add3A_48, %add3A_239 : i32
        %dma_start3A = arith.constant 0 : i32
        %dma_start3A_241 = tpu.memref_slice %arg4[%add3A_240, %dma_start3A] : memref<80x128xi32, #tpu.memory_space<vmem>> -> memref<1x128xi32, #tpu.memory_space<vmem>>
        %dma_start3A_242 = tpu.memref_squeeze %dma_start3A_241 : memref<1x128xi32, #tpu.memory_space<vmem>> -> memref<128xi32, #tpu.memory_space<vmem>>
        %dma_start3A_243 = arith.constant 0 : i32
        %dma_start3A_244 = tpu.memref_slice %arg9[%dma_start3A_243] : memref<10240xf32, #tpu.memory_space<vmem_shared>> -> memref<10240xf32, #tpu.memory_space<vmem_shared>>
        tpu.enqueue_indirect_dma source(%arg5 : memref<128xf32, #tpu.memory_space<vmem>>) target(%dma_start3A_244 : memref<10240xf32, #tpu.memory_space<vmem_shared>>) offsets(%dma_start3A_242 : memref<128xi32, #tpu.memory_space<vmem>>) semaphore(%arg10 : memref<!tpu.dma_semaphore, #tpu.memory_space<semaphore_mem>>) {add = true}
      } else {
      }
      %add3A_137 = arith.constant 15 : i32
      %add3A_138 = arith.addi %add3A_48, %add3A_137 : i32
      %lt3A_139 = arith.cmpi slt, %add3A_138, %add3A_4 : i32
      %convert_element_type3A_140 = arith.extui %lt3A_139 : i1 to i32
      %cond3A_141 = arith.constant 0 : i32
      %cond3A_142 = arith.cmpi ne, %convert_element_type3A_140, %cond3A_141 : i32
      scf.if %cond3A_142 {
        %add3A_239 = arith.constant 15 : i32
        %add3A_240 = arith.addi %add3A_48, %add3A_239 : i32
        %dma_start3A = arith.constant 0 : i32
        %dma_start3A_241 = tpu.memref_slice %arg4[%add3A_240, %dma_start3A] : memref<80x128xi32, #tpu.memory_space<vmem>> -> memref<1x128xi32, #tpu.memory_space<vmem>>
        %dma_start3A_242 = tpu.memref_squeeze %dma_start3A_241 : memref<1x128xi32, #tpu.memory_space<vmem>> -> memref<128xi32, #tpu.memory_space<vmem>>
        %dma_start3A_243 = arith.constant 0 : i32
        %dma_start3A_244 = tpu.memref_slice %arg9[%dma_start3A_243] : memref<10240xf32, #tpu.memory_space<vmem_shared>> -> memref<10240xf32, #tpu.memory_space<vmem_shared>>
        tpu.enqueue_indirect_dma source(%arg5 : memref<128xf32, #tpu.memory_space<vmem>>) target(%dma_start3A_244 : memref<10240xf32, #tpu.memory_space<vmem_shared>>) offsets(%dma_start3A_242 : memref<128xi32, #tpu.memory_space<vmem>>) semaphore(%arg10 : memref<!tpu.dma_semaphore, #tpu.memory_space<semaphore_mem>>) {add = true}
      } else {
      }
      %add3A_143 = arith.constant 0 : i32
      %add3A_144 = arith.addi %add3A_48, %add3A_143 : i32
      %lt3A_145 = arith.cmpi slt, %add3A_144, %add3A_4 : i32
      %convert_element_type3A_146 = arith.extui %lt3A_145 : i1 to i32
      %cond3A_147 = arith.constant 0 : i32
      %cond3A_148 = arith.cmpi ne, %convert_element_type3A_146, %cond3A_147 : i32
      scf.if %cond3A_148 {
        %add3A_239 = arith.constant 0 : i32
        %add3A_240 = arith.addi %add3A_48, %add3A_239 : i32
        %dma_wait3A = arith.constant 0 : i32
        %dma_wait3A_241 = tpu.memref_slice %arg4[%add3A_240, %dma_wait3A] : memref<80x128xi32, #tpu.memory_space<vmem>> -> memref<1x128xi32, #tpu.memory_space<vmem>>
        %dma_wait3A_242 = tpu.memref_squeeze %dma_wait3A_241 : memref<1x128xi32, #tpu.memory_space<vmem>> -> memref<128xi32, #tpu.memory_space<vmem>>
        %dma_wait3A_243 = arith.constant 0 : i32
        %dma_wait3A_244 = tpu.memref_slice %arg9[%dma_wait3A_243] : memref<10240xf32, #tpu.memory_space<vmem_shared>> -> memref<10240xf32, #tpu.memory_space<vmem_shared>>
        tpu.wait_indirect_dma semaphore(%arg10 : memref<!tpu.dma_semaphore, #tpu.memory_space<semaphore_mem>>) src(%arg5 : memref<128xf32, #tpu.memory_space<vmem>>) dst(%dma_wait3A_244 : memref<10240xf32, #tpu.memory_space<vmem_shared>>)
      } else {
      }
      %add3A_149 = arith.constant 1 : i32
      %add3A_150 = arith.addi %add3A_48, %add3A_149 : i32
      %lt3A_151 = arith.cmpi slt, %add3A_150, %add3A_4 : i32
      %convert_element_type3A_152 = arith.extui %lt3A_151 : i1 to i32
      %cond3A_153 = arith.constant 0 : i32
      %cond3A_154 = arith.cmpi ne, %convert_element_type3A_152, %cond3A_153 : i32
      scf.if %cond3A_154 {
        %add3A_239 = arith.constant 1 : i32
        %add3A_240 = arith.addi %add3A_48, %add3A_239 : i32
        %dma_wait3A = arith.constant 0 : i32
        %dma_wait3A_241 = tpu.memref_slice %arg4[%add3A_240, %dma_wait3A] : memref<80x128xi32, #tpu.memory_space<vmem>> -> memref<1x128xi32, #tpu.memory_space<vmem>>
        %dma_wait3A_242 = tpu.memref_squeeze %dma_wait3A_241 : memref<1x128xi32, #tpu.memory_space<vmem>> -> memref<128xi32, #tpu.memory_space<vmem>>
        %dma_wait3A_243 = arith.constant 0 : i32
        %dma_wait3A_244 = tpu.memref_slice %arg9[%dma_wait3A_243] : memref<10240xf32, #tpu.memory_space<vmem_shared>> -> memref<10240xf32, #tpu.memory_space<vmem_shared>>
        tpu.wait_indirect_dma semaphore(%arg10 : memref<!tpu.dma_semaphore, #tpu.memory_space<semaphore_mem>>) src(%arg5 : memref<128xf32, #tpu.memory_space<vmem>>) dst(%dma_wait3A_244 : memref<10240xf32, #tpu.memory_space<vmem_shared>>)
      } else {
      }
      %add3A_155 = arith.constant 2 : i32
      %add3A_156 = arith.addi %add3A_48, %add3A_155 : i32
      %lt3A_157 = arith.cmpi slt, %add3A_156, %add3A_4 : i32
      %convert_element_type3A_158 = arith.extui %lt3A_157 : i1 to i32
      %cond3A_159 = arith.constant 0 : i32
      %cond3A_160 = arith.cmpi ne, %convert_element_type3A_158, %cond3A_159 : i32
      scf.if %cond3A_160 {
        %add3A_239 = arith.constant 2 : i32
        %add3A_240 = arith.addi %add3A_48, %add3A_239 : i32
        %dma_wait3A = arith.constant 0 : i32
        %dma_wait3A_241 = tpu.memref_slice %arg4[%add3A_240, %dma_wait3A] : memref<80x128xi32, #tpu.memory_space<vmem>> -> memref<1x128xi32, #tpu.memory_space<vmem>>
        %dma_wait3A_242 = tpu.memref_squeeze %dma_wait3A_241 : memref<1x128xi32, #tpu.memory_space<vmem>> -> memref<128xi32, #tpu.memory_space<vmem>>
        %dma_wait3A_243 = arith.constant 0 : i32
        %dma_wait3A_244 = tpu.memref_slice %arg9[%dma_wait3A_243] : memref<10240xf32, #tpu.memory_space<vmem_shared>> -> memref<10240xf32, #tpu.memory_space<vmem_shared>>
        tpu.wait_indirect_dma semaphore(%arg10 : memref<!tpu.dma_semaphore, #tpu.memory_space<semaphore_mem>>) src(%arg5 : memref<128xf32, #tpu.memory_space<vmem>>) dst(%dma_wait3A_244 : memref<10240xf32, #tpu.memory_space<vmem_shared>>)
      } else {
      }
      %add3A_161 = arith.constant 3 : i32
      %add3A_162 = arith.addi %add3A_48, %add3A_161 : i32
      %lt3A_163 = arith.cmpi slt, %add3A_162, %add3A_4 : i32
      %convert_element_type3A_164 = arith.extui %lt3A_163 : i1 to i32
      %cond3A_165 = arith.constant 0 : i32
      %cond3A_166 = arith.cmpi ne, %convert_element_type3A_164, %cond3A_165 : i32
      scf.if %cond3A_166 {
        %add3A_239 = arith.constant 3 : i32
        %add3A_240 = arith.addi %add3A_48, %add3A_239 : i32
        %dma_wait3A = arith.constant 0 : i32
        %dma_wait3A_241 = tpu.memref_slice %arg4[%add3A_240, %dma_wait3A] : memref<80x128xi32, #tpu.memory_space<vmem>> -> memref<1x128xi32, #tpu.memory_space<vmem>>
        %dma_wait3A_242 = tpu.memref_squeeze %dma_wait3A_241 : memref<1x128xi32, #tpu.memory_space<vmem>> -> memref<128xi32, #tpu.memory_space<vmem>>
        %dma_wait3A_243 = arith.constant 0 : i32
        %dma_wait3A_244 = tpu.memref_slice %arg9[%dma_wait3A_243] : memref<10240xf32, #tpu.memory_space<vmem_shared>> -> memref<10240xf32, #tpu.memory_space<vmem_shared>>
        tpu.wait_indirect_dma semaphore(%arg10 : memref<!tpu.dma_semaphore, #tpu.memory_space<semaphore_mem>>) src(%arg5 : memref<128xf32, #tpu.memory_space<vmem>>) dst(%dma_wait3A_244 : memref<10240xf32, #tpu.memory_space<vmem_shared>>)
      } else {
      }
      %add3A_167 = arith.constant 4 : i32
      %add3A_168 = arith.addi %add3A_48, %add3A_167 : i32
      %lt3A_169 = arith.cmpi slt, %add3A_168, %add3A_4 : i32
      %convert_element_type3A_170 = arith.extui %lt3A_169 : i1 to i32
      %cond3A_171 = arith.constant 0 : i32
      %cond3A_172 = arith.cmpi ne, %convert_element_type3A_170, %cond3A_171 : i32
      scf.if %cond3A_172 {
        %add3A_239 = arith.constant 4 : i32
        %add3A_240 = arith.addi %add3A_48, %add3A_239 : i32
        %dma_wait3A = arith.constant 0 : i32
        %dma_wait3A_241 = tpu.memref_slice %arg4[%add3A_240, %dma_wait3A] : memref<80x128xi32, #tpu.memory_space<vmem>> -> memref<1x128xi32, #tpu.memory_space<vmem>>
        %dma_wait3A_242 = tpu.memref_squeeze %dma_wait3A_241 : memref<1x128xi32, #tpu.memory_space<vmem>> -> memref<128xi32, #tpu.memory_space<vmem>>
        %dma_wait3A_243 = arith.constant 0 : i32
        %dma_wait3A_244 = tpu.memref_slice %arg9[%dma_wait3A_243] : memref<10240xf32, #tpu.memory_space<vmem_shared>> -> memref<10240xf32, #tpu.memory_space<vmem_shared>>
        tpu.wait_indirect_dma semaphore(%arg10 : memref<!tpu.dma_semaphore, #tpu.memory_space<semaphore_mem>>) src(%arg5 : memref<128xf32, #tpu.memory_space<vmem>>) dst(%dma_wait3A_244 : memref<10240xf32, #tpu.memory_space<vmem_shared>>)
      } else {
      }
      %add3A_173 = arith.constant 5 : i32
      %add3A_174 = arith.addi %add3A_48, %add3A_173 : i32
      %lt3A_175 = arith.cmpi slt, %add3A_174, %add3A_4 : i32
      %convert_element_type3A_176 = arith.extui %lt3A_175 : i1 to i32
      %cond3A_177 = arith.constant 0 : i32
      %cond3A_178 = arith.cmpi ne, %convert_element_type3A_176, %cond3A_177 : i32
      scf.if %cond3A_178 {
        %add3A_239 = arith.constant 5 : i32
        %add3A_240 = arith.addi %add3A_48, %add3A_239 : i32
        %dma_wait3A = arith.constant 0 : i32
        %dma_wait3A_241 = tpu.memref_slice %arg4[%add3A_240, %dma_wait3A] : memref<80x128xi32, #tpu.memory_space<vmem>> -> memref<1x128xi32, #tpu.memory_space<vmem>>
        %dma_wait3A_242 = tpu.memref_squeeze %dma_wait3A_241 : memref<1x128xi32, #tpu.memory_space<vmem>> -> memref<128xi32, #tpu.memory_space<vmem>>
        %dma_wait3A_243 = arith.constant 0 : i32
        %dma_wait3A_244 = tpu.memref_slice %arg9[%dma_wait3A_243] : memref<10240xf32, #tpu.memory_space<vmem_shared>> -> memref<10240xf32, #tpu.memory_space<vmem_shared>>
        tpu.wait_indirect_dma semaphore(%arg10 : memref<!tpu.dma_semaphore, #tpu.memory_space<semaphore_mem>>) src(%arg5 : memref<128xf32, #tpu.memory_space<vmem>>) dst(%dma_wait3A_244 : memref<10240xf32, #tpu.memory_space<vmem_shared>>)
      } else {
      }
      %add3A_179 = arith.constant 6 : i32
      %add3A_180 = arith.addi %add3A_48, %add3A_179 : i32
      %lt3A_181 = arith.cmpi slt, %add3A_180, %add3A_4 : i32
      %convert_element_type3A_182 = arith.extui %lt3A_181 : i1 to i32
      %cond3A_183 = arith.constant 0 : i32
      %cond3A_184 = arith.cmpi ne, %convert_element_type3A_182, %cond3A_183 : i32
      scf.if %cond3A_184 {
        %add3A_239 = arith.constant 6 : i32
        %add3A_240 = arith.addi %add3A_48, %add3A_239 : i32
        %dma_wait3A = arith.constant 0 : i32
        %dma_wait3A_241 = tpu.memref_slice %arg4[%add3A_240, %dma_wait3A] : memref<80x128xi32, #tpu.memory_space<vmem>> -> memref<1x128xi32, #tpu.memory_space<vmem>>
        %dma_wait3A_242 = tpu.memref_squeeze %dma_wait3A_241 : memref<1x128xi32, #tpu.memory_space<vmem>> -> memref<128xi32, #tpu.memory_space<vmem>>
        %dma_wait3A_243 = arith.constant 0 : i32
        %dma_wait3A_244 = tpu.memref_slice %arg9[%dma_wait3A_243] : memref<10240xf32, #tpu.memory_space<vmem_shared>> -> memref<10240xf32, #tpu.memory_space<vmem_shared>>
        tpu.wait_indirect_dma semaphore(%arg10 : memref<!tpu.dma_semaphore, #tpu.memory_space<semaphore_mem>>) src(%arg5 : memref<128xf32, #tpu.memory_space<vmem>>) dst(%dma_wait3A_244 : memref<10240xf32, #tpu.memory_space<vmem_shared>>)
      } else {
      }
      %add3A_185 = arith.constant 7 : i32
      %add3A_186 = arith.addi %add3A_48, %add3A_185 : i32
      %lt3A_187 = arith.cmpi slt, %add3A_186, %add3A_4 : i32
      %convert_element_type3A_188 = arith.extui %lt3A_187 : i1 to i32
      %cond3A_189 = arith.constant 0 : i32
      %cond3A_190 = arith.cmpi ne, %convert_element_type3A_188, %cond3A_189 : i32
      scf.if %cond3A_190 {
        %add3A_239 = arith.constant 7 : i32
        %add3A_240 = arith.addi %add3A_48, %add3A_239 : i32
        %dma_wait3A = arith.constant 0 : i32
        %dma_wait3A_241 = tpu.memref_slice %arg4[%add3A_240, %dma_wait3A] : memref<80x128xi32, #tpu.memory_space<vmem>> -> memref<1x128xi32, #tpu.memory_space<vmem>>
        %dma_wait3A_242 = tpu.memref_squeeze %dma_wait3A_241 : memref<1x128xi32, #tpu.memory_space<vmem>> -> memref<128xi32, #tpu.memory_space<vmem>>
        %dma_wait3A_243 = arith.constant 0 : i32
        %dma_wait3A_244 = tpu.memref_slice %arg9[%dma_wait3A_243] : memref<10240xf32, #tpu.memory_space<vmem_shared>> -> memref<10240xf32, #tpu.memory_space<vmem_shared>>
        tpu.wait_indirect_dma semaphore(%arg10 : memref<!tpu.dma_semaphore, #tpu.memory_space<semaphore_mem>>) src(%arg5 : memref<128xf32, #tpu.memory_space<vmem>>) dst(%dma_wait3A_244 : memref<10240xf32, #tpu.memory_space<vmem_shared>>)
      } else {
      }
      %add3A_191 = arith.constant 8 : i32
      %add3A_192 = arith.addi %add3A_48, %add3A_191 : i32
      %lt3A_193 = arith.cmpi slt, %add3A_192, %add3A_4 : i32
      %convert_element_type3A_194 = arith.extui %lt3A_193 : i1 to i32
      %cond3A_195 = arith.constant 0 : i32
      %cond3A_196 = arith.cmpi ne, %convert_element_type3A_194, %cond3A_195 : i32
      scf.if %cond3A_196 {
        %add3A_239 = arith.constant 8 : i32
        %add3A_240 = arith.addi %add3A_48, %add3A_239 : i32
        %dma_wait3A = arith.constant 0 : i32
        %dma_wait3A_241 = tpu.memref_slice %arg4[%add3A_240, %dma_wait3A] : memref<80x128xi32, #tpu.memory_space<vmem>> -> memref<1x128xi32, #tpu.memory_space<vmem>>
        %dma_wait3A_242 = tpu.memref_squeeze %dma_wait3A_241 : memref<1x128xi32, #tpu.memory_space<vmem>> -> memref<128xi32, #tpu.memory_space<vmem>>
        %dma_wait3A_243 = arith.constant 0 : i32
        %dma_wait3A_244 = tpu.memref_slice %arg9[%dma_wait3A_243] : memref<10240xf32, #tpu.memory_space<vmem_shared>> -> memref<10240xf32, #tpu.memory_space<vmem_shared>>
        tpu.wait_indirect_dma semaphore(%arg10 : memref<!tpu.dma_semaphore, #tpu.memory_space<semaphore_mem>>) src(%arg5 : memref<128xf32, #tpu.memory_space<vmem>>) dst(%dma_wait3A_244 : memref<10240xf32, #tpu.memory_space<vmem_shared>>)
      } else {
      }
      %add3A_197 = arith.constant 9 : i32
      %add3A_198 = arith.addi %add3A_48, %add3A_197 : i32
      %lt3A_199 = arith.cmpi slt, %add3A_198, %add3A_4 : i32
      %convert_element_type3A_200 = arith.extui %lt3A_199 : i1 to i32
      %cond3A_201 = arith.constant 0 : i32
      %cond3A_202 = arith.cmpi ne, %convert_element_type3A_200, %cond3A_201 : i32
      scf.if %cond3A_202 {
        %add3A_239 = arith.constant 9 : i32
        %add3A_240 = arith.addi %add3A_48, %add3A_239 : i32
        %dma_wait3A = arith.constant 0 : i32
        %dma_wait3A_241 = tpu.memref_slice %arg4[%add3A_240, %dma_wait3A] : memref<80x128xi32, #tpu.memory_space<vmem>> -> memref<1x128xi32, #tpu.memory_space<vmem>>
        %dma_wait3A_242 = tpu.memref_squeeze %dma_wait3A_241 : memref<1x128xi32, #tpu.memory_space<vmem>> -> memref<128xi32, #tpu.memory_space<vmem>>
        %dma_wait3A_243 = arith.constant 0 : i32
        %dma_wait3A_244 = tpu.memref_slice %arg9[%dma_wait3A_243] : memref<10240xf32, #tpu.memory_space<vmem_shared>> -> memref<10240xf32, #tpu.memory_space<vmem_shared>>
        tpu.wait_indirect_dma semaphore(%arg10 : memref<!tpu.dma_semaphore, #tpu.memory_space<semaphore_mem>>) src(%arg5 : memref<128xf32, #tpu.memory_space<vmem>>) dst(%dma_wait3A_244 : memref<10240xf32, #tpu.memory_space<vmem_shared>>)
      } else {
      }
      %add3A_203 = arith.constant 10 : i32
      %add3A_204 = arith.addi %add3A_48, %add3A_203 : i32
      %lt3A_205 = arith.cmpi slt, %add3A_204, %add3A_4 : i32
      %convert_element_type3A_206 = arith.extui %lt3A_205 : i1 to i32
      %cond3A_207 = arith.constant 0 : i32
      %cond3A_208 = arith.cmpi ne, %convert_element_type3A_206, %cond3A_207 : i32
      scf.if %cond3A_208 {
        %add3A_239 = arith.constant 10 : i32
        %add3A_240 = arith.addi %add3A_48, %add3A_239 : i32
        %dma_wait3A = arith.constant 0 : i32
        %dma_wait3A_241 = tpu.memref_slice %arg4[%add3A_240, %dma_wait3A] : memref<80x128xi32, #tpu.memory_space<vmem>> -> memref<1x128xi32, #tpu.memory_space<vmem>>
        %dma_wait3A_242 = tpu.memref_squeeze %dma_wait3A_241 : memref<1x128xi32, #tpu.memory_space<vmem>> -> memref<128xi32, #tpu.memory_space<vmem>>
        %dma_wait3A_243 = arith.constant 0 : i32
        %dma_wait3A_244 = tpu.memref_slice %arg9[%dma_wait3A_243] : memref<10240xf32, #tpu.memory_space<vmem_shared>> -> memref<10240xf32, #tpu.memory_space<vmem_shared>>
        tpu.wait_indirect_dma semaphore(%arg10 : memref<!tpu.dma_semaphore, #tpu.memory_space<semaphore_mem>>) src(%arg5 : memref<128xf32, #tpu.memory_space<vmem>>) dst(%dma_wait3A_244 : memref<10240xf32, #tpu.memory_space<vmem_shared>>)
      } else {
      }
      %add3A_209 = arith.constant 11 : i32
      %add3A_210 = arith.addi %add3A_48, %add3A_209 : i32
      %lt3A_211 = arith.cmpi slt, %add3A_210, %add3A_4 : i32
      %convert_element_type3A_212 = arith.extui %lt3A_211 : i1 to i32
      %cond3A_213 = arith.constant 0 : i32
      %cond3A_214 = arith.cmpi ne, %convert_element_type3A_212, %cond3A_213 : i32
      scf.if %cond3A_214 {
        %add3A_239 = arith.constant 11 : i32
        %add3A_240 = arith.addi %add3A_48, %add3A_239 : i32
        %dma_wait3A = arith.constant 0 : i32
        %dma_wait3A_241 = tpu.memref_slice %arg4[%add3A_240, %dma_wait3A] : memref<80x128xi32, #tpu.memory_space<vmem>> -> memref<1x128xi32, #tpu.memory_space<vmem>>
        %dma_wait3A_242 = tpu.memref_squeeze %dma_wait3A_241 : memref<1x128xi32, #tpu.memory_space<vmem>> -> memref<128xi32, #tpu.memory_space<vmem>>
        %dma_wait3A_243 = arith.constant 0 : i32
        %dma_wait3A_244 = tpu.memref_slice %arg9[%dma_wait3A_243] : memref<10240xf32, #tpu.memory_space<vmem_shared>> -> memref<10240xf32, #tpu.memory_space<vmem_shared>>
        tpu.wait_indirect_dma semaphore(%arg10 : memref<!tpu.dma_semaphore, #tpu.memory_space<semaphore_mem>>) src(%arg5 : memref<128xf32, #tpu.memory_space<vmem>>) dst(%dma_wait3A_244 : memref<10240xf32, #tpu.memory_space<vmem_shared>>)
      } else {
      }
      %add3A_215 = arith.constant 12 : i32
      %add3A_216 = arith.addi %add3A_48, %add3A_215 : i32
      %lt3A_217 = arith.cmpi slt, %add3A_216, %add3A_4 : i32
      %convert_element_type3A_218 = arith.extui %lt3A_217 : i1 to i32
      %cond3A_219 = arith.constant 0 : i32
      %cond3A_220 = arith.cmpi ne, %convert_element_type3A_218, %cond3A_219 : i32
      scf.if %cond3A_220 {
        %add3A_239 = arith.constant 12 : i32
        %add3A_240 = arith.addi %add3A_48, %add3A_239 : i32
        %dma_wait3A = arith.constant 0 : i32
        %dma_wait3A_241 = tpu.memref_slice %arg4[%add3A_240, %dma_wait3A] : memref<80x128xi32, #tpu.memory_space<vmem>> -> memref<1x128xi32, #tpu.memory_space<vmem>>
        %dma_wait3A_242 = tpu.memref_squeeze %dma_wait3A_241 : memref<1x128xi32, #tpu.memory_space<vmem>> -> memref<128xi32, #tpu.memory_space<vmem>>
        %dma_wait3A_243 = arith.constant 0 : i32
        %dma_wait3A_244 = tpu.memref_slice %arg9[%dma_wait3A_243] : memref<10240xf32, #tpu.memory_space<vmem_shared>> -> memref<10240xf32, #tpu.memory_space<vmem_shared>>
        tpu.wait_indirect_dma semaphore(%arg10 : memref<!tpu.dma_semaphore, #tpu.memory_space<semaphore_mem>>) src(%arg5 : memref<128xf32, #tpu.memory_space<vmem>>) dst(%dma_wait3A_244 : memref<10240xf32, #tpu.memory_space<vmem_shared>>)
      } else {
      }
      %add3A_221 = arith.constant 13 : i32
      %add3A_222 = arith.addi %add3A_48, %add3A_221 : i32
      %lt3A_223 = arith.cmpi slt, %add3A_222, %add3A_4 : i32
      %convert_element_type3A_224 = arith.extui %lt3A_223 : i1 to i32
      %cond3A_225 = arith.constant 0 : i32
      %cond3A_226 = arith.cmpi ne, %convert_element_type3A_224, %cond3A_225 : i32
      scf.if %cond3A_226 {
        %add3A_239 = arith.constant 13 : i32
        %add3A_240 = arith.addi %add3A_48, %add3A_239 : i32
        %dma_wait3A = arith.constant 0 : i32
        %dma_wait3A_241 = tpu.memref_slice %arg4[%add3A_240, %dma_wait3A] : memref<80x128xi32, #tpu.memory_space<vmem>> -> memref<1x128xi32, #tpu.memory_space<vmem>>
        %dma_wait3A_242 = tpu.memref_squeeze %dma_wait3A_241 : memref<1x128xi32, #tpu.memory_space<vmem>> -> memref<128xi32, #tpu.memory_space<vmem>>
        %dma_wait3A_243 = arith.constant 0 : i32
        %dma_wait3A_244 = tpu.memref_slice %arg9[%dma_wait3A_243] : memref<10240xf32, #tpu.memory_space<vmem_shared>> -> memref<10240xf32, #tpu.memory_space<vmem_shared>>
        tpu.wait_indirect_dma semaphore(%arg10 : memref<!tpu.dma_semaphore, #tpu.memory_space<semaphore_mem>>) src(%arg5 : memref<128xf32, #tpu.memory_space<vmem>>) dst(%dma_wait3A_244 : memref<10240xf32, #tpu.memory_space<vmem_shared>>)
      } else {
      }
      %add3A_227 = arith.constant 14 : i32
      %add3A_228 = arith.addi %add3A_48, %add3A_227 : i32
      %lt3A_229 = arith.cmpi slt, %add3A_228, %add3A_4 : i32
      %convert_element_type3A_230 = arith.extui %lt3A_229 : i1 to i32
      %cond3A_231 = arith.constant 0 : i32
      %cond3A_232 = arith.cmpi ne, %convert_element_type3A_230, %cond3A_231 : i32
      scf.if %cond3A_232 {
        %add3A_239 = arith.constant 14 : i32
        %add3A_240 = arith.addi %add3A_48, %add3A_239 : i32
        %dma_wait3A = arith.constant 0 : i32
        %dma_wait3A_241 = tpu.memref_slice %arg4[%add3A_240, %dma_wait3A] : memref<80x128xi32, #tpu.memory_space<vmem>> -> memref<1x128xi32, #tpu.memory_space<vmem>>
        %dma_wait3A_242 = tpu.memref_squeeze %dma_wait3A_241 : memref<1x128xi32, #tpu.memory_space<vmem>> -> memref<128xi32, #tpu.memory_space<vmem>>
        %dma_wait3A_243 = arith.constant 0 : i32
        %dma_wait3A_244 = tpu.memref_slice %arg9[%dma_wait3A_243] : memref<10240xf32, #tpu.memory_space<vmem_shared>> -> memref<10240xf32, #tpu.memory_space<vmem_shared>>
        tpu.wait_indirect_dma semaphore(%arg10 : memref<!tpu.dma_semaphore, #tpu.memory_space<semaphore_mem>>) src(%arg5 : memref<128xf32, #tpu.memory_space<vmem>>) dst(%dma_wait3A_244 : memref<10240xf32, #tpu.memory_space<vmem_shared>>)
      } else {
      }
      %add3A_233 = arith.constant 15 : i32
      %add3A_234 = arith.addi %add3A_48, %add3A_233 : i32
      %lt3A_235 = arith.cmpi slt, %add3A_234, %add3A_4 : i32
      %convert_element_type3A_236 = arith.extui %lt3A_235 : i1 to i32
      %cond3A_237 = arith.constant 0 : i32
      %cond3A_238 = arith.cmpi ne, %convert_element_type3A_236, %cond3A_237 : i32
      scf.if %cond3A_238 {
        %add3A_239 = arith.constant 15 : i32
        %add3A_240 = arith.addi %add3A_48, %add3A_239 : i32
        %dma_wait3A = arith.constant 0 : i32
        %dma_wait3A_241 = tpu.memref_slice %arg4[%add3A_240, %dma_wait3A] : memref<80x128xi32, #tpu.memory_space<vmem>> -> memref<1x128xi32, #tpu.memory_space<vmem>>
        %dma_wait3A_242 = tpu.memref_squeeze %dma_wait3A_241 : memref<1x128xi32, #tpu.memory_space<vmem>> -> memref<128xi32, #tpu.memory_space<vmem>>
        %dma_wait3A_243 = arith.constant 0 : i32
        %dma_wait3A_244 = tpu.memref_slice %arg9[%dma_wait3A_243] : memref<10240xf32, #tpu.memory_space<vmem_shared>> -> memref<10240xf32, #tpu.memory_space<vmem_shared>>
        tpu.wait_indirect_dma semaphore(%arg10 : memref<!tpu.dma_semaphore, #tpu.memory_space<semaphore_mem>>) src(%arg5 : memref<128xf32, #tpu.memory_space<vmem>>) dst(%dma_wait3A_244 : memref<10240xf32, #tpu.memory_space<vmem_shared>>)
      } else {
      }
    }
    %scan3A_33 = arith.constant 5 : i32
    %barrier3A_34 = arith.constant 0 : index
    tpu.barrier barrier_id(%barrier3A_34)
    %mul3A_35 = arith.constant 640 : i32
    %mul3A_36 = arith.muli %arg1, %mul3A_35 : i32
    "tpu.region"() ({
      %run_scoped3A = tpu.sem_alloc : memref<!tpu.dma_semaphore, #tpu.memory_space<semaphore_mem>>
      %dma_start3A = tpu.memref_slice %arg9[%mul3A_36] : memref<10240xf32, #tpu.memory_space<vmem_shared>> -> memref<640xf32, #tpu.memory_space<vmem_shared>>
      %dma_start3A_44 = tpu.memref_slice %arg9[%mul3A_36] : memref<10240xf32, #tpu.memory_space<vmem_shared>> -> memref<640xf32, #tpu.memory_space<vmem_shared>>
      tpu.enqueue_dma source(%dma_start3A_44 : memref<640xf32, #tpu.memory_space<vmem_shared>>) target(%arg7 : memref<640xf32, #tpu.memory_space<vmem>>) target_semaphore(%run_scoped3A : memref<!tpu.dma_semaphore, #tpu.memory_space<semaphore_mem>>)
      %dma_wait3A = tpu.memref_slice %arg9[%mul3A_36] : memref<10240xf32, #tpu.memory_space<vmem_shared>> -> memref<640xf32, #tpu.memory_space<vmem_shared>>
      %dma_wait3A_45 = tpu.memref_slice %arg9[%mul3A_36] : memref<10240xf32, #tpu.memory_space<vmem_shared>> -> memref<640xf32, #tpu.memory_space<vmem_shared>>
      tpu.wait_dma2 semaphore(%run_scoped3A : memref<!tpu.dma_semaphore, #tpu.memory_space<semaphore_mem>>) src(%dma_wait3A_45 : memref<640xf32, #tpu.memory_space<vmem_shared>>) dst(%arg7 : memref<640xf32, #tpu.memory_space<vmem>>)
      tpu.yield
    }) : () -> ()
    %scan3A_37 = arith.constant 0 : i32
    %scan3A_38 = arith.constant 640 : i32
    %scan3A_39 = arith.addi %scan3A_37, %scan3A_38 : i32
    %scan3A_40 = arith.constant 1 : i32
    scf.for %scan3A_44 = %scan3A_37 to %scan3A_39 step %scan3A_40  : i32 {
      %mul3A_45 = arith.constant 1 : i32
      %mul3A_46 = arith.muli %scan3A_44, %mul3A_45 : i32
      %add3A_47 = arith.constant 0 : i32
      %add3A_48 = arith.addi %add3A_47, %mul3A_46 : i32
      %broadcast_in_dim3A_49 = vector.broadcast %add3A_48 : i32 to vector<16xi32>
      %gather3A = tpu.vector_load_idx %arg7[%broadcast_in_dim3A_49] : memref<640xf32, #tpu.memory_space<vmem>>[vector<16xi32>], vector<16xf32>,
      %jit3A_50 = arith.constant 8 : i32
      %div3A = arith.divsi %add3A_48, %jit3A_50 : i32
      %sign3A = arith.constant 0 : i32
      %sign3A_51 = arith.cmpi sgt, %add3A_48, %sign3A : i32
      %sign3A_52 = arith.extui %sign3A_51 : i1 to i32
      %sign3A_53 = arith.constant 0 : i32
      %sign3A_54 = arith.cmpi slt, %add3A_48, %sign3A_53 : i32
      %sign3A_55 = arith.extui %sign3A_54 : i1 to i32
      %sign3A_56 = arith.subi %sign3A_52, %sign3A_55 : i32
      %sign3A_57 = arith.constant 0 : i32
      %sign3A_58 = arith.cmpi sgt, %jit3A_50, %sign3A_57 : i32
      %sign3A_59 = arith.extui %sign3A_58 : i1 to i32
      %sign3A_60 = arith.constant 0 : i32
      %sign3A_61 = arith.cmpi slt, %jit3A_50, %sign3A_60 : i32
      %sign3A_62 = arith.extui %sign3A_61 : i1 to i32
      %sign3A_63 = arith.subi %sign3A_59, %sign3A_62 : i32
      %ne3A = arith.cmpi ne, %sign3A_56, %sign3A_63 : i32
      %rem3A = arith.remsi %add3A_48, %jit3A_50 : i32
      %ne3A_64 = arith.constant 0 : i32
      %ne3A_65 = arith.cmpi ne, %rem3A, %ne3A_64 : i32
      %and3A = arith.andi %ne3A, %ne3A_65 : i1
      %sub3A = arith.constant 1 : i32
      %sub3A_66 = arith.subi %div3A, %sub3A : i32
      %select_n3A_67 = arith.select %and3A, %sub3A_66, %div3A : i32
      %jit3A_68 = arith.constant 8 : i32
      %eq3A = arith.constant 0 : i32
      %eq3A_69 = arith.cmpi eq, %jit3A_68, %eq3A : i32
      %jit3A_70 = arith.constant 1 : i32
      %select_n3A_71 = arith.select %eq3A_69, %jit3A_70, %jit3A_68 : i32
      %rem3A_72 = arith.remsi %add3A_48, %select_n3A_71 : i32
      %ne3A_73 = arith.constant 0 : i32
      %ne3A_74 = arith.cmpi ne, %rem3A_72, %ne3A_73 : i32
      %lt3A_75 = arith.constant 0 : i32
      %lt3A_76 = arith.cmpi slt, %rem3A_72, %lt3A_75 : i32
      %lt3A_77 = arith.constant 0 : i32
      %lt3A_78 = arith.cmpi slt, %select_n3A_71, %lt3A_77 : i32
      %ne3A_79 = arith.xori %lt3A_76, %lt3A_78 : i1
      %and3A_80 = arith.andi %ne3A_79, %ne3A_74 : i1
      %add3A_81 = arith.addi %rem3A_72, %select_n3A_71 : i32
      %select_n3A_82 = arith.select %and3A_80, %add3A_81, %rem3A_72 : i32
      %mul3A_83 = arith.constant 16 : i32
      %mul3A_84 = arith.muli %select_n3A_82, %mul3A_83 : i32
      %swap3A = arith.index_cast %select_n3A_67 : i32 to index
      %swap3A_85 = arith.index_cast %mul3A_84 : i32 to index
      %swap3A_86 = tpu.vector_load %arg8[%swap3A, %swap3A_85] {strides = array<i32>} : memref<80x128xf32, #tpu.memory_space<vmem>>, vector<16xf32>,
      tpu.vector_store %arg8[%swap3A, %swap3A_85], %gather3A {strides = array<i32>} : memref<80x128xf32, #tpu.memory_space<vmem>>, vector<16xf32>,
    }
    %scan3A_41 = arith.constant 640 : i32
    %mul3A_42 = arith.constant 80 : i32
    %mul3A_43 = arith.muli %arg1, %mul3A_42 : i32
    "tpu.region"() ({
      %run_scoped3A = tpu.sem_alloc : memref<!tpu.dma_semaphore, #tpu.memory_space<semaphore_mem>>
      %dma_start3A = arith.constant 0 : i32
      %dma_start3A_44 = tpu.memref_slice %arg3[%arg0, %mul3A_43, %dma_start3A] : memref<2x1280x128xf32, #tpu.memory_space<hbm>> -> memref<1x80x128xf32, #tpu.memory_space<hbm>>
      %dma_start3A_45 = tpu.memref_squeeze %dma_start3A_44 : memref<1x80x128xf32, #tpu.memory_space<hbm>> -> memref<80x128xf32, #tpu.memory_space<hbm>>
      %dma_start3A_46 = arith.constant 0 : i32
      %dma_start3A_47 = tpu.memref_slice %arg3[%arg0, %mul3A_43, %dma_start3A_46] : memref<2x1280x128xf32, #tpu.memory_space<hbm>> -> memref<1x80x128xf32, #tpu.memory_space<hbm>>
      %dma_start3A_48 = tpu.memref_squeeze %dma_start3A_47 : memref<1x80x128xf32, #tpu.memory_space<hbm>> -> memref<80x128xf32, #tpu.memory_space<hbm>>
      tpu.enqueue_dma source(%arg8 : memref<80x128xf32, #tpu.memory_space<vmem>>) target(%dma_start3A_48 : memref<80x128xf32, #tpu.memory_space<hbm>>) target_semaphore(%run_scoped3A : memref<!tpu.dma_semaphore, #tpu.memory_space<semaphore_mem>>)
      %dma_wait3A = arith.constant 0 : i32
      %dma_wait3A_49 = tpu.memref_slice %arg3[%arg0, %mul3A_43, %dma_wait3A] : memref<2x1280x128xf32, #tpu.memory_space<hbm>> -> memref<1x80x128xf32, #tpu.memory_space<hbm>>
      %dma_wait3A_50 = tpu.memref_squeeze %dma_wait3A_49 : memref<1x80x128xf32, #tpu.memory_space<hbm>> -> memref<80x128xf32, #tpu.memory_space<hbm>>
      %dma_wait3A_51 = arith.constant 0 : i32
      %dma_wait3A_52 = tpu.memref_slice %arg3[%arg0, %mul3A_43, %dma_wait3A_51] : memref<2x1280x128xf32, #tpu.memory_space<hbm>> -> memref<1x80x128xf32, #tpu.memory_space<hbm>>
      %dma_wait3A_53 = tpu.memref_squeeze %dma_wait3A_52 : memref<1x80x128xf32, #tpu.memory_space<hbm>> -> memref<80x128xf32, #tpu.memory_space<hbm>>
      tpu.wait_dma2 semaphore(%run_scoped3A : memref<!tpu.dma_semaphore, #tpu.memory_space<semaphore_mem>>) src(%arg8 : memref<80x128xf32, #tpu.memory_space<vmem>>) dst(%dma_wait3A_53 : memref<80x128xf32, #tpu.memory_space<hbm>>)
      tpu.yield
    }) : () -> ()
    return
  }
}

#map = affine_map<(d0, d1) -> (0, 0)>
#map1 = affine_map<(d0, d1) -> (0, 0, 0)>
module attributes {stable_mosaic.version = 14 : i64} {
  func.func @_agg_body(%arg0: i32, %arg1: i32, %arg2: memref<10240x16xf32, #tpu.memory_space<hbm>>, %arg3: memref<2500x2x128xi32, #tpu.memory_space<hbm>>, %arg4: memref<2x10240x16xf32, #tpu.memory_space<hbm>>, %arg5: memref<80x128xi32, #tpu.memory_space<vmem>>, %arg6: memref<80x128xi32, #tpu.memory_space<vmem>>, %arg7: memref<8x128x16xf32, #tpu.memory_space<vmem>>, %arg8: memref<10240x16xf32, #tpu.memory_space<vmem_shared>>, %arg9: memref<8x!tpu.dma_semaphore, #tpu.memory_space<semaphore_mem>>, %arg10: memref<8x!tpu.dma_semaphore, #tpu.memory_space<semaphore_mem>>, %arg11: memref<!tpu.dma_semaphore, #tpu.memory_space<semaphore_mem>>) attributes {dimension_semantics = [#tpu.dimension_semantics<core_parallel>, #tpu.dimension_semantics<subcore_parallel>], iteration_bounds = array<i64: 2, 16>, scalar_prefetch = 0 : i64, scratch_operands = 7 : i64, tpu.core_type = #tpu.core_type<sc_vector_subcore>, window_params = [{transform_indices = #map}, {transform_indices = #map1}, {transform_indices = #map1}]} {
    %mul3A = arith.constant 16 : i32
    %mul3A_0 = arith.muli %arg0, %mul3A : i32
    %add3A = arith.addi %mul3A_0, %arg1 : i32
    %lt3A = arith.constant 4 : i32
    %lt3A_1 = arith.cmpi slt, %add3A, %lt3A : i32
    %jit3A = arith.constant 1 : i32
    %jit3A_2 = arith.constant 0 : i32
    %select_n3A = arith.select %lt3A_1, %jit3A, %jit3A_2 : i32
    %add3A_3 = arith.constant 78 : i32
    %add3A_4 = arith.addi %add3A_3, %select_n3A : i32
    %scan3A = arith.constant 0 : i32
    %scan3A_5 = arith.constant 80 : i32
    %scan3A_6 = arith.addi %scan3A, %scan3A_5 : i32
    %scan3A_7 = arith.constant 1 : i32
    scf.for %scan3A_154 = %scan3A to %scan3A_6 step %scan3A_7  : i32 {
      %mul3A_155 = arith.constant 1 : i32
      %mul3A_156 = arith.muli %scan3A_154, %mul3A_155 : i32
      %add3A_157 = arith.constant 0 : i32
      %add3A_158 = arith.addi %add3A_157, %mul3A_156 : i32
      %lt3A_159 = arith.cmpi slt, %add3A_158, %add3A_4 : i32
      %convert_element_type3A = arith.extui %lt3A_159 : i1 to i32
      %cond3A = arith.constant 0 : i32
      %cond3A_160 = arith.cmpi ne, %convert_element_type3A, %cond3A : i32
      scf.if %cond3A_160 {
        %mul3A_161 = arith.constant 32 : i32
        %mul3A_162 = arith.muli %add3A_158, %mul3A_161 : i32
        %add3A_163 = arith.addi %mul3A_162, %add3A : i32
        %dma_start3A_164 = arith.constant 0 : i32
        %dma_start3A_165 = arith.constant 0 : i32
        %dma_start3A_166 = tpu.memref_slice %arg5[%add3A_158, %dma_start3A_165] : memref<80x128xi32, #tpu.memory_space<vmem>> -> memref<1x128xi32, #tpu.memory_space<vmem>>
        %dma_start3A_167 = tpu.memref_squeeze %dma_start3A_166 : memref<1x128xi32, #tpu.memory_space<vmem>> -> memref<128xi32, #tpu.memory_space<vmem>>
        %dma_start3A_168 = arith.constant 0 : i32
        %dma_start3A_169 = tpu.memref_slice %arg3[%add3A_163, %dma_start3A_164, %dma_start3A_168] : memref<2500x2x128xi32, #tpu.memory_space<hbm>> -> memref<1x1x128xi32, #tpu.memory_space<hbm>>
        %dma_start3A_170 = tpu.memref_squeeze %dma_start3A_169 : memref<1x1x128xi32, #tpu.memory_space<hbm>> -> memref<128xi32, #tpu.memory_space<hbm>>
        %dma_start3A_171 = arith.constant 0 : i32
        %dma_start3A_172 = tpu.memref_slice %arg5[%add3A_158, %dma_start3A_171] : memref<80x128xi32, #tpu.memory_space<vmem>> -> memref<1x128xi32, #tpu.memory_space<vmem>>
        %dma_start3A_173 = tpu.memref_squeeze %dma_start3A_172 : memref<1x128xi32, #tpu.memory_space<vmem>> -> memref<128xi32, #tpu.memory_space<vmem>>
        %dma_start3A_174 = arith.constant 0 : i32
        %dma_start3A_175 = tpu.memref_slice %arg3[%add3A_163, %dma_start3A_164, %dma_start3A_174] : memref<2500x2x128xi32, #tpu.memory_space<hbm>> -> memref<1x1x128xi32, #tpu.memory_space<hbm>>
        %dma_start3A_176 = tpu.memref_squeeze %dma_start3A_175 : memref<1x1x128xi32, #tpu.memory_space<hbm>> -> memref<128xi32, #tpu.memory_space<hbm>>
        tpu.enqueue_dma source(%dma_start3A_176 : memref<128xi32, #tpu.memory_space<hbm>>) target(%dma_start3A_173 : memref<128xi32, #tpu.memory_space<vmem>>) target_semaphore(%arg11 : memref<!tpu.dma_semaphore, #tpu.memory_space<semaphore_mem>>)
        %mul3A_177 = arith.constant 32 : i32
        %mul3A_178 = arith.muli %add3A_158, %mul3A_177 : i32
        %add3A_179 = arith.addi %mul3A_178, %add3A : i32
        %dma_start3A_180 = arith.constant 1 : i32
        %dma_start3A_181 = arith.constant 0 : i32
        %dma_start3A_182 = tpu.memref_slice %arg6[%add3A_158, %dma_start3A_181] : memref<80x128xi32, #tpu.memory_space<vmem>> -> memref<1x128xi32, #tpu.memory_space<vmem>>
        %dma_start3A_183 = tpu.memref_squeeze %dma_start3A_182 : memref<1x128xi32, #tpu.memory_space<vmem>> -> memref<128xi32, #tpu.memory_space<vmem>>
        %dma_start3A_184 = arith.constant 0 : i32
        %dma_start3A_185 = tpu.memref_slice %arg3[%add3A_179, %dma_start3A_180, %dma_start3A_184] : memref<2500x2x128xi32, #tpu.memory_space<hbm>> -> memref<1x1x128xi32, #tpu.memory_space<hbm>>
        %dma_start3A_186 = tpu.memref_squeeze %dma_start3A_185 : memref<1x1x128xi32, #tpu.memory_space<hbm>> -> memref<128xi32, #tpu.memory_space<hbm>>
        %dma_start3A_187 = arith.constant 0 : i32
        %dma_start3A_188 = tpu.memref_slice %arg6[%add3A_158, %dma_start3A_187] : memref<80x128xi32, #tpu.memory_space<vmem>> -> memref<1x128xi32, #tpu.memory_space<vmem>>
        %dma_start3A_189 = tpu.memref_squeeze %dma_start3A_188 : memref<1x128xi32, #tpu.memory_space<vmem>> -> memref<128xi32, #tpu.memory_space<vmem>>
        %dma_start3A_190 = arith.constant 0 : i32
        %dma_start3A_191 = tpu.memref_slice %arg3[%add3A_179, %dma_start3A_180, %dma_start3A_190] : memref<2500x2x128xi32, #tpu.memory_space<hbm>> -> memref<1x1x128xi32, #tpu.memory_space<hbm>>
        %dma_start3A_192 = tpu.memref_squeeze %dma_start3A_191 : memref<1x1x128xi32, #tpu.memory_space<hbm>> -> memref<128xi32, #tpu.memory_space<hbm>>
        tpu.enqueue_dma source(%dma_start3A_192 : memref<128xi32, #tpu.memory_space<hbm>>) target(%dma_start3A_189 : memref<128xi32, #tpu.memory_space<vmem>>) target_semaphore(%arg11 : memref<!tpu.dma_semaphore, #tpu.memory_space<semaphore_mem>>)
      } else {
      }
    }
    %scan3A_8 = arith.constant 80 : i32
    %broadcast_in_dim3A = arith.constant 0.000000e+00 : f32
    %broadcast_in_dim3A_9 = vector.broadcast %broadcast_in_dim3A : f32 to vector<16xf32>
    %scan3A_10 = arith.constant 0 : i32
    %scan3A_11 = arith.constant 128 : i32
    %scan3A_12 = arith.addi %scan3A_10, %scan3A_11 : i32
    %scan3A_13 = arith.constant 1 : i32
    scf.for %scan3A_154 = %scan3A_10 to %scan3A_12 step %scan3A_13  : i32 {
      %mul3A_155 = arith.constant 1 : i32
      %mul3A_156 = arith.muli %scan3A_154, %mul3A_155 : i32
      %add3A_157 = arith.constant 0 : i32
      %add3A_158 = arith.addi %add3A_157, %mul3A_156 : i32
      %swap3A = arith.constant 0 : i32
      %swap3A_159 = arith.index_cast %swap3A : i32 to index
      %swap3A_160 = arith.index_cast %add3A_158 : i32 to index
      %swap3A_161 = arith.constant 0 : index
      %swap3A_162 = tpu.vector_load %arg7[%swap3A_159, %swap3A_160, %swap3A_161] {strides = array<i32>} : memref<8x128x16xf32, #tpu.memory_space<vmem>>, vector<1x1x16xf32>,
      %swap3A_163 = vector.shape_cast %swap3A_162 : vector<1x1x16xf32> to vector<16xf32>
      %swap3A_164 = vector.shape_cast %broadcast_in_dim3A_9 : vector<16xf32> to vector<1x1x16xf32>
      tpu.vector_store %arg7[%swap3A_159, %swap3A_160, %swap3A_161], %swap3A_164 {strides = array<i32>} : memref<8x128x16xf32, #tpu.memory_space<vmem>>, vector<1x1x16xf32>,
    }
    %scan3A_14 = arith.constant 128 : i32
    %scan3A_15 = arith.constant 0 : i32
    %scan3A_16 = arith.constant 5 : i32
    %scan3A_17 = arith.addi %scan3A_15, %scan3A_16 : i32
    %scan3A_18 = arith.constant 1 : i32
    scf.for %scan3A_154 = %scan3A_15 to %scan3A_17 step %scan3A_18  : i32 {
      %mul3A_155 = arith.constant 1 : i32
      %mul3A_156 = arith.muli %scan3A_154, %mul3A_155 : i32
      %add3A_157 = arith.constant 0 : i32
      %add3A_158 = arith.addi %add3A_157, %mul3A_156 : i32
      %mul3A_159 = arith.constant 640 : i32
      %mul3A_160 = arith.muli %arg1, %mul3A_159 : i32
      %mul3A_161 = arith.constant 128 : i32
      %mul3A_162 = arith.muli %add3A_158, %mul3A_161 : i32
      %add3A_163 = arith.addi %mul3A_160, %mul3A_162 : i32
      %run_scoped3A = arith.constant 0 : i32
      "tpu.region"() ({
        %run_scoped3A_164 = tpu.sem_alloc : memref<!tpu.dma_semaphore, #tpu.memory_space<semaphore_mem>>
        %dma_start3A_165 = arith.constant 0 : i32
        %dma_start3A_166 = arith.constant 0 : i32
        %dma_start3A_167 = tpu.memref_slice %arg7[%run_scoped3A, %dma_start3A_165, %dma_start3A_166] : memref<8x128x16xf32, #tpu.memory_space<vmem>> -> memref<1x128x16xf32, #tpu.memory_space<vmem>>
        %dma_start3A_168 = tpu.memref_squeeze %dma_start3A_167 : memref<1x128x16xf32, #tpu.memory_space<vmem>> -> memref<128x16xf32, #tpu.memory_space<vmem>>
        %dma_start3A_169 = arith.constant 0 : i32
        %dma_start3A_170 = tpu.memref_slice %arg8[%add3A_163, %dma_start3A_169] : memref<10240x16xf32, #tpu.memory_space<vmem_shared>> -> memref<128x16xf32, #tpu.memory_space<vmem_shared>>
        %dma_start3A_171 = arith.constant 0 : i32
        %dma_start3A_172 = tpu.memref_slice %arg8[%add3A_163, %dma_start3A_171] : memref<10240x16xf32, #tpu.memory_space<vmem_shared>> -> memref<128x16xf32, #tpu.memory_space<vmem_shared>>
        %dma_start3A_173 = arith.constant 0 : i32
        %dma_start3A_174 = arith.constant 0 : i32
        %dma_start3A_175 = tpu.memref_slice %arg7[%run_scoped3A, %dma_start3A_173, %dma_start3A_174] : memref<8x128x16xf32, #tpu.memory_space<vmem>> -> memref<1x128x16xf32, #tpu.memory_space<vmem>>
        %dma_start3A_176 = tpu.memref_squeeze %dma_start3A_175 : memref<1x128x16xf32, #tpu.memory_space<vmem>> -> memref<128x16xf32, #tpu.memory_space<vmem>>
        tpu.enqueue_dma source(%dma_start3A_176 : memref<128x16xf32, #tpu.memory_space<vmem>>) target(%dma_start3A_172 : memref<128x16xf32, #tpu.memory_space<vmem_shared>>) target_semaphore(%run_scoped3A_164 : memref<!tpu.dma_semaphore, #tpu.memory_space<semaphore_mem>>)
        %dma_wait3A = arith.constant 0 : i32
        %dma_wait3A_177 = arith.constant 0 : i32
        %dma_wait3A_178 = tpu.memref_slice %arg7[%run_scoped3A, %dma_wait3A, %dma_wait3A_177] : memref<8x128x16xf32, #tpu.memory_space<vmem>> -> memref<1x128x16xf32, #tpu.memory_space<vmem>>
        %dma_wait3A_179 = tpu.memref_squeeze %dma_wait3A_178 : memref<1x128x16xf32, #tpu.memory_space<vmem>> -> memref<128x16xf32, #tpu.memory_space<vmem>>
        %dma_wait3A_180 = arith.constant 0 : i32
        %dma_wait3A_181 = tpu.memref_slice %arg8[%add3A_163, %dma_wait3A_180] : memref<10240x16xf32, #tpu.memory_space<vmem_shared>> -> memref<128x16xf32, #tpu.memory_space<vmem_shared>>
        %dma_wait3A_182 = arith.constant 0 : i32
        %dma_wait3A_183 = tpu.memref_slice %arg8[%add3A_163, %dma_wait3A_182] : memref<10240x16xf32, #tpu.memory_space<vmem_shared>> -> memref<128x16xf32, #tpu.memory_space<vmem_shared>>
        %dma_wait3A_184 = arith.constant 0 : i32
        %dma_wait3A_185 = arith.constant 0 : i32
        %dma_wait3A_186 = tpu.memref_slice %arg7[%run_scoped3A, %dma_wait3A_184, %dma_wait3A_185] : memref<8x128x16xf32, #tpu.memory_space<vmem>> -> memref<1x128x16xf32, #tpu.memory_space<vmem>>
        %dma_wait3A_187 = tpu.memref_squeeze %dma_wait3A_186 : memref<1x128x16xf32, #tpu.memory_space<vmem>> -> memref<128x16xf32, #tpu.memory_space<vmem>>
        tpu.wait_dma2 semaphore(%run_scoped3A_164 : memref<!tpu.dma_semaphore, #tpu.memory_space<semaphore_mem>>) src(%dma_wait3A_187 : memref<128x16xf32, #tpu.memory_space<vmem>>) dst(%dma_wait3A_183 : memref<128x16xf32, #tpu.memory_space<vmem_shared>>)
        tpu.yield
      }) : () -> ()
    }
    %scan3A_19 = arith.constant 5 : i32
    %scan3A_20 = arith.constant 0 : i32
    %scan3A_21 = arith.constant 80 : i32
    %scan3A_22 = arith.addi %scan3A_20, %scan3A_21 : i32
    %scan3A_23 = arith.constant 1 : i32
    scf.for %scan3A_154 = %scan3A_20 to %scan3A_22 step %scan3A_23  : i32 {
      %mul3A_155 = arith.constant 1 : i32
      %mul3A_156 = arith.muli %scan3A_154, %mul3A_155 : i32
      %add3A_157 = arith.constant 0 : i32
      %add3A_158 = arith.addi %add3A_157, %mul3A_156 : i32
      %lt3A_159 = arith.cmpi slt, %add3A_158, %add3A_4 : i32
      %convert_element_type3A = arith.extui %lt3A_159 : i1 to i32
      %cond3A = arith.constant 0 : i32
      %cond3A_160 = arith.cmpi ne, %convert_element_type3A, %cond3A : i32
      scf.if %cond3A_160 {
        %mul3A_161 = arith.constant 32 : i32
        %mul3A_162 = arith.muli %add3A_158, %mul3A_161 : i32
        %add3A_163 = arith.addi %mul3A_162, %add3A : i32
        %dma_wait3A = arith.constant 0 : i32
        %dma_wait3A_164 = arith.constant 0 : i32
        %dma_wait3A_165 = tpu.memref_slice %arg5[%add3A_158, %dma_wait3A_164] : memref<80x128xi32, #tpu.memory_space<vmem>> -> memref<1x128xi32, #tpu.memory_space<vmem>>
        %dma_wait3A_166 = tpu.memref_squeeze %dma_wait3A_165 : memref<1x128xi32, #tpu.memory_space<vmem>> -> memref<128xi32, #tpu.memory_space<vmem>>
        %dma_wait3A_167 = arith.constant 0 : i32
        %dma_wait3A_168 = tpu.memref_slice %arg3[%add3A_163, %dma_wait3A, %dma_wait3A_167] : memref<2500x2x128xi32, #tpu.memory_space<hbm>> -> memref<1x1x128xi32, #tpu.memory_space<hbm>>
        %dma_wait3A_169 = tpu.memref_squeeze %dma_wait3A_168 : memref<1x1x128xi32, #tpu.memory_space<hbm>> -> memref<128xi32, #tpu.memory_space<hbm>>
        %dma_wait3A_170 = arith.constant 0 : i32
        %dma_wait3A_171 = tpu.memref_slice %arg5[%add3A_158, %dma_wait3A_170] : memref<80x128xi32, #tpu.memory_space<vmem>> -> memref<1x128xi32, #tpu.memory_space<vmem>>
        %dma_wait3A_172 = tpu.memref_squeeze %dma_wait3A_171 : memref<1x128xi32, #tpu.memory_space<vmem>> -> memref<128xi32, #tpu.memory_space<vmem>>
        %dma_wait3A_173 = arith.constant 0 : i32
        %dma_wait3A_174 = tpu.memref_slice %arg3[%add3A_163, %dma_wait3A, %dma_wait3A_173] : memref<2500x2x128xi32, #tpu.memory_space<hbm>> -> memref<1x1x128xi32, #tpu.memory_space<hbm>>
        %dma_wait3A_175 = tpu.memref_squeeze %dma_wait3A_174 : memref<1x1x128xi32, #tpu.memory_space<hbm>> -> memref<128xi32, #tpu.memory_space<hbm>>
        tpu.wait_dma2 semaphore(%arg11 : memref<!tpu.dma_semaphore, #tpu.memory_space<semaphore_mem>>) src(%dma_wait3A_175 : memref<128xi32, #tpu.memory_space<hbm>>) dst(%dma_wait3A_172 : memref<128xi32, #tpu.memory_space<vmem>>)
        %mul3A_176 = arith.constant 32 : i32
        %mul3A_177 = arith.muli %add3A_158, %mul3A_176 : i32
        %add3A_178 = arith.addi %mul3A_177, %add3A : i32
        %dma_wait3A_179 = arith.constant 1 : i32
        %dma_wait3A_180 = arith.constant 0 : i32
        %dma_wait3A_181 = tpu.memref_slice %arg6[%add3A_158, %dma_wait3A_180] : memref<80x128xi32, #tpu.memory_space<vmem>> -> memref<1x128xi32, #tpu.memory_space<vmem>>
        %dma_wait3A_182 = tpu.memref_squeeze %dma_wait3A_181 : memref<1x128xi32, #tpu.memory_space<vmem>> -> memref<128xi32, #tpu.memory_space<vmem>>
        %dma_wait3A_183 = arith.constant 0 : i32
        %dma_wait3A_184 = tpu.memref_slice %arg3[%add3A_178, %dma_wait3A_179, %dma_wait3A_183] : memref<2500x2x128xi32, #tpu.memory_space<hbm>> -> memref<1x1x128xi32, #tpu.memory_space<hbm>>
        %dma_wait3A_185 = tpu.memref_squeeze %dma_wait3A_184 : memref<1x1x128xi32, #tpu.memory_space<hbm>> -> memref<128xi32, #tpu.memory_space<hbm>>
        %dma_wait3A_186 = arith.constant 0 : i32
        %dma_wait3A_187 = tpu.memref_slice %arg6[%add3A_158, %dma_wait3A_186] : memref<80x128xi32, #tpu.memory_space<vmem>> -> memref<1x128xi32, #tpu.memory_space<vmem>>
        %dma_wait3A_188 = tpu.memref_squeeze %dma_wait3A_187 : memref<1x128xi32, #tpu.memory_space<vmem>> -> memref<128xi32, #tpu.memory_space<vmem>>
        %dma_wait3A_189 = arith.constant 0 : i32
        %dma_wait3A_190 = tpu.memref_slice %arg3[%add3A_178, %dma_wait3A_179, %dma_wait3A_189] : memref<2500x2x128xi32, #tpu.memory_space<hbm>> -> memref<1x1x128xi32, #tpu.memory_space<hbm>>
        %dma_wait3A_191 = tpu.memref_squeeze %dma_wait3A_190 : memref<1x1x128xi32, #tpu.memory_space<hbm>> -> memref<128xi32, #tpu.memory_space<hbm>>
        tpu.wait_dma2 semaphore(%arg11 : memref<!tpu.dma_semaphore, #tpu.memory_space<semaphore_mem>>) src(%dma_wait3A_191 : memref<128xi32, #tpu.memory_space<hbm>>) dst(%dma_wait3A_188 : memref<128xi32, #tpu.memory_space<vmem>>)
      } else {
      }
    }
    %scan3A_24 = arith.constant 80 : i32
    %barrier3A = arith.constant 0 : index
    tpu.barrier barrier_id(%barrier3A)
    %dma_start3A = arith.constant 0 : i32
    %dma_start3A_25 = arith.constant 0 : i32
    %dma_start3A_26 = arith.constant 0 : i32
    %dma_start3A_27 = arith.constant 0 : i32
    %dma_start3A_28 = arith.constant 0 : i32
    %dma_start3A_29 = tpu.memref_slice %arg7[%dma_start3A_25, %dma_start3A_27, %dma_start3A_28] : memref<8x128x16xf32, #tpu.memory_space<vmem>> -> memref<1x128x16xf32, #tpu.memory_space<vmem>>
    %dma_start3A_30 = tpu.memref_squeeze %dma_start3A_29 : memref<1x128x16xf32, #tpu.memory_space<vmem>> -> memref<128x16xf32, #tpu.memory_space<vmem>>
    %dma_start3A_31 = arith.constant 0 : i32
    %dma_start3A_32 = tpu.memref_slice %arg5[%dma_start3A, %dma_start3A_31] : memref<80x128xi32, #tpu.memory_space<vmem>> -> memref<1x128xi32, #tpu.memory_space<vmem>>
    %dma_start3A_33 = tpu.memref_squeeze %dma_start3A_32 : memref<1x128xi32, #tpu.memory_space<vmem>> -> memref<128xi32, #tpu.memory_space<vmem>>
    %dma_start3A_34 = arith.constant 0 : i32
    %dma_start3A_35 = arith.constant 0 : i32
    %dma_start3A_36 = tpu.memref_slice %arg2[%dma_start3A_34, %dma_start3A_35] : memref<10240x16xf32, #tpu.memory_space<hbm>> -> memref<10240x16xf32, #tpu.memory_space<hbm>>
    %dma_start3A_37 = tpu.memref_slice %arg9[%dma_start3A_26] : memref<8x!tpu.dma_semaphore, #tpu.memory_space<semaphore_mem>> -> memref<1x!tpu.dma_semaphore, #tpu.memory_space<semaphore_mem>>
    %dma_start3A_38 = tpu.memref_squeeze %dma_start3A_37 : memref<1x!tpu.dma_semaphore, #tpu.memory_space<semaphore_mem>> -> memref<!tpu.dma_semaphore, #tpu.memory_space<semaphore_mem>>
    tpu.enqueue_indirect_dma source(%dma_start3A_36 : memref<10240x16xf32, #tpu.memory_space<hbm>>) target(%dma_start3A_30 : memref<128x16xf32, #tpu.memory_space<vmem>>) offsets(%dma_start3A_33 : memref<128xi32, #tpu.memory_space<vmem>>) semaphore(%dma_start3A_38 : memref<!tpu.dma_semaphore, #tpu.memory_space<semaphore_mem>>)
    %dma_start3A_39 = arith.constant 1 : i32
    %dma_start3A_40 = arith.constant 1 : i32
    %dma_start3A_41 = arith.constant 1 : i32
    %dma_start3A_42 = arith.constant 0 : i32
    %dma_start3A_43 = arith.constant 0 : i32
    %dma_start3A_44 = tpu.memref_slice %arg7[%dma_start3A_40, %dma_start3A_42, %dma_start3A_43] : memref<8x128x16xf32, #tpu.memory_space<vmem>> -> memref<1x128x16xf32, #tpu.memory_space<vmem>>
    %dma_start3A_45 = tpu.memref_squeeze %dma_start3A_44 : memref<1x128x16xf32, #tpu.memory_space<vmem>> -> memref<128x16xf32, #tpu.memory_space<vmem>>
    %dma_start3A_46 = arith.constant 0 : i32
    %dma_start3A_47 = tpu.memref_slice %arg5[%dma_start3A_39, %dma_start3A_46] : memref<80x128xi32, #tpu.memory_space<vmem>> -> memref<1x128xi32, #tpu.memory_space<vmem>>
    %dma_start3A_48 = tpu.memref_squeeze %dma_start3A_47 : memref<1x128xi32, #tpu.memory_space<vmem>> -> memref<128xi32, #tpu.memory_space<vmem>>
    %dma_start3A_49 = arith.constant 0 : i32
    %dma_start3A_50 = arith.constant 0 : i32
    %dma_start3A_51 = tpu.memref_slice %arg2[%dma_start3A_49, %dma_start3A_50] : memref<10240x16xf32, #tpu.memory_space<hbm>> -> memref<10240x16xf32, #tpu.memory_space<hbm>>
    %dma_start3A_52 = tpu.memref_slice %arg9[%dma_start3A_41] : memref<8x!tpu.dma_semaphore, #tpu.memory_space<semaphore_mem>> -> memref<1x!tpu.dma_semaphore, #tpu.memory_space<semaphore_mem>>
    %dma_start3A_53 = tpu.memref_squeeze %dma_start3A_52 : memref<1x!tpu.dma_semaphore, #tpu.memory_space<semaphore_mem>> -> memref<!tpu.dma_semaphore, #tpu.memory_space<semaphore_mem>>
    tpu.enqueue_indirect_dma source(%dma_start3A_51 : memref<10240x16xf32, #tpu.memory_space<hbm>>) target(%dma_start3A_45 : memref<128x16xf32, #tpu.memory_space<vmem>>) offsets(%dma_start3A_48 : memref<128xi32, #tpu.memory_space<vmem>>) semaphore(%dma_start3A_53 : memref<!tpu.dma_semaphore, #tpu.memory_space<semaphore_mem>>)
    %dma_start3A_54 = arith.constant 2 : i32
    %dma_start3A_55 = arith.constant 2 : i32
    %dma_start3A_56 = arith.constant 2 : i32
    %dma_start3A_57 = arith.constant 0 : i32
    %dma_start3A_58 = arith.constant 0 : i32
    %dma_start3A_59 = tpu.memref_slice %arg7[%dma_start3A_55, %dma_start3A_57, %dma_start3A_58] : memref<8x128x16xf32, #tpu.memory_space<vmem>> -> memref<1x128x16xf32, #tpu.memory_space<vmem>>
    %dma_start3A_60 = tpu.memref_squeeze %dma_start3A_59 : memref<1x128x16xf32, #tpu.memory_space<vmem>> -> memref<128x16xf32, #tpu.memory_space<vmem>>
    %dma_start3A_61 = arith.constant 0 : i32
    %dma_start3A_62 = tpu.memref_slice %arg5[%dma_start3A_54, %dma_start3A_61] : memref<80x128xi32, #tpu.memory_space<vmem>> -> memref<1x128xi32, #tpu.memory_space<vmem>>
    %dma_start3A_63 = tpu.memref_squeeze %dma_start3A_62 : memref<1x128xi32, #tpu.memory_space<vmem>> -> memref<128xi32, #tpu.memory_space<vmem>>
    %dma_start3A_64 = arith.constant 0 : i32
    %dma_start3A_65 = arith.constant 0 : i32
    %dma_start3A_66 = tpu.memref_slice %arg2[%dma_start3A_64, %dma_start3A_65] : memref<10240x16xf32, #tpu.memory_space<hbm>> -> memref<10240x16xf32, #tpu.memory_space<hbm>>
    %dma_start3A_67 = tpu.memref_slice %arg9[%dma_start3A_56] : memref<8x!tpu.dma_semaphore, #tpu.memory_space<semaphore_mem>> -> memref<1x!tpu.dma_semaphore, #tpu.memory_space<semaphore_mem>>
    %dma_start3A_68 = tpu.memref_squeeze %dma_start3A_67 : memref<1x!tpu.dma_semaphore, #tpu.memory_space<semaphore_mem>> -> memref<!tpu.dma_semaphore, #tpu.memory_space<semaphore_mem>>
    tpu.enqueue_indirect_dma source(%dma_start3A_66 : memref<10240x16xf32, #tpu.memory_space<hbm>>) target(%dma_start3A_60 : memref<128x16xf32, #tpu.memory_space<vmem>>) offsets(%dma_start3A_63 : memref<128xi32, #tpu.memory_space<vmem>>) semaphore(%dma_start3A_68 : memref<!tpu.dma_semaphore, #tpu.memory_space<semaphore_mem>>)
    %dma_start3A_69 = arith.constant 3 : i32
    %dma_start3A_70 = arith.constant 3 : i32
    %dma_start3A_71 = arith.constant 3 : i32
    %dma_start3A_72 = arith.constant 0 : i32
    %dma_start3A_73 = arith.constant 0 : i32
    %dma_start3A_74 = tpu.memref_slice %arg7[%dma_start3A_70, %dma_start3A_72, %dma_start3A_73] : memref<8x128x16xf32, #tpu.memory_space<vmem>> -> memref<1x128x16xf32, #tpu.memory_space<vmem>>
    %dma_start3A_75 = tpu.memref_squeeze %dma_start3A_74 : memref<1x128x16xf32, #tpu.memory_space<vmem>> -> memref<128x16xf32, #tpu.memory_space<vmem>>
    %dma_start3A_76 = arith.constant 0 : i32
    %dma_start3A_77 = tpu.memref_slice %arg5[%dma_start3A_69, %dma_start3A_76] : memref<80x128xi32, #tpu.memory_space<vmem>> -> memref<1x128xi32, #tpu.memory_space<vmem>>
    %dma_start3A_78 = tpu.memref_squeeze %dma_start3A_77 : memref<1x128xi32, #tpu.memory_space<vmem>> -> memref<128xi32, #tpu.memory_space<vmem>>
    %dma_start3A_79 = arith.constant 0 : i32
    %dma_start3A_80 = arith.constant 0 : i32
    %dma_start3A_81 = tpu.memref_slice %arg2[%dma_start3A_79, %dma_start3A_80] : memref<10240x16xf32, #tpu.memory_space<hbm>> -> memref<10240x16xf32, #tpu.memory_space<hbm>>
    %dma_start3A_82 = tpu.memref_slice %arg9[%dma_start3A_71] : memref<8x!tpu.dma_semaphore, #tpu.memory_space<semaphore_mem>> -> memref<1x!tpu.dma_semaphore, #tpu.memory_space<semaphore_mem>>
    %dma_start3A_83 = tpu.memref_squeeze %dma_start3A_82 : memref<1x!tpu.dma_semaphore, #tpu.memory_space<semaphore_mem>> -> memref<!tpu.dma_semaphore, #tpu.memory_space<semaphore_mem>>
    tpu.enqueue_indirect_dma source(%dma_start3A_81 : memref<10240x16xf32, #tpu.memory_space<hbm>>) target(%dma_start3A_75 : memref<128x16xf32, #tpu.memory_space<vmem>>) offsets(%dma_start3A_78 : memref<128xi32, #tpu.memory_space<vmem>>) semaphore(%dma_start3A_83 : memref<!tpu.dma_semaphore, #tpu.memory_space<semaphore_mem>>)
    %dma_start3A_84 = arith.constant 4 : i32
    %dma_start3A_85 = arith.constant 4 : i32
    %dma_start3A_86 = arith.constant 4 : i32
    %dma_start3A_87 = arith.constant 0 : i32
    %dma_start3A_88 = arith.constant 0 : i32
    %dma_start3A_89 = tpu.memref_slice %arg7[%dma_start3A_85, %dma_start3A_87, %dma_start3A_88] : memref<8x128x16xf32, #tpu.memory_space<vmem>> -> memref<1x128x16xf32, #tpu.memory_space<vmem>>
    %dma_start3A_90 = tpu.memref_squeeze %dma_start3A_89 : memref<1x128x16xf32, #tpu.memory_space<vmem>> -> memref<128x16xf32, #tpu.memory_space<vmem>>
    %dma_start3A_91 = arith.constant 0 : i32
    %dma_start3A_92 = tpu.memref_slice %arg5[%dma_start3A_84, %dma_start3A_91] : memref<80x128xi32, #tpu.memory_space<vmem>> -> memref<1x128xi32, #tpu.memory_space<vmem>>
    %dma_start3A_93 = tpu.memref_squeeze %dma_start3A_92 : memref<1x128xi32, #tpu.memory_space<vmem>> -> memref<128xi32, #tpu.memory_space<vmem>>
    %dma_start3A_94 = arith.constant 0 : i32
    %dma_start3A_95 = arith.constant 0 : i32
    %dma_start3A_96 = tpu.memref_slice %arg2[%dma_start3A_94, %dma_start3A_95] : memref<10240x16xf32, #tpu.memory_space<hbm>> -> memref<10240x16xf32, #tpu.memory_space<hbm>>
    %dma_start3A_97 = tpu.memref_slice %arg9[%dma_start3A_86] : memref<8x!tpu.dma_semaphore, #tpu.memory_space<semaphore_mem>> -> memref<1x!tpu.dma_semaphore, #tpu.memory_space<semaphore_mem>>
    %dma_start3A_98 = tpu.memref_squeeze %dma_start3A_97 : memref<1x!tpu.dma_semaphore, #tpu.memory_space<semaphore_mem>> -> memref<!tpu.dma_semaphore, #tpu.memory_space<semaphore_mem>>
    tpu.enqueue_indirect_dma source(%dma_start3A_96 : memref<10240x16xf32, #tpu.memory_space<hbm>>) target(%dma_start3A_90 : memref<128x16xf32, #tpu.memory_space<vmem>>) offsets(%dma_start3A_93 : memref<128xi32, #tpu.memory_space<vmem>>) semaphore(%dma_start3A_98 : memref<!tpu.dma_semaphore, #tpu.memory_space<semaphore_mem>>)
    %dma_start3A_99 = arith.constant 5 : i32
    %dma_start3A_100 = arith.constant 5 : i32
    %dma_start3A_101 = arith.constant 5 : i32
    %dma_start3A_102 = arith.constant 0 : i32
    %dma_start3A_103 = arith.constant 0 : i32
    %dma_start3A_104 = tpu.memref_slice %arg7[%dma_start3A_100, %dma_start3A_102, %dma_start3A_103] : memref<8x128x16xf32, #tpu.memory_space<vmem>> -> memref<1x128x16xf32, #tpu.memory_space<vmem>>
    %dma_start3A_105 = tpu.memref_squeeze %dma_start3A_104 : memref<1x128x16xf32, #tpu.memory_space<vmem>> -> memref<128x16xf32, #tpu.memory_space<vmem>>
    %dma_start3A_106 = arith.constant 0 : i32
    %dma_start3A_107 = tpu.memref_slice %arg5[%dma_start3A_99, %dma_start3A_106] : memref<80x128xi32, #tpu.memory_space<vmem>> -> memref<1x128xi32, #tpu.memory_space<vmem>>
    %dma_start3A_108 = tpu.memref_squeeze %dma_start3A_107 : memref<1x128xi32, #tpu.memory_space<vmem>> -> memref<128xi32, #tpu.memory_space<vmem>>
    %dma_start3A_109 = arith.constant 0 : i32
    %dma_start3A_110 = arith.constant 0 : i32
    %dma_start3A_111 = tpu.memref_slice %arg2[%dma_start3A_109, %dma_start3A_110] : memref<10240x16xf32, #tpu.memory_space<hbm>> -> memref<10240x16xf32, #tpu.memory_space<hbm>>
    %dma_start3A_112 = tpu.memref_slice %arg9[%dma_start3A_101] : memref<8x!tpu.dma_semaphore, #tpu.memory_space<semaphore_mem>> -> memref<1x!tpu.dma_semaphore, #tpu.memory_space<semaphore_mem>>
    %dma_start3A_113 = tpu.memref_squeeze %dma_start3A_112 : memref<1x!tpu.dma_semaphore, #tpu.memory_space<semaphore_mem>> -> memref<!tpu.dma_semaphore, #tpu.memory_space<semaphore_mem>>
    tpu.enqueue_indirect_dma source(%dma_start3A_111 : memref<10240x16xf32, #tpu.memory_space<hbm>>) target(%dma_start3A_105 : memref<128x16xf32, #tpu.memory_space<vmem>>) offsets(%dma_start3A_108 : memref<128xi32, #tpu.memory_space<vmem>>) semaphore(%dma_start3A_113 : memref<!tpu.dma_semaphore, #tpu.memory_space<semaphore_mem>>)
    %dma_start3A_114 = arith.constant 6 : i32
    %dma_start3A_115 = arith.constant 6 : i32
    %dma_start3A_116 = arith.constant 6 : i32
    %dma_start3A_117 = arith.constant 0 : i32
    %dma_start3A_118 = arith.constant 0 : i32
    %dma_start3A_119 = tpu.memref_slice %arg7[%dma_start3A_115, %dma_start3A_117, %dma_start3A_118] : memref<8x128x16xf32, #tpu.memory_space<vmem>> -> memref<1x128x16xf32, #tpu.memory_space<vmem>>
    %dma_start3A_120 = tpu.memref_squeeze %dma_start3A_119 : memref<1x128x16xf32, #tpu.memory_space<vmem>> -> memref<128x16xf32, #tpu.memory_space<vmem>>
    %dma_start3A_121 = arith.constant 0 : i32
    %dma_start3A_122 = tpu.memref_slice %arg5[%dma_start3A_114, %dma_start3A_121] : memref<80x128xi32, #tpu.memory_space<vmem>> -> memref<1x128xi32, #tpu.memory_space<vmem>>
    %dma_start3A_123 = tpu.memref_squeeze %dma_start3A_122 : memref<1x128xi32, #tpu.memory_space<vmem>> -> memref<128xi32, #tpu.memory_space<vmem>>
    %dma_start3A_124 = arith.constant 0 : i32
    %dma_start3A_125 = arith.constant 0 : i32
    %dma_start3A_126 = tpu.memref_slice %arg2[%dma_start3A_124, %dma_start3A_125] : memref<10240x16xf32, #tpu.memory_space<hbm>> -> memref<10240x16xf32, #tpu.memory_space<hbm>>
    %dma_start3A_127 = tpu.memref_slice %arg9[%dma_start3A_116] : memref<8x!tpu.dma_semaphore, #tpu.memory_space<semaphore_mem>> -> memref<1x!tpu.dma_semaphore, #tpu.memory_space<semaphore_mem>>
    %dma_start3A_128 = tpu.memref_squeeze %dma_start3A_127 : memref<1x!tpu.dma_semaphore, #tpu.memory_space<semaphore_mem>> -> memref<!tpu.dma_semaphore, #tpu.memory_space<semaphore_mem>>
    tpu.enqueue_indirect_dma source(%dma_start3A_126 : memref<10240x16xf32, #tpu.memory_space<hbm>>) target(%dma_start3A_120 : memref<128x16xf32, #tpu.memory_space<vmem>>) offsets(%dma_start3A_123 : memref<128xi32, #tpu.memory_space<vmem>>) semaphore(%dma_start3A_128 : memref<!tpu.dma_semaphore, #tpu.memory_space<semaphore_mem>>)
    %dma_start3A_129 = arith.constant 7 : i32
    %dma_start3A_130 = arith.constant 7 : i32
    %dma_start3A_131 = arith.constant 7 : i32
    %dma_start3A_132 = arith.constant 0 : i32
    %dma_start3A_133 = arith.constant 0 : i32
    %dma_start3A_134 = tpu.memref_slice %arg7[%dma_start3A_130, %dma_start3A_132, %dma_start3A_133] : memref<8x128x16xf32, #tpu.memory_space<vmem>> -> memref<1x128x16xf32, #tpu.memory_space<vmem>>
    %dma_start3A_135 = tpu.memref_squeeze %dma_start3A_134 : memref<1x128x16xf32, #tpu.memory_space<vmem>> -> memref<128x16xf32, #tpu.memory_space<vmem>>
    %dma_start3A_136 = arith.constant 0 : i32
    %dma_start3A_137 = tpu.memref_slice %arg5[%dma_start3A_129, %dma_start3A_136] : memref<80x128xi32, #tpu.memory_space<vmem>> -> memref<1x128xi32, #tpu.memory_space<vmem>>
    %dma_start3A_138 = tpu.memref_squeeze %dma_start3A_137 : memref<1x128xi32, #tpu.memory_space<vmem>> -> memref<128xi32, #tpu.memory_space<vmem>>
    %dma_start3A_139 = arith.constant 0 : i32
    %dma_start3A_140 = arith.constant 0 : i32
    %dma_start3A_141 = tpu.memref_slice %arg2[%dma_start3A_139, %dma_start3A_140] : memref<10240x16xf32, #tpu.memory_space<hbm>> -> memref<10240x16xf32, #tpu.memory_space<hbm>>
    %dma_start3A_142 = tpu.memref_slice %arg9[%dma_start3A_131] : memref<8x!tpu.dma_semaphore, #tpu.memory_space<semaphore_mem>> -> memref<1x!tpu.dma_semaphore, #tpu.memory_space<semaphore_mem>>
    %dma_start3A_143 = tpu.memref_squeeze %dma_start3A_142 : memref<1x!tpu.dma_semaphore, #tpu.memory_space<semaphore_mem>> -> memref<!tpu.dma_semaphore, #tpu.memory_space<semaphore_mem>>
    tpu.enqueue_indirect_dma source(%dma_start3A_141 : memref<10240x16xf32, #tpu.memory_space<hbm>>) target(%dma_start3A_135 : memref<128x16xf32, #tpu.memory_space<vmem>>) offsets(%dma_start3A_138 : memref<128xi32, #tpu.memory_space<vmem>>) semaphore(%dma_start3A_143 : memref<!tpu.dma_semaphore, #tpu.memory_space<semaphore_mem>>)
    %scan3A_144 = arith.constant 0 : i32
    %scan3A_145 = arith.constant 10 : i32
    %scan3A_146 = arith.addi %scan3A_144, %scan3A_145 : i32
    %scan3A_147 = arith.constant 1 : i32
    scf.for %scan3A_154 = %scan3A_144 to %scan3A_146 step %scan3A_147  : i32 {
      %mul3A_155 = arith.constant 8 : i32
      %mul3A_156 = arith.muli %scan3A_154, %mul3A_155 : i32
      %add3A_157 = arith.constant 0 : i32
      %add3A_158 = arith.addi %add3A_157, %mul3A_156 : i32
      %add3A_159 = arith.constant 0 : i32
      %add3A_160 = arith.addi %add3A_158, %add3A_159 : i32
      %lt3A_161 = arith.cmpi slt, %add3A_160, %add3A_4 : i32
      %convert_element_type3A = arith.extui %lt3A_161 : i1 to i32
      %cond3A = arith.constant 0 : i32
      %cond3A_162 = arith.cmpi ne, %convert_element_type3A, %cond3A : i32
      scf.if %cond3A_162 {
        %dma_wait3A = arith.constant 0 : i32
        %dma_wait3A_301 = arith.constant 0 : i32
        %dma_wait3A_302 = arith.constant 0 : i32
        %dma_wait3A_303 = arith.constant 0 : i32
        %dma_wait3A_304 = tpu.memref_slice %arg7[%dma_wait3A, %dma_wait3A_302, %dma_wait3A_303] : memref<8x128x16xf32, #tpu.memory_space<vmem>> -> memref<1x128x16xf32, #tpu.memory_space<vmem>>
        %dma_wait3A_305 = tpu.memref_squeeze %dma_wait3A_304 : memref<1x128x16xf32, #tpu.memory_space<vmem>> -> memref<128x16xf32, #tpu.memory_space<vmem>>
        %dma_wait3A_306 = arith.constant 0 : i32
        %dma_wait3A_307 = tpu.memref_slice %arg5[%add3A_160, %dma_wait3A_306] : memref<80x128xi32, #tpu.memory_space<vmem>> -> memref<1x128xi32, #tpu.memory_space<vmem>>
        %dma_wait3A_308 = tpu.memref_squeeze %dma_wait3A_307 : memref<1x128xi32, #tpu.memory_space<vmem>> -> memref<128xi32, #tpu.memory_space<vmem>>
        %dma_wait3A_309 = arith.constant 0 : i32
        %dma_wait3A_310 = arith.constant 0 : i32
        %dma_wait3A_311 = tpu.memref_slice %arg2[%dma_wait3A_309, %dma_wait3A_310] : memref<10240x16xf32, #tpu.memory_space<hbm>> -> memref<10240x16xf32, #tpu.memory_space<hbm>>
        %dma_wait3A_312 = tpu.memref_slice %arg9[%dma_wait3A_301] : memref<8x!tpu.dma_semaphore, #tpu.memory_space<semaphore_mem>> -> memref<1x!tpu.dma_semaphore, #tpu.memory_space<semaphore_mem>>
        %dma_wait3A_313 = tpu.memref_squeeze %dma_wait3A_312 : memref<1x!tpu.dma_semaphore, #tpu.memory_space<semaphore_mem>> -> memref<!tpu.dma_semaphore, #tpu.memory_space<semaphore_mem>>
        tpu.wait_indirect_dma semaphore(%dma_wait3A_313 : memref<!tpu.dma_semaphore, #tpu.memory_space<semaphore_mem>>) src(%dma_wait3A_311 : memref<10240x16xf32, #tpu.memory_space<hbm>>) dst(%dma_wait3A_305 : memref<128x16xf32, #tpu.memory_space<vmem>>)
        %dma_start3A_314 = arith.constant 0 : i32
        %dma_start3A_315 = arith.constant 0 : i32
        %dma_start3A_316 = arith.constant 0 : i32
        %dma_start3A_317 = arith.constant 0 : i32
        %dma_start3A_318 = tpu.memref_slice %arg7[%dma_start3A_314, %dma_start3A_316, %dma_start3A_317] : memref<8x128x16xf32, #tpu.memory_space<vmem>> -> memref<1x128x16xf32, #tpu.memory_space<vmem>>
        %dma_start3A_319 = tpu.memref_squeeze %dma_start3A_318 : memref<1x128x16xf32, #tpu.memory_space<vmem>> -> memref<128x16xf32, #tpu.memory_space<vmem>>
        %dma_start3A_320 = arith.constant 0 : i32
        %dma_start3A_321 = tpu.memref_slice %arg6[%add3A_160, %dma_start3A_320] : memref<80x128xi32, #tpu.memory_space<vmem>> -> memref<1x128xi32, #tpu.memory_space<vmem>>
        %dma_start3A_322 = tpu.memref_squeeze %dma_start3A_321 : memref<1x128xi32, #tpu.memory_space<vmem>> -> memref<128xi32, #tpu.memory_space<vmem>>
        %dma_start3A_323 = arith.constant 0 : i32
        %dma_start3A_324 = arith.constant 0 : i32
        %dma_start3A_325 = tpu.memref_slice %arg8[%dma_start3A_323, %dma_start3A_324] : memref<10240x16xf32, #tpu.memory_space<vmem_shared>> -> memref<10240x16xf32, #tpu.memory_space<vmem_shared>>
        %dma_start3A_326 = tpu.memref_slice %arg10[%dma_start3A_315] : memref<8x!tpu.dma_semaphore, #tpu.memory_space<semaphore_mem>> -> memref<1x!tpu.dma_semaphore, #tpu.memory_space<semaphore_mem>>
        %dma_start3A_327 = tpu.memref_squeeze %dma_start3A_326 : memref<1x!tpu.dma_semaphore, #tpu.memory_space<semaphore_mem>> -> memref<!tpu.dma_semaphore, #tpu.memory_space<semaphore_mem>>
        tpu.enqueue_indirect_dma source(%dma_start3A_319 : memref<128x16xf32, #tpu.memory_space<vmem>>) target(%dma_start3A_325 : memref<10240x16xf32, #tpu.memory_space<vmem_shared>>) offsets(%dma_start3A_322 : memref<128xi32, #tpu.memory_space<vmem>>) semaphore(%dma_start3A_327 : memref<!tpu.dma_semaphore, #tpu.memory_space<semaphore_mem>>) {add = true}
      } else {
      }
      %add3A_163 = arith.constant 1 : i32
      %add3A_164 = arith.addi %add3A_158, %add3A_163 : i32
      %lt3A_165 = arith.cmpi slt, %add3A_164, %add3A_4 : i32
      %convert_element_type3A_166 = arith.extui %lt3A_165 : i1 to i32
      %cond3A_167 = arith.constant 0 : i32
      %cond3A_168 = arith.cmpi ne, %convert_element_type3A_166, %cond3A_167 : i32
      scf.if %cond3A_168 {
        %dma_wait3A = arith.constant 1 : i32
        %dma_wait3A_301 = arith.constant 1 : i32
        %dma_wait3A_302 = arith.constant 0 : i32
        %dma_wait3A_303 = arith.constant 0 : i32
        %dma_wait3A_304 = tpu.memref_slice %arg7[%dma_wait3A, %dma_wait3A_302, %dma_wait3A_303] : memref<8x128x16xf32, #tpu.memory_space<vmem>> -> memref<1x128x16xf32, #tpu.memory_space<vmem>>
        %dma_wait3A_305 = tpu.memref_squeeze %dma_wait3A_304 : memref<1x128x16xf32, #tpu.memory_space<vmem>> -> memref<128x16xf32, #tpu.memory_space<vmem>>
        %dma_wait3A_306 = arith.constant 0 : i32
        %dma_wait3A_307 = tpu.memref_slice %arg5[%add3A_164, %dma_wait3A_306] : memref<80x128xi32, #tpu.memory_space<vmem>> -> memref<1x128xi32, #tpu.memory_space<vmem>>
        %dma_wait3A_308 = tpu.memref_squeeze %dma_wait3A_307 : memref<1x128xi32, #tpu.memory_space<vmem>> -> memref<128xi32, #tpu.memory_space<vmem>>
        %dma_wait3A_309 = arith.constant 0 : i32
        %dma_wait3A_310 = arith.constant 0 : i32
        %dma_wait3A_311 = tpu.memref_slice %arg2[%dma_wait3A_309, %dma_wait3A_310] : memref<10240x16xf32, #tpu.memory_space<hbm>> -> memref<10240x16xf32, #tpu.memory_space<hbm>>
        %dma_wait3A_312 = tpu.memref_slice %arg9[%dma_wait3A_301] : memref<8x!tpu.dma_semaphore, #tpu.memory_space<semaphore_mem>> -> memref<1x!tpu.dma_semaphore, #tpu.memory_space<semaphore_mem>>
        %dma_wait3A_313 = tpu.memref_squeeze %dma_wait3A_312 : memref<1x!tpu.dma_semaphore, #tpu.memory_space<semaphore_mem>> -> memref<!tpu.dma_semaphore, #tpu.memory_space<semaphore_mem>>
        tpu.wait_indirect_dma semaphore(%dma_wait3A_313 : memref<!tpu.dma_semaphore, #tpu.memory_space<semaphore_mem>>) src(%dma_wait3A_311 : memref<10240x16xf32, #tpu.memory_space<hbm>>) dst(%dma_wait3A_305 : memref<128x16xf32, #tpu.memory_space<vmem>>)
        %dma_start3A_314 = arith.constant 1 : i32
        %dma_start3A_315 = arith.constant 1 : i32
        %dma_start3A_316 = arith.constant 0 : i32
        %dma_start3A_317 = arith.constant 0 : i32
        %dma_start3A_318 = tpu.memref_slice %arg7[%dma_start3A_314, %dma_start3A_316, %dma_start3A_317] : memref<8x128x16xf32, #tpu.memory_space<vmem>> -> memref<1x128x16xf32, #tpu.memory_space<vmem>>
        %dma_start3A_319 = tpu.memref_squeeze %dma_start3A_318 : memref<1x128x16xf32, #tpu.memory_space<vmem>> -> memref<128x16xf32, #tpu.memory_space<vmem>>
        %dma_start3A_320 = arith.constant 0 : i32
        %dma_start3A_321 = tpu.memref_slice %arg6[%add3A_164, %dma_start3A_320] : memref<80x128xi32, #tpu.memory_space<vmem>> -> memref<1x128xi32, #tpu.memory_space<vmem>>
        %dma_start3A_322 = tpu.memref_squeeze %dma_start3A_321 : memref<1x128xi32, #tpu.memory_space<vmem>> -> memref<128xi32, #tpu.memory_space<vmem>>
        %dma_start3A_323 = arith.constant 0 : i32
        %dma_start3A_324 = arith.constant 0 : i32
        %dma_start3A_325 = tpu.memref_slice %arg8[%dma_start3A_323, %dma_start3A_324] : memref<10240x16xf32, #tpu.memory_space<vmem_shared>> -> memref<10240x16xf32, #tpu.memory_space<vmem_shared>>
        %dma_start3A_326 = tpu.memref_slice %arg10[%dma_start3A_315] : memref<8x!tpu.dma_semaphore, #tpu.memory_space<semaphore_mem>> -> memref<1x!tpu.dma_semaphore, #tpu.memory_space<semaphore_mem>>
        %dma_start3A_327 = tpu.memref_squeeze %dma_start3A_326 : memref<1x!tpu.dma_semaphore, #tpu.memory_space<semaphore_mem>> -> memref<!tpu.dma_semaphore, #tpu.memory_space<semaphore_mem>>
        tpu.enqueue_indirect_dma source(%dma_start3A_319 : memref<128x16xf32, #tpu.memory_space<vmem>>) target(%dma_start3A_325 : memref<10240x16xf32, #tpu.memory_space<vmem_shared>>) offsets(%dma_start3A_322 : memref<128xi32, #tpu.memory_space<vmem>>) semaphore(%dma_start3A_327 : memref<!tpu.dma_semaphore, #tpu.memory_space<semaphore_mem>>) {add = true}
      } else {
      }
      %add3A_169 = arith.constant 2 : i32
      %add3A_170 = arith.addi %add3A_158, %add3A_169 : i32
      %lt3A_171 = arith.cmpi slt, %add3A_170, %add3A_4 : i32
      %convert_element_type3A_172 = arith.extui %lt3A_171 : i1 to i32
      %cond3A_173 = arith.constant 0 : i32
      %cond3A_174 = arith.cmpi ne, %convert_element_type3A_172, %cond3A_173 : i32
      scf.if %cond3A_174 {
        %dma_wait3A = arith.constant 2 : i32
        %dma_wait3A_301 = arith.constant 2 : i32
        %dma_wait3A_302 = arith.constant 0 : i32
        %dma_wait3A_303 = arith.constant 0 : i32
        %dma_wait3A_304 = tpu.memref_slice %arg7[%dma_wait3A, %dma_wait3A_302, %dma_wait3A_303] : memref<8x128x16xf32, #tpu.memory_space<vmem>> -> memref<1x128x16xf32, #tpu.memory_space<vmem>>
        %dma_wait3A_305 = tpu.memref_squeeze %dma_wait3A_304 : memref<1x128x16xf32, #tpu.memory_space<vmem>> -> memref<128x16xf32, #tpu.memory_space<vmem>>
        %dma_wait3A_306 = arith.constant 0 : i32
        %dma_wait3A_307 = tpu.memref_slice %arg5[%add3A_170, %dma_wait3A_306] : memref<80x128xi32, #tpu.memory_space<vmem>> -> memref<1x128xi32, #tpu.memory_space<vmem>>
        %dma_wait3A_308 = tpu.memref_squeeze %dma_wait3A_307 : memref<1x128xi32, #tpu.memory_space<vmem>> -> memref<128xi32, #tpu.memory_space<vmem>>
        %dma_wait3A_309 = arith.constant 0 : i32
        %dma_wait3A_310 = arith.constant 0 : i32
        %dma_wait3A_311 = tpu.memref_slice %arg2[%dma_wait3A_309, %dma_wait3A_310] : memref<10240x16xf32, #tpu.memory_space<hbm>> -> memref<10240x16xf32, #tpu.memory_space<hbm>>
        %dma_wait3A_312 = tpu.memref_slice %arg9[%dma_wait3A_301] : memref<8x!tpu.dma_semaphore, #tpu.memory_space<semaphore_mem>> -> memref<1x!tpu.dma_semaphore, #tpu.memory_space<semaphore_mem>>
        %dma_wait3A_313 = tpu.memref_squeeze %dma_wait3A_312 : memref<1x!tpu.dma_semaphore, #tpu.memory_space<semaphore_mem>> -> memref<!tpu.dma_semaphore, #tpu.memory_space<semaphore_mem>>
        tpu.wait_indirect_dma semaphore(%dma_wait3A_313 : memref<!tpu.dma_semaphore, #tpu.memory_space<semaphore_mem>>) src(%dma_wait3A_311 : memref<10240x16xf32, #tpu.memory_space<hbm>>) dst(%dma_wait3A_305 : memref<128x16xf32, #tpu.memory_space<vmem>>)
        %dma_start3A_314 = arith.constant 2 : i32
        %dma_start3A_315 = arith.constant 2 : i32
        %dma_start3A_316 = arith.constant 0 : i32
        %dma_start3A_317 = arith.constant 0 : i32
        %dma_start3A_318 = tpu.memref_slice %arg7[%dma_start3A_314, %dma_start3A_316, %dma_start3A_317] : memref<8x128x16xf32, #tpu.memory_space<vmem>> -> memref<1x128x16xf32, #tpu.memory_space<vmem>>
        %dma_start3A_319 = tpu.memref_squeeze %dma_start3A_318 : memref<1x128x16xf32, #tpu.memory_space<vmem>> -> memref<128x16xf32, #tpu.memory_space<vmem>>
        %dma_start3A_320 = arith.constant 0 : i32
        %dma_start3A_321 = tpu.memref_slice %arg6[%add3A_170, %dma_start3A_320] : memref<80x128xi32, #tpu.memory_space<vmem>> -> memref<1x128xi32, #tpu.memory_space<vmem>>
        %dma_start3A_322 = tpu.memref_squeeze %dma_start3A_321 : memref<1x128xi32, #tpu.memory_space<vmem>> -> memref<128xi32, #tpu.memory_space<vmem>>
        %dma_start3A_323 = arith.constant 0 : i32
        %dma_start3A_324 = arith.constant 0 : i32
        %dma_start3A_325 = tpu.memref_slice %arg8[%dma_start3A_323, %dma_start3A_324] : memref<10240x16xf32, #tpu.memory_space<vmem_shared>> -> memref<10240x16xf32, #tpu.memory_space<vmem_shared>>
        %dma_start3A_326 = tpu.memref_slice %arg10[%dma_start3A_315] : memref<8x!tpu.dma_semaphore, #tpu.memory_space<semaphore_mem>> -> memref<1x!tpu.dma_semaphore, #tpu.memory_space<semaphore_mem>>
        %dma_start3A_327 = tpu.memref_squeeze %dma_start3A_326 : memref<1x!tpu.dma_semaphore, #tpu.memory_space<semaphore_mem>> -> memref<!tpu.dma_semaphore, #tpu.memory_space<semaphore_mem>>
        tpu.enqueue_indirect_dma source(%dma_start3A_319 : memref<128x16xf32, #tpu.memory_space<vmem>>) target(%dma_start3A_325 : memref<10240x16xf32, #tpu.memory_space<vmem_shared>>) offsets(%dma_start3A_322 : memref<128xi32, #tpu.memory_space<vmem>>) semaphore(%dma_start3A_327 : memref<!tpu.dma_semaphore, #tpu.memory_space<semaphore_mem>>) {add = true}
      } else {
      }
      %add3A_175 = arith.constant 3 : i32
      %add3A_176 = arith.addi %add3A_158, %add3A_175 : i32
      %lt3A_177 = arith.cmpi slt, %add3A_176, %add3A_4 : i32
      %convert_element_type3A_178 = arith.extui %lt3A_177 : i1 to i32
      %cond3A_179 = arith.constant 0 : i32
      %cond3A_180 = arith.cmpi ne, %convert_element_type3A_178, %cond3A_179 : i32
      scf.if %cond3A_180 {
        %dma_wait3A = arith.constant 3 : i32
        %dma_wait3A_301 = arith.constant 3 : i32
        %dma_wait3A_302 = arith.constant 0 : i32
        %dma_wait3A_303 = arith.constant 0 : i32
        %dma_wait3A_304 = tpu.memref_slice %arg7[%dma_wait3A, %dma_wait3A_302, %dma_wait3A_303] : memref<8x128x16xf32, #tpu.memory_space<vmem>> -> memref<1x128x16xf32, #tpu.memory_space<vmem>>
        %dma_wait3A_305 = tpu.memref_squeeze %dma_wait3A_304 : memref<1x128x16xf32, #tpu.memory_space<vmem>> -> memref<128x16xf32, #tpu.memory_space<vmem>>
        %dma_wait3A_306 = arith.constant 0 : i32
        %dma_wait3A_307 = tpu.memref_slice %arg5[%add3A_176, %dma_wait3A_306] : memref<80x128xi32, #tpu.memory_space<vmem>> -> memref<1x128xi32, #tpu.memory_space<vmem>>
        %dma_wait3A_308 = tpu.memref_squeeze %dma_wait3A_307 : memref<1x128xi32, #tpu.memory_space<vmem>> -> memref<128xi32, #tpu.memory_space<vmem>>
        %dma_wait3A_309 = arith.constant 0 : i32
        %dma_wait3A_310 = arith.constant 0 : i32
        %dma_wait3A_311 = tpu.memref_slice %arg2[%dma_wait3A_309, %dma_wait3A_310] : memref<10240x16xf32, #tpu.memory_space<hbm>> -> memref<10240x16xf32, #tpu.memory_space<hbm>>
        %dma_wait3A_312 = tpu.memref_slice %arg9[%dma_wait3A_301] : memref<8x!tpu.dma_semaphore, #tpu.memory_space<semaphore_mem>> -> memref<1x!tpu.dma_semaphore, #tpu.memory_space<semaphore_mem>>
        %dma_wait3A_313 = tpu.memref_squeeze %dma_wait3A_312 : memref<1x!tpu.dma_semaphore, #tpu.memory_space<semaphore_mem>> -> memref<!tpu.dma_semaphore, #tpu.memory_space<semaphore_mem>>
        tpu.wait_indirect_dma semaphore(%dma_wait3A_313 : memref<!tpu.dma_semaphore, #tpu.memory_space<semaphore_mem>>) src(%dma_wait3A_311 : memref<10240x16xf32, #tpu.memory_space<hbm>>) dst(%dma_wait3A_305 : memref<128x16xf32, #tpu.memory_space<vmem>>)
        %dma_start3A_314 = arith.constant 3 : i32
        %dma_start3A_315 = arith.constant 3 : i32
        %dma_start3A_316 = arith.constant 0 : i32
        %dma_start3A_317 = arith.constant 0 : i32
        %dma_start3A_318 = tpu.memref_slice %arg7[%dma_start3A_314, %dma_start3A_316, %dma_start3A_317] : memref<8x128x16xf32, #tpu.memory_space<vmem>> -> memref<1x128x16xf32, #tpu.memory_space<vmem>>
        %dma_start3A_319 = tpu.memref_squeeze %dma_start3A_318 : memref<1x128x16xf32, #tpu.memory_space<vmem>> -> memref<128x16xf32, #tpu.memory_space<vmem>>
        %dma_start3A_320 = arith.constant 0 : i32
        %dma_start3A_321 = tpu.memref_slice %arg6[%add3A_176, %dma_start3A_320] : memref<80x128xi32, #tpu.memory_space<vmem>> -> memref<1x128xi32, #tpu.memory_space<vmem>>
        %dma_start3A_322 = tpu.memref_squeeze %dma_start3A_321 : memref<1x128xi32, #tpu.memory_space<vmem>> -> memref<128xi32, #tpu.memory_space<vmem>>
        %dma_start3A_323 = arith.constant 0 : i32
        %dma_start3A_324 = arith.constant 0 : i32
        %dma_start3A_325 = tpu.memref_slice %arg8[%dma_start3A_323, %dma_start3A_324] : memref<10240x16xf32, #tpu.memory_space<vmem_shared>> -> memref<10240x16xf32, #tpu.memory_space<vmem_shared>>
        %dma_start3A_326 = tpu.memref_slice %arg10[%dma_start3A_315] : memref<8x!tpu.dma_semaphore, #tpu.memory_space<semaphore_mem>> -> memref<1x!tpu.dma_semaphore, #tpu.memory_space<semaphore_mem>>
        %dma_start3A_327 = tpu.memref_squeeze %dma_start3A_326 : memref<1x!tpu.dma_semaphore, #tpu.memory_space<semaphore_mem>> -> memref<!tpu.dma_semaphore, #tpu.memory_space<semaphore_mem>>
        tpu.enqueue_indirect_dma source(%dma_start3A_319 : memref<128x16xf32, #tpu.memory_space<vmem>>) target(%dma_start3A_325 : memref<10240x16xf32, #tpu.memory_space<vmem_shared>>) offsets(%dma_start3A_322 : memref<128xi32, #tpu.memory_space<vmem>>) semaphore(%dma_start3A_327 : memref<!tpu.dma_semaphore, #tpu.memory_space<semaphore_mem>>) {add = true}
      } else {
      }
      %add3A_181 = arith.constant 4 : i32
      %add3A_182 = arith.addi %add3A_158, %add3A_181 : i32
      %lt3A_183 = arith.cmpi slt, %add3A_182, %add3A_4 : i32
      %convert_element_type3A_184 = arith.extui %lt3A_183 : i1 to i32
      %cond3A_185 = arith.constant 0 : i32
      %cond3A_186 = arith.cmpi ne, %convert_element_type3A_184, %cond3A_185 : i32
      scf.if %cond3A_186 {
        %dma_wait3A = arith.constant 4 : i32
        %dma_wait3A_301 = arith.constant 4 : i32
        %dma_wait3A_302 = arith.constant 0 : i32
        %dma_wait3A_303 = arith.constant 0 : i32
        %dma_wait3A_304 = tpu.memref_slice %arg7[%dma_wait3A, %dma_wait3A_302, %dma_wait3A_303] : memref<8x128x16xf32, #tpu.memory_space<vmem>> -> memref<1x128x16xf32, #tpu.memory_space<vmem>>
        %dma_wait3A_305 = tpu.memref_squeeze %dma_wait3A_304 : memref<1x128x16xf32, #tpu.memory_space<vmem>> -> memref<128x16xf32, #tpu.memory_space<vmem>>
        %dma_wait3A_306 = arith.constant 0 : i32
        %dma_wait3A_307 = tpu.memref_slice %arg5[%add3A_182, %dma_wait3A_306] : memref<80x128xi32, #tpu.memory_space<vmem>> -> memref<1x128xi32, #tpu.memory_space<vmem>>
        %dma_wait3A_308 = tpu.memref_squeeze %dma_wait3A_307 : memref<1x128xi32, #tpu.memory_space<vmem>> -> memref<128xi32, #tpu.memory_space<vmem>>
        %dma_wait3A_309 = arith.constant 0 : i32
        %dma_wait3A_310 = arith.constant 0 : i32
        %dma_wait3A_311 = tpu.memref_slice %arg2[%dma_wait3A_309, %dma_wait3A_310] : memref<10240x16xf32, #tpu.memory_space<hbm>> -> memref<10240x16xf32, #tpu.memory_space<hbm>>
        %dma_wait3A_312 = tpu.memref_slice %arg9[%dma_wait3A_301] : memref<8x!tpu.dma_semaphore, #tpu.memory_space<semaphore_mem>> -> memref<1x!tpu.dma_semaphore, #tpu.memory_space<semaphore_mem>>
        %dma_wait3A_313 = tpu.memref_squeeze %dma_wait3A_312 : memref<1x!tpu.dma_semaphore, #tpu.memory_space<semaphore_mem>> -> memref<!tpu.dma_semaphore, #tpu.memory_space<semaphore_mem>>
        tpu.wait_indirect_dma semaphore(%dma_wait3A_313 : memref<!tpu.dma_semaphore, #tpu.memory_space<semaphore_mem>>) src(%dma_wait3A_311 : memref<10240x16xf32, #tpu.memory_space<hbm>>) dst(%dma_wait3A_305 : memref<128x16xf32, #tpu.memory_space<vmem>>)
        %dma_start3A_314 = arith.constant 4 : i32
        %dma_start3A_315 = arith.constant 4 : i32
        %dma_start3A_316 = arith.constant 0 : i32
        %dma_start3A_317 = arith.constant 0 : i32
        %dma_start3A_318 = tpu.memref_slice %arg7[%dma_start3A_314, %dma_start3A_316, %dma_start3A_317] : memref<8x128x16xf32, #tpu.memory_space<vmem>> -> memref<1x128x16xf32, #tpu.memory_space<vmem>>
        %dma_start3A_319 = tpu.memref_squeeze %dma_start3A_318 : memref<1x128x16xf32, #tpu.memory_space<vmem>> -> memref<128x16xf32, #tpu.memory_space<vmem>>
        %dma_start3A_320 = arith.constant 0 : i32
        %dma_start3A_321 = tpu.memref_slice %arg6[%add3A_182, %dma_start3A_320] : memref<80x128xi32, #tpu.memory_space<vmem>> -> memref<1x128xi32, #tpu.memory_space<vmem>>
        %dma_start3A_322 = tpu.memref_squeeze %dma_start3A_321 : memref<1x128xi32, #tpu.memory_space<vmem>> -> memref<128xi32, #tpu.memory_space<vmem>>
        %dma_start3A_323 = arith.constant 0 : i32
        %dma_start3A_324 = arith.constant 0 : i32
        %dma_start3A_325 = tpu.memref_slice %arg8[%dma_start3A_323, %dma_start3A_324] : memref<10240x16xf32, #tpu.memory_space<vmem_shared>> -> memref<10240x16xf32, #tpu.memory_space<vmem_shared>>
        %dma_start3A_326 = tpu.memref_slice %arg10[%dma_start3A_315] : memref<8x!tpu.dma_semaphore, #tpu.memory_space<semaphore_mem>> -> memref<1x!tpu.dma_semaphore, #tpu.memory_space<semaphore_mem>>
        %dma_start3A_327 = tpu.memref_squeeze %dma_start3A_326 : memref<1x!tpu.dma_semaphore, #tpu.memory_space<semaphore_mem>> -> memref<!tpu.dma_semaphore, #tpu.memory_space<semaphore_mem>>
        tpu.enqueue_indirect_dma source(%dma_start3A_319 : memref<128x16xf32, #tpu.memory_space<vmem>>) target(%dma_start3A_325 : memref<10240x16xf32, #tpu.memory_space<vmem_shared>>) offsets(%dma_start3A_322 : memref<128xi32, #tpu.memory_space<vmem>>) semaphore(%dma_start3A_327 : memref<!tpu.dma_semaphore, #tpu.memory_space<semaphore_mem>>) {add = true}
      } else {
      }
      %add3A_187 = arith.constant 5 : i32
      %add3A_188 = arith.addi %add3A_158, %add3A_187 : i32
      %lt3A_189 = arith.cmpi slt, %add3A_188, %add3A_4 : i32
      %convert_element_type3A_190 = arith.extui %lt3A_189 : i1 to i32
      %cond3A_191 = arith.constant 0 : i32
      %cond3A_192 = arith.cmpi ne, %convert_element_type3A_190, %cond3A_191 : i32
      scf.if %cond3A_192 {
        %dma_wait3A = arith.constant 5 : i32
        %dma_wait3A_301 = arith.constant 5 : i32
        %dma_wait3A_302 = arith.constant 0 : i32
        %dma_wait3A_303 = arith.constant 0 : i32
        %dma_wait3A_304 = tpu.memref_slice %arg7[%dma_wait3A, %dma_wait3A_302, %dma_wait3A_303] : memref<8x128x16xf32, #tpu.memory_space<vmem>> -> memref<1x128x16xf32, #tpu.memory_space<vmem>>
        %dma_wait3A_305 = tpu.memref_squeeze %dma_wait3A_304 : memref<1x128x16xf32, #tpu.memory_space<vmem>> -> memref<128x16xf32, #tpu.memory_space<vmem>>
        %dma_wait3A_306 = arith.constant 0 : i32
        %dma_wait3A_307 = tpu.memref_slice %arg5[%add3A_188, %dma_wait3A_306] : memref<80x128xi32, #tpu.memory_space<vmem>> -> memref<1x128xi32, #tpu.memory_space<vmem>>
        %dma_wait3A_308 = tpu.memref_squeeze %dma_wait3A_307 : memref<1x128xi32, #tpu.memory_space<vmem>> -> memref<128xi32, #tpu.memory_space<vmem>>
        %dma_wait3A_309 = arith.constant 0 : i32
        %dma_wait3A_310 = arith.constant 0 : i32
        %dma_wait3A_311 = tpu.memref_slice %arg2[%dma_wait3A_309, %dma_wait3A_310] : memref<10240x16xf32, #tpu.memory_space<hbm>> -> memref<10240x16xf32, #tpu.memory_space<hbm>>
        %dma_wait3A_312 = tpu.memref_slice %arg9[%dma_wait3A_301] : memref<8x!tpu.dma_semaphore, #tpu.memory_space<semaphore_mem>> -> memref<1x!tpu.dma_semaphore, #tpu.memory_space<semaphore_mem>>
        %dma_wait3A_313 = tpu.memref_squeeze %dma_wait3A_312 : memref<1x!tpu.dma_semaphore, #tpu.memory_space<semaphore_mem>> -> memref<!tpu.dma_semaphore, #tpu.memory_space<semaphore_mem>>
        tpu.wait_indirect_dma semaphore(%dma_wait3A_313 : memref<!tpu.dma_semaphore, #tpu.memory_space<semaphore_mem>>) src(%dma_wait3A_311 : memref<10240x16xf32, #tpu.memory_space<hbm>>) dst(%dma_wait3A_305 : memref<128x16xf32, #tpu.memory_space<vmem>>)
        %dma_start3A_314 = arith.constant 5 : i32
        %dma_start3A_315 = arith.constant 5 : i32
        %dma_start3A_316 = arith.constant 0 : i32
        %dma_start3A_317 = arith.constant 0 : i32
        %dma_start3A_318 = tpu.memref_slice %arg7[%dma_start3A_314, %dma_start3A_316, %dma_start3A_317] : memref<8x128x16xf32, #tpu.memory_space<vmem>> -> memref<1x128x16xf32, #tpu.memory_space<vmem>>
        %dma_start3A_319 = tpu.memref_squeeze %dma_start3A_318 : memref<1x128x16xf32, #tpu.memory_space<vmem>> -> memref<128x16xf32, #tpu.memory_space<vmem>>
        %dma_start3A_320 = arith.constant 0 : i32
        %dma_start3A_321 = tpu.memref_slice %arg6[%add3A_188, %dma_start3A_320] : memref<80x128xi32, #tpu.memory_space<vmem>> -> memref<1x128xi32, #tpu.memory_space<vmem>>
        %dma_start3A_322 = tpu.memref_squeeze %dma_start3A_321 : memref<1x128xi32, #tpu.memory_space<vmem>> -> memref<128xi32, #tpu.memory_space<vmem>>
        %dma_start3A_323 = arith.constant 0 : i32
        %dma_start3A_324 = arith.constant 0 : i32
        %dma_start3A_325 = tpu.memref_slice %arg8[%dma_start3A_323, %dma_start3A_324] : memref<10240x16xf32, #tpu.memory_space<vmem_shared>> -> memref<10240x16xf32, #tpu.memory_space<vmem_shared>>
        %dma_start3A_326 = tpu.memref_slice %arg10[%dma_start3A_315] : memref<8x!tpu.dma_semaphore, #tpu.memory_space<semaphore_mem>> -> memref<1x!tpu.dma_semaphore, #tpu.memory_space<semaphore_mem>>
        %dma_start3A_327 = tpu.memref_squeeze %dma_start3A_326 : memref<1x!tpu.dma_semaphore, #tpu.memory_space<semaphore_mem>> -> memref<!tpu.dma_semaphore, #tpu.memory_space<semaphore_mem>>
        tpu.enqueue_indirect_dma source(%dma_start3A_319 : memref<128x16xf32, #tpu.memory_space<vmem>>) target(%dma_start3A_325 : memref<10240x16xf32, #tpu.memory_space<vmem_shared>>) offsets(%dma_start3A_322 : memref<128xi32, #tpu.memory_space<vmem>>) semaphore(%dma_start3A_327 : memref<!tpu.dma_semaphore, #tpu.memory_space<semaphore_mem>>) {add = true}
      } else {
      }
      %add3A_193 = arith.constant 6 : i32
      %add3A_194 = arith.addi %add3A_158, %add3A_193 : i32
      %lt3A_195 = arith.cmpi slt, %add3A_194, %add3A_4 : i32
      %convert_element_type3A_196 = arith.extui %lt3A_195 : i1 to i32
      %cond3A_197 = arith.constant 0 : i32
      %cond3A_198 = arith.cmpi ne, %convert_element_type3A_196, %cond3A_197 : i32
      scf.if %cond3A_198 {
        %dma_wait3A = arith.constant 6 : i32
        %dma_wait3A_301 = arith.constant 6 : i32
        %dma_wait3A_302 = arith.constant 0 : i32
        %dma_wait3A_303 = arith.constant 0 : i32
        %dma_wait3A_304 = tpu.memref_slice %arg7[%dma_wait3A, %dma_wait3A_302, %dma_wait3A_303] : memref<8x128x16xf32, #tpu.memory_space<vmem>> -> memref<1x128x16xf32, #tpu.memory_space<vmem>>
        %dma_wait3A_305 = tpu.memref_squeeze %dma_wait3A_304 : memref<1x128x16xf32, #tpu.memory_space<vmem>> -> memref<128x16xf32, #tpu.memory_space<vmem>>
        %dma_wait3A_306 = arith.constant 0 : i32
        %dma_wait3A_307 = tpu.memref_slice %arg5[%add3A_194, %dma_wait3A_306] : memref<80x128xi32, #tpu.memory_space<vmem>> -> memref<1x128xi32, #tpu.memory_space<vmem>>
        %dma_wait3A_308 = tpu.memref_squeeze %dma_wait3A_307 : memref<1x128xi32, #tpu.memory_space<vmem>> -> memref<128xi32, #tpu.memory_space<vmem>>
        %dma_wait3A_309 = arith.constant 0 : i32
        %dma_wait3A_310 = arith.constant 0 : i32
        %dma_wait3A_311 = tpu.memref_slice %arg2[%dma_wait3A_309, %dma_wait3A_310] : memref<10240x16xf32, #tpu.memory_space<hbm>> -> memref<10240x16xf32, #tpu.memory_space<hbm>>
        %dma_wait3A_312 = tpu.memref_slice %arg9[%dma_wait3A_301] : memref<8x!tpu.dma_semaphore, #tpu.memory_space<semaphore_mem>> -> memref<1x!tpu.dma_semaphore, #tpu.memory_space<semaphore_mem>>
        %dma_wait3A_313 = tpu.memref_squeeze %dma_wait3A_312 : memref<1x!tpu.dma_semaphore, #tpu.memory_space<semaphore_mem>> -> memref<!tpu.dma_semaphore, #tpu.memory_space<semaphore_mem>>
        tpu.wait_indirect_dma semaphore(%dma_wait3A_313 : memref<!tpu.dma_semaphore, #tpu.memory_space<semaphore_mem>>) src(%dma_wait3A_311 : memref<10240x16xf32, #tpu.memory_space<hbm>>) dst(%dma_wait3A_305 : memref<128x16xf32, #tpu.memory_space<vmem>>)
        %dma_start3A_314 = arith.constant 6 : i32
        %dma_start3A_315 = arith.constant 6 : i32
        %dma_start3A_316 = arith.constant 0 : i32
        %dma_start3A_317 = arith.constant 0 : i32
        %dma_start3A_318 = tpu.memref_slice %arg7[%dma_start3A_314, %dma_start3A_316, %dma_start3A_317] : memref<8x128x16xf32, #tpu.memory_space<vmem>> -> memref<1x128x16xf32, #tpu.memory_space<vmem>>
        %dma_start3A_319 = tpu.memref_squeeze %dma_start3A_318 : memref<1x128x16xf32, #tpu.memory_space<vmem>> -> memref<128x16xf32, #tpu.memory_space<vmem>>
        %dma_start3A_320 = arith.constant 0 : i32
        %dma_start3A_321 = tpu.memref_slice %arg6[%add3A_194, %dma_start3A_320] : memref<80x128xi32, #tpu.memory_space<vmem>> -> memref<1x128xi32, #tpu.memory_space<vmem>>
        %dma_start3A_322 = tpu.memref_squeeze %dma_start3A_321 : memref<1x128xi32, #tpu.memory_space<vmem>> -> memref<128xi32, #tpu.memory_space<vmem>>
        %dma_start3A_323 = arith.constant 0 : i32
        %dma_start3A_324 = arith.constant 0 : i32
        %dma_start3A_325 = tpu.memref_slice %arg8[%dma_start3A_323, %dma_start3A_324] : memref<10240x16xf32, #tpu.memory_space<vmem_shared>> -> memref<10240x16xf32, #tpu.memory_space<vmem_shared>>
        %dma_start3A_326 = tpu.memref_slice %arg10[%dma_start3A_315] : memref<8x!tpu.dma_semaphore, #tpu.memory_space<semaphore_mem>> -> memref<1x!tpu.dma_semaphore, #tpu.memory_space<semaphore_mem>>
        %dma_start3A_327 = tpu.memref_squeeze %dma_start3A_326 : memref<1x!tpu.dma_semaphore, #tpu.memory_space<semaphore_mem>> -> memref<!tpu.dma_semaphore, #tpu.memory_space<semaphore_mem>>
        tpu.enqueue_indirect_dma source(%dma_start3A_319 : memref<128x16xf32, #tpu.memory_space<vmem>>) target(%dma_start3A_325 : memref<10240x16xf32, #tpu.memory_space<vmem_shared>>) offsets(%dma_start3A_322 : memref<128xi32, #tpu.memory_space<vmem>>) semaphore(%dma_start3A_327 : memref<!tpu.dma_semaphore, #tpu.memory_space<semaphore_mem>>) {add = true}
      } else {
      }
      %add3A_199 = arith.constant 7 : i32
      %add3A_200 = arith.addi %add3A_158, %add3A_199 : i32
      %lt3A_201 = arith.cmpi slt, %add3A_200, %add3A_4 : i32
      %convert_element_type3A_202 = arith.extui %lt3A_201 : i1 to i32
      %cond3A_203 = arith.constant 0 : i32
      %cond3A_204 = arith.cmpi ne, %convert_element_type3A_202, %cond3A_203 : i32
      scf.if %cond3A_204 {
        %dma_wait3A = arith.constant 7 : i32
        %dma_wait3A_301 = arith.constant 7 : i32
        %dma_wait3A_302 = arith.constant 0 : i32
        %dma_wait3A_303 = arith.constant 0 : i32
        %dma_wait3A_304 = tpu.memref_slice %arg7[%dma_wait3A, %dma_wait3A_302, %dma_wait3A_303] : memref<8x128x16xf32, #tpu.memory_space<vmem>> -> memref<1x128x16xf32, #tpu.memory_space<vmem>>
        %dma_wait3A_305 = tpu.memref_squeeze %dma_wait3A_304 : memref<1x128x16xf32, #tpu.memory_space<vmem>> -> memref<128x16xf32, #tpu.memory_space<vmem>>
        %dma_wait3A_306 = arith.constant 0 : i32
        %dma_wait3A_307 = tpu.memref_slice %arg5[%add3A_200, %dma_wait3A_306] : memref<80x128xi32, #tpu.memory_space<vmem>> -> memref<1x128xi32, #tpu.memory_space<vmem>>
        %dma_wait3A_308 = tpu.memref_squeeze %dma_wait3A_307 : memref<1x128xi32, #tpu.memory_space<vmem>> -> memref<128xi32, #tpu.memory_space<vmem>>
        %dma_wait3A_309 = arith.constant 0 : i32
        %dma_wait3A_310 = arith.constant 0 : i32
        %dma_wait3A_311 = tpu.memref_slice %arg2[%dma_wait3A_309, %dma_wait3A_310] : memref<10240x16xf32, #tpu.memory_space<hbm>> -> memref<10240x16xf32, #tpu.memory_space<hbm>>
        %dma_wait3A_312 = tpu.memref_slice %arg9[%dma_wait3A_301] : memref<8x!tpu.dma_semaphore, #tpu.memory_space<semaphore_mem>> -> memref<1x!tpu.dma_semaphore, #tpu.memory_space<semaphore_mem>>
        %dma_wait3A_313 = tpu.memref_squeeze %dma_wait3A_312 : memref<1x!tpu.dma_semaphore, #tpu.memory_space<semaphore_mem>> -> memref<!tpu.dma_semaphore, #tpu.memory_space<semaphore_mem>>
        tpu.wait_indirect_dma semaphore(%dma_wait3A_313 : memref<!tpu.dma_semaphore, #tpu.memory_space<semaphore_mem>>) src(%dma_wait3A_311 : memref<10240x16xf32, #tpu.memory_space<hbm>>) dst(%dma_wait3A_305 : memref<128x16xf32, #tpu.memory_space<vmem>>)
        %dma_start3A_314 = arith.constant 7 : i32
        %dma_start3A_315 = arith.constant 7 : i32
        %dma_start3A_316 = arith.constant 0 : i32
        %dma_start3A_317 = arith.constant 0 : i32
        %dma_start3A_318 = tpu.memref_slice %arg7[%dma_start3A_314, %dma_start3A_316, %dma_start3A_317] : memref<8x128x16xf32, #tpu.memory_space<vmem>> -> memref<1x128x16xf32, #tpu.memory_space<vmem>>
        %dma_start3A_319 = tpu.memref_squeeze %dma_start3A_318 : memref<1x128x16xf32, #tpu.memory_space<vmem>> -> memref<128x16xf32, #tpu.memory_space<vmem>>
        %dma_start3A_320 = arith.constant 0 : i32
        %dma_start3A_321 = tpu.memref_slice %arg6[%add3A_200, %dma_start3A_320] : memref<80x128xi32, #tpu.memory_space<vmem>> -> memref<1x128xi32, #tpu.memory_space<vmem>>
        %dma_start3A_322 = tpu.memref_squeeze %dma_start3A_321 : memref<1x128xi32, #tpu.memory_space<vmem>> -> memref<128xi32, #tpu.memory_space<vmem>>
        %dma_start3A_323 = arith.constant 0 : i32
        %dma_start3A_324 = arith.constant 0 : i32
        %dma_start3A_325 = tpu.memref_slice %arg8[%dma_start3A_323, %dma_start3A_324] : memref<10240x16xf32, #tpu.memory_space<vmem_shared>> -> memref<10240x16xf32, #tpu.memory_space<vmem_shared>>
        %dma_start3A_326 = tpu.memref_slice %arg10[%dma_start3A_315] : memref<8x!tpu.dma_semaphore, #tpu.memory_space<semaphore_mem>> -> memref<1x!tpu.dma_semaphore, #tpu.memory_space<semaphore_mem>>
        %dma_start3A_327 = tpu.memref_squeeze %dma_start3A_326 : memref<1x!tpu.dma_semaphore, #tpu.memory_space<semaphore_mem>> -> memref<!tpu.dma_semaphore, #tpu.memory_space<semaphore_mem>>
        tpu.enqueue_indirect_dma source(%dma_start3A_319 : memref<128x16xf32, #tpu.memory_space<vmem>>) target(%dma_start3A_325 : memref<10240x16xf32, #tpu.memory_space<vmem_shared>>) offsets(%dma_start3A_322 : memref<128xi32, #tpu.memory_space<vmem>>) semaphore(%dma_start3A_327 : memref<!tpu.dma_semaphore, #tpu.memory_space<semaphore_mem>>) {add = true}
      } else {
      }
      %add3A_205 = arith.constant 0 : i32
      %add3A_206 = arith.addi %add3A_158, %add3A_205 : i32
      %lt3A_207 = arith.cmpi slt, %add3A_206, %add3A_4 : i32
      %convert_element_type3A_208 = arith.extui %lt3A_207 : i1 to i32
      %cond3A_209 = arith.constant 0 : i32
      %cond3A_210 = arith.cmpi ne, %convert_element_type3A_208, %cond3A_209 : i32
      scf.if %cond3A_210 {
        %dma_wait3A = arith.constant 0 : i32
        %dma_wait3A_301 = arith.constant 0 : i32
        %dma_wait3A_302 = arith.constant 0 : i32
        %dma_wait3A_303 = arith.constant 0 : i32
        %dma_wait3A_304 = tpu.memref_slice %arg7[%dma_wait3A, %dma_wait3A_302, %dma_wait3A_303] : memref<8x128x16xf32, #tpu.memory_space<vmem>> -> memref<1x128x16xf32, #tpu.memory_space<vmem>>
        %dma_wait3A_305 = tpu.memref_squeeze %dma_wait3A_304 : memref<1x128x16xf32, #tpu.memory_space<vmem>> -> memref<128x16xf32, #tpu.memory_space<vmem>>
        %dma_wait3A_306 = arith.constant 0 : i32
        %dma_wait3A_307 = tpu.memref_slice %arg6[%add3A_206, %dma_wait3A_306] : memref<80x128xi32, #tpu.memory_space<vmem>> -> memref<1x128xi32, #tpu.memory_space<vmem>>
        %dma_wait3A_308 = tpu.memref_squeeze %dma_wait3A_307 : memref<1x128xi32, #tpu.memory_space<vmem>> -> memref<128xi32, #tpu.memory_space<vmem>>
        %dma_wait3A_309 = arith.constant 0 : i32
        %dma_wait3A_310 = arith.constant 0 : i32
        %dma_wait3A_311 = tpu.memref_slice %arg8[%dma_wait3A_309, %dma_wait3A_310] : memref<10240x16xf32, #tpu.memory_space<vmem_shared>> -> memref<10240x16xf32, #tpu.memory_space<vmem_shared>>
        %dma_wait3A_312 = tpu.memref_slice %arg10[%dma_wait3A_301] : memref<8x!tpu.dma_semaphore, #tpu.memory_space<semaphore_mem>> -> memref<1x!tpu.dma_semaphore, #tpu.memory_space<semaphore_mem>>
        %dma_wait3A_313 = tpu.memref_squeeze %dma_wait3A_312 : memref<1x!tpu.dma_semaphore, #tpu.memory_space<semaphore_mem>> -> memref<!tpu.dma_semaphore, #tpu.memory_space<semaphore_mem>>
        tpu.wait_indirect_dma semaphore(%dma_wait3A_313 : memref<!tpu.dma_semaphore, #tpu.memory_space<semaphore_mem>>) src(%dma_wait3A_305 : memref<128x16xf32, #tpu.memory_space<vmem>>) dst(%dma_wait3A_311 : memref<10240x16xf32, #tpu.memory_space<vmem_shared>>)
      } else {
      }
      %add3A_211 = arith.constant 8 : i32
      %add3A_212 = arith.addi %add3A_206, %add3A_211 : i32
      %lt3A_213 = arith.cmpi slt, %add3A_212, %add3A_4 : i32
      %convert_element_type3A_214 = arith.extui %lt3A_213 : i1 to i32
      %cond3A_215 = arith.constant 0 : i32
      %cond3A_216 = arith.cmpi ne, %convert_element_type3A_214, %cond3A_215 : i32
      scf.if %cond3A_216 {
        %add3A_301 = arith.constant 8 : i32
        %add3A_302 = arith.addi %add3A_206, %add3A_301 : i32
        %dma_start3A_303 = arith.constant 0 : i32
        %dma_start3A_304 = arith.constant 0 : i32
        %dma_start3A_305 = arith.constant 0 : i32
        %dma_start3A_306 = arith.constant 0 : i32
        %dma_start3A_307 = tpu.memref_slice %arg7[%dma_start3A_303, %dma_start3A_305, %dma_start3A_306] : memref<8x128x16xf32, #tpu.memory_space<vmem>> -> memref<1x128x16xf32, #tpu.memory_space<vmem>>
        %dma_start3A_308 = tpu.memref_squeeze %dma_start3A_307 : memref<1x128x16xf32, #tpu.memory_space<vmem>> -> memref<128x16xf32, #tpu.memory_space<vmem>>
        %dma_start3A_309 = arith.constant 0 : i32
        %dma_start3A_310 = tpu.memref_slice %arg5[%add3A_302, %dma_start3A_309] : memref<80x128xi32, #tpu.memory_space<vmem>> -> memref<1x128xi32, #tpu.memory_space<vmem>>
        %dma_start3A_311 = tpu.memref_squeeze %dma_start3A_310 : memref<1x128xi32, #tpu.memory_space<vmem>> -> memref<128xi32, #tpu.memory_space<vmem>>
        %dma_start3A_312 = arith.constant 0 : i32
        %dma_start3A_313 = arith.constant 0 : i32
        %dma_start3A_314 = tpu.memref_slice %arg2[%dma_start3A_312, %dma_start3A_313] : memref<10240x16xf32, #tpu.memory_space<hbm>> -> memref<10240x16xf32, #tpu.memory_space<hbm>>
        %dma_start3A_315 = tpu.memref_slice %arg9[%dma_start3A_304] : memref<8x!tpu.dma_semaphore, #tpu.memory_space<semaphore_mem>> -> memref<1x!tpu.dma_semaphore, #tpu.memory_space<semaphore_mem>>
        %dma_start3A_316 = tpu.memref_squeeze %dma_start3A_315 : memref<1x!tpu.dma_semaphore, #tpu.memory_space<semaphore_mem>> -> memref<!tpu.dma_semaphore, #tpu.memory_space<semaphore_mem>>
        tpu.enqueue_indirect_dma source(%dma_start3A_314 : memref<10240x16xf32, #tpu.memory_space<hbm>>) target(%dma_start3A_308 : memref<128x16xf32, #tpu.memory_space<vmem>>) offsets(%dma_start3A_311 : memref<128xi32, #tpu.memory_space<vmem>>) semaphore(%dma_start3A_316 : memref<!tpu.dma_semaphore, #tpu.memory_space<semaphore_mem>>)
      } else {
      }
      %add3A_217 = arith.constant 1 : i32
      %add3A_218 = arith.addi %add3A_158, %add3A_217 : i32
      %lt3A_219 = arith.cmpi slt, %add3A_218, %add3A_4 : i32
      %convert_element_type3A_220 = arith.extui %lt3A_219 : i1 to i32
      %cond3A_221 = arith.constant 0 : i32
      %cond3A_222 = arith.cmpi ne, %convert_element_type3A_220, %cond3A_221 : i32
      scf.if %cond3A_222 {
        %dma_wait3A = arith.constant 1 : i32
        %dma_wait3A_301 = arith.constant 1 : i32
        %dma_wait3A_302 = arith.constant 0 : i32
        %dma_wait3A_303 = arith.constant 0 : i32
        %dma_wait3A_304 = tpu.memref_slice %arg7[%dma_wait3A, %dma_wait3A_302, %dma_wait3A_303] : memref<8x128x16xf32, #tpu.memory_space<vmem>> -> memref<1x128x16xf32, #tpu.memory_space<vmem>>
        %dma_wait3A_305 = tpu.memref_squeeze %dma_wait3A_304 : memref<1x128x16xf32, #tpu.memory_space<vmem>> -> memref<128x16xf32, #tpu.memory_space<vmem>>
        %dma_wait3A_306 = arith.constant 0 : i32
        %dma_wait3A_307 = tpu.memref_slice %arg6[%add3A_218, %dma_wait3A_306] : memref<80x128xi32, #tpu.memory_space<vmem>> -> memref<1x128xi32, #tpu.memory_space<vmem>>
        %dma_wait3A_308 = tpu.memref_squeeze %dma_wait3A_307 : memref<1x128xi32, #tpu.memory_space<vmem>> -> memref<128xi32, #tpu.memory_space<vmem>>
        %dma_wait3A_309 = arith.constant 0 : i32
        %dma_wait3A_310 = arith.constant 0 : i32
        %dma_wait3A_311 = tpu.memref_slice %arg8[%dma_wait3A_309, %dma_wait3A_310] : memref<10240x16xf32, #tpu.memory_space<vmem_shared>> -> memref<10240x16xf32, #tpu.memory_space<vmem_shared>>
        %dma_wait3A_312 = tpu.memref_slice %arg10[%dma_wait3A_301] : memref<8x!tpu.dma_semaphore, #tpu.memory_space<semaphore_mem>> -> memref<1x!tpu.dma_semaphore, #tpu.memory_space<semaphore_mem>>
        %dma_wait3A_313 = tpu.memref_squeeze %dma_wait3A_312 : memref<1x!tpu.dma_semaphore, #tpu.memory_space<semaphore_mem>> -> memref<!tpu.dma_semaphore, #tpu.memory_space<semaphore_mem>>
        tpu.wait_indirect_dma semaphore(%dma_wait3A_313 : memref<!tpu.dma_semaphore, #tpu.memory_space<semaphore_mem>>) src(%dma_wait3A_305 : memref<128x16xf32, #tpu.memory_space<vmem>>) dst(%dma_wait3A_311 : memref<10240x16xf32, #tpu.memory_space<vmem_shared>>)
      } else {
      }
      %add3A_223 = arith.constant 8 : i32
      %add3A_224 = arith.addi %add3A_218, %add3A_223 : i32
      %lt3A_225 = arith.cmpi slt, %add3A_224, %add3A_4 : i32
      %convert_element_type3A_226 = arith.extui %lt3A_225 : i1 to i32
      %cond3A_227 = arith.constant 0 : i32
      %cond3A_228 = arith.cmpi ne, %convert_element_type3A_226, %cond3A_227 : i32
      scf.if %cond3A_228 {
        %add3A_301 = arith.constant 8 : i32
        %add3A_302 = arith.addi %add3A_218, %add3A_301 : i32
        %dma_start3A_303 = arith.constant 1 : i32
        %dma_start3A_304 = arith.constant 1 : i32
        %dma_start3A_305 = arith.constant 0 : i32
        %dma_start3A_306 = arith.constant 0 : i32
        %dma_start3A_307 = tpu.memref_slice %arg7[%dma_start3A_303, %dma_start3A_305, %dma_start3A_306] : memref<8x128x16xf32, #tpu.memory_space<vmem>> -> memref<1x128x16xf32, #tpu.memory_space<vmem>>
        %dma_start3A_308 = tpu.memref_squeeze %dma_start3A_307 : memref<1x128x16xf32, #tpu.memory_space<vmem>> -> memref<128x16xf32, #tpu.memory_space<vmem>>
        %dma_start3A_309 = arith.constant 0 : i32
        %dma_start3A_310 = tpu.memref_slice %arg5[%add3A_302, %dma_start3A_309] : memref<80x128xi32, #tpu.memory_space<vmem>> -> memref<1x128xi32, #tpu.memory_space<vmem>>
        %dma_start3A_311 = tpu.memref_squeeze %dma_start3A_310 : memref<1x128xi32, #tpu.memory_space<vmem>> -> memref<128xi32, #tpu.memory_space<vmem>>
        %dma_start3A_312 = arith.constant 0 : i32
        %dma_start3A_313 = arith.constant 0 : i32
        %dma_start3A_314 = tpu.memref_slice %arg2[%dma_start3A_312, %dma_start3A_313] : memref<10240x16xf32, #tpu.memory_space<hbm>> -> memref<10240x16xf32, #tpu.memory_space<hbm>>
        %dma_start3A_315 = tpu.memref_slice %arg9[%dma_start3A_304] : memref<8x!tpu.dma_semaphore, #tpu.memory_space<semaphore_mem>> -> memref<1x!tpu.dma_semaphore, #tpu.memory_space<semaphore_mem>>
        %dma_start3A_316 = tpu.memref_squeeze %dma_start3A_315 : memref<1x!tpu.dma_semaphore, #tpu.memory_space<semaphore_mem>> -> memref<!tpu.dma_semaphore, #tpu.memory_space<semaphore_mem>>
        tpu.enqueue_indirect_dma source(%dma_start3A_314 : memref<10240x16xf32, #tpu.memory_space<hbm>>) target(%dma_start3A_308 : memref<128x16xf32, #tpu.memory_space<vmem>>) offsets(%dma_start3A_311 : memref<128xi32, #tpu.memory_space<vmem>>) semaphore(%dma_start3A_316 : memref<!tpu.dma_semaphore, #tpu.memory_space<semaphore_mem>>)
      } else {
      }
      %add3A_229 = arith.constant 2 : i32
      %add3A_230 = arith.addi %add3A_158, %add3A_229 : i32
      %lt3A_231 = arith.cmpi slt, %add3A_230, %add3A_4 : i32
      %convert_element_type3A_232 = arith.extui %lt3A_231 : i1 to i32
      %cond3A_233 = arith.constant 0 : i32
      %cond3A_234 = arith.cmpi ne, %convert_element_type3A_232, %cond3A_233 : i32
      scf.if %cond3A_234 {
        %dma_wait3A = arith.constant 2 : i32
        %dma_wait3A_301 = arith.constant 2 : i32
        %dma_wait3A_302 = arith.constant 0 : i32
        %dma_wait3A_303 = arith.constant 0 : i32
        %dma_wait3A_304 = tpu.memref_slice %arg7[%dma_wait3A, %dma_wait3A_302, %dma_wait3A_303] : memref<8x128x16xf32, #tpu.memory_space<vmem>> -> memref<1x128x16xf32, #tpu.memory_space<vmem>>
        %dma_wait3A_305 = tpu.memref_squeeze %dma_wait3A_304 : memref<1x128x16xf32, #tpu.memory_space<vmem>> -> memref<128x16xf32, #tpu.memory_space<vmem>>
        %dma_wait3A_306 = arith.constant 0 : i32
        %dma_wait3A_307 = tpu.memref_slice %arg6[%add3A_230, %dma_wait3A_306] : memref<80x128xi32, #tpu.memory_space<vmem>> -> memref<1x128xi32, #tpu.memory_space<vmem>>
        %dma_wait3A_308 = tpu.memref_squeeze %dma_wait3A_307 : memref<1x128xi32, #tpu.memory_space<vmem>> -> memref<128xi32, #tpu.memory_space<vmem>>
        %dma_wait3A_309 = arith.constant 0 : i32
        %dma_wait3A_310 = arith.constant 0 : i32
        %dma_wait3A_311 = tpu.memref_slice %arg8[%dma_wait3A_309, %dma_wait3A_310] : memref<10240x16xf32, #tpu.memory_space<vmem_shared>> -> memref<10240x16xf32, #tpu.memory_space<vmem_shared>>
        %dma_wait3A_312 = tpu.memref_slice %arg10[%dma_wait3A_301] : memref<8x!tpu.dma_semaphore, #tpu.memory_space<semaphore_mem>> -> memref<1x!tpu.dma_semaphore, #tpu.memory_space<semaphore_mem>>
        %dma_wait3A_313 = tpu.memref_squeeze %dma_wait3A_312 : memref<1x!tpu.dma_semaphore, #tpu.memory_space<semaphore_mem>> -> memref<!tpu.dma_semaphore, #tpu.memory_space<semaphore_mem>>
        tpu.wait_indirect_dma semaphore(%dma_wait3A_313 : memref<!tpu.dma_semaphore, #tpu.memory_space<semaphore_mem>>) src(%dma_wait3A_305 : memref<128x16xf32, #tpu.memory_space<vmem>>) dst(%dma_wait3A_311 : memref<10240x16xf32, #tpu.memory_space<vmem_shared>>)
      } else {
      }
      %add3A_235 = arith.constant 8 : i32
      %add3A_236 = arith.addi %add3A_230, %add3A_235 : i32
      %lt3A_237 = arith.cmpi slt, %add3A_236, %add3A_4 : i32
      %convert_element_type3A_238 = arith.extui %lt3A_237 : i1 to i32
      %cond3A_239 = arith.constant 0 : i32
      %cond3A_240 = arith.cmpi ne, %convert_element_type3A_238, %cond3A_239 : i32
      scf.if %cond3A_240 {
        %add3A_301 = arith.constant 8 : i32
        %add3A_302 = arith.addi %add3A_230, %add3A_301 : i32
        %dma_start3A_303 = arith.constant 2 : i32
        %dma_start3A_304 = arith.constant 2 : i32
        %dma_start3A_305 = arith.constant 0 : i32
        %dma_start3A_306 = arith.constant 0 : i32
        %dma_start3A_307 = tpu.memref_slice %arg7[%dma_start3A_303, %dma_start3A_305, %dma_start3A_306] : memref<8x128x16xf32, #tpu.memory_space<vmem>> -> memref<1x128x16xf32, #tpu.memory_space<vmem>>
        %dma_start3A_308 = tpu.memref_squeeze %dma_start3A_307 : memref<1x128x16xf32, #tpu.memory_space<vmem>> -> memref<128x16xf32, #tpu.memory_space<vmem>>
        %dma_start3A_309 = arith.constant 0 : i32
        %dma_start3A_310 = tpu.memref_slice %arg5[%add3A_302, %dma_start3A_309] : memref<80x128xi32, #tpu.memory_space<vmem>> -> memref<1x128xi32, #tpu.memory_space<vmem>>
        %dma_start3A_311 = tpu.memref_squeeze %dma_start3A_310 : memref<1x128xi32, #tpu.memory_space<vmem>> -> memref<128xi32, #tpu.memory_space<vmem>>
        %dma_start3A_312 = arith.constant 0 : i32
        %dma_start3A_313 = arith.constant 0 : i32
        %dma_start3A_314 = tpu.memref_slice %arg2[%dma_start3A_312, %dma_start3A_313] : memref<10240x16xf32, #tpu.memory_space<hbm>> -> memref<10240x16xf32, #tpu.memory_space<hbm>>
        %dma_start3A_315 = tpu.memref_slice %arg9[%dma_start3A_304] : memref<8x!tpu.dma_semaphore, #tpu.memory_space<semaphore_mem>> -> memref<1x!tpu.dma_semaphore, #tpu.memory_space<semaphore_mem>>
        %dma_start3A_316 = tpu.memref_squeeze %dma_start3A_315 : memref<1x!tpu.dma_semaphore, #tpu.memory_space<semaphore_mem>> -> memref<!tpu.dma_semaphore, #tpu.memory_space<semaphore_mem>>
        tpu.enqueue_indirect_dma source(%dma_start3A_314 : memref<10240x16xf32, #tpu.memory_space<hbm>>) target(%dma_start3A_308 : memref<128x16xf32, #tpu.memory_space<vmem>>) offsets(%dma_start3A_311 : memref<128xi32, #tpu.memory_space<vmem>>) semaphore(%dma_start3A_316 : memref<!tpu.dma_semaphore, #tpu.memory_space<semaphore_mem>>)
      } else {
      }
      %add3A_241 = arith.constant 3 : i32
      %add3A_242 = arith.addi %add3A_158, %add3A_241 : i32
      %lt3A_243 = arith.cmpi slt, %add3A_242, %add3A_4 : i32
      %convert_element_type3A_244 = arith.extui %lt3A_243 : i1 to i32
      %cond3A_245 = arith.constant 0 : i32
      %cond3A_246 = arith.cmpi ne, %convert_element_type3A_244, %cond3A_245 : i32
      scf.if %cond3A_246 {
        %dma_wait3A = arith.constant 3 : i32
        %dma_wait3A_301 = arith.constant 3 : i32
        %dma_wait3A_302 = arith.constant 0 : i32
        %dma_wait3A_303 = arith.constant 0 : i32
        %dma_wait3A_304 = tpu.memref_slice %arg7[%dma_wait3A, %dma_wait3A_302, %dma_wait3A_303] : memref<8x128x16xf32, #tpu.memory_space<vmem>> -> memref<1x128x16xf32, #tpu.memory_space<vmem>>
        %dma_wait3A_305 = tpu.memref_squeeze %dma_wait3A_304 : memref<1x128x16xf32, #tpu.memory_space<vmem>> -> memref<128x16xf32, #tpu.memory_space<vmem>>
        %dma_wait3A_306 = arith.constant 0 : i32
        %dma_wait3A_307 = tpu.memref_slice %arg6[%add3A_242, %dma_wait3A_306] : memref<80x128xi32, #tpu.memory_space<vmem>> -> memref<1x128xi32, #tpu.memory_space<vmem>>
        %dma_wait3A_308 = tpu.memref_squeeze %dma_wait3A_307 : memref<1x128xi32, #tpu.memory_space<vmem>> -> memref<128xi32, #tpu.memory_space<vmem>>
        %dma_wait3A_309 = arith.constant 0 : i32
        %dma_wait3A_310 = arith.constant 0 : i32
        %dma_wait3A_311 = tpu.memref_slice %arg8[%dma_wait3A_309, %dma_wait3A_310] : memref<10240x16xf32, #tpu.memory_space<vmem_shared>> -> memref<10240x16xf32, #tpu.memory_space<vmem_shared>>
        %dma_wait3A_312 = tpu.memref_slice %arg10[%dma_wait3A_301] : memref<8x!tpu.dma_semaphore, #tpu.memory_space<semaphore_mem>> -> memref<1x!tpu.dma_semaphore, #tpu.memory_space<semaphore_mem>>
        %dma_wait3A_313 = tpu.memref_squeeze %dma_wait3A_312 : memref<1x!tpu.dma_semaphore, #tpu.memory_space<semaphore_mem>> -> memref<!tpu.dma_semaphore, #tpu.memory_space<semaphore_mem>>
        tpu.wait_indirect_dma semaphore(%dma_wait3A_313 : memref<!tpu.dma_semaphore, #tpu.memory_space<semaphore_mem>>) src(%dma_wait3A_305 : memref<128x16xf32, #tpu.memory_space<vmem>>) dst(%dma_wait3A_311 : memref<10240x16xf32, #tpu.memory_space<vmem_shared>>)
      } else {
      }
      %add3A_247 = arith.constant 8 : i32
      %add3A_248 = arith.addi %add3A_242, %add3A_247 : i32
      %lt3A_249 = arith.cmpi slt, %add3A_248, %add3A_4 : i32
      %convert_element_type3A_250 = arith.extui %lt3A_249 : i1 to i32
      %cond3A_251 = arith.constant 0 : i32
      %cond3A_252 = arith.cmpi ne, %convert_element_type3A_250, %cond3A_251 : i32
      scf.if %cond3A_252 {
        %add3A_301 = arith.constant 8 : i32
        %add3A_302 = arith.addi %add3A_242, %add3A_301 : i32
        %dma_start3A_303 = arith.constant 3 : i32
        %dma_start3A_304 = arith.constant 3 : i32
        %dma_start3A_305 = arith.constant 0 : i32
        %dma_start3A_306 = arith.constant 0 : i32
        %dma_start3A_307 = tpu.memref_slice %arg7[%dma_start3A_303, %dma_start3A_305, %dma_start3A_306] : memref<8x128x16xf32, #tpu.memory_space<vmem>> -> memref<1x128x16xf32, #tpu.memory_space<vmem>>
        %dma_start3A_308 = tpu.memref_squeeze %dma_start3A_307 : memref<1x128x16xf32, #tpu.memory_space<vmem>> -> memref<128x16xf32, #tpu.memory_space<vmem>>
        %dma_start3A_309 = arith.constant 0 : i32
        %dma_start3A_310 = tpu.memref_slice %arg5[%add3A_302, %dma_start3A_309] : memref<80x128xi32, #tpu.memory_space<vmem>> -> memref<1x128xi32, #tpu.memory_space<vmem>>
        %dma_start3A_311 = tpu.memref_squeeze %dma_start3A_310 : memref<1x128xi32, #tpu.memory_space<vmem>> -> memref<128xi32, #tpu.memory_space<vmem>>
        %dma_start3A_312 = arith.constant 0 : i32
        %dma_start3A_313 = arith.constant 0 : i32
        %dma_start3A_314 = tpu.memref_slice %arg2[%dma_start3A_312, %dma_start3A_313] : memref<10240x16xf32, #tpu.memory_space<hbm>> -> memref<10240x16xf32, #tpu.memory_space<hbm>>
        %dma_start3A_315 = tpu.memref_slice %arg9[%dma_start3A_304] : memref<8x!tpu.dma_semaphore, #tpu.memory_space<semaphore_mem>> -> memref<1x!tpu.dma_semaphore, #tpu.memory_space<semaphore_mem>>
        %dma_start3A_316 = tpu.memref_squeeze %dma_start3A_315 : memref<1x!tpu.dma_semaphore, #tpu.memory_space<semaphore_mem>> -> memref<!tpu.dma_semaphore, #tpu.memory_space<semaphore_mem>>
        tpu.enqueue_indirect_dma source(%dma_start3A_314 : memref<10240x16xf32, #tpu.memory_space<hbm>>) target(%dma_start3A_308 : memref<128x16xf32, #tpu.memory_space<vmem>>) offsets(%dma_start3A_311 : memref<128xi32, #tpu.memory_space<vmem>>) semaphore(%dma_start3A_316 : memref<!tpu.dma_semaphore, #tpu.memory_space<semaphore_mem>>)
      } else {
      }
      %add3A_253 = arith.constant 4 : i32
      %add3A_254 = arith.addi %add3A_158, %add3A_253 : i32
      %lt3A_255 = arith.cmpi slt, %add3A_254, %add3A_4 : i32
      %convert_element_type3A_256 = arith.extui %lt3A_255 : i1 to i32
      %cond3A_257 = arith.constant 0 : i32
      %cond3A_258 = arith.cmpi ne, %convert_element_type3A_256, %cond3A_257 : i32
      scf.if %cond3A_258 {
        %dma_wait3A = arith.constant 4 : i32
        %dma_wait3A_301 = arith.constant 4 : i32
        %dma_wait3A_302 = arith.constant 0 : i32
        %dma_wait3A_303 = arith.constant 0 : i32
        %dma_wait3A_304 = tpu.memref_slice %arg7[%dma_wait3A, %dma_wait3A_302, %dma_wait3A_303] : memref<8x128x16xf32, #tpu.memory_space<vmem>> -> memref<1x128x16xf32, #tpu.memory_space<vmem>>
        %dma_wait3A_305 = tpu.memref_squeeze %dma_wait3A_304 : memref<1x128x16xf32, #tpu.memory_space<vmem>> -> memref<128x16xf32, #tpu.memory_space<vmem>>
        %dma_wait3A_306 = arith.constant 0 : i32
        %dma_wait3A_307 = tpu.memref_slice %arg6[%add3A_254, %dma_wait3A_306] : memref<80x128xi32, #tpu.memory_space<vmem>> -> memref<1x128xi32, #tpu.memory_space<vmem>>
        %dma_wait3A_308 = tpu.memref_squeeze %dma_wait3A_307 : memref<1x128xi32, #tpu.memory_space<vmem>> -> memref<128xi32, #tpu.memory_space<vmem>>
        %dma_wait3A_309 = arith.constant 0 : i32
        %dma_wait3A_310 = arith.constant 0 : i32
        %dma_wait3A_311 = tpu.memref_slice %arg8[%dma_wait3A_309, %dma_wait3A_310] : memref<10240x16xf32, #tpu.memory_space<vmem_shared>> -> memref<10240x16xf32, #tpu.memory_space<vmem_shared>>
        %dma_wait3A_312 = tpu.memref_slice %arg10[%dma_wait3A_301] : memref<8x!tpu.dma_semaphore, #tpu.memory_space<semaphore_mem>> -> memref<1x!tpu.dma_semaphore, #tpu.memory_space<semaphore_mem>>
        %dma_wait3A_313 = tpu.memref_squeeze %dma_wait3A_312 : memref<1x!tpu.dma_semaphore, #tpu.memory_space<semaphore_mem>> -> memref<!tpu.dma_semaphore, #tpu.memory_space<semaphore_mem>>
        tpu.wait_indirect_dma semaphore(%dma_wait3A_313 : memref<!tpu.dma_semaphore, #tpu.memory_space<semaphore_mem>>) src(%dma_wait3A_305 : memref<128x16xf32, #tpu.memory_space<vmem>>) dst(%dma_wait3A_311 : memref<10240x16xf32, #tpu.memory_space<vmem_shared>>)
      } else {
      }
      %add3A_259 = arith.constant 8 : i32
      %add3A_260 = arith.addi %add3A_254, %add3A_259 : i32
      %lt3A_261 = arith.cmpi slt, %add3A_260, %add3A_4 : i32
      %convert_element_type3A_262 = arith.extui %lt3A_261 : i1 to i32
      %cond3A_263 = arith.constant 0 : i32
      %cond3A_264 = arith.cmpi ne, %convert_element_type3A_262, %cond3A_263 : i32
      scf.if %cond3A_264 {
        %add3A_301 = arith.constant 8 : i32
        %add3A_302 = arith.addi %add3A_254, %add3A_301 : i32
        %dma_start3A_303 = arith.constant 4 : i32
        %dma_start3A_304 = arith.constant 4 : i32
        %dma_start3A_305 = arith.constant 0 : i32
        %dma_start3A_306 = arith.constant 0 : i32
        %dma_start3A_307 = tpu.memref_slice %arg7[%dma_start3A_303, %dma_start3A_305, %dma_start3A_306] : memref<8x128x16xf32, #tpu.memory_space<vmem>> -> memref<1x128x16xf32, #tpu.memory_space<vmem>>
        %dma_start3A_308 = tpu.memref_squeeze %dma_start3A_307 : memref<1x128x16xf32, #tpu.memory_space<vmem>> -> memref<128x16xf32, #tpu.memory_space<vmem>>
        %dma_start3A_309 = arith.constant 0 : i32
        %dma_start3A_310 = tpu.memref_slice %arg5[%add3A_302, %dma_start3A_309] : memref<80x128xi32, #tpu.memory_space<vmem>> -> memref<1x128xi32, #tpu.memory_space<vmem>>
        %dma_start3A_311 = tpu.memref_squeeze %dma_start3A_310 : memref<1x128xi32, #tpu.memory_space<vmem>> -> memref<128xi32, #tpu.memory_space<vmem>>
        %dma_start3A_312 = arith.constant 0 : i32
        %dma_start3A_313 = arith.constant 0 : i32
        %dma_start3A_314 = tpu.memref_slice %arg2[%dma_start3A_312, %dma_start3A_313] : memref<10240x16xf32, #tpu.memory_space<hbm>> -> memref<10240x16xf32, #tpu.memory_space<hbm>>
        %dma_start3A_315 = tpu.memref_slice %arg9[%dma_start3A_304] : memref<8x!tpu.dma_semaphore, #tpu.memory_space<semaphore_mem>> -> memref<1x!tpu.dma_semaphore, #tpu.memory_space<semaphore_mem>>
        %dma_start3A_316 = tpu.memref_squeeze %dma_start3A_315 : memref<1x!tpu.dma_semaphore, #tpu.memory_space<semaphore_mem>> -> memref<!tpu.dma_semaphore, #tpu.memory_space<semaphore_mem>>
        tpu.enqueue_indirect_dma source(%dma_start3A_314 : memref<10240x16xf32, #tpu.memory_space<hbm>>) target(%dma_start3A_308 : memref<128x16xf32, #tpu.memory_space<vmem>>) offsets(%dma_start3A_311 : memref<128xi32, #tpu.memory_space<vmem>>) semaphore(%dma_start3A_316 : memref<!tpu.dma_semaphore, #tpu.memory_space<semaphore_mem>>)
      } else {
      }
      %add3A_265 = arith.constant 5 : i32
      %add3A_266 = arith.addi %add3A_158, %add3A_265 : i32
      %lt3A_267 = arith.cmpi slt, %add3A_266, %add3A_4 : i32
      %convert_element_type3A_268 = arith.extui %lt3A_267 : i1 to i32
      %cond3A_269 = arith.constant 0 : i32
      %cond3A_270 = arith.cmpi ne, %convert_element_type3A_268, %cond3A_269 : i32
      scf.if %cond3A_270 {
        %dma_wait3A = arith.constant 5 : i32
        %dma_wait3A_301 = arith.constant 5 : i32
        %dma_wait3A_302 = arith.constant 0 : i32
        %dma_wait3A_303 = arith.constant 0 : i32
        %dma_wait3A_304 = tpu.memref_slice %arg7[%dma_wait3A, %dma_wait3A_302, %dma_wait3A_303] : memref<8x128x16xf32, #tpu.memory_space<vmem>> -> memref<1x128x16xf32, #tpu.memory_space<vmem>>
        %dma_wait3A_305 = tpu.memref_squeeze %dma_wait3A_304 : memref<1x128x16xf32, #tpu.memory_space<vmem>> -> memref<128x16xf32, #tpu.memory_space<vmem>>
        %dma_wait3A_306 = arith.constant 0 : i32
        %dma_wait3A_307 = tpu.memref_slice %arg6[%add3A_266, %dma_wait3A_306] : memref<80x128xi32, #tpu.memory_space<vmem>> -> memref<1x128xi32, #tpu.memory_space<vmem>>
        %dma_wait3A_308 = tpu.memref_squeeze %dma_wait3A_307 : memref<1x128xi32, #tpu.memory_space<vmem>> -> memref<128xi32, #tpu.memory_space<vmem>>
        %dma_wait3A_309 = arith.constant 0 : i32
        %dma_wait3A_310 = arith.constant 0 : i32
        %dma_wait3A_311 = tpu.memref_slice %arg8[%dma_wait3A_309, %dma_wait3A_310] : memref<10240x16xf32, #tpu.memory_space<vmem_shared>> -> memref<10240x16xf32, #tpu.memory_space<vmem_shared>>
        %dma_wait3A_312 = tpu.memref_slice %arg10[%dma_wait3A_301] : memref<8x!tpu.dma_semaphore, #tpu.memory_space<semaphore_mem>> -> memref<1x!tpu.dma_semaphore, #tpu.memory_space<semaphore_mem>>
        %dma_wait3A_313 = tpu.memref_squeeze %dma_wait3A_312 : memref<1x!tpu.dma_semaphore, #tpu.memory_space<semaphore_mem>> -> memref<!tpu.dma_semaphore, #tpu.memory_space<semaphore_mem>>
        tpu.wait_indirect_dma semaphore(%dma_wait3A_313 : memref<!tpu.dma_semaphore, #tpu.memory_space<semaphore_mem>>) src(%dma_wait3A_305 : memref<128x16xf32, #tpu.memory_space<vmem>>) dst(%dma_wait3A_311 : memref<10240x16xf32, #tpu.memory_space<vmem_shared>>)
      } else {
      }
      %add3A_271 = arith.constant 8 : i32
      %add3A_272 = arith.addi %add3A_266, %add3A_271 : i32
      %lt3A_273 = arith.cmpi slt, %add3A_272, %add3A_4 : i32
      %convert_element_type3A_274 = arith.extui %lt3A_273 : i1 to i32
      %cond3A_275 = arith.constant 0 : i32
      %cond3A_276 = arith.cmpi ne, %convert_element_type3A_274, %cond3A_275 : i32
      scf.if %cond3A_276 {
        %add3A_301 = arith.constant 8 : i32
        %add3A_302 = arith.addi %add3A_266, %add3A_301 : i32
        %dma_start3A_303 = arith.constant 5 : i32
        %dma_start3A_304 = arith.constant 5 : i32
        %dma_start3A_305 = arith.constant 0 : i32
        %dma_start3A_306 = arith.constant 0 : i32
        %dma_start3A_307 = tpu.memref_slice %arg7[%dma_start3A_303, %dma_start3A_305, %dma_start3A_306] : memref<8x128x16xf32, #tpu.memory_space<vmem>> -> memref<1x128x16xf32, #tpu.memory_space<vmem>>
        %dma_start3A_308 = tpu.memref_squeeze %dma_start3A_307 : memref<1x128x16xf32, #tpu.memory_space<vmem>> -> memref<128x16xf32, #tpu.memory_space<vmem>>
        %dma_start3A_309 = arith.constant 0 : i32
        %dma_start3A_310 = tpu.memref_slice %arg5[%add3A_302, %dma_start3A_309] : memref<80x128xi32, #tpu.memory_space<vmem>> -> memref<1x128xi32, #tpu.memory_space<vmem>>
        %dma_start3A_311 = tpu.memref_squeeze %dma_start3A_310 : memref<1x128xi32, #tpu.memory_space<vmem>> -> memref<128xi32, #tpu.memory_space<vmem>>
        %dma_start3A_312 = arith.constant 0 : i32
        %dma_start3A_313 = arith.constant 0 : i32
        %dma_start3A_314 = tpu.memref_slice %arg2[%dma_start3A_312, %dma_start3A_313] : memref<10240x16xf32, #tpu.memory_space<hbm>> -> memref<10240x16xf32, #tpu.memory_space<hbm>>
        %dma_start3A_315 = tpu.memref_slice %arg9[%dma_start3A_304] : memref<8x!tpu.dma_semaphore, #tpu.memory_space<semaphore_mem>> -> memref<1x!tpu.dma_semaphore, #tpu.memory_space<semaphore_mem>>
        %dma_start3A_316 = tpu.memref_squeeze %dma_start3A_315 : memref<1x!tpu.dma_semaphore, #tpu.memory_space<semaphore_mem>> -> memref<!tpu.dma_semaphore, #tpu.memory_space<semaphore_mem>>
        tpu.enqueue_indirect_dma source(%dma_start3A_314 : memref<10240x16xf32, #tpu.memory_space<hbm>>) target(%dma_start3A_308 : memref<128x16xf32, #tpu.memory_space<vmem>>) offsets(%dma_start3A_311 : memref<128xi32, #tpu.memory_space<vmem>>) semaphore(%dma_start3A_316 : memref<!tpu.dma_semaphore, #tpu.memory_space<semaphore_mem>>)
      } else {
      }
      %add3A_277 = arith.constant 6 : i32
      %add3A_278 = arith.addi %add3A_158, %add3A_277 : i32
      %lt3A_279 = arith.cmpi slt, %add3A_278, %add3A_4 : i32
      %convert_element_type3A_280 = arith.extui %lt3A_279 : i1 to i32
      %cond3A_281 = arith.constant 0 : i32
      %cond3A_282 = arith.cmpi ne, %convert_element_type3A_280, %cond3A_281 : i32
      scf.if %cond3A_282 {
        %dma_wait3A = arith.constant 6 : i32
        %dma_wait3A_301 = arith.constant 6 : i32
        %dma_wait3A_302 = arith.constant 0 : i32
        %dma_wait3A_303 = arith.constant 0 : i32
        %dma_wait3A_304 = tpu.memref_slice %arg7[%dma_wait3A, %dma_wait3A_302, %dma_wait3A_303] : memref<8x128x16xf32, #tpu.memory_space<vmem>> -> memref<1x128x16xf32, #tpu.memory_space<vmem>>
        %dma_wait3A_305 = tpu.memref_squeeze %dma_wait3A_304 : memref<1x128x16xf32, #tpu.memory_space<vmem>> -> memref<128x16xf32, #tpu.memory_space<vmem>>
        %dma_wait3A_306 = arith.constant 0 : i32
        %dma_wait3A_307 = tpu.memref_slice %arg6[%add3A_278, %dma_wait3A_306] : memref<80x128xi32, #tpu.memory_space<vmem>> -> memref<1x128xi32, #tpu.memory_space<vmem>>
        %dma_wait3A_308 = tpu.memref_squeeze %dma_wait3A_307 : memref<1x128xi32, #tpu.memory_space<vmem>> -> memref<128xi32, #tpu.memory_space<vmem>>
        %dma_wait3A_309 = arith.constant 0 : i32
        %dma_wait3A_310 = arith.constant 0 : i32
        %dma_wait3A_311 = tpu.memref_slice %arg8[%dma_wait3A_309, %dma_wait3A_310] : memref<10240x16xf32, #tpu.memory_space<vmem_shared>> -> memref<10240x16xf32, #tpu.memory_space<vmem_shared>>
        %dma_wait3A_312 = tpu.memref_slice %arg10[%dma_wait3A_301] : memref<8x!tpu.dma_semaphore, #tpu.memory_space<semaphore_mem>> -> memref<1x!tpu.dma_semaphore, #tpu.memory_space<semaphore_mem>>
        %dma_wait3A_313 = tpu.memref_squeeze %dma_wait3A_312 : memref<1x!tpu.dma_semaphore, #tpu.memory_space<semaphore_mem>> -> memref<!tpu.dma_semaphore, #tpu.memory_space<semaphore_mem>>
        tpu.wait_indirect_dma semaphore(%dma_wait3A_313 : memref<!tpu.dma_semaphore, #tpu.memory_space<semaphore_mem>>) src(%dma_wait3A_305 : memref<128x16xf32, #tpu.memory_space<vmem>>) dst(%dma_wait3A_311 : memref<10240x16xf32, #tpu.memory_space<vmem_shared>>)
      } else {
      }
      %add3A_283 = arith.constant 8 : i32
      %add3A_284 = arith.addi %add3A_278, %add3A_283 : i32
      %lt3A_285 = arith.cmpi slt, %add3A_284, %add3A_4 : i32
      %convert_element_type3A_286 = arith.extui %lt3A_285 : i1 to i32
      %cond3A_287 = arith.constant 0 : i32
      %cond3A_288 = arith.cmpi ne, %convert_element_type3A_286, %cond3A_287 : i32
      scf.if %cond3A_288 {
        %add3A_301 = arith.constant 8 : i32
        %add3A_302 = arith.addi %add3A_278, %add3A_301 : i32
        %dma_start3A_303 = arith.constant 6 : i32
        %dma_start3A_304 = arith.constant 6 : i32
        %dma_start3A_305 = arith.constant 0 : i32
        %dma_start3A_306 = arith.constant 0 : i32
        %dma_start3A_307 = tpu.memref_slice %arg7[%dma_start3A_303, %dma_start3A_305, %dma_start3A_306] : memref<8x128x16xf32, #tpu.memory_space<vmem>> -> memref<1x128x16xf32, #tpu.memory_space<vmem>>
        %dma_start3A_308 = tpu.memref_squeeze %dma_start3A_307 : memref<1x128x16xf32, #tpu.memory_space<vmem>> -> memref<128x16xf32, #tpu.memory_space<vmem>>
        %dma_start3A_309 = arith.constant 0 : i32
        %dma_start3A_310 = tpu.memref_slice %arg5[%add3A_302, %dma_start3A_309] : memref<80x128xi32, #tpu.memory_space<vmem>> -> memref<1x128xi32, #tpu.memory_space<vmem>>
        %dma_start3A_311 = tpu.memref_squeeze %dma_start3A_310 : memref<1x128xi32, #tpu.memory_space<vmem>> -> memref<128xi32, #tpu.memory_space<vmem>>
        %dma_start3A_312 = arith.constant 0 : i32
        %dma_start3A_313 = arith.constant 0 : i32
        %dma_start3A_314 = tpu.memref_slice %arg2[%dma_start3A_312, %dma_start3A_313] : memref<10240x16xf32, #tpu.memory_space<hbm>> -> memref<10240x16xf32, #tpu.memory_space<hbm>>
        %dma_start3A_315 = tpu.memref_slice %arg9[%dma_start3A_304] : memref<8x!tpu.dma_semaphore, #tpu.memory_space<semaphore_mem>> -> memref<1x!tpu.dma_semaphore, #tpu.memory_space<semaphore_mem>>
        %dma_start3A_316 = tpu.memref_squeeze %dma_start3A_315 : memref<1x!tpu.dma_semaphore, #tpu.memory_space<semaphore_mem>> -> memref<!tpu.dma_semaphore, #tpu.memory_space<semaphore_mem>>
        tpu.enqueue_indirect_dma source(%dma_start3A_314 : memref<10240x16xf32, #tpu.memory_space<hbm>>) target(%dma_start3A_308 : memref<128x16xf32, #tpu.memory_space<vmem>>) offsets(%dma_start3A_311 : memref<128xi32, #tpu.memory_space<vmem>>) semaphore(%dma_start3A_316 : memref<!tpu.dma_semaphore, #tpu.memory_space<semaphore_mem>>)
      } else {
      }
      %add3A_289 = arith.constant 7 : i32
      %add3A_290 = arith.addi %add3A_158, %add3A_289 : i32
      %lt3A_291 = arith.cmpi slt, %add3A_290, %add3A_4 : i32
      %convert_element_type3A_292 = arith.extui %lt3A_291 : i1 to i32
      %cond3A_293 = arith.constant 0 : i32
      %cond3A_294 = arith.cmpi ne, %convert_element_type3A_292, %cond3A_293 : i32
      scf.if %cond3A_294 {
        %dma_wait3A = arith.constant 7 : i32
        %dma_wait3A_301 = arith.constant 7 : i32
        %dma_wait3A_302 = arith.constant 0 : i32
        %dma_wait3A_303 = arith.constant 0 : i32
        %dma_wait3A_304 = tpu.memref_slice %arg7[%dma_wait3A, %dma_wait3A_302, %dma_wait3A_303] : memref<8x128x16xf32, #tpu.memory_space<vmem>> -> memref<1x128x16xf32, #tpu.memory_space<vmem>>
        %dma_wait3A_305 = tpu.memref_squeeze %dma_wait3A_304 : memref<1x128x16xf32, #tpu.memory_space<vmem>> -> memref<128x16xf32, #tpu.memory_space<vmem>>
        %dma_wait3A_306 = arith.constant 0 : i32
        %dma_wait3A_307 = tpu.memref_slice %arg6[%add3A_290, %dma_wait3A_306] : memref<80x128xi32, #tpu.memory_space<vmem>> -> memref<1x128xi32, #tpu.memory_space<vmem>>
        %dma_wait3A_308 = tpu.memref_squeeze %dma_wait3A_307 : memref<1x128xi32, #tpu.memory_space<vmem>> -> memref<128xi32, #tpu.memory_space<vmem>>
        %dma_wait3A_309 = arith.constant 0 : i32
        %dma_wait3A_310 = arith.constant 0 : i32
        %dma_wait3A_311 = tpu.memref_slice %arg8[%dma_wait3A_309, %dma_wait3A_310] : memref<10240x16xf32, #tpu.memory_space<vmem_shared>> -> memref<10240x16xf32, #tpu.memory_space<vmem_shared>>
        %dma_wait3A_312 = tpu.memref_slice %arg10[%dma_wait3A_301] : memref<8x!tpu.dma_semaphore, #tpu.memory_space<semaphore_mem>> -> memref<1x!tpu.dma_semaphore, #tpu.memory_space<semaphore_mem>>
        %dma_wait3A_313 = tpu.memref_squeeze %dma_wait3A_312 : memref<1x!tpu.dma_semaphore, #tpu.memory_space<semaphore_mem>> -> memref<!tpu.dma_semaphore, #tpu.memory_space<semaphore_mem>>
        tpu.wait_indirect_dma semaphore(%dma_wait3A_313 : memref<!tpu.dma_semaphore, #tpu.memory_space<semaphore_mem>>) src(%dma_wait3A_305 : memref<128x16xf32, #tpu.memory_space<vmem>>) dst(%dma_wait3A_311 : memref<10240x16xf32, #tpu.memory_space<vmem_shared>>)
      } else {
      }
      %add3A_295 = arith.constant 8 : i32
      %add3A_296 = arith.addi %add3A_290, %add3A_295 : i32
      %lt3A_297 = arith.cmpi slt, %add3A_296, %add3A_4 : i32
      %convert_element_type3A_298 = arith.extui %lt3A_297 : i1 to i32
      %cond3A_299 = arith.constant 0 : i32
      %cond3A_300 = arith.cmpi ne, %convert_element_type3A_298, %cond3A_299 : i32
      scf.if %cond3A_300 {
        %add3A_301 = arith.constant 8 : i32
        %add3A_302 = arith.addi %add3A_290, %add3A_301 : i32
        %dma_start3A_303 = arith.constant 7 : i32
        %dma_start3A_304 = arith.constant 7 : i32
        %dma_start3A_305 = arith.constant 0 : i32
        %dma_start3A_306 = arith.constant 0 : i32
        %dma_start3A_307 = tpu.memref_slice %arg7[%dma_start3A_303, %dma_start3A_305, %dma_start3A_306] : memref<8x128x16xf32, #tpu.memory_space<vmem>> -> memref<1x128x16xf32, #tpu.memory_space<vmem>>
        %dma_start3A_308 = tpu.memref_squeeze %dma_start3A_307 : memref<1x128x16xf32, #tpu.memory_space<vmem>> -> memref<128x16xf32, #tpu.memory_space<vmem>>
        %dma_start3A_309 = arith.constant 0 : i32
        %dma_start3A_310 = tpu.memref_slice %arg5[%add3A_302, %dma_start3A_309] : memref<80x128xi32, #tpu.memory_space<vmem>> -> memref<1x128xi32, #tpu.memory_space<vmem>>
        %dma_start3A_311 = tpu.memref_squeeze %dma_start3A_310 : memref<1x128xi32, #tpu.memory_space<vmem>> -> memref<128xi32, #tpu.memory_space<vmem>>
        %dma_start3A_312 = arith.constant 0 : i32
        %dma_start3A_313 = arith.constant 0 : i32
        %dma_start3A_314 = tpu.memref_slice %arg2[%dma_start3A_312, %dma_start3A_313] : memref<10240x16xf32, #tpu.memory_space<hbm>> -> memref<10240x16xf32, #tpu.memory_space<hbm>>
        %dma_start3A_315 = tpu.memref_slice %arg9[%dma_start3A_304] : memref<8x!tpu.dma_semaphore, #tpu.memory_space<semaphore_mem>> -> memref<1x!tpu.dma_semaphore, #tpu.memory_space<semaphore_mem>>
        %dma_start3A_316 = tpu.memref_squeeze %dma_start3A_315 : memref<1x!tpu.dma_semaphore, #tpu.memory_space<semaphore_mem>> -> memref<!tpu.dma_semaphore, #tpu.memory_space<semaphore_mem>>
        tpu.enqueue_indirect_dma source(%dma_start3A_314 : memref<10240x16xf32, #tpu.memory_space<hbm>>) target(%dma_start3A_308 : memref<128x16xf32, #tpu.memory_space<vmem>>) offsets(%dma_start3A_311 : memref<128xi32, #tpu.memory_space<vmem>>) semaphore(%dma_start3A_316 : memref<!tpu.dma_semaphore, #tpu.memory_space<semaphore_mem>>)
      } else {
      }
    }
    %scan3A_148 = arith.constant 10 : i32
    %barrier3A_149 = arith.constant 0 : index
    tpu.barrier barrier_id(%barrier3A_149)
    %mul3A_150 = arith.constant 640 : i32
    %mul3A_151 = arith.muli %arg1, %mul3A_150 : i32
    %mul3A_152 = arith.constant 640 : i32
    %mul3A_153 = arith.muli %arg1, %mul3A_152 : i32
    "tpu.region"() ({
      %run_scoped3A = tpu.sem_alloc : memref<!tpu.dma_semaphore, #tpu.memory_space<semaphore_mem>>
      %dma_start3A_154 = arith.constant 0 : i32
      %dma_start3A_155 = tpu.memref_slice %arg4[%arg0, %mul3A_153, %dma_start3A_154] : memref<2x10240x16xf32, #tpu.memory_space<hbm>> -> memref<1x640x16xf32, #tpu.memory_space<hbm>>
      %dma_start3A_156 = tpu.memref_squeeze %dma_start3A_155 : memref<1x640x16xf32, #tpu.memory_space<hbm>> -> memref<640x16xf32, #tpu.memory_space<hbm>>
      %dma_start3A_157 = arith.constant 0 : i32
      %dma_start3A_158 = tpu.memref_slice %arg8[%mul3A_151, %dma_start3A_157] : memref<10240x16xf32, #tpu.memory_space<vmem_shared>> -> memref<640x16xf32, #tpu.memory_space<vmem_shared>>
      tpu.enqueue_dma source(%dma_start3A_158 : memref<640x16xf32, #tpu.memory_space<vmem_shared>>) target(%dma_start3A_156 : memref<640x16xf32, #tpu.memory_space<hbm>>) target_semaphore(%run_scoped3A : memref<!tpu.dma_semaphore, #tpu.memory_space<semaphore_mem>>)
      %dma_wait3A = arith.constant 0 : i32
      %dma_wait3A_159 = tpu.memref_slice %arg4[%arg0, %mul3A_153, %dma_wait3A] : memref<2x10240x16xf32, #tpu.memory_space<hbm>> -> memref<1x640x16xf32, #tpu.memory_space<hbm>>
      %dma_wait3A_160 = tpu.memref_squeeze %dma_wait3A_159 : memref<1x640x16xf32, #tpu.memory_space<hbm>> -> memref<640x16xf32, #tpu.memory_space<hbm>>
      %dma_wait3A_161 = arith.constant 0 : i32
      %dma_wait3A_162 = tpu.memref_slice %arg8[%mul3A_151, %dma_wait3A_161] : memref<10240x16xf32, #tpu.memory_space<vmem_shared>> -> memref<640x16xf32, #tpu.memory_space<vmem_shared>>
      tpu.wait_dma2 semaphore(%run_scoped3A : memref<!tpu.dma_semaphore, #tpu.memory_space<semaphore_mem>>) src(%dma_wait3A_162 : memref<640x16xf32, #tpu.memory_space<vmem_shared>>) dst(%dma_wait3A_160 : memref<640x16xf32, #tpu.memory_space<hbm>>)
      tpu.yield
    }) : () -> ()
    return
  }
}

module attributes {stable_mosaic.version = 14 : i64} {
  func.func @_tc1_body(%arg0: memref<1250x128xf32, #tpu.memory_space<vmem>>, %arg1: memref<2x1280x128xf32, #tpu.memory_space<vmem>>, %arg2: memref<1280x128xf32, #tpu.memory_space<vmem>>, %arg3: memref<1280x128xf32, #tpu.memory_space<vmem>>) attributes {dimension_semantics = [], scalar_prefetch = 0 : i64, scratch_operands = 0 : i64, tpu.core_type = #tpu.core_type<tc>} {
    %get3A = arith.constant 0 : index
    %get3A_0 = arith.constant 0 : index
    %get3A_1 = arith.constant 0 : index
    %get3A_2 = vector.load %arg1[%get3A, %get3A_0, %get3A_1] : memref<2x1280x128xf32, #tpu.memory_space<vmem>>, vector<1x1280x128xf32>
    %get3A_3 = vector.shape_cast %get3A_2 : vector<1x1280x128xf32> to vector<1280x128xf32>
    %get3A_4 = arith.constant 1 : index
    %get3A_5 = arith.constant 0 : index
    %get3A_6 = arith.constant 0 : index
    %get3A_7 = vector.load %arg1[%get3A_4, %get3A_5, %get3A_6] : memref<2x1280x128xf32, #tpu.memory_space<vmem>>, vector<1x1280x128xf32>
    %get3A_8 = vector.shape_cast %get3A_7 : vector<1x1280x128xf32> to vector<1280x128xf32>
    %add3A = arith.addf %get3A_3, %get3A_8 : vector<1280x128xf32>
    %add3A_9 = arith.constant 1.000000e+00 : f32
    %add3A_10 = vector.broadcast %add3A_9 : f32 to vector<1280x128xf32>
    %add3A_11 = arith.addf %add3A, %add3A_10 : vector<1280x128xf32>
    %sqrt3A = math.sqrt %add3A_11 : vector<1280x128xf32>
    %div3A = arith.constant 1.000000e+00 : f32
    %div3A_12 = vector.broadcast %div3A : f32 to vector<1280x128xf32>
    %div3A_13 = arith.divf %div3A_12, %sqrt3A : vector<1280x128xf32>
    %get3A_14 = arith.constant 0 : index
    %get3A_15 = arith.constant 0 : index
    %get3A_16 = vector.load %arg0[%get3A_14, %get3A_15] : memref<1250x128xf32, #tpu.memory_space<vmem>>, vector<1250x128xf32>
    %jit3A = arith.constant 0 : i32
    %convert_element_type3A = arith.sitofp %jit3A : i32 to f32
    %pad3A = vector.broadcast %convert_element_type3A : f32 to vector<30x128xf32>
    %pad3A_17 = tpu.concatenate %get3A_16, %pad3A in 0 : vector<1250x128xf32>, vector<30x128xf32> -> vector<1280x128xf32>
    %mul3A = arith.mulf %pad3A_17, %div3A_13 : vector<1280x128xf32>
    %swap3A = arith.constant 0 : index
    %swap3A_18 = arith.constant 0 : index
    %swap3A_19 = vector.load %arg2[%swap3A, %swap3A_18] : memref<1280x128xf32, #tpu.memory_space<vmem>>, vector<1280x128xf32>
    tpu.vector_store %arg2[%swap3A, %swap3A_18], %mul3A {strides = array<i32>} : memref<1280x128xf32, #tpu.memory_space<vmem>>, vector<1280x128xf32>,
    %swap3A_20 = arith.constant 0 : index
    %swap3A_21 = arith.constant 0 : index
    %swap3A_22 = vector.load %arg3[%swap3A_20, %swap3A_21] : memref<1280x128xf32, #tpu.memory_space<vmem>>, vector<1280x128xf32>
    tpu.vector_store %arg3[%swap3A_20, %swap3A_21], %div3A_13 {strides = array<i32>} : memref<1280x128xf32, #tpu.memory_space<vmem>>, vector<1280x128xf32>,
    return
  }
}

module attributes {stable_mosaic.version = 14 : i64} {
  func.func @_tc2_body(%arg0: memref<2x1280x128xf32, #tpu.memory_space<vmem>>, %arg1: memref<1280x128xf32, #tpu.memory_space<vmem>>, %arg2: memref<1280x128xf32, #tpu.memory_space<vmem>>, %arg3: memref<1280x128xf32, #tpu.memory_space<vmem>>) attributes {dimension_semantics = [], scalar_prefetch = 0 : i64, scratch_operands = 0 : i64, tpu.core_type = #tpu.core_type<tc>} {
    %get3A = arith.constant 0 : index
    %get3A_0 = arith.constant 0 : index
    %get3A_1 = arith.constant 0 : index
    %get3A_2 = vector.load %arg0[%get3A, %get3A_0, %get3A_1] : memref<2x1280x128xf32, #tpu.memory_space<vmem>>, vector<1x1280x128xf32>
    %get3A_3 = vector.shape_cast %get3A_2 : vector<1x1280x128xf32> to vector<1280x128xf32>
    %get3A_4 = arith.constant 1 : index
    %get3A_5 = arith.constant 0 : index
    %get3A_6 = arith.constant 0 : index
    %get3A_7 = vector.load %arg0[%get3A_4, %get3A_5, %get3A_6] : memref<2x1280x128xf32, #tpu.memory_space<vmem>>, vector<1x1280x128xf32>
    %get3A_8 = vector.shape_cast %get3A_7 : vector<1x1280x128xf32> to vector<1280x128xf32>
    %add3A = arith.addf %get3A_3, %get3A_8 : vector<1280x128xf32>
    %get3A_9 = arith.constant 0 : index
    %get3A_10 = arith.constant 0 : index
    %get3A_11 = vector.load %arg1[%get3A_9, %get3A_10] : memref<1280x128xf32, #tpu.memory_space<vmem>>, vector<1280x128xf32>
    %add3A_12 = arith.addf %add3A, %get3A_11 : vector<1280x128xf32>
    %get3A_13 = arith.constant 0 : index
    %get3A_14 = arith.constant 0 : index
    %get3A_15 = vector.load %arg2[%get3A_13, %get3A_14] : memref<1280x128xf32, #tpu.memory_space<vmem>>, vector<1280x128xf32>
    %mul3A = arith.mulf %add3A_12, %get3A_15 : vector<1280x128xf32>
    %max3A = arith.constant 0.000000e+00 : f32
    %max3A_16 = vector.broadcast %max3A : f32 to vector<1280x128xf32>
    %max3A_17 = arith.maximumf %mul3A, %max3A_16 : vector<1280x128xf32>
    %get3A_18 = arith.constant 0 : index
    %get3A_19 = arith.constant 0 : index
    %get3A_20 = vector.load %arg2[%get3A_18, %get3A_19] : memref<1280x128xf32, #tpu.memory_space<vmem>>, vector<1280x128xf32>
    %mul3A_21 = arith.mulf %max3A_17, %get3A_20 : vector<1280x128xf32>
    %swap3A = arith.constant 0 : index
    %swap3A_22 = arith.constant 0 : index
    %swap3A_23 = vector.load %arg3[%swap3A, %swap3A_22] : memref<1280x128xf32, #tpu.memory_space<vmem>>, vector<1280x128xf32>
    tpu.vector_store %arg3[%swap3A, %swap3A_22], %mul3A_21 {strides = array<i32>} : memref<1280x128xf32, #tpu.memory_space<vmem>>, vector<1280x128xf32>,
    return
  }
}

module attributes {stable_mosaic.version = 14 : i64} {
  func.func @_tc0_body(%arg0: i32, %arg1: memref<1000x128xf32, #tpu.memory_space<vmem>>, %arg2: memref<128x16xf32, #tpu.memory_space<vmem>>, %arg3: memref<1000x16xf32, #tpu.memory_space<vmem>>) attributes {dimension_semantics = [#tpu.dimension_semantics<arbitrary>], iteration_bounds = array<i64: 10>, scalar_prefetch = 0 : i64, scratch_operands = 0 : i64, tpu.core_type = #tpu.core_type<tc>, window_params = [{transform_indices = @transform_0, window_bounds = array<i64: 1000, 128>}, {pipeline_mode = #tpu.pipeline_mode<synchronous>, transform_indices = @transform_1, window_bounds = array<i64: 128, 16>}, {transform_indices = @transform_2, window_bounds = array<i64: 1000, 16>}]} {
    %get3A = arith.constant 0 : index
    %get3A_0 = arith.constant 0 : index
    %get3A_1 = vector.load %arg1[%get3A, %get3A_0] : memref<1000x128xf32, #tpu.memory_space<vmem>>, vector<1000x128xf32>
    %get3A_2 = arith.constant 0 : index
    %get3A_3 = arith.constant 0 : index
    %get3A_4 = vector.load %arg2[%get3A_2, %get3A_3] : memref<128x16xf32, #tpu.memory_space<vmem>>, vector<128x16xf32>
    %dot_general3A = arith.constant dense<0.000000e+00> : vector<1000x16xf32>
    %dot_general3A_5 = tpu.matmul %get3A_1, %get3A_4, %dot_general3A {dimension_numbers = #tpu.dot_dimension_numbers<[1], [0], [0], [1], [0, 0, 1, 1], [], []>, transpose_lhs_hint = false} : vector<1000x128xf32>, vector<128x16xf32>, vector<1000x16xf32> -> vector<1000x16xf32>
    %swap3A = arith.constant 0 : index
    %swap3A_6 = arith.constant 0 : index
    %swap3A_7 = vector.load %arg3[%swap3A, %swap3A_6] : memref<1000x16xf32, #tpu.memory_space<vmem>>, vector<1000x16xf32>
    tpu.vector_store %arg3[%swap3A, %swap3A_6], %dot_general3A_5 {strides = array<i32>} : memref<1000x16xf32, #tpu.memory_space<vmem>>, vector<1000x16xf32>,
    return
  }
  func.func @transform_0(%arg0: i32) -> (i32, i32) {
    %c0_i32 = arith.constant 0 : i32
    %c0_i32_0 = arith.constant 0 : i32
    return %arg0, %c0_i32 : i32, i32
  }
  func.func @transform_1(%arg0: i32) -> (i32, i32) {
    %c0_i32 = arith.constant 0 : i32
    %c0_i32_0 = arith.constant 0 : i32
    %c0_i32_1 = arith.constant 0 : i32
    return %c0_i32, %c0_i32_0 : i32, i32
  }
  func.func @transform_2(%arg0: i32) -> (i32, i32) {
    %c0_i32 = arith.constant 0 : i32
    %c0_i32_0 = arith.constant 0 : i32
    return %arg0, %c0_i32 : i32, i32
  }
}

module attributes {stable_mosaic.version = 14 : i64} {
  func.func @_tc3_body(%arg0: memref<2x1280x128xf32, #tpu.memory_space<vmem>>, %arg1: memref<1280x128xf32, #tpu.memory_space<vmem>>, %arg2: memref<1280x128xf32, #tpu.memory_space<vmem>>, %arg3: memref<128x128xf32, #tpu.memory_space<vmem>>, %arg4: memref<128x128xf32, #tpu.memory_space<vmem>>, %arg5: memref<1250x128xf32, #tpu.memory_space<vmem>>) attributes {dimension_semantics = [], scalar_prefetch = 0 : i64, scratch_operands = 0 : i64, tpu.core_type = #tpu.core_type<tc>} {
    %get3A = arith.constant 0 : index
    %get3A_0 = arith.constant 0 : index
    %get3A_1 = arith.constant 0 : index
    %get3A_2 = vector.load %arg0[%get3A, %get3A_0, %get3A_1] : memref<2x1280x128xf32, #tpu.memory_space<vmem>>, vector<1x1280x128xf32>
    %get3A_3 = vector.shape_cast %get3A_2 : vector<1x1280x128xf32> to vector<1280x128xf32>
    %get3A_4 = arith.constant 1 : index
    %get3A_5 = arith.constant 0 : index
    %get3A_6 = arith.constant 0 : index
    %get3A_7 = vector.load %arg0[%get3A_4, %get3A_5, %get3A_6] : memref<2x1280x128xf32, #tpu.memory_space<vmem>>, vector<1x1280x128xf32>
    %get3A_8 = vector.shape_cast %get3A_7 : vector<1x1280x128xf32> to vector<1280x128xf32>
    %add3A = arith.addf %get3A_3, %get3A_8 : vector<1280x128xf32>
    %get3A_9 = arith.constant 0 : index
    %get3A_10 = arith.constant 0 : index
    %get3A_11 = vector.load %arg1[%get3A_9, %get3A_10] : memref<1280x128xf32, #tpu.memory_space<vmem>>, vector<1280x128xf32>
    %add3A_12 = arith.addf %add3A, %get3A_11 : vector<1280x128xf32>
    %get3A_13 = arith.constant 0 : index
    %get3A_14 = arith.constant 0 : index
    %get3A_15 = vector.load %arg2[%get3A_13, %get3A_14] : memref<1280x128xf32, #tpu.memory_space<vmem>>, vector<1280x128xf32>
    %mul3A = arith.mulf %add3A_12, %get3A_15 : vector<1280x128xf32>
    %get3A_16 = arith.constant 0 : index
    %get3A_17 = arith.constant 0 : index
    %get3A_18 = vector.load %arg3[%get3A_16, %get3A_17] : memref<128x128xf32, #tpu.memory_space<vmem>>, vector<128x128xf32>
    %dot_general3A = arith.constant dense<0.000000e+00> : vector<1280x128xf32>
    %dot_general3A_19 = tpu.matmul %mul3A, %get3A_18, %dot_general3A {dimension_numbers = #tpu.dot_dimension_numbers<[1], [0], [0], [1], [0, 0, 1, 1], [], []>, transpose_lhs_hint = false} : vector<1280x128xf32>, vector<128x128xf32>, vector<1280x128xf32> -> vector<1280x128xf32>
    %reduce_max3A = arith.constant dense<0xFF800000> : vector<1280xf32>
    %reduce_max3A_20 = vector.multi_reduction <maximumf>, %dot_general3A_19, %reduce_max3A [1] : vector<1280x128xf32> to vector<1280xf32>
    %broadcast_in_dim3A = vector.shape_cast %reduce_max3A_20 : vector<1280xf32> to vector<1280x1xf32>
    %sub3A = vector.broadcast %broadcast_in_dim3A : vector<1280x1xf32> to vector<1280x128xf32>
    %sub3A_21 = arith.subf %dot_general3A_19, %sub3A : vector<1280x128xf32>
    %exp3A = math.exp %sub3A_21 : vector<1280x128xf32>
    %get3A_22 = arith.constant 0 : index
    %get3A_23 = arith.constant 0 : index
    %get3A_24 = vector.load %arg4[%get3A_22, %get3A_23] : memref<128x128xf32, #tpu.memory_space<vmem>>, vector<128x128xf32>
    %dot_general3A_25 = arith.constant dense<0.000000e+00> : vector<1280x128xf32>
    %dot_general3A_26 = tpu.matmul %exp3A, %get3A_24, %dot_general3A_25 {dimension_numbers = #tpu.dot_dimension_numbers<[1], [0], [0], [1], [0, 0, 1, 1], [], []>, transpose_lhs_hint = false} : vector<1280x128xf32>, vector<128x128xf32>, vector<1280x128xf32> -> vector<1280x128xf32>
    %div3A = arith.divf %exp3A, %dot_general3A_26 : vector<1280x128xf32>
    %slice3A = vector.extract_strided_slice %div3A {offsets = [0, 0], sizes = [1250, 128], strides = [1, 1]} : vector<1280x128xf32> to vector<1250x128xf32>
    %swap3A = arith.constant 0 : index
    %swap3A_27 = arith.constant 0 : index
    %swap3A_28 = vector.load %arg5[%swap3A, %swap3A_27] : memref<1250x128xf32, #tpu.memory_space<vmem>>, vector<1250x128xf32>
    tpu.vector_store %arg5[%swap3A, %swap3A_27], %slice3A {strides = array<i32>} : memref<1250x128xf32, #tpu.memory_space<vmem>>, vector<1250x128xf32>,
    return
  }
}

</mosaic_0001>

<sc_bundles>
// kernel: kernel.12.cloned.1.call-start
scs
__scs_entry_jumppad:
0x0: {  	(pc) =	sbr.rel $0x88, $3  }
0x1: {  	(tag) =	ssettag $0x0;
	lr =	simm.s32 $0x1  }
0x2: {  	[smem:$0x3F9D] =	sst lr;
	_ =	strace $0xD0000000  }
0x3: {  	_ = 	snop  }
0x4: {  	_ = 	snop  }
0x5: {  	_ = 	snop  }
0x6: {  	_ = 	snop  }
0x7: {  	_ = 	snop  }
__scs_overlays_trampoline_lowered:
0x8: {  	[smem:$0x3FAC] =	sst s0  }
0x9: {  	[smem:$0x3FAD] =	sst s1  }
0xa: {  	[smem:$0x3FAE] =	sst s2  }
0xb: {  	[smem:$0x3FAF] =	sst s3  }
0xc: {  	[smem:$0x3FB0] =	sst s4  }
0xd: {  	[smem:$0x3FB1] =	sst s5  }
0xe: {  	[smem:$0x3FB2] =	sst s6  }
0xf: {  	[smem:$0x3FB3] =	sst s7  }
0x10: {  	[smem:$0x3FB4] =	sst s8  }
0x11: {  	[smem:$0x3FB5] =	sst s9;
	s0 =	simm.s32 @!p0 $0x0  }
0x12: {  	s1 =	sld [smem:$0x3F9B];
	s0 =	simm.s32 @p0 $0x1  }
0x13: {  	[smem:$0x3FB6] =	sst s0;
	s0 =	simm.s32 @!p1 $0x0  }
0x14: {  	s2 =	sld [smem:$0x3F9A];
	s0 =	simm.s32 @p1 $0x1  }
0x15: {  	[smem:$0x3FB7] =	sst s0;
	s0 =	simm.s32 @!p2 $0x0  }
0x16: {  	s3 =	sld [smem:$0x3FDB];
	s0 =	simm.s32 @p2 $0x1  }
0x17: {  	s4 =	simm.s32 $0x1BF5;
	[smem:$0x3FB9] =	sst s0  }
0x18: {  	s0 =	sld [smem:$0x3F9C];
	_ =	swait.ge [sflag:s4], $0x0  }
0x19: {  	s7 =	sld [smem:$0x3F9D]  }
0x1a: {  	s8 =	sadd.s32 $0xFFFFE003, lr  }
0x1b: {  	s9 =	sadd.s32 $0xFFFFFEF7, lr;
	s5 =	simm.s32 $0xFFFFFFFF;
	p2 =	slt.u32 s8, $0xFFFFF086  }
0x1c: {  	p1 =	slt.u32 s9, $0xF7A;
	s5 =	simm.s32 @!p2 $0x0  }
0x1d: {  	s5 =	simm.s32 @p1 $0x1;
	p0 =	seq.s32 s7, s2  }
0x1e: {  	s7 =	smul.u32 @!p0 $0xF7A, s2;
	p2 =	seq.s32 @!p0 s5, $0x0  }
0x1f: {  	s9 =	smul.u32 $0xF7A, s1;
	s8 =	simm.s32 @!p0 $0x1BF5;
	p2 =	por !p2, p0  }
0x20: {  	[sflag:s8] =	ssyncset.s32 @!p0 $0xFFFFF086;
	s6 =	sadd.s32 @!p0 s3, s7;
	s7 =	simm.s32 @!p0 $0x108  }
0x21: {  	s3 =	sadd.s32 s3, s9;
	s6 =	sadd.s32 @!p0 $0x88, s6;
	s7 =	simm.s32 @p2 $0x1082  }
0x22: {  	[simem:s7], [sflag:s8] =	dma.local @!p0 [hbm:s6], $0xF7A  }
0x23: {  	s9 =	sor.u32 $0xD0000000, s2;
	s6 =	simm.s32 $0x108;
	_ =	swait.ge @!p0 [sflag:s8], $0x0  }
0x24: {  	s3 =	sadd.s32 $0x88, s3;
	s6 =	simm.s32 @!p1 $0x1082;
	[sflag:s4] =	ssyncset.s32 $0xFFFFF086  }
0x25: {  	[simem:s6], [sflag:s4] =	dma.local [hbm:s3], $0xF7A  }
0x26: {  	[smem:$0x3F9D] =	sst s1;
	(tag) =	ssettag s2;
	_ =	strace s9  }
0x27: {  	s1 =	sld [smem:$0x3FAD]  }
0x28: {  	s2 =	sld [smem:$0x3FAE]  }
0x29: {  	s4 =	sld [smem:$0x3FB0]  }
0x2a: {  	p0 =	seq.s32 s5, $0x0;
	s5 =	sld [smem:$0x3FB1]  }
0x2b: {  	s6 =	sld [smem:$0x3FB2]  }
0x2c: {  	s7 =	sld [smem:$0x3FB3]  }
0x2d: {  	s3 =	simm.s32 $0x108;
	s8 =	sld [smem:$0x3FB4]  }
0x2e: {  	s3 =	simm.s32 @!p0 $0x1082;
	s9 =	sld [smem:$0x3FB5]  }
0x2f: {  	lr =	sadd.s32 s0, s3;
	s0 =	sld [smem:$0x3FAC]  }
0x30: {  	s3 =	sld [smem:$0x3FAF]  }
0x31: {  	[smem:$0x3FB8] =	sst s10  }
0x32: {  	s10 =	sld [smem:$0x3FB6];
	_ =	sdelay $0x3  }
0x33: {  	p0 =	seq.s32 s10, $0x1;
	s10 =	sld [smem:$0x3FB8];
	_ =	sdelay $0x3  }
0x34: {  	[smem:$0x3FB8] =	sst s10  }
0x35: {  	s10 =	sld [smem:$0x3FB7];
	_ =	sdelay $0x3  }
0x36: {  	p1 =	seq.s32 s10, $0x1;
	s10 =	sld [smem:$0x3FB8];
	_ =	sdelay $0x3  }
0x37: {  	[smem:$0x3FB8] =	sst s10  }
0x38: {  	s10 =	sld [smem:$0x3FB9]  }
0x39: {  	_ = 	snop;
	(pc) =	sbr.ind lr, $3  }
0x3a: {  	_ = 	snop  }
0x3b: {  	_ = 	snop  }
0x3c: {  	p2 =	seq.s32 s10, $0x1;
	s10 =	sld [smem:$0x3FB8]  }
0x3d: {  	_ =	shalt  }
0x3e: {  	_ =	shalt  }
0x3f: {  	_ =	shalt  }
0x40: {  	_ =	shalt  }
0x41: {  	_ =	shalt  }
0x42: {  	_ =	shalt  }
0x43: {  	_ =	shalt  }
0x44: {  	_ =	shalt  }
0x45: {  	_ =	shalt  }
0x46: {  	_ =	shalt  }
0x47: {  	_ =	shalt  }
0x48: {  	_ =	shalt  }
0x49: {  	_ =	shalt  }
0x4a: {  	_ =	shalt  }
0x4b: {  	_ =	shalt  }
0x4c: {  	_ =	shalt  }
0x4d: {  	_ =	shalt  }
0x4e: {  	_ =	shalt  }
0x4f: {  	_ =	shalt  }
0x50: {  	_ =	shalt  }
0x51: {  	_ =	shalt  }
0x52: {  	_ =	shalt  }
0x53: {  	_ =	shalt  }
0x54: {  	_ =	shalt  }
0x55: {  	_ =	shalt  }
0x56: {  	_ =	shalt  }
0x57: {  	_ =	shalt  }
0x58: {  	_ =	shalt  }
0x59: {  	_ =	shalt  }
0x5a: {  	_ =	shalt  }
0x5b: {  	_ =	shalt  }
0x5c: {  	_ =	shalt  }
0x5d: {  	_ =	shalt  }
0x5e: {  	_ =	shalt  }
0x5f: {  	_ =	shalt  }
0x60: {  	_ =	shalt  }
0x61: {  	_ =	shalt  }
0x62: {  	_ =	shalt  }
0x63: {  	_ =	shalt  }
0x64: {  	_ =	shalt  }
0x65: {  	_ =	shalt  }
0x66: {  	_ =	shalt  }
0x67: {  	_ =	shalt  }
0x68: {  	_ =	shalt  }
0x69: {  	_ =	shalt  }
0x6a: {  	_ =	shalt  }
0x6b: {  	_ =	shalt  }
0x6c: {  	_ =	shalt  }
0x6d: {  	_ =	shalt  }
0x6e: {  	_ =	shalt  }
0x6f: {  	_ =	shalt  }
0x70: {  	_ =	shalt  }
0x71: {  	_ =	shalt  }
0x72: {  	_ =	shalt  }
0x73: {  	_ =	shalt  }
0x74: {  	_ =	shalt  }
0x75: {  	_ =	shalt  }
0x76: {  	_ =	shalt  }
0x77: {  	_ =	shalt  }
0x78: {  	_ =	shalt  }
0x79: {  	_ =	shalt  }
0x7a: {  	_ =	shalt  }
0x7b: {  	_ =	shalt  }
0x7c: {  	_ =	shalt  }
0x7d: {  	_ =	shalt  }
0x7e: {  	_ =	shalt  }
0x7f: {  	_ =	shalt  }
0x80: {  	_ =	shalt  }
0x81: {  	_ =	shalt  }
0x82: {  	_ =	shalt  }
0x83: {  	_ =	shalt  }
0x84: {  	_ =	shalt  }
0x85: {  	_ =	shalt  }
0x86: {  	_ =	shalt  }
0x87: {  	_ =	shalt  }
.Lfunc_end0:
.L_simem_size_0:
called_computation.1_lowered:
.L_overlay_start_0:
0x88: {  	s2 =	sld [smem:$0x3FD9]  }
0x89: {  	s3 =	sld [smem:$0x3FFE];
	_ =	sdelay $0x1  }
0x8a: {  	s1 =	srdreg.scid  }
0x8b: {  	s0 =	sand.u32 $0x1, s1  }
0x8c: {  	s17 =	sshll.u32 s0, $0xA;
	s2 =	sadd.s32 s3, s2  }
0x8d: {  	s2 =	sadd.s32 s2, s17  }
0x8e: {  	[smem:$0x3FC4] =	sst s2  }
0x8f: {  	_ = 	snop  }
0x90: {  	s2 =	sld [smem:$0x3FC8];
	(tm) =	ssettm $0x1  }
0x91: {  	s18 =	sld [smem:$0x3FFB];
	_ =	sdelay $0x3  }
0x92: {  	_ =	strace s18  }
0x93: {  	s3 =	sld [smem:$0x3FFC];
	_ =	sdelay $0x3  }
0x94: {  	_ =	strace s3  }
0x95: {  	s3 =	sld [smem:$0x3FFD];
	_ =	sdelay $0x3  }
0x96: {  	_ =	strace s3  }
0x97: {  	_ =	strace $0x8FFFFFFF  }
0x98: {  	s19 =	sld [smem:$0x3FDB];
	_ =	sdelay $0x1  }
0x99: {  	s4 =	simm.s32 $_scs_section_size  }
0x9a: {  	s5 =	simm.s32 $_size__tile_overlayer_lowered;
	s6 =	simm.s32 $_tile_overlayer_lowered  }
0x9b: {  	s22 =	simm.s32 $0x1BFF;
	s21 =	sshll.u32 s6, $0x1;
	s3 =	sadd.s32 s4, s19  }
0x9c: {  	s7 =	simm.s32 $0x0;
	s20 =	sshll.u32 s5, $0x1;
	s5 =	sadd.s32 s21, s3  }
0x9d: {  	[timem:s7], [sflag:s22] =	dma.local [hbm:s5], s20  }
0x9e: {  	_ =	swait.ge [sflag:s22], s20  }
0x9f: {  	s4 =	ssub.s32 $0x0, s20;
	[sflag:s22] =	ssyncset.done $0x0  }
0xa0: {  	[sflag:s22] =	ssyncadd.s32 s4;
	_ =	sdelay $0x1  }
0xa1: {  	s23 =	simm.s32 $0x1B8B  }
0xa2: {  	_ =	swait.ge [sflag:s23], $0x1  }
0xa3: {  	[sflag:s23] =	ssyncset.done $0x0  }
0xa4: {  	s25 =	simm.s32 $0x1B8E;
	s24 =	sld [smem:$0x3FFE];
	[sflag:s23] =	ssyncadd.s32 $0xFFFFFFFF  }
0xa5: {  	s26 =	simm.s32 $execute0_lowered;
	[smem:$0x3FD2] =	sst s25  }
0xa6: {  	s5 =	sshll.u32 s26, $0x1;
	_ =	strace $0x80000049;
	[dreg:$0x1] =	wrdreg $0xFFFFFFFF  }
0xa7: {  	s28 =	simm.s32 $_size_execute0_lowered;
	s3 =	sadd.s32 s3, s5;
	[dreg:$0x0] =	wrdreg $0x0  }
0xa8: {  	s5 =	sshll.u32 s28, $0x1;
	[dreg:$0x2] =	wrdreg s3  }
0xa9: {  	[dreg:$0x3] =	wrdreg s5  }
0xaa: {  	[dreg:$0x4] =	wrdreg $0xC0  }
0xab: {  	_ =	task [dreg:s7], $0x5FFFF  }
0xac: {  	[dreg:$0x1] =	wrdreg $0xFFFFFFFF  }
0xad: {  	[dreg:$0x0] =	wrdreg $0x60  }
0xae: {  	[dreg:$0x2] =	wrdreg s24  }
0xaf: {  	[dreg:$0x3] =	wrdreg s2  }
0xb0: {  	[dreg:$0x4] =	wrdreg $0x90000  }
0xb1: {  	[dreg:$0x5] =	wrdreg $0x9  }
0xb2: {  	_ =	task.clear_ibuf [dreg:s7], $0x6FFFF;
	_ =	strace $0x90000049  }
0xb3: {  	s29 =	simm.s32 $0x9;
	_ =	strace $0x8000004B  }
0xb4: {  	_ =	swait.ge [sflag:s29], $0x1  }
0xb5: {  	[sflag:s29] =	ssyncadd.s32 $0xFFFFFFFF  }
0xb6: {  	_ =	strace $0x9000004B  }
0xb7: {  	_ =	sfence  }
0xb8: {  	s30 =	sld [smem:$0x0];
	_ =	sdelay $0x2  }
0xb9: {  	s31 =	sshll.u32 s1, $0xD;
	s1 =	sshrl.u32 s1, $0x2  }
0xba: {  	s3 =	sand.u32 $0x4000, s31;
	s1 =	sadd.s32 s1, s30  }
0xbb: {  	s0 =	sor.u32 s3, s0;
	s1 =	sshll.u32 s1, $0x11  }
0xbc: {  	s0 =	sor.u32 s1, s0  }
0xbd: {  	s0 =	sadd.s32 $0x8F2B, s0  }
0xbe: {  	[sflag:s0] =	ssyncadd.remote.s32 $0x1  }
0xbf: {  	_ =	sfence.sel $0xFFFF  }
0xc0: {  	[dreg:$0x0] =	wrdreg $0xFFFFFFFF;
	(pc) =	sbr.abs _section_cstart, $3  }
0xc1: {  	[dreg:$0x1] =	wrdreg $0xFFFFFFFF  }
0xc2: {  	_ =	task.clear_ibuf [dreg:s7], $0x2FFFF;
	_ =	strace $0x9FFFFFFF  }
0xc3: {  	(tm) =	ssettm $0x7FFFFFFF  }
tec
execute0_lowered:
.L_overlay_start_1:
0x0: {  	(tag) =	ssettag $0x1  }
0x1: {  	s0 =	rddreg [dreg:$0x0]  }
0x2: {  	s1 =	srdreg.scid;
	s3 =	rddreg [dreg:$0x1]  }
0x3: {  	s10 =	stileid.u32;
	s2 =	rddreg [dreg:$0x2];
	s5 =	simm.s32 $0x0  }
0x4: {  	s17 =	simm.s32 $0x5000;
	s14 =	simm.s32 $0x12;
	s16 =	simm.s32 $0x80  }
0x5: {  	s15 =	simm.s32 $0x6000;
	s28 =	simm.s32 $0x9;
	s29 =	simm.s32 $0xA  }
0x6: {  	s30 =	simm.s32 $0xB;
	s31 =	simm.s32 $0xC;
	s6 =	smul.u32 $0x2800, s10  }
0x7: {  	s1 =	sand.u32 $0x1, s1;
	[smem:$0x7FF] =	sst s5;
	s8 =	smul.u32 $0xA000, s10  }
0x8: {  	s24 =	sshll.u32 s10, $0x5;
	s4 =	smul.u32 $0x28000, s1;
	_ =	strace $0x8000004A  }
0x9: {  	s19 =	sshll.u32 s1, $0x4;
	s7 =	ssub.s32 $0x2, s1;
	s1 =	sshll.u32 s1, $0x9  }
0xa: {  	s5 =	sor.u32 s10, s19;
	s9 =	sshrl.u32 s7, $0x1;
	s8 =	sshrl.u32 s8, $0x2  }
0xb: {  	s20 =	sadd.s32 s6, s2;
	s1 =	sadd.s32 s1, s3;
	s19 =	simm.s32 $0x5800  }
0xc: {  	s3 =	simm.s32 $0x2;
	s4 =	sadd.s32 s6, s4;
	p0 =	slt.u32 s5, $0x4  }
0xd: {  	s5 =	simm.s32 $0x4F;
	s7 =	ssub.s32 s7, s9;
	s8 =	sadd.s32 s8, s2  }
0xe: {  	s1 =	sadd.s32 s24, s1;
	s24 =	simm.s32 $0x6;
	[dreg:$0x4] =	wrdreg s8  }
0xf: {  	s18 =	sshrl.u32 s4, $0x3;
	s21 =	smax.u32 s7, $0x1;
	[dreg:$0xb] =	wrdreg s1  }
0x10: {  	s4 =	sadd.s32 $0x2800, s0;
	s22 =	sadd.s32 $0x800, s8;
	[dreg:$0x6] =	wrdreg s21  }
0x11: {  	s5 =	simm.s32 @!p0 $0x4E;
	s23 =	sadd.s32 $0x1000, s8;
	[dreg:$0x7] =	wrdreg s22  }
0x12: {  	s25 =	sadd.s32 $0x1800, s8;
	s26 =	sadd.s32 $0x2000, s8;
	[dreg:$0x8] =	wrdreg s23  }
0x13: {  	s1 =	simm.s32 $0x1;
	s7 =	simm.s32 $0xE;
	[dreg:$0x9] =	wrdreg s25  }
0x14: {  	s8 =	simm.s32 $0x0;
	s0 =	sadd.s32 s18, s0;
	[dreg:$0xa] =	wrdreg s26  }
0x15: {  	s21 =	simm.s32 $0x6800;
	s23 =	simm.s32 $0x7000;
	s25 =	simm.s32 $0x7800  }
0x16: {  	s18 =	simm.s32 $0x3;
	s22 =	simm.s32 $0x5;
	s0 =	sadd.s32 $0x7800, s0  }
0x17: {  	s26 =	simm.s32 $0x7000;
	[dreg:$0x5] =	wrdreg s0;
	s0 =	sshrl.u32 s20, $0x3  }
0x18: {  	v0 =	vimm.f32 $0.0e+00;
	s20 =	simm.s32 $0x4;
	[dreg:$0xc] =	wrdreg s0;
	s0 =	simm.s32 $0xD  }
.LBB2_1:
0x19: {  	p1 =	por $0x0, $0x0  }
.Ltmp0:
0x1a: {  	[dreg:$0xd] =	wrdreg s8;
	p0 =	sle.u32 s5, $0x0;
	(pc) =	sbr.rel @p1 .LBB2_3-.Ltmp0, $4  }
0x1b: {  	s10 =	simm.s32 $0x2800;
	s6 =	simm.s32 $0x0;
	s11 =	rddreg [dreg:$0xb]  }
0x1c: {  	s9 =	simm.s32 $0x2880;
	s12 =	simm.s32 $0x80;
	s13 =	simm.s32 @!p0 $0x0  }
0x1d: {  	[tilespmem:s6], [sflag:$0x11] =	stream.linear.gather @!p0 [hbm4b:s11+s13], $0x80, $0x38;
	[tilespmem:$0xB800] =	vst v63  }
0x1e: {  	s8 =	sadd.s32 @!p0 $0x10, s11;
	s6 =	simm.s32 $0x1;
	s11 =	sadd.s32 $0x400, s11  }
.LBB2_2:
0x1f: {  	[tilespmem:s10], [sflag:$0x11] =	stream.linear.gather @!p0 [hbm4b:s8+s13], $0x80, $0x38;
	[tilespmem:$0xB800] =	vst v63  }
0x20: {  	s8 =	smov.u32 s6;
	s6 =	sadd.s32 $0x1, s6  }
0x21: {  	p1 =	seq.s32 s6, $0x50  }
.Ltmp1:
0x22: {  	(pc) =	sbr.rel @!p1 .LBB2_2-.Ltmp1, $4  }
0x23: {  	s10 =	smov.u32 s9;
	p0 =	sge.u32 s8, s5  }
0x24: {  	s9 =	sadd.s32 $0x80, s9;
	s13 =	simm.s32 @!p0 $0x0  }
0x25: {  	[tilespmem:s12], [sflag:$0x11] =	stream.linear.gather @!p0 [hbm4b:s11+s13], $0x80, $0x38;
	[tilespmem:$0xB800] =	vst v63  }
0x26: {  	s8 =	sadd.s32 @!p0 $0x10, s11;
	s11 =	sadd.s32 $0x400, s11;
	s12 =	sadd.s32 $0x80, s12  }
.LBB2_3:
0x27: {  	[tilespmem:s10], [sflag:$0x11] =	stream.linear.gather @!p0 [hbm4b:s8+s13], $0x80, $0x38;
	[tilespmem:$0xB800] =	vst v63  }
0x28: {  	s6 =	simm.s32 $0x40;
	s8 =	simm.s32 $0x0  }
.LBB2_4:
0x29: {  	p0 =	seq.s32 s6, $0x1FC0;
	[tilespmem:s8+$0x5000] =	vst v0;
	s8 =	smov.u32 s6;
	s6 =	sadd.s32 $0x40, s6  }
.Ltmp2:
0x2a: {  	(pc) =	sbr.rel @!p0 .LBB2_4-.Ltmp2, $2  }
0x2b: {  	_ =	sdelay $0x2  }
0x2c: {  	s8 =	sshra.s32 s8, $0x2  }
0x2d: {  	[tilespmem:s8+$0x5000] =	vst v0;
	s6 =	rddreg [dreg:$0x4]  }
0x2e: {  	[spmem:s6] =	stream.linear.scatter [tilespmem:s17], [sflag:$0x12], $0x800, $0x38;
	[tilespmem:$0xB800] =	vst v63  }
0x2f: {  	_ =	swait.ge [sflag:s14], $0x800  }
0x30: {  	[sflag:s14] =	ssyncset.done $0x0  }
0x31: {  	s10 =	rddreg [dreg:$0x7];
	[sflag:s14] =	ssyncadd.s32 $0xFFFFF800  }
0x32: {  	[spmem:s10] =	stream.linear.scatter [tilespmem:s17], [sflag:$0x12], $0x800, $0x38;
	[tilespmem:$0xB800] =	vst v63  }
0x33: {  	_ =	swait.ge [sflag:s14], $0x800  }
0x34: {  	[sflag:s14] =	ssyncset.done $0x0  }
0x35: {  	s11 =	rddreg [dreg:$0x8];
	[sflag:s14] =	ssyncadd.s32 $0xFFFFF800  }
0x36: {  	[spmem:s11] =	stream.linear.scatter [tilespmem:s17], [sflag:$0x12], $0x800, $0x38;
	[tilespmem:$0xB800] =	vst v63  }
0x37: {  	_ =	swait.ge [sflag:s14], $0x800  }
0x38: {  	[sflag:s14] =	ssyncset.done $0x0  }
0x39: {  	s12 =	rddreg [dreg:$0x9];
	[sflag:s14] =	ssyncadd.s32 $0xFFFFF800  }
0x3a: {  	[spmem:s12] =	stream.linear.scatter [tilespmem:s17], [sflag:$0x12], $0x800, $0x38;
	[tilespmem:$0xB800] =	vst v63  }
0x3b: {  	_ =	swait.ge [sflag:s14], $0x800  }
0x3c: {  	[sflag:s14] =	ssyncset.done $0x0  }
0x3d: {  	s13 =	rddreg [dreg:$0xa];
	[sflag:s14] =	ssyncadd.s32 $0xFFFFF800  }
0x3e: {  	[spmem:s13] =	stream.linear.scatter [tilespmem:s17], [sflag:$0x12], $0x800, $0x38;
	[tilespmem:$0xB800] =	vst v63  }
0x3f: {  	_ =	swait.ge [sflag:s14], $0x800  }
0x40: {  	p0 =	sle.u32 s5, $0x0;
	[sflag:s14] =	ssyncset.done $0x0  }
0x41: {  	s6 =	simm.s32 @!p0 $0x11;
	p0 =	por p0, p0;
	[sflag:s14] =	ssyncadd.s32 $0xFFFFF800  }
0x42: {  	_ =	swait.ge @!p0 [sflag:s6], $0x80  }
0x43: {  	[sflag:s6] =	ssyncset.done @!p0 $0x0  }
0x44: {  	[sflag:s6] =	ssyncadd.s32 @!p0 $0xFFFFFF80  }
0x45: {  	_ =	swait.ge @!p0 [sflag:s6], $0x80  }
0x46: {  	s9 =	simm.s32 $0x2;
	p1 =	sle.u32 s5, $0x1;
	[sflag:s6] =	ssyncset.done @!p0 $0x0  }
.LBB2_6:
0x47: {  	[sflag:s6] =	ssyncadd.s32 @!p0 $0xFFFFFF80;
	s8 =	smov.u32 s9;
	s9 =	sadd.s32 $0x1, s9  }
0x48: {  	s6 =	simm.s32 @!p1 $0x11;
	p0 =	por p1, p1;
	p2 =	sne.s32 s9, $0x50  }
.Ltmp3:
0x49: {  	_ =	swait.ge @!p0 [sflag:s6], $0x80;
	(pc) =	sbr.rel @p2 .LBB2_6-.Ltmp3, $4  }
0x4a: {  	[sflag:s6] =	ssyncset.done @!p0 $0x0  }
0x4b: {  	[sflag:s6] =	ssyncadd.s32 @!p0 $0xFFFFFF80  }
0x4c: {  	_ =	swait.ge @!p0 [sflag:s6], $0x80  }
0x4d: {  	p1 =	sge.u32 s8, s5;
	[sflag:s6] =	ssyncset.done @!p0 $0x0  }
0x4e: {  	s8 =	simm.s32 @!p1 $0x11;
	[sflag:s6] =	ssyncadd.s32 @!p0 $0xFFFFFF80;
	p0 =	por p1, p1  }
0x4f: {  	_ =	swait.ge @!p0 [sflag:s8], $0x80  }
0x50: {  	[sflag:s8] =	ssyncset.done @!p0 $0x0  }
0x51: {  	[sflag:s8] =	ssyncadd.s32 @!p0 $0xFFFFFF80  }
0x52: {  	_ =	swait.ge @!p0 [sflag:s8], $0x80  }
0x53: {  	[sflag:s8] =	ssyncset.done @!p0 $0x0  }
0x54: {  	[sflag:s8] =	ssyncadd.s32 @!p0 $0xFFFFFF80  }
0x55: {  	s9 =	simm.s32 $0x0;
	[bflag:$0x0] =	sbarrier.arrive $0xFFFF  }
0x56: {  	[tilespmem:s17], [sflag:$0x1] =	stream.indirect.gather [hbm4b:s4+s16], $0x10, s9, s16, $0xb8;
	[tilespmem:$0xB800] =	vst v63  }
0x57: {  	_ = 	snop  }
0x58: {  	[tilespmem:s19], [sflag:$0x2] =	stream.indirect.gather [hbm4b:s4+s16], $0x10, s16, s16, $0xb8;
	[tilespmem:$0xB800] =	vst v63  }
0x59: {  	s8 =	simm.s32 $0x100  }
0x5a: {  	[tilespmem:s15], [sflag:$0x3] =	stream.indirect.gather [hbm4b:s4+s16], $0x10, s8, s16, $0xb8;
	[tilespmem:$0xB800] =	vst v63  }
0x5b: {  	s10 =	simm.s32 $0x180  }
0x5c: {  	[tilespmem:s21], [sflag:$0x4] =	stream.indirect.gather [hbm4b:s4+s16], $0x10, s10, s16, $0xb8;
	[tilespmem:$0xB800] =	vst v63  }
0x5d: {  	s11 =	simm.s32 $0x200  }
0x5e: {  	[tilespmem:s23], [sflag:$0x5] =	stream.indirect.gather [hbm4b:s4+s16], $0x10, s11, s16, $0xb8;
	[tilespmem:$0xB800] =	vst v63  }
0x5f: {  	s12 =	simm.s32 $0x280  }
0x60: {  	[tilespmem:s25], [sflag:$0x6] =	stream.indirect.gather [hbm4b:s4+s16], $0x10, s12, s16, $0xb8;
	[tilespmem:$0xB800] =	vst v63  }
0x61: {  	s13 =	simm.s32 $0x300;
	s14 =	simm.s32 $0x8000  }
0x62: {  	[tilespmem:s14], [sflag:$0x7] =	stream.indirect.gather [hbm4b:s4+s16], $0x10, s13, s16, $0xb8;
	[tilespmem:$0xB800] =	vst v63  }
0x63: {  	s10 =	simm.s32 $0x380;
	s11 =	simm.s32 $0x8800  }
0x64: {  	[tilespmem:s11], [sflag:$0x8] =	stream.indirect.gather [hbm4b:s4+s16], $0x10, s10, s16, $0xb8;
	[tilespmem:$0xB800] =	vst v63  }
0x65: {  	_ =	swait.ge [sflag:s1], $0x800  }
0x66: {  	[sflag:s1] =	ssyncset.done $0x0  }
0x67: {  	s12 =	simm.s32 $0x2800;
	[sflag:s1] =	ssyncadd.s32 $0xFFFFF800  }
0x68: {  	[spmem:s2] =	stream.indirect.scatter.add.f32 [tilespmem:s17], [sflag:$0x9], $0x10, s12, s16, $0xb8;
	[tilespmem:$0xB800] =	vst v63  }
0x69: {  	_ =	swait.ge [sflag:s3], $0x800  }
0x6a: {  	[sflag:s3] =	ssyncset.done $0x0  }
0x6b: {  	s13 =	simm.s32 $0x2880;
	[sflag:s3] =	ssyncadd.s32 $0xFFFFF800  }
0x6c: {  	[spmem:s2] =	stream.indirect.scatter.add.f32 [tilespmem:s19], [sflag:$0xA], $0x10, s13, s16, $0xb8;
	[tilespmem:$0xB800] =	vst v63  }
0x6d: {  	_ =	swait.ge [sflag:s18], $0x800  }
0x6e: {  	[sflag:s18] =	ssyncset.done $0x0  }
0x6f: {  	s14 =	simm.s32 $0x2900;
	[sflag:s18] =	ssyncadd.s32 $0xFFFFF800  }
0x70: {  	[spmem:s2] =	stream.indirect.scatter.add.f32 [tilespmem:s15], [sflag:$0xB], $0x10, s14, s16, $0xb8;
	[tilespmem:$0xB800] =	vst v63  }
0x71: {  	_ =	swait.ge [sflag:s20], $0x800  }
0x72: {  	[sflag:s20] =	ssyncset.done $0x0  }
0x73: {  	s15 =	simm.s32 $0x2980;
	[sflag:s20] =	ssyncadd.s32 $0xFFFFF800  }
0x74: {  	[spmem:s2] =	stream.indirect.scatter.add.f32 [tilespmem:s21], [sflag:$0xC], $0x10, s15, s16, $0xb8;
	[tilespmem:$0xB800] =	vst v63  }
0x75: {  	_ =	swait.ge [sflag:s22], $0x800  }
0x76: {  	[sflag:s22] =	ssyncset.done $0x0  }
0x77: {  	s21 =	simm.s32 $0x2A00;
	[sflag:s22] =	ssyncadd.s32 $0xFFFFF800  }
0x78: {  	[spmem:s2] =	stream.indirect.scatter.add.f32 [tilespmem:s23], [sflag:$0xD], $0x10, s21, s16, $0xb8;
	[tilespmem:$0xB800] =	vst v63  }
0x79: {  	_ =	swait.ge [sflag:s24], $0x800  }
0x7a: {  	p1 =	sle.u32 s5, $0x6;
	[sflag:s24] =	ssyncset.done $0x0  }
0x7b: {  	s8 =	simm.s32 @!p1 $0x7;
	s23 =	simm.s32 $0x2A80;
	[sflag:s24] =	ssyncadd.s32 $0xFFFFF800  }
0x7c: {  	[spmem:s2] =	stream.indirect.scatter.add.f32 [tilespmem:s25], [sflag:$0xE], $0x10, s23, s16, $0xb8;
	[tilespmem:$0xB800] =	vst v63  }
0x7d: {  	s6 =	simm.s32 @!p1 $0x8000;
	_ =	swait.ge @!p1 [sflag:s8], $0x800  }
0x7e: {  	p0 =	sle.u32 s5, $0x7;
	s10 =	simm.s32 @!p1 $0x2B00;
	[sflag:s8] =	ssyncset.done @!p1 $0x0  }
0x7f: {  	s11 =	simm.s32 @!p1 $0x80;
	[sflag:s8] =	ssyncadd.s32 @!p1 $0xFFFFF800;
	s8 =	simm.s32 @!p0 $0x8  }
0x80: {  	[spmem:s2] =	stream.indirect.scatter.add.f32 @!p1 [tilespmem:s6], [sflag:$0xF], $0x10, s10, s11, $0xb8;
	[tilespmem:$0xB800] =	vst v63  }
0x81: {  	_ =	swait.ge @!p0 [sflag:s8], $0x800  }
0x82: {  	s6 =	simm.s32 @!p0 $0x2B80;
	[sflag:s8] =	ssyncset.done @!p0 $0x0  }
0x83: {  	s10 =	simm.s32 @!p0 $0x80;
	s11 =	simm.s32 @!p0 $0x8800;
	[sflag:s8] =	ssyncadd.s32 @!p0 $0xFFFFF800  }
0x84: {  	[spmem:s2] =	stream.indirect.scatter.add.f32 @!p0 [tilespmem:s11], [sflag:$0x10], $0x10, s6, s10, $0xb8;
	[tilespmem:$0xB800] =	vst v63  }
0x85: {  	p2 =	sle.u32 s5, $0x8;
	_ =	swait.ge [sflag:s28], $0x800  }
0x86: {  	s8 =	simm.s32 @!p2 $0x400;
	[sflag:s28] =	ssyncset.done $0x0  }
0x87: {  	s6 =	simm.s32 @!p2 $0x80;
	s10 =	simm.s32 @!p2 $0x5000;
	[sflag:s28] =	ssyncadd.s32 $0xFFFFF800  }
0x88: {  	[tilespmem:s10], [sflag:$0x1] =	stream.indirect.gather @!p2 [hbm4b:s4+s6], $0x10, s8, s6, $0xb8;
	[tilespmem:$0xB800] =	vst v63  }
0x89: {  	p2 =	sle.u32 s5, $0x9;
	_ =	swait.ge [sflag:s29], $0x800  }
0x8a: {  	s6 =	simm.s32 @!p2 $0x480;
	[sflag:s29] =	ssyncset.done $0x0  }
0x8b: {  	s8 =	simm.s32 @!p2 $0x80;
	s10 =	simm.s32 @!p2 $0x5800;
	[sflag:s29] =	ssyncadd.s32 $0xFFFFF800  }
0x8c: {  	[tilespmem:s10], [sflag:$0x2] =	stream.indirect.gather @!p2 [hbm4b:s4+s8], $0x10, s6, s8, $0xb8;
	[tilespmem:$0xB800] =	vst v63  }
0x8d: {  	p2 =	sle.u32 s5, $0xA;
	_ =	swait.ge [sflag:s30], $0x800  }
0x8e: {  	p3 =	sle.u32 s5, $0xC;
	s6 =	simm.s32 @!p2 $0x80;
	[sflag:s30] =	ssyncset.done $0x0  }
0x8f: {  	s8 =	simm.s32 @!p2 $0x500;
	s10 =	simm.s32 @!p2 $0x6000;
	[sflag:s30] =	ssyncadd.s32 $0xFFFFF800  }
0x90: {  	[tilespmem:s10], [sflag:$0x3] =	stream.indirect.gather @!p2 [hbm4b:s4+s6], $0x10, s8, s6, $0xb8;
	[tilespmem:$0xB800] =	vst v63  }
0x91: {  	p4 =	sle.u32 s5, $0xF;
	p2 =	sle.u32 s5, $0xB;
	_ =	swait.ge [sflag:s31], $0x800  }
0x92: {  	s21 =	simm.s32 $0x6000;
	s6 =	simm.s32 @!p2 $0x80;
	[sflag:s31] =	ssyncset.done $0x0  }
0x93: {  	s8 =	simm.s32 @!p2 $0x580;
	s10 =	simm.s32 @!p2 $0x6800;
	[sflag:s31] =	ssyncadd.s32 $0xFFFFF800  }
0x94: {  	[tilespmem:s10], [sflag:$0x4] =	stream.indirect.gather @!p2 [hbm4b:s4+s6], $0x10, s8, s6, $0xb8;
	[tilespmem:$0xB800] =	vst v63  }
0x95: {  	s23 =	simm.s32 $0x7800;
	s25 =	simm.s32 @!p0 $0x10;
	_ =	swait.ge [sflag:s0], $0x800  }
0x96: {  	s11 =	simm.s32 @!p3 $0x7000;
	s6 =	simm.s32 @!p3 $0x80;
	[sflag:s0] =	ssyncset.done $0x0  }
0x97: {  	s8 =	simm.s32 @!p3 $0x600;
	p2 =	sle.u32 s5, $0xD;
	[sflag:s0] =	ssyncadd.s32 $0xFFFFF800  }
0x98: {  	[tilespmem:s11], [sflag:$0x5] =	stream.indirect.gather @!p3 [hbm4b:s4+s6], $0x10, s8, s6, $0xb8;
	[tilespmem:$0xB800] =	vst v63  }
0x99: {  	s10 =	simm.s32 $0x1000;
	s12 =	simm.s32 @!p2 $0x80;
	_ =	swait.ge [sflag:s7], $0x800  }
0x9a: {  	s15 =	simm.s32 @!p2 $0x7800;
	s8 =	simm.s32 @!p2 $0x680;
	[sflag:s7] =	ssyncset.done $0x0  }
0x9b: {  	s6 =	simm.s32 @!p1 $0xF;
	p3 =	sle.u32 s5, $0xE;
	[sflag:s7] =	ssyncadd.s32 $0xFFFFF800  }
0x9c: {  	[tilespmem:s15], [sflag:$0x6] =	stream.indirect.gather @!p2 [hbm4b:s4+s12], $0x10, s8, s12, $0xb8;
	[tilespmem:$0xB800] =	vst v63  }
0x9d: {  	s11 =	simm.s32 $0x17;
	s13 =	simm.s32 @!p3 $0x8000;
	_ =	swait.ge @!p1 [sflag:s6], $0x800  }
0x9e: {  	s8 =	simm.s32 @!p3 $0x80;
	s15 =	simm.s32 @!p3 $0x700;
	[sflag:s6] =	ssyncset.done @!p1 $0x0  }
.LBB2_8:
0x9f: {  	[sflag:s6] =	ssyncadd.s32 @!p1 $0xFFFFF800;
	s6 =	sshra.s32 @!p4 s9, $0x2  }
0xa0: {  	s14 =	simm.s32 @!p4 $0x8800;
	s9 =	smov.u32 s10;
	s12 =	smov.u32 s11  }
0xa1: {  	[tilespmem:s13], [sflag:$0x7] =	stream.indirect.gather @!p3 [hbm4b:s4+s8], $0x10, s15, s8, $0xb8;
	[tilespmem:$0xB800] =	vst v63  }
0xa2: {  	s10 =	sadd.s32 $0x1000, s10;
	s6 =	sadd.s32 @!p4 $0x780, s6;
	_ =	swait.ge @!p0 [sflag:s25], $0x800  }
0xa3: {  	s8 =	sshra.s32 s9, $0x2;
	p2 =	sne.s32 s10, $0xA000;
	[sflag:s25] =	ssyncset.done @!p0 $0x0  }
0xa4: {  	s15 =	simm.s32 @!p4 $0x80;
	s13 =	sadd.s32 $0x2800, s8;
	[sflag:s25] =	ssyncadd.s32 @!p0 $0xFFFFF800  }
0xa5: {  	[tilespmem:s14], [sflag:$0x8] =	stream.indirect.gather @!p4 [hbm4b:s4+s15], $0x10, s6, s15, $0xb8;
	[tilespmem:$0xB800] =	vst v63  }
0xa6: {  	_ =	swait.ge [sflag:s1], $0x800  }
0xa7: {  	[sflag:s1] =	ssyncset.done $0x0  }
0xa8: {  	s6 =	sadd.s32 $0x2880, s8;
	[sflag:s1] =	ssyncadd.s32 $0xFFFFF800  }
0xa9: {  	[spmem:s2] =	stream.indirect.scatter.add.f32 [tilespmem:s17], [sflag:$0x9], $0x10, s13, s16, $0xb8;
	[tilespmem:$0xB800] =	vst v63  }
0xaa: {  	_ =	swait.ge [sflag:s3], $0x800  }
0xab: {  	[sflag:s3] =	ssyncset.done $0x0  }
0xac: {  	s13 =	sadd.s32 $0x2900, s8;
	[sflag:s3] =	ssyncadd.s32 $0xFFFFF800  }
0xad: {  	[spmem:s2] =	stream.indirect.scatter.add.f32 [tilespmem:s19], [sflag:$0xA], $0x10, s6, s16, $0xb8;
	[tilespmem:$0xB800] =	vst v63  }
0xae: {  	_ =	swait.ge [sflag:s18], $0x800  }
0xaf: {  	[sflag:s18] =	ssyncset.done $0x0  }
0xb0: {  	s6 =	sadd.s32 $0x2980, s8;
	[sflag:s18] =	ssyncadd.s32 $0xFFFFF800  }
0xb1: {  	[spmem:s2] =	stream.indirect.scatter.add.f32 [tilespmem:s21], [sflag:$0xB], $0x10, s13, s16, $0xb8;
	[tilespmem:$0xB800] =	vst v63  }
0xb2: {  	_ =	swait.ge [sflag:s20], $0x800  }
0xb3: {  	[sflag:s20] =	ssyncset.done $0x0  }
0xb4: {  	s14 =	simm.s32 $0x6800;
	s13 =	sadd.s32 $0x2A00, s8;
	[sflag:s20] =	ssyncadd.s32 $0xFFFFF800  }
0xb5: {  	[spmem:s2] =	stream.indirect.scatter.add.f32 [tilespmem:s14], [sflag:$0xC], $0x10, s6, s16, $0xb8;
	[tilespmem:$0xB800] =	vst v63  }
0xb6: {  	_ =	swait.ge [sflag:s22], $0x800  }
0xb7: {  	s6 =	sadd.s32 $0xFFFFFFF7, s11;
	[sflag:s22] =	ssyncset.done $0x0  }
0xb8: {  	s8 =	sadd.s32 $0x2A80, s8;
	p1 =	sge.u32 s6, s5;
	[sflag:s22] =	ssyncadd.s32 $0xFFFFF800  }
0xb9: {  	[spmem:s2] =	stream.indirect.scatter.add.f32 [tilespmem:s26], [sflag:$0xD], $0x10, s13, s16, $0xb8;
	[tilespmem:$0xB800] =	vst v63  }
0xba: {  	s6 =	sshra.s32 @!p1 s9, $0x2;
	s13 =	simm.s32 @!p1 $0x8000;
	_ =	swait.ge [sflag:s24], $0x800  }
0xbb: {  	s14 =	sadd.s32 $0xFFFFFFF8, s11;
	s6 =	sadd.s32 @!p1 $0x2B00, s6;
	[sflag:s24] =	ssyncset.done $0x0  }
0xbc: {  	p0 =	sge.u32 s14, s5;
	s15 =	simm.s32 @!p1 $0x80;
	[sflag:s24] =	ssyncadd.s32 $0xFFFFF800  }
0xbd: {  	s14 =	simm.s32 @!p1 $0x7;
	s25 =	sshra.s32 @!p0 s9, $0x2  }
0xbe: {  	[spmem:s2] =	stream.indirect.scatter.add.f32 [tilespmem:s23], [sflag:$0xE], $0x10, s8, s16, $0xb8;
	[tilespmem:$0xB800] =	vst v63  }
0xbf: {  	s8 =	sadd.s32 @!p0 $0x2B80, s25;
	_ =	swait.ge @!p1 [sflag:s14], $0x800  }
0xc0: {  	s17 =	simm.s32 @!p0 $0x8800;
	s25 =	simm.s32 @!p0 $0x80;
	[sflag:s14] =	ssyncset.done @!p1 $0x0  }
0xc1: {  	s19 =	sadd.s32 $0xFFFFFFF9, s11;
	[sflag:s14] =	ssyncadd.s32 @!p1 $0xFFFFF800;
	s14 =	simm.s32 @!p0 $0x8  }
0xc2: {  	[spmem:s2] =	stream.indirect.scatter.add.f32 @!p1 [tilespmem:s13], [sflag:$0xF], $0x10, s6, s15, $0xb8;
	[tilespmem:$0xB800] =	vst v63  }
0xc3: {  	p3 =	sge.u32 s19, s5;
	s6 =	sadd.s32 $0xFFFFFFFA, s11;
	_ =	swait.ge @!p0 [sflag:s14], $0x800  }
0xc4: {  	s13 =	sshra.s32 @!p3 s9, $0x2;
	s15 =	simm.s32 @!p3 $0x80;
	[sflag:s14] =	ssyncset.done @!p0 $0x0  }
0xc5: {  	s13 =	sadd.s32 @!p3 $0x400, s13;
	[sflag:s14] =	ssyncadd.s32 @!p0 $0xFFFFF800;
	s14 =	simm.s32 @!p3 $0x5000  }
0xc6: {  	[spmem:s2] =	stream.indirect.scatter.add.f32 @!p0 [tilespmem:s17], [sflag:$0x10], $0x10, s8, s25, $0xb8;
	[tilespmem:$0xB800] =	vst v63  }
0xc7: {  	p4 =	sge.u32 s6, s5;
	s6 =	sadd.s32 $0xFFFFFFFC, s11;
	_ =	swait.ge [sflag:s28], $0x800  }
0xc8: {  	s8 =	sshra.s32 @!p4 s9, $0x2;
	s17 =	sadd.s32 $0xFFFFFFFB, s11;
	[sflag:s28] =	ssyncset.done $0x0  }
0xc9: {  	s19 =	simm.s32 @!p4 $0x80;
	s8 =	sadd.s32 @!p4 $0x480, s8;
	[sflag:s28] =	ssyncadd.s32 $0xFFFFF800  }
0xca: {  	[tilespmem:s14], [sflag:$0x1] =	stream.indirect.gather @!p3 [hbm4b:s4+s15], $0x10, s13, s15, $0xb8;
	[tilespmem:$0xB800] =	vst v63  }
0xcb: {  	p5 =	sge.u32 s17, s5;
	s13 =	simm.s32 @!p4 $0x5800;
	_ =	swait.ge [sflag:s29], $0x800  }
0xcc: {  	s14 =	sshra.s32 @!p5 s9, $0x2;
	s15 =	simm.s32 @!p5 $0x80;
	[sflag:s29] =	ssyncset.done $0x0  }
0xcd: {  	s17 =	simm.s32 @!p5 $0x6000;
	s14 =	sadd.s32 @!p5 $0x500, s14;
	[sflag:s29] =	ssyncadd.s32 $0xFFFFF800  }
0xce: {  	[tilespmem:s13], [sflag:$0x2] =	stream.indirect.gather @!p4 [hbm4b:s4+s19], $0x10, s8, s19, $0xb8;
	[tilespmem:$0xB800] =	vst v63  }
0xcf: {  	p3 =	sge.u32 s6, s5;
	s6 =	sadd.s32 $0xFFFFFFFD, s11;
	_ =	swait.ge [sflag:s30], $0x800  }
0xd0: {  	s8 =	sshra.s32 @!p3 s9, $0x2;
	s13 =	simm.s32 @!p3 $0x80;
	[sflag:s30] =	ssyncset.done $0x0  }
0xd1: {  	s19 =	simm.s32 @!p3 $0x6800;
	s8 =	sadd.s32 @!p3 $0x580, s8;
	[sflag:s30] =	ssyncadd.s32 $0xFFFFF800  }
0xd2: {  	[tilespmem:s17], [sflag:$0x3] =	stream.indirect.gather @!p5 [hbm4b:s4+s15], $0x10, s14, s15, $0xb8;
	[tilespmem:$0xB800] =	vst v63  }
0xd3: {  	p4 =	sge.u32 s6, s5;
	s6 =	sadd.s32 $0xFFFFFFFE, s11;
	_ =	swait.ge [sflag:s31], $0x800  }
0xd4: {  	s14 =	sshra.s32 @!p4 s9, $0x2;
	s15 =	simm.s32 @!p4 $0x80;
	[sflag:s31] =	ssyncset.done $0x0  }
0xd5: {  	s17 =	simm.s32 @!p4 $0x7000;
	s14 =	sadd.s32 @!p4 $0x600, s14;
	[sflag:s31] =	ssyncadd.s32 $0xFFFFF800  }
0xd6: {  	[tilespmem:s19], [sflag:$0x4] =	stream.indirect.gather @!p3 [hbm4b:s4+s13], $0x10, s8, s13, $0xb8;
	[tilespmem:$0xB800] =	vst v63  }
0xd7: {  	p5 =	sge.u32 s6, s5;
	_ =	swait.ge [sflag:s0], $0x800  }
0xd8: {  	s6 =	sshra.s32 @!p5 s9, $0x2;
	s8 =	simm.s32 @!p5 $0x80;
	[sflag:s0] =	ssyncset.done $0x0  }
0xd9: {  	s19 =	sadd.s32 @!p5 $0x680, s6;
	s6 =	simm.s32 @!p1 $0xF;
	[sflag:s0] =	ssyncadd.s32 $0xFFFFF800  }
0xda: {  	[tilespmem:s17], [sflag:$0x5] =	stream.indirect.gather @!p4 [hbm4b:s4+s15], $0x10, s14, s15, $0xb8;
	[tilespmem:$0xB800] =	vst v63  }
0xdb: {  	s25 =	simm.s32 @!p0 $0x10;
	s17 =	simm.s32 $0x5000  }
0xdc: {  	s11 =	sadd.s32 $0x8, s11;
	s13 =	sadd.s32 $0xFFFFFFFF, s12;
	_ =	swait.ge [sflag:s7], $0x800  }
0xdd: {  	p3 =	sge.u32 s13, s5;
	s14 =	simm.s32 @!p5 $0x7800;
	[sflag:s7] =	ssyncset.done $0x0  }
.Ltmp4:
0xde: {  	s13 =	simm.s32 @!p3 $0x8000;
	[sflag:s7] =	ssyncadd.s32 $0xFFFFF800;
	(pc) =	sbr.rel @p2 .LBB2_8-.Ltmp4, $4  }
0xdf: {  	[tilespmem:s14], [sflag:$0x6] =	stream.indirect.gather @!p5 [hbm4b:s4+s8], $0x10, s19, s8, $0xb8;
	[tilespmem:$0xB800] =	vst v63  }
0xe0: {  	s19 =	simm.s32 $0x5800  }
0xe1: {  	s14 =	sshra.s32 @!p3 s9, $0x2;
	s8 =	simm.s32 @!p3 $0x80;
	_ =	swait.ge @!p1 [sflag:s6], $0x800  }
0xe2: {  	p4 =	sge.u32 s12, s5;
	s15 =	sadd.s32 @!p3 $0x700, s14;
	[sflag:s6] =	ssyncset.done @!p1 $0x0  }
0xe3: {  	[sflag:s6] =	ssyncadd.s32 @!p1 $0xFFFFF800  }
0xe4: {  	[tilespmem:s13], [sflag:$0x7] =	stream.indirect.gather @!p3 [hbm4b:s4+s8], $0x10, s15, s8, $0xb8;
	[tilespmem:$0xB800] =	vst v63  }
0xe5: {  	_ =	swait.ge @!p0 [sflag:s25], $0x800  }
0xe6: {  	s6 =	sshra.s32 @!p4 s9, $0x2;
	s9 =	simm.s32 @!p4 $0x80;
	[sflag:s25] =	ssyncset.done @!p0 $0x0  }
0xe7: {  	s8 =	simm.s32 @!p4 $0x8800;
	s6 =	sadd.s32 @!p4 $0x780, s6;
	[sflag:s25] =	ssyncadd.s32 @!p0 $0xFFFFF800  }
0xe8: {  	[tilespmem:s8], [sflag:$0x8] =	stream.indirect.gather @!p4 [hbm4b:s4+s9], $0x10, s6, s9, $0xb8;
	[tilespmem:$0xB800] =	vst v63  }
0xe9: {  	s14 =	stileid.u32;
	[bflag:$0x0] =	sbarrier.arrive $0xFFFF  }
0xea: {  	s6 =	sshll.u32 s14, $0x6;
	s15 =	rddreg [dreg:$0x5]  }
0xeb: {  	s14 =	simm.s32 $0x12;
	s6 =	sor.u32 $0x1C12, s6;
	s21 =	rddreg [dreg:$0xc]  }
0xec: {  	[hbm:s15], [sflag:s6] =	dma.local [spmem:s21], $0x500  }
0xed: {  	_ =	swait.ge [sflag:s14], $0x500  }
0xee: {  	s23 =	rddreg [dreg:$0xd]  }
0xef: {  	s25 =	rddreg [dreg:$0x6];
	s8 =	sadd.s32 $0x1, s23  }
0xf0: {  	p0 =	sne.s32 s8, s25  }
.Ltmp5:
0xf1: {  	_ = 	snop;
	(pc) =	sbr.rel @p0 .LBB2_1-.Ltmp5, $3  }
0xf2: {  	_ =	sdelay $0x1  }
0xf3: {  	s15 =	simm.s32 $0x6000;
	s21 =	simm.s32 $0x6800;
	[sflag:s14] =	ssyncset.done $0x0  }
0xf4: {  	[sflag:s14] =	ssyncadd.s32 $0xFFFFFB00;
	s23 =	simm.s32 $0x7000;
	s25 =	simm.s32 $0x7800  }
0xf5: {  	_ =	sfence.sel $0x180000  }
0xf6: {  	[bflag:$0x0] =	sbarrier.arrive $0xFFFF  }
0xf7: {  	_ =	strace $0x9000004A  }
0xf8: {  	s0 =	stileid.u32;
	[bflag:$0x2] =	sbarrier.arrive $0xFFFF  }
0xf9: {  	p0 =	sne.s32 s0, $0x0;
	s0 =	rddreg [dreg:$0x3]  }
0xfa: {  	s0 =	sadd.s32 @!p0 $0x100000, s0  }
0xfb: {  	[sflag:s0] =	ssyncadd.tile.s32 @!p0 $0x1;
	_ =	shalt  }
.Lfunc_end2:
_tile_overlayer_lowered:
.L_overlay_start_2:
0xfc: {  	(tag) =	ssettag $0x2  }
0xfd: {  	s0 =	rddreg [dreg:$0x0];
	s2 =	stileid.u32  }
0xfe: {  	s1 =	rddreg [dreg:$0x1];
	p0 =	sne.s32 s2, $0x0  }
0xff: {  	s3 =	rddreg [dreg:$0x2];
	[bflag:$0x3] =	sbarrier.arrive $0xFFFF;
	s2 =	simm.s32 @!p0 $0x1C12  }
0x100: {  	[timem:s3], [sflag:s2] =	dma.local @!p0 [hbm:s0], s1  }
0x101: {  	s0 =	simm.s32 @!p0 $0x12  }
0x102: {  	_ =	swait.ge @!p0 [sflag:s0], s1  }
0x103: {  	s1 =	ssub.s32 @!p0 $0x0, s1;
	[sflag:s0] =	ssyncset.done @!p0 $0x0  }
0x104: {  	[sflag:s0] =	ssyncadd.s32 @!p0 s1  }
0x105: {  	[bflag:$0x3] =	sbarrier.arrive $0xFFFF  }
0x106: {  	_ =	shalt  }

// kernel: kernel.15.cloned.1.call-start
scs
__scs_entry_jumppad:
0x0: {  	(pc) =	sbr.rel $0x88, $3  }
0x1: {  	(tag) =	ssettag $0x0;
	lr =	simm.s32 $0x1  }
0x2: {  	[smem:$0x3F9D] =	sst lr;
	_ =	strace $0xD0000000  }
0x3: {  	_ = 	snop  }
0x4: {  	_ = 	snop  }
0x5: {  	_ = 	snop  }
0x6: {  	_ = 	snop  }
0x7: {  	_ = 	snop  }
__scs_overlays_trampoline_lowered:
0x8: {  	[smem:$0x3FAC] =	sst s0  }
0x9: {  	[smem:$0x3FAD] =	sst s1  }
0xa: {  	[smem:$0x3FAE] =	sst s2  }
0xb: {  	[smem:$0x3FAF] =	sst s3  }
0xc: {  	[smem:$0x3FB0] =	sst s4  }
0xd: {  	[smem:$0x3FB1] =	sst s5  }
0xe: {  	[smem:$0x3FB2] =	sst s6  }
0xf: {  	[smem:$0x3FB3] =	sst s7  }
0x10: {  	[smem:$0x3FB4] =	sst s8  }
0x11: {  	[smem:$0x3FB5] =	sst s9;
	s0 =	simm.s32 @!p0 $0x0  }
0x12: {  	s1 =	sld [smem:$0x3F9B];
	s0 =	simm.s32 @p0 $0x1  }
0x13: {  	[smem:$0x3FB6] =	sst s0;
	s0 =	simm.s32 @!p1 $0x0  }
0x14: {  	s2 =	sld [smem:$0x3F9A];
	s0 =	simm.s32 @p1 $0x1  }
0x15: {  	[smem:$0x3FB7] =	sst s0;
	s0 =	simm.s32 @!p2 $0x0  }
0x16: {  	s3 =	sld [smem:$0x3FDB];
	s0 =	simm.s32 @p2 $0x1  }
0x17: {  	s4 =	simm.s32 $0x1BF5;
	[smem:$0x3FB9] =	sst s0  }
0x18: {  	s0 =	sld [smem:$0x3F9C];
	_ =	swait.ge [sflag:s4], $0x0  }
0x19: {  	s7 =	sld [smem:$0x3F9D]  }
0x1a: {  	s8 =	sadd.s32 $0xFFFFE003, lr  }
0x1b: {  	s9 =	sadd.s32 $0xFFFFFEF7, lr;
	s5 =	simm.s32 $0xFFFFFFFF;
	p2 =	slt.u32 s8, $0xFFFFF086  }
0x1c: {  	p1 =	slt.u32 s9, $0xF7A;
	s5 =	simm.s32 @!p2 $0x0  }
0x1d: {  	s5 =	simm.s32 @p1 $0x1;
	p0 =	seq.s32 s7, s2  }
0x1e: {  	s7 =	smul.u32 @!p0 $0xF7A, s2;
	p2 =	seq.s32 @!p0 s5, $0x0  }
0x1f: {  	s9 =	smul.u32 $0xF7A, s1;
	s8 =	simm.s32 @!p0 $0x1BF5;
	p2 =	por !p2, p0  }
0x20: {  	[sflag:s8] =	ssyncset.s32 @!p0 $0xFFFFF086;
	s6 =	sadd.s32 @!p0 s3, s7;
	s7 =	simm.s32 @!p0 $0x108  }
0x21: {  	s3 =	sadd.s32 s3, s9;
	s6 =	sadd.s32 @!p0 $0x88, s6;
	s7 =	simm.s32 @p2 $0x1082  }
0x22: {  	[simem:s7], [sflag:s8] =	dma.local @!p0 [hbm:s6], $0xF7A  }
0x23: {  	s9 =	sor.u32 $0xD0000000, s2;
	s6 =	simm.s32 $0x108;
	_ =	swait.ge @!p0 [sflag:s8], $0x0  }
0x24: {  	s3 =	sadd.s32 $0x88, s3;
	s6 =	simm.s32 @!p1 $0x1082;
	[sflag:s4] =	ssyncset.s32 $0xFFFFF086  }
0x25: {  	[simem:s6], [sflag:s4] =	dma.local [hbm:s3], $0xF7A  }
0x26: {  	[smem:$0x3F9D] =	sst s1;
	(tag) =	ssettag s2;
	_ =	strace s9  }
0x27: {  	s1 =	sld [smem:$0x3FAD]  }
0x28: {  	s2 =	sld [smem:$0x3FAE]  }
0x29: {  	s4 =	sld [smem:$0x3FB0]  }
0x2a: {  	p0 =	seq.s32 s5, $0x0;
	s5 =	sld [smem:$0x3FB1]  }
0x2b: {  	s6 =	sld [smem:$0x3FB2]  }
0x2c: {  	s7 =	sld [smem:$0x3FB3]  }
0x2d: {  	s3 =	simm.s32 $0x108;
	s8 =	sld [smem:$0x3FB4]  }
0x2e: {  	s3 =	simm.s32 @!p0 $0x1082;
	s9 =	sld [smem:$0x3FB5]  }
0x2f: {  	lr =	sadd.s32 s0, s3;
	s0 =	sld [smem:$0x3FAC]  }
0x30: {  	s3 =	sld [smem:$0x3FAF]  }
0x31: {  	[smem:$0x3FB8] =	sst s10  }
0x32: {  	s10 =	sld [smem:$0x3FB6];
	_ =	sdelay $0x3  }
0x33: {  	p0 =	seq.s32 s10, $0x1;
	s10 =	sld [smem:$0x3FB8];
	_ =	sdelay $0x3  }
0x34: {  	[smem:$0x3FB8] =	sst s10  }
0x35: {  	s10 =	sld [smem:$0x3FB7];
	_ =	sdelay $0x3  }
0x36: {  	p1 =	seq.s32 s10, $0x1;
	s10 =	sld [smem:$0x3FB8];
	_ =	sdelay $0x3  }
0x37: {  	[smem:$0x3FB8] =	sst s10  }
0x38: {  	s10 =	sld [smem:$0x3FB9]  }
0x39: {  	_ = 	snop;
	(pc) =	sbr.ind lr, $3  }
0x3a: {  	_ = 	snop  }
0x3b: {  	_ = 	snop  }
0x3c: {  	p2 =	seq.s32 s10, $0x1;
	s10 =	sld [smem:$0x3FB8]  }
0x3d: {  	_ =	shalt  }
0x3e: {  	_ =	shalt  }
0x3f: {  	_ =	shalt  }
0x40: {  	_ =	shalt  }
0x41: {  	_ =	shalt  }
0x42: {  	_ =	shalt  }
0x43: {  	_ =	shalt  }
0x44: {  	_ =	shalt  }
0x45: {  	_ =	shalt  }
0x46: {  	_ =	shalt  }
0x47: {  	_ =	shalt  }
0x48: {  	_ =	shalt  }
0x49: {  	_ =	shalt  }
0x4a: {  	_ =	shalt  }
0x4b: {  	_ =	shalt  }
0x4c: {  	_ =	shalt  }
0x4d: {  	_ =	shalt  }
0x4e: {  	_ =	shalt  }
0x4f: {  	_ =	shalt  }
0x50: {  	_ =	shalt  }
0x51: {  	_ =	shalt  }
0x52: {  	_ =	shalt  }
0x53: {  	_ =	shalt  }
0x54: {  	_ =	shalt  }
0x55: {  	_ =	shalt  }
0x56: {  	_ =	shalt  }
0x57: {  	_ =	shalt  }
0x58: {  	_ =	shalt  }
0x59: {  	_ =	shalt  }
0x5a: {  	_ =	shalt  }
0x5b: {  	_ =	shalt  }
0x5c: {  	_ =	shalt  }
0x5d: {  	_ =	shalt  }
0x5e: {  	_ =	shalt  }
0x5f: {  	_ =	shalt  }
0x60: {  	_ =	shalt  }
0x61: {  	_ =	shalt  }
0x62: {  	_ =	shalt  }
0x63: {  	_ =	shalt  }
0x64: {  	_ =	shalt  }
0x65: {  	_ =	shalt  }
0x66: {  	_ =	shalt  }
0x67: {  	_ =	shalt  }
0x68: {  	_ =	shalt  }
0x69: {  	_ =	shalt  }
0x6a: {  	_ =	shalt  }
0x6b: {  	_ =	shalt  }
0x6c: {  	_ =	shalt  }
0x6d: {  	_ =	shalt  }
0x6e: {  	_ =	shalt  }
0x6f: {  	_ =	shalt  }
0x70: {  	_ =	shalt  }
0x71: {  	_ =	shalt  }
0x72: {  	_ =	shalt  }
0x73: {  	_ =	shalt  }
0x74: {  	_ =	shalt  }
0x75: {  	_ =	shalt  }
0x76: {  	_ =	shalt  }
0x77: {  	_ =	shalt  }
0x78: {  	_ =	shalt  }
0x79: {  	_ =	shalt  }
0x7a: {  	_ =	shalt  }
0x7b: {  	_ =	shalt  }
0x7c: {  	_ =	shalt  }
0x7d: {  	_ =	shalt  }
0x7e: {  	_ =	shalt  }
0x7f: {  	_ =	shalt  }
0x80: {  	_ =	shalt  }
0x81: {  	_ =	shalt  }
0x82: {  	_ =	shalt  }
0x83: {  	_ =	shalt  }
0x84: {  	_ =	shalt  }
0x85: {  	_ =	shalt  }
0x86: {  	_ =	shalt  }
0x87: {  	_ =	shalt  }
.Lfunc_end0:
.L_simem_size_0:
called_computation.2_lowered:
.L_overlay_start_0:
0x88: {  	s2 =	sld [smem:$0x3FD9]  }
0x89: {  	s3 =	sld [smem:$0x3FFE];
	_ =	sdelay $0x1  }
0x8a: {  	s1 =	srdreg.scid  }
0x8b: {  	s0 =	sand.u32 $0x1, s1  }
0x8c: {  	s17 =	sshll.u32 s0, $0xA;
	s2 =	sadd.s32 s3, s2  }
0x8d: {  	s2 =	sadd.s32 s2, s17  }
0x8e: {  	[smem:$0x3FC4] =	sst s2  }
0x8f: {  	_ = 	snop  }
0x90: {  	s2 =	sld [smem:$0x3FC8];
	(tm) =	ssettm $0x1  }
0x91: {  	s18 =	sld [smem:$0x3FFB];
	_ =	sdelay $0x3  }
0x92: {  	_ =	strace s18  }
0x93: {  	s3 =	sld [smem:$0x3FFC];
	_ =	sdelay $0x3  }
0x94: {  	_ =	strace s3  }
0x95: {  	s3 =	sld [smem:$0x3FFD];
	_ =	sdelay $0x3  }
0x96: {  	_ =	strace s3  }
0x97: {  	_ =	strace $0x8FFFFFFF  }
0x98: {  	s19 =	sld [smem:$0x3FDB];
	_ =	sdelay $0x1  }
0x99: {  	s4 =	simm.s32 $_scs_section_size  }
0x9a: {  	s5 =	simm.s32 $_size__tile_overlayer_lowered;
	s6 =	simm.s32 $_tile_overlayer_lowered  }
0x9b: {  	s22 =	simm.s32 $0x1BFF;
	s21 =	sshll.u32 s6, $0x1;
	s3 =	sadd.s32 s4, s19  }
0x9c: {  	s7 =	simm.s32 $0x0;
	s20 =	sshll.u32 s5, $0x1;
	s5 =	sadd.s32 s21, s3  }
0x9d: {  	[timem:s7], [sflag:s22] =	dma.local [hbm:s5], s20  }
0x9e: {  	_ =	swait.ge [sflag:s22], s20  }
0x9f: {  	s4 =	ssub.s32 $0x0, s20;
	[sflag:s22] =	ssyncset.done $0x0  }
0xa0: {  	[sflag:s22] =	ssyncadd.s32 s4;
	_ =	sdelay $0x1  }
0xa1: {  	s23 =	simm.s32 $0x1B8B  }
0xa2: {  	_ =	swait.ge [sflag:s23], $0x1  }
0xa3: {  	[sflag:s23] =	ssyncset.done $0x0  }
0xa4: {  	s25 =	simm.s32 $0x1B8E;
	s24 =	sld [smem:$0x3FFE];
	[sflag:s23] =	ssyncadd.s32 $0xFFFFFFFF  }
0xa5: {  	s26 =	simm.s32 $execute0_lowered;
	[smem:$0x3FD2] =	sst s25  }
0xa6: {  	s5 =	sshll.u32 s26, $0x1;
	_ =	strace $0x8000004C;
	[dreg:$0x1] =	wrdreg $0xFFFFFFFF  }
0xa7: {  	s28 =	simm.s32 $_size_execute0_lowered;
	s3 =	sadd.s32 s3, s5;
	[dreg:$0x0] =	wrdreg $0x0  }
0xa8: {  	s5 =	sshll.u32 s28, $0x1;
	[dreg:$0x2] =	wrdreg s3  }
0xa9: {  	[dreg:$0x3] =	wrdreg s5  }
0xaa: {  	[dreg:$0x4] =	wrdreg $0xC0  }
0xab: {  	_ =	task [dreg:s7], $0x5FFFF  }
0xac: {  	[dreg:$0x1] =	wrdreg $0xFFFFFFFF  }
0xad: {  	[dreg:$0x0] =	wrdreg $0x60  }
0xae: {  	[dreg:$0x2] =	wrdreg s24  }
0xaf: {  	[dreg:$0x3] =	wrdreg s2  }
0xb0: {  	[dreg:$0x4] =	wrdreg $0x90000  }
0xb1: {  	[dreg:$0x5] =	wrdreg $0x9  }
0xb2: {  	_ =	task.clear_ibuf [dreg:s7], $0x6FFFF;
	_ =	strace $0x9000004C  }
0xb3: {  	s29 =	simm.s32 $0x9;
	_ =	strace $0x8000004E  }
0xb4: {  	_ =	swait.ge [sflag:s29], $0x1  }
0xb5: {  	[sflag:s29] =	ssyncadd.s32 $0xFFFFFFFF  }
0xb6: {  	_ =	strace $0x9000004E  }
0xb7: {  	_ =	sfence  }
0xb8: {  	s30 =	sld [smem:$0x0];
	_ =	sdelay $0x2  }
0xb9: {  	s31 =	sshll.u32 s1, $0xD;
	s1 =	sshrl.u32 s1, $0x2  }
0xba: {  	s3 =	sand.u32 $0x4000, s31;
	s1 =	sadd.s32 s1, s30  }
0xbb: {  	s0 =	sor.u32 s3, s0;
	s1 =	sshll.u32 s1, $0x11  }
0xbc: {  	s0 =	sor.u32 s1, s0  }
0xbd: {  	s0 =	sadd.s32 $0x8F2B, s0  }
0xbe: {  	[sflag:s0] =	ssyncadd.remote.s32 $0x1  }
0xbf: {  	_ =	sfence.sel $0xFFFF  }
0xc0: {  	[dreg:$0x0] =	wrdreg $0xFFFFFFFF;
	(pc) =	sbr.abs _section_cstart, $3  }
0xc1: {  	[dreg:$0x1] =	wrdreg $0xFFFFFFFF  }
0xc2: {  	_ =	task.clear_ibuf [dreg:s7], $0x2FFFF;
	_ =	strace $0x9FFFFFFF  }
0xc3: {  	(tm) =	ssettm $0x7FFFFFFF  }
tec
execute0_lowered:
.L_overlay_start_1:
0x0: {  	(tag) =	ssettag $0x1  }
0x1: {  	s0 =	rddreg [dreg:$0x0]  }
0x2: {  	s1 =	srdreg.scid;
	s3 =	rddreg [dreg:$0x1]  }
0x3: {  	s10 =	stileid.u32;
	s2 =	rddreg [dreg:$0x2];
	s5 =	simm.s32 $0x0  }
0x4: {  	s17 =	simm.s32 $0x5000;
	s14 =	simm.s32 $0x12;
	s16 =	simm.s32 $0x80  }
0x5: {  	s15 =	simm.s32 $0x6000;
	s28 =	simm.s32 $0x9;
	s29 =	simm.s32 $0xA  }
0x6: {  	s30 =	simm.s32 $0xB;
	s31 =	simm.s32 $0xC;
	s6 =	smul.u32 $0x2800, s10  }
0x7: {  	s1 =	sand.u32 $0x1, s1;
	[smem:$0x7FF] =	sst s5;
	s8 =	smul.u32 $0xA000, s10  }
0x8: {  	s24 =	sshll.u32 s10, $0x5;
	s4 =	smul.u32 $0x28000, s1;
	_ =	strace $0x8000004D  }
0x9: {  	s19 =	sshll.u32 s1, $0x4;
	s7 =	ssub.s32 $0x2, s1;
	s1 =	sshll.u32 s1, $0x9  }
0xa: {  	s5 =	sor.u32 s10, s19;
	s9 =	sshrl.u32 s7, $0x1;
	s8 =	sshrl.u32 s8, $0x2  }
0xb: {  	s20 =	sadd.s32 s6, s2;
	s1 =	sadd.s32 s1, s3;
	s19 =	simm.s32 $0x5800  }
0xc: {  	s3 =	simm.s32 $0x2;
	s4 =	sadd.s32 s6, s4;
	p0 =	slt.u32 s5, $0x4  }
0xd: {  	s5 =	simm.s32 $0x4F;
	s7 =	ssub.s32 s7, s9;
	s8 =	sadd.s32 s8, s2  }
0xe: {  	s1 =	sadd.s32 s24, s1;
	s24 =	simm.s32 $0x6;
	[dreg:$0x4] =	wrdreg s8  }
0xf: {  	s18 =	sshrl.u32 s4, $0x3;
	s21 =	smax.u32 s7, $0x1;
	[dreg:$0xb] =	wrdreg s1  }
0x10: {  	s4 =	sadd.s32 $0x2800, s0;
	s22 =	sadd.s32 $0x800, s8;
	[dreg:$0x6] =	wrdreg s21  }
0x11: {  	s5 =	simm.s32 @!p0 $0x4E;
	s23 =	sadd.s32 $0x1000, s8;
	[dreg:$0x7] =	wrdreg s22  }
0x12: {  	s25 =	sadd.s32 $0x1800, s8;
	s26 =	sadd.s32 $0x2000, s8;
	[dreg:$0x8] =	wrdreg s23  }
0x13: {  	s1 =	simm.s32 $0x1;
	s7 =	simm.s32 $0xE;
	[dreg:$0x9] =	wrdreg s25  }
0x14: {  	s8 =	simm.s32 $0x0;
	s0 =	sadd.s32 s18, s0;
	[dreg:$0xa] =	wrdreg s26  }
0x15: {  	s21 =	simm.s32 $0x6800;
	s23 =	simm.s32 $0x7000;
	s25 =	simm.s32 $0x7800  }
0x16: {  	s18 =	simm.s32 $0x3;
	s22 =	simm.s32 $0x5;
	s0 =	sadd.s32 $0x7800, s0  }
0x17: {  	s26 =	simm.s32 $0x7000;
	[dreg:$0x5] =	wrdreg s0;
	s0 =	sshrl.u32 s20, $0x3  }
0x18: {  	v0 =	vimm.f32 $0.0e+00;
	s20 =	simm.s32 $0x4;
	[dreg:$0xc] =	wrdreg s0;
	s0 =	simm.s32 $0xD  }
.LBB2_1:
0x19: {  	p1 =	por $0x0, $0x0  }
.Ltmp0:
0x1a: {  	[dreg:$0xd] =	wrdreg s8;
	p0 =	sle.u32 s5, $0x0;
	(pc) =	sbr.rel @p1 .LBB2_3-.Ltmp0, $4  }
0x1b: {  	s10 =	simm.s32 $0x2800;
	s6 =	simm.s32 $0x0;
	s11 =	rddreg [dreg:$0xb]  }
0x1c: {  	s9 =	simm.s32 $0x2880;
	s12 =	simm.s32 $0x80;
	s13 =	simm.s32 @!p0 $0x0  }
0x1d: {  	[tilespmem:s6], [sflag:$0x11] =	stream.linear.gather @!p0 [hbm4b:s11+s13], $0x80, $0x38;
	[tilespmem:$0xB800] =	vst v63  }
0x1e: {  	s8 =	sadd.s32 @!p0 $0x10, s11;
	s6 =	simm.s32 $0x1;
	s11 =	sadd.s32 $0x400, s11  }
.LBB2_2:
0x1f: {  	[tilespmem:s10], [sflag:$0x11] =	stream.linear.gather @!p0 [hbm4b:s8+s13], $0x80, $0x38;
	[tilespmem:$0xB800] =	vst v63  }
0x20: {  	s8 =	smov.u32 s6;
	s6 =	sadd.s32 $0x1, s6  }
0x21: {  	p1 =	seq.s32 s6, $0x50  }
.Ltmp1:
0x22: {  	(pc) =	sbr.rel @!p1 .LBB2_2-.Ltmp1, $4  }
0x23: {  	s10 =	smov.u32 s9;
	p0 =	sge.u32 s8, s5  }
0x24: {  	s9 =	sadd.s32 $0x80, s9;
	s13 =	simm.s32 @!p0 $0x0  }
0x25: {  	[tilespmem:s12], [sflag:$0x11] =	stream.linear.gather @!p0 [hbm4b:s11+s13], $0x80, $0x38;
	[tilespmem:$0xB800] =	vst v63  }
0x26: {  	s8 =	sadd.s32 @!p0 $0x10, s11;
	s11 =	sadd.s32 $0x400, s11;
	s12 =	sadd.s32 $0x80, s12  }
.LBB2_3:
0x27: {  	[tilespmem:s10], [sflag:$0x11] =	stream.linear.gather @!p0 [hbm4b:s8+s13], $0x80, $0x38;
	[tilespmem:$0xB800] =	vst v63  }
0x28: {  	s6 =	simm.s32 $0x40;
	s8 =	simm.s32 $0x0  }
.LBB2_4:
0x29: {  	p0 =	seq.s32 s6, $0x1FC0;
	[tilespmem:s8+$0x5000] =	vst v0;
	s8 =	smov.u32 s6;
	s6 =	sadd.s32 $0x40, s6  }
.Ltmp2:
0x2a: {  	(pc) =	sbr.rel @!p0 .LBB2_4-.Ltmp2, $2  }
0x2b: {  	_ =	sdelay $0x2  }
0x2c: {  	s8 =	sshra.s32 s8, $0x2  }
0x2d: {  	[tilespmem:s8+$0x5000] =	vst v0;
	s6 =	rddreg [dreg:$0x4]  }
0x2e: {  	[spmem:s6] =	stream.linear.scatter [tilespmem:s17], [sflag:$0x12], $0x800, $0x38;
	[tilespmem:$0xB800] =	vst v63  }
0x2f: {  	_ =	swait.ge [sflag:s14], $0x800  }
0x30: {  	[sflag:s14] =	ssyncset.done $0x0  }
0x31: {  	s10 =	rddreg [dreg:$0x7];
	[sflag:s14] =	ssyncadd.s32 $0xFFFFF800  }
0x32: {  	[spmem:s10] =	stream.linear.scatter [tilespmem:s17], [sflag:$0x12], $0x800, $0x38;
	[tilespmem:$0xB800] =	vst v63  }
0x33: {  	_ =	swait.ge [sflag:s14], $0x800  }
0x34: {  	[sflag:s14] =	ssyncset.done $0x0  }
0x35: {  	s11 =	rddreg [dreg:$0x8];
	[sflag:s14] =	ssyncadd.s32 $0xFFFFF800  }
0x36: {  	[spmem:s11] =	stream.linear.scatter [tilespmem:s17], [sflag:$0x12], $0x800, $0x38;
	[tilespmem:$0xB800] =	vst v63  }
0x37: {  	_ =	swait.ge [sflag:s14], $0x800  }
0x38: {  	[sflag:s14] =	ssyncset.done $0x0  }
0x39: {  	s12 =	rddreg [dreg:$0x9];
	[sflag:s14] =	ssyncadd.s32 $0xFFFFF800  }
0x3a: {  	[spmem:s12] =	stream.linear.scatter [tilespmem:s17], [sflag:$0x12], $0x800, $0x38;
	[tilespmem:$0xB800] =	vst v63  }
0x3b: {  	_ =	swait.ge [sflag:s14], $0x800  }
0x3c: {  	[sflag:s14] =	ssyncset.done $0x0  }
0x3d: {  	s13 =	rddreg [dreg:$0xa];
	[sflag:s14] =	ssyncadd.s32 $0xFFFFF800  }
0x3e: {  	[spmem:s13] =	stream.linear.scatter [tilespmem:s17], [sflag:$0x12], $0x800, $0x38;
	[tilespmem:$0xB800] =	vst v63  }
0x3f: {  	_ =	swait.ge [sflag:s14], $0x800  }
0x40: {  	p0 =	sle.u32 s5, $0x0;
	[sflag:s14] =	ssyncset.done $0x0  }
0x41: {  	s6 =	simm.s32 @!p0 $0x11;
	p0 =	por p0, p0;
	[sflag:s14] =	ssyncadd.s32 $0xFFFFF800  }
0x42: {  	_ =	swait.ge @!p0 [sflag:s6], $0x80  }
0x43: {  	[sflag:s6] =	ssyncset.done @!p0 $0x0  }
0x44: {  	[sflag:s6] =	ssyncadd.s32 @!p0 $0xFFFFFF80  }
0x45: {  	_ =	swait.ge @!p0 [sflag:s6], $0x80  }
0x46: {  	s9 =	simm.s32 $0x2;
	p1 =	sle.u32 s5, $0x1;
	[sflag:s6] =	ssyncset.done @!p0 $0x0  }
.LBB2_6:
0x47: {  	[sflag:s6] =	ssyncadd.s32 @!p0 $0xFFFFFF80;
	s8 =	smov.u32 s9;
	s9 =	sadd.s32 $0x1, s9  }
0x48: {  	s6 =	simm.s32 @!p1 $0x11;
	p0 =	por p1, p1;
	p2 =	sne.s32 s9, $0x50  }
.Ltmp3:
0x49: {  	_ =	swait.ge @!p0 [sflag:s6], $0x80;
	(pc) =	sbr.rel @p2 .LBB2_6-.Ltmp3, $4  }
0x4a: {  	[sflag:s6] =	ssyncset.done @!p0 $0x0  }
0x4b: {  	[sflag:s6] =	ssyncadd.s32 @!p0 $0xFFFFFF80  }
0x4c: {  	_ =	swait.ge @!p0 [sflag:s6], $0x80  }
0x4d: {  	p1 =	sge.u32 s8, s5;
	[sflag:s6] =	ssyncset.done @!p0 $0x0  }
0x4e: {  	s8 =	simm.s32 @!p1 $0x11;
	[sflag:s6] =	ssyncadd.s32 @!p0 $0xFFFFFF80;
	p0 =	por p1, p1  }
0x4f: {  	_ =	swait.ge @!p0 [sflag:s8], $0x80  }
0x50: {  	[sflag:s8] =	ssyncset.done @!p0 $0x0  }
0x51: {  	[sflag:s8] =	ssyncadd.s32 @!p0 $0xFFFFFF80  }
0x52: {  	_ =	swait.ge @!p0 [sflag:s8], $0x80  }
0x53: {  	[sflag:s8] =	ssyncset.done @!p0 $0x0  }
0x54: {  	[sflag:s8] =	ssyncadd.s32 @!p0 $0xFFFFFF80  }
0x55: {  	s9 =	simm.s32 $0x0;
	[bflag:$0x0] =	sbarrier.arrive $0xFFFF  }
0x56: {  	[tilespmem:s17], [sflag:$0x1] =	stream.indirect.gather [hbm4b:s4+s16], $0x10, s9, s16, $0xb8;
	[tilespmem:$0xB800] =	vst v63  }
0x57: {  	_ = 	snop  }
0x58: {  	[tilespmem:s19], [sflag:$0x2] =	stream.indirect.gather [hbm4b:s4+s16], $0x10, s16, s16, $0xb8;
	[tilespmem:$0xB800] =	vst v63  }
0x59: {  	s8 =	simm.s32 $0x100  }
0x5a: {  	[tilespmem:s15], [sflag:$0x3] =	stream.indirect.gather [hbm4b:s4+s16], $0x10, s8, s16, $0xb8;
	[tilespmem:$0xB800] =	vst v63  }
0x5b: {  	s10 =	simm.s32 $0x180  }
0x5c: {  	[tilespmem:s21], [sflag:$0x4] =	stream.indirect.gather [hbm4b:s4+s16], $0x10, s10, s16, $0xb8;
	[tilespmem:$0xB800] =	vst v63  }
0x5d: {  	s11 =	simm.s32 $0x200  }
0x5e: {  	[tilespmem:s23], [sflag:$0x5] =	stream.indirect.gather [hbm4b:s4+s16], $0x10, s11, s16, $0xb8;
	[tilespmem:$0xB800] =	vst v63  }
0x5f: {  	s12 =	simm.s32 $0x280  }
0x60: {  	[tilespmem:s25], [sflag:$0x6] =	stream.indirect.gather [hbm4b:s4+s16], $0x10, s12, s16, $0xb8;
	[tilespmem:$0xB800] =	vst v63  }
0x61: {  	s13 =	simm.s32 $0x300;
	s14 =	simm.s32 $0x8000  }
0x62: {  	[tilespmem:s14], [sflag:$0x7] =	stream.indirect.gather [hbm4b:s4+s16], $0x10, s13, s16, $0xb8;
	[tilespmem:$0xB800] =	vst v63  }
0x63: {  	s10 =	simm.s32 $0x380;
	s11 =	simm.s32 $0x8800  }
0x64: {  	[tilespmem:s11], [sflag:$0x8] =	stream.indirect.gather [hbm4b:s4+s16], $0x10, s10, s16, $0xb8;
	[tilespmem:$0xB800] =	vst v63  }
0x65: {  	_ =	swait.ge [sflag:s1], $0x800  }
0x66: {  	[sflag:s1] =	ssyncset.done $0x0  }
0x67: {  	s12 =	simm.s32 $0x2800;
	[sflag:s1] =	ssyncadd.s32 $0xFFFFF800  }
0x68: {  	[spmem:s2] =	stream.indirect.scatter.add.f32 [tilespmem:s17], [sflag:$0x9], $0x10, s12, s16, $0xb8;
	[tilespmem:$0xB800] =	vst v63  }
0x69: {  	_ =	swait.ge [sflag:s3], $0x800  }
0x6a: {  	[sflag:s3] =	ssyncset.done $0x0  }
0x6b: {  	s13 =	simm.s32 $0x2880;
	[sflag:s3] =	ssyncadd.s32 $0xFFFFF800  }
0x6c: {  	[spmem:s2] =	stream.indirect.scatter.add.f32 [tilespmem:s19], [sflag:$0xA], $0x10, s13, s16, $0xb8;
	[tilespmem:$0xB800] =	vst v63  }
0x6d: {  	_ =	swait.ge [sflag:s18], $0x800  }
0x6e: {  	[sflag:s18] =	ssyncset.done $0x0  }
0x6f: {  	s14 =	simm.s32 $0x2900;
	[sflag:s18] =	ssyncadd.s32 $0xFFFFF800  }
0x70: {  	[spmem:s2] =	stream.indirect.scatter.add.f32 [tilespmem:s15], [sflag:$0xB], $0x10, s14, s16, $0xb8;
	[tilespmem:$0xB800] =	vst v63  }
0x71: {  	_ =	swait.ge [sflag:s20], $0x800  }
0x72: {  	[sflag:s20] =	ssyncset.done $0x0  }
0x73: {  	s15 =	simm.s32 $0x2980;
	[sflag:s20] =	ssyncadd.s32 $0xFFFFF800  }
0x74: {  	[spmem:s2] =	stream.indirect.scatter.add.f32 [tilespmem:s21], [sflag:$0xC], $0x10, s15, s16, $0xb8;
	[tilespmem:$0xB800] =	vst v63  }
0x75: {  	_ =	swait.ge [sflag:s22], $0x800  }
0x76: {  	[sflag:s22] =	ssyncset.done $0x0  }
0x77: {  	s21 =	simm.s32 $0x2A00;
	[sflag:s22] =	ssyncadd.s32 $0xFFFFF800  }
0x78: {  	[spmem:s2] =	stream.indirect.scatter.add.f32 [tilespmem:s23], [sflag:$0xD], $0x10, s21, s16, $0xb8;
	[tilespmem:$0xB800] =	vst v63  }
0x79: {  	_ =	swait.ge [sflag:s24], $0x800  }
0x7a: {  	p1 =	sle.u32 s5, $0x6;
	[sflag:s24] =	ssyncset.done $0x0  }
0x7b: {  	s8 =	simm.s32 @!p1 $0x7;
	s23 =	simm.s32 $0x2A80;
	[sflag:s24] =	ssyncadd.s32 $0xFFFFF800  }
0x7c: {  	[spmem:s2] =	stream.indirect.scatter.add.f32 [tilespmem:s25], [sflag:$0xE], $0x10, s23, s16, $0xb8;
	[tilespmem:$0xB800] =	vst v63  }
0x7d: {  	s6 =	simm.s32 @!p1 $0x8000;
	_ =	swait.ge @!p1 [sflag:s8], $0x800  }
0x7e: {  	p0 =	sle.u32 s5, $0x7;
	s10 =	simm.s32 @!p1 $0x2B00;
	[sflag:s8] =	ssyncset.done @!p1 $0x0  }
0x7f: {  	s11 =	simm.s32 @!p1 $0x80;
	[sflag:s8] =	ssyncadd.s32 @!p1 $0xFFFFF800;
	s8 =	simm.s32 @!p0 $0x8  }
0x80: {  	[spmem:s2] =	stream.indirect.scatter.add.f32 @!p1 [tilespmem:s6], [sflag:$0xF], $0x10, s10, s11, $0xb8;
	[tilespmem:$0xB800] =	vst v63  }
0x81: {  	_ =	swait.ge @!p0 [sflag:s8], $0x800  }
0x82: {  	s6 =	simm.s32 @!p0 $0x2B80;
	[sflag:s8] =	ssyncset.done @!p0 $0x0  }
0x83: {  	s10 =	simm.s32 @!p0 $0x80;
	s11 =	simm.s32 @!p0 $0x8800;
	[sflag:s8] =	ssyncadd.s32 @!p0 $0xFFFFF800  }
0x84: {  	[spmem:s2] =	stream.indirect.scatter.add.f32 @!p0 [tilespmem:s11], [sflag:$0x10], $0x10, s6, s10, $0xb8;
	[tilespmem:$0xB800] =	vst v63  }
0x85: {  	p2 =	sle.u32 s5, $0x8;
	_ =	swait.ge [sflag:s28], $0x800  }
0x86: {  	s8 =	simm.s32 @!p2 $0x400;
	[sflag:s28] =	ssyncset.done $0x0  }
0x87: {  	s6 =	simm.s32 @!p2 $0x80;
	s10 =	simm.s32 @!p2 $0x5000;
	[sflag:s28] =	ssyncadd.s32 $0xFFFFF800  }
0x88: {  	[tilespmem:s10], [sflag:$0x1] =	stream.indirect.gather @!p2 [hbm4b:s4+s6], $0x10, s8, s6, $0xb8;
	[tilespmem:$0xB800] =	vst v63  }
0x89: {  	p2 =	sle.u32 s5, $0x9;
	_ =	swait.ge [sflag:s29], $0x800  }
0x8a: {  	s6 =	simm.s32 @!p2 $0x480;
	[sflag:s29] =	ssyncset.done $0x0  }
0x8b: {  	s8 =	simm.s32 @!p2 $0x80;
	s10 =	simm.s32 @!p2 $0x5800;
	[sflag:s29] =	ssyncadd.s32 $0xFFFFF800  }
0x8c: {  	[tilespmem:s10], [sflag:$0x2] =	stream.indirect.gather @!p2 [hbm4b:s4+s8], $0x10, s6, s8, $0xb8;
	[tilespmem:$0xB800] =	vst v63  }
0x8d: {  	p2 =	sle.u32 s5, $0xA;
	_ =	swait.ge [sflag:s30], $0x800  }
0x8e: {  	p3 =	sle.u32 s5, $0xC;
	s6 =	simm.s32 @!p2 $0x80;
	[sflag:s30] =	ssyncset.done $0x0  }
0x8f: {  	s8 =	simm.s32 @!p2 $0x500;
	s10 =	simm.s32 @!p2 $0x6000;
	[sflag:s30] =	ssyncadd.s32 $0xFFFFF800  }
0x90: {  	[tilespmem:s10], [sflag:$0x3] =	stream.indirect.gather @!p2 [hbm4b:s4+s6], $0x10, s8, s6, $0xb8;
	[tilespmem:$0xB800] =	vst v63  }
0x91: {  	p4 =	sle.u32 s5, $0xF;
	p2 =	sle.u32 s5, $0xB;
	_ =	swait.ge [sflag:s31], $0x800  }
0x92: {  	s21 =	simm.s32 $0x6000;
	s6 =	simm.s32 @!p2 $0x80;
	[sflag:s31] =	ssyncset.done $0x0  }
0x93: {  	s8 =	simm.s32 @!p2 $0x580;
	s10 =	simm.s32 @!p2 $0x6800;
	[sflag:s31] =	ssyncadd.s32 $0xFFFFF800  }
0x94: {  	[tilespmem:s10], [sflag:$0x4] =	stream.indirect.gather @!p2 [hbm4b:s4+s6], $0x10, s8, s6, $0xb8;
	[tilespmem:$0xB800] =	vst v63  }
0x95: {  	s23 =	simm.s32 $0x7800;
	s25 =	simm.s32 @!p0 $0x10;
	_ =	swait.ge [sflag:s0], $0x800  }
0x96: {  	s11 =	simm.s32 @!p3 $0x7000;
	s6 =	simm.s32 @!p3 $0x80;
	[sflag:s0] =	ssyncset.done $0x0  }
0x97: {  	s8 =	simm.s32 @!p3 $0x600;
	p2 =	sle.u32 s5, $0xD;
	[sflag:s0] =	ssyncadd.s32 $0xFFFFF800  }
0x98: {  	[tilespmem:s11], [sflag:$0x5] =	stream.indirect.gather @!p3 [hbm4b:s4+s6], $0x10, s8, s6, $0xb8;
	[tilespmem:$0xB800] =	vst v63  }
0x99: {  	s10 =	simm.s32 $0x1000;
	s12 =	simm.s32 @!p2 $0x80;
	_ =	swait.ge [sflag:s7], $0x800  }
0x9a: {  	s15 =	simm.s32 @!p2 $0x7800;
	s8 =	simm.s32 @!p2 $0x680;
	[sflag:s7] =	ssyncset.done $0x0  }
0x9b: {  	s6 =	simm.s32 @!p1 $0xF;
	p3 =	sle.u32 s5, $0xE;
	[sflag:s7] =	ssyncadd.s32 $0xFFFFF800  }
0x9c: {  	[tilespmem:s15], [sflag:$0x6] =	stream.indirect.gather @!p2 [hbm4b:s4+s12], $0x10, s8, s12, $0xb8;
	[tilespmem:$0xB800] =	vst v63  }
0x9d: {  	s11 =	simm.s32 $0x17;
	s13 =	simm.s32 @!p3 $0x8000;
	_ =	swait.ge @!p1 [sflag:s6], $0x800  }
0x9e: {  	s8 =	simm.s32 @!p3 $0x80;
	s15 =	simm.s32 @!p3 $0x700;
	[sflag:s6] =	ssyncset.done @!p1 $0x0  }
.LBB2_8:
0x9f: {  	[sflag:s6] =	ssyncadd.s32 @!p1 $0xFFFFF800;
	s6 =	sshra.s32 @!p4 s9, $0x2  }
0xa0: {  	s14 =	simm.s32 @!p4 $0x8800;
	s9 =	smov.u32 s10;
	s12 =	smov.u32 s11  }
0xa1: {  	[tilespmem:s13], [sflag:$0x7] =	stream.indirect.gather @!p3 [hbm4b:s4+s8], $0x10, s15, s8, $0xb8;
	[tilespmem:$0xB800] =	vst v63  }
0xa2: {  	s10 =	sadd.s32 $0x1000, s10;
	s6 =	sadd.s32 @!p4 $0x780, s6;
	_ =	swait.ge @!p0 [sflag:s25], $0x800  }
0xa3: {  	s8 =	sshra.s32 s9, $0x2;
	p2 =	sne.s32 s10, $0xA000;
	[sflag:s25] =	ssyncset.done @!p0 $0x0  }
0xa4: {  	s15 =	simm.s32 @!p4 $0x80;
	s13 =	sadd.s32 $0x2800, s8;
	[sflag:s25] =	ssyncadd.s32 @!p0 $0xFFFFF800  }
0xa5: {  	[tilespmem:s14], [sflag:$0x8] =	stream.indirect.gather @!p4 [hbm4b:s4+s15], $0x10, s6, s15, $0xb8;
	[tilespmem:$0xB800] =	vst v63  }
0xa6: {  	_ =	swait.ge [sflag:s1], $0x800  }
0xa7: {  	[sflag:s1] =	ssyncset.done $0x0  }
0xa8: {  	s6 =	sadd.s32 $0x2880, s8;
	[sflag:s1] =	ssyncadd.s32 $0xFFFFF800  }
0xa9: {  	[spmem:s2] =	stream.indirect.scatter.add.f32 [tilespmem:s17], [sflag:$0x9], $0x10, s13, s16, $0xb8;
	[tilespmem:$0xB800] =	vst v63  }
0xaa: {  	_ =	swait.ge [sflag:s3], $0x800  }
0xab: {  	[sflag:s3] =	ssyncset.done $0x0  }
0xac: {  	s13 =	sadd.s32 $0x2900, s8;
	[sflag:s3] =	ssyncadd.s32 $0xFFFFF800  }
0xad: {  	[spmem:s2] =	stream.indirect.scatter.add.f32 [tilespmem:s19], [sflag:$0xA], $0x10, s6, s16, $0xb8;
	[tilespmem:$0xB800] =	vst v63  }
0xae: {  	_ =	swait.ge [sflag:s18], $0x800  }
0xaf: {  	[sflag:s18] =	ssyncset.done $0x0  }
0xb0: {  	s6 =	sadd.s32 $0x2980, s8;
	[sflag:s18] =	ssyncadd.s32 $0xFFFFF800  }
0xb1: {  	[spmem:s2] =	stream.indirect.scatter.add.f32 [tilespmem:s21], [sflag:$0xB], $0x10, s13, s16, $0xb8;
	[tilespmem:$0xB800] =	vst v63  }
0xb2: {  	_ =	swait.ge [sflag:s20], $0x800  }
0xb3: {  	[sflag:s20] =	ssyncset.done $0x0  }
0xb4: {  	s14 =	simm.s32 $0x6800;
	s13 =	sadd.s32 $0x2A00, s8;
	[sflag:s20] =	ssyncadd.s32 $0xFFFFF800  }
0xb5: {  	[spmem:s2] =	stream.indirect.scatter.add.f32 [tilespmem:s14], [sflag:$0xC], $0x10, s6, s16, $0xb8;
	[tilespmem:$0xB800] =	vst v63  }
0xb6: {  	_ =	swait.ge [sflag:s22], $0x800  }
0xb7: {  	s6 =	sadd.s32 $0xFFFFFFF7, s11;
	[sflag:s22] =	ssyncset.done $0x0  }
0xb8: {  	s8 =	sadd.s32 $0x2A80, s8;
	p1 =	sge.u32 s6, s5;
	[sflag:s22] =	ssyncadd.s32 $0xFFFFF800  }
0xb9: {  	[spmem:s2] =	stream.indirect.scatter.add.f32 [tilespmem:s26], [sflag:$0xD], $0x10, s13, s16, $0xb8;
	[tilespmem:$0xB800] =	vst v63  }
0xba: {  	s6 =	sshra.s32 @!p1 s9, $0x2;
	s13 =	simm.s32 @!p1 $0x8000;
	_ =	swait.ge [sflag:s24], $0x800  }
0xbb: {  	s14 =	sadd.s32 $0xFFFFFFF8, s11;
	s6 =	sadd.s32 @!p1 $0x2B00, s6;
	[sflag:s24] =	ssyncset.done $0x0  }
0xbc: {  	p0 =	sge.u32 s14, s5;
	s15 =	simm.s32 @!p1 $0x80;
	[sflag:s24] =	ssyncadd.s32 $0xFFFFF800  }
0xbd: {  	s14 =	simm.s32 @!p1 $0x7;
	s25 =	sshra.s32 @!p0 s9, $0x2  }
0xbe: {  	[spmem:s2] =	stream.indirect.scatter.add.f32 [tilespmem:s23], [sflag:$0xE], $0x10, s8, s16, $0xb8;
	[tilespmem:$0xB800] =	vst v63  }
0xbf: {  	s8 =	sadd.s32 @!p0 $0x2B80, s25;
	_ =	swait.ge @!p1 [sflag:s14], $0x800  }
0xc0: {  	s17 =	simm.s32 @!p0 $0x8800;
	s25 =	simm.s32 @!p0 $0x80;
	[sflag:s14] =	ssyncset.done @!p1 $0x0  }
0xc1: {  	s19 =	sadd.s32 $0xFFFFFFF9, s11;
	[sflag:s14] =	ssyncadd.s32 @!p1 $0xFFFFF800;
	s14 =	simm.s32 @!p0 $0x8  }
0xc2: {  	[spmem:s2] =	stream.indirect.scatter.add.f32 @!p1 [tilespmem:s13], [sflag:$0xF], $0x10, s6, s15, $0xb8;
	[tilespmem:$0xB800] =	vst v63  }
0xc3: {  	p3 =	sge.u32 s19, s5;
	s6 =	sadd.s32 $0xFFFFFFFA, s11;
	_ =	swait.ge @!p0 [sflag:s14], $0x800  }
0xc4: {  	s13 =	sshra.s32 @!p3 s9, $0x2;
	s15 =	simm.s32 @!p3 $0x80;
	[sflag:s14] =	ssyncset.done @!p0 $0x0  }
0xc5: {  	s13 =	sadd.s32 @!p3 $0x400, s13;
	[sflag:s14] =	ssyncadd.s32 @!p0 $0xFFFFF800;
	s14 =	simm.s32 @!p3 $0x5000  }
0xc6: {  	[spmem:s2] =	stream.indirect.scatter.add.f32 @!p0 [tilespmem:s17], [sflag:$0x10], $0x10, s8, s25, $0xb8;
	[tilespmem:$0xB800] =	vst v63  }
0xc7: {  	p4 =	sge.u32 s6, s5;
	s6 =	sadd.s32 $0xFFFFFFFC, s11;
	_ =	swait.ge [sflag:s28], $0x800  }
0xc8: {  	s8 =	sshra.s32 @!p4 s9, $0x2;
	s17 =	sadd.s32 $0xFFFFFFFB, s11;
	[sflag:s28] =	ssyncset.done $0x0  }
0xc9: {  	s19 =	simm.s32 @!p4 $0x80;
	s8 =	sadd.s32 @!p4 $0x480, s8;
	[sflag:s28] =	ssyncadd.s32 $0xFFFFF800  }
0xca: {  	[tilespmem:s14], [sflag:$0x1] =	stream.indirect.gather @!p3 [hbm4b:s4+s15], $0x10, s13, s15, $0xb8;
	[tilespmem:$0xB800] =	vst v63  }
0xcb: {  	p5 =	sge.u32 s17, s5;
	s13 =	simm.s32 @!p4 $0x5800;
	_ =	swait.ge [sflag:s29], $0x800  }
0xcc: {  	s14 =	sshra.s32 @!p5 s9, $0x2;
	s15 =	simm.s32 @!p5 $0x80;
	[sflag:s29] =	ssyncset.done $0x0  }
0xcd: {  	s17 =	simm.s32 @!p5 $0x6000;
	s14 =	sadd.s32 @!p5 $0x500, s14;
	[sflag:s29] =	ssyncadd.s32 $0xFFFFF800  }
0xce: {  	[tilespmem:s13], [sflag:$0x2] =	stream.indirect.gather @!p4 [hbm4b:s4+s19], $0x10, s8, s19, $0xb8;
	[tilespmem:$0xB800] =	vst v63  }
0xcf: {  	p3 =	sge.u32 s6, s5;
	s6 =	sadd.s32 $0xFFFFFFFD, s11;
	_ =	swait.ge [sflag:s30], $0x800  }
0xd0: {  	s8 =	sshra.s32 @!p3 s9, $0x2;
	s13 =	simm.s32 @!p3 $0x80;
	[sflag:s30] =	ssyncset.done $0x0  }
0xd1: {  	s19 =	simm.s32 @!p3 $0x6800;
	s8 =	sadd.s32 @!p3 $0x580, s8;
	[sflag:s30] =	ssyncadd.s32 $0xFFFFF800  }
0xd2: {  	[tilespmem:s17], [sflag:$0x3] =	stream.indirect.gather @!p5 [hbm4b:s4+s15], $0x10, s14, s15, $0xb8;
	[tilespmem:$0xB800] =	vst v63  }
0xd3: {  	p4 =	sge.u32 s6, s5;
	s6 =	sadd.s32 $0xFFFFFFFE, s11;
	_ =	swait.ge [sflag:s31], $0x800  }
0xd4: {  	s14 =	sshra.s32 @!p4 s9, $0x2;
	s15 =	simm.s32 @!p4 $0x80;
	[sflag:s31] =	ssyncset.done $0x0  }
0xd5: {  	s17 =	simm.s32 @!p4 $0x7000;
	s14 =	sadd.s32 @!p4 $0x600, s14;
	[sflag:s31] =	ssyncadd.s32 $0xFFFFF800  }
0xd6: {  	[tilespmem:s19], [sflag:$0x4] =	stream.indirect.gather @!p3 [hbm4b:s4+s13], $0x10, s8, s13, $0xb8;
	[tilespmem:$0xB800] =	vst v63  }
0xd7: {  	p5 =	sge.u32 s6, s5;
	_ =	swait.ge [sflag:s0], $0x800  }
0xd8: {  	s6 =	sshra.s32 @!p5 s9, $0x2;
	s8 =	simm.s32 @!p5 $0x80;
	[sflag:s0] =	ssyncset.done $0x0  }
0xd9: {  	s19 =	sadd.s32 @!p5 $0x680, s6;
	s6 =	simm.s32 @!p1 $0xF;
	[sflag:s0] =	ssyncadd.s32 $0xFFFFF800  }
0xda: {  	[tilespmem:s17], [sflag:$0x5] =	stream.indirect.gather @!p4 [hbm4b:s4+s15], $0x10, s14, s15, $0xb8;
	[tilespmem:$0xB800] =	vst v63  }
0xdb: {  	s25 =	simm.s32 @!p0 $0x10;
	s17 =	simm.s32 $0x5000  }
0xdc: {  	s11 =	sadd.s32 $0x8, s11;
	s13 =	sadd.s32 $0xFFFFFFFF, s12;
	_ =	swait.ge [sflag:s7], $0x800  }
0xdd: {  	p3 =	sge.u32 s13, s5;
	s14 =	simm.s32 @!p5 $0x7800;
	[sflag:s7] =	ssyncset.done $0x0  }
.Ltmp4:
0xde: {  	s13 =	simm.s32 @!p3 $0x8000;
	[sflag:s7] =	ssyncadd.s32 $0xFFFFF800;
	(pc) =	sbr.rel @p2 .LBB2_8-.Ltmp4, $4  }
0xdf: {  	[tilespmem:s14], [sflag:$0x6] =	stream.indirect.gather @!p5 [hbm4b:s4+s8], $0x10, s19, s8, $0xb8;
	[tilespmem:$0xB800] =	vst v63  }
0xe0: {  	s19 =	simm.s32 $0x5800  }
0xe1: {  	s14 =	sshra.s32 @!p3 s9, $0x2;
	s8 =	simm.s32 @!p3 $0x80;
	_ =	swait.ge @!p1 [sflag:s6], $0x800  }
0xe2: {  	p4 =	sge.u32 s12, s5;
	s15 =	sadd.s32 @!p3 $0x700, s14;
	[sflag:s6] =	ssyncset.done @!p1 $0x0  }
0xe3: {  	[sflag:s6] =	ssyncadd.s32 @!p1 $0xFFFFF800  }
0xe4: {  	[tilespmem:s13], [sflag:$0x7] =	stream.indirect.gather @!p3 [hbm4b:s4+s8], $0x10, s15, s8, $0xb8;
	[tilespmem:$0xB800] =	vst v63  }
0xe5: {  	_ =	swait.ge @!p0 [sflag:s25], $0x800  }
0xe6: {  	s6 =	sshra.s32 @!p4 s9, $0x2;
	s9 =	simm.s32 @!p4 $0x80;
	[sflag:s25] =	ssyncset.done @!p0 $0x0  }
0xe7: {  	s8 =	simm.s32 @!p4 $0x8800;
	s6 =	sadd.s32 @!p4 $0x780, s6;
	[sflag:s25] =	ssyncadd.s32 @!p0 $0xFFFFF800  }
0xe8: {  	[tilespmem:s8], [sflag:$0x8] =	stream.indirect.gather @!p4 [hbm4b:s4+s9], $0x10, s6, s9, $0xb8;
	[tilespmem:$0xB800] =	vst v63  }
0xe9: {  	s14 =	stileid.u32;
	[bflag:$0x0] =	sbarrier.arrive $0xFFFF  }
0xea: {  	s6 =	sshll.u32 s14, $0x6;
	s15 =	rddreg [dreg:$0x5]  }
0xeb: {  	s14 =	simm.s32 $0x12;
	s6 =	sor.u32 $0x1C12, s6;
	s21 =	rddreg [dreg:$0xc]  }
0xec: {  	[hbm:s15], [sflag:s6] =	dma.local [spmem:s21], $0x500  }
0xed: {  	_ =	swait.ge [sflag:s14], $0x500  }
0xee: {  	s23 =	rddreg [dreg:$0xd]  }
0xef: {  	s25 =	rddreg [dreg:$0x6];
	s8 =	sadd.s32 $0x1, s23  }
0xf0: {  	p0 =	sne.s32 s8, s25  }
.Ltmp5:
0xf1: {  	_ = 	snop;
	(pc) =	sbr.rel @p0 .LBB2_1-.Ltmp5, $3  }
0xf2: {  	_ =	sdelay $0x1  }
0xf3: {  	s15 =	simm.s32 $0x6000;
	s21 =	simm.s32 $0x6800;
	[sflag:s14] =	ssyncset.done $0x0  }
0xf4: {  	[sflag:s14] =	ssyncadd.s32 $0xFFFFFB00;
	s23 =	simm.s32 $0x7000;
	s25 =	simm.s32 $0x7800  }
0xf5: {  	_ =	sfence.sel $0x180000  }
0xf6: {  	[bflag:$0x0] =	sbarrier.arrive $0xFFFF  }
0xf7: {  	_ =	strace $0x9000004D  }
0xf8: {  	s0 =	stileid.u32;
	[bflag:$0x2] =	sbarrier.arrive $0xFFFF  }
0xf9: {  	p0 =	sne.s32 s0, $0x0;
	s0 =	rddreg [dreg:$0x3]  }
0xfa: {  	s0 =	sadd.s32 @!p0 $0x100000, s0  }
0xfb: {  	[sflag:s0] =	ssyncadd.tile.s32 @!p0 $0x1;
	_ =	shalt  }
.Lfunc_end2:
_tile_overlayer_lowered:
.L_overlay_start_2:
0xfc: {  	(tag) =	ssettag $0x2  }
0xfd: {  	s0 =	rddreg [dreg:$0x0];
	s2 =	stileid.u32  }
0xfe: {  	s1 =	rddreg [dreg:$0x1];
	p0 =	sne.s32 s2, $0x0  }
0xff: {  	s3 =	rddreg [dreg:$0x2];
	[bflag:$0x3] =	sbarrier.arrive $0xFFFF;
	s2 =	simm.s32 @!p0 $0x1C12  }
0x100: {  	[timem:s3], [sflag:s2] =	dma.local @!p0 [hbm:s0], s1  }
0x101: {  	s0 =	simm.s32 @!p0 $0x12  }
0x102: {  	_ =	swait.ge @!p0 [sflag:s0], s1  }
0x103: {  	s1 =	ssub.s32 @!p0 $0x0, s1;
	[sflag:s0] =	ssyncset.done @!p0 $0x0  }
0x104: {  	[sflag:s0] =	ssyncadd.s32 @!p0 s1  }
0x105: {  	[bflag:$0x3] =	sbarrier.arrive $0xFFFF  }
0x106: {  	_ =	shalt  }

// kernel: kernel.9.cloned.1.call-start
scs
__scs_entry_jumppad:
0x0: {  	(pc) =	sbr.rel $0x88, $3  }
0x1: {  	(tag) =	ssettag $0x0;
	lr =	simm.s32 $0x1  }
0x2: {  	[smem:$0x3F9D] =	sst lr;
	_ =	strace $0xD0000000  }
0x3: {  	_ = 	snop  }
0x4: {  	_ = 	snop  }
0x5: {  	_ = 	snop  }
0x6: {  	_ = 	snop  }
0x7: {  	_ = 	snop  }
__scs_overlays_trampoline_lowered:
0x8: {  	[smem:$0x3FAC] =	sst s0  }
0x9: {  	[smem:$0x3FAD] =	sst s1  }
0xa: {  	[smem:$0x3FAE] =	sst s2  }
0xb: {  	[smem:$0x3FAF] =	sst s3  }
0xc: {  	[smem:$0x3FB0] =	sst s4  }
0xd: {  	[smem:$0x3FB1] =	sst s5  }
0xe: {  	[smem:$0x3FB2] =	sst s6  }
0xf: {  	[smem:$0x3FB3] =	sst s7  }
0x10: {  	[smem:$0x3FB4] =	sst s8  }
0x11: {  	[smem:$0x3FB5] =	sst s9;
	s0 =	simm.s32 @!p0 $0x0  }
0x12: {  	s1 =	sld [smem:$0x3F9B];
	s0 =	simm.s32 @p0 $0x1  }
0x13: {  	[smem:$0x3FB6] =	sst s0;
	s0 =	simm.s32 @!p1 $0x0  }
0x14: {  	s2 =	sld [smem:$0x3F9A];
	s0 =	simm.s32 @p1 $0x1  }
0x15: {  	[smem:$0x3FB7] =	sst s0;
	s0 =	simm.s32 @!p2 $0x0  }
0x16: {  	s3 =	sld [smem:$0x3FDB];
	s0 =	simm.s32 @p2 $0x1  }
0x17: {  	s4 =	simm.s32 $0x1BF5;
	[smem:$0x3FB9] =	sst s0  }
0x18: {  	s0 =	sld [smem:$0x3F9C];
	_ =	swait.ge [sflag:s4], $0x0  }
0x19: {  	s7 =	sld [smem:$0x3F9D]  }
0x1a: {  	s8 =	sadd.s32 $0xFFFFE003, lr  }
0x1b: {  	s9 =	sadd.s32 $0xFFFFFEF7, lr;
	s5 =	simm.s32 $0xFFFFFFFF;
	p2 =	slt.u32 s8, $0xFFFFF086  }
0x1c: {  	p1 =	slt.u32 s9, $0xF7A;
	s5 =	simm.s32 @!p2 $0x0  }
0x1d: {  	s5 =	simm.s32 @p1 $0x1;
	p0 =	seq.s32 s7, s2  }
0x1e: {  	s7 =	smul.u32 @!p0 $0xF7A, s2;
	p2 =	seq.s32 @!p0 s5, $0x0  }
0x1f: {  	s9 =	smul.u32 $0xF7A, s1;
	s8 =	simm.s32 @!p0 $0x1BF5;
	p2 =	por !p2, p0  }
0x20: {  	[sflag:s8] =	ssyncset.s32 @!p0 $0xFFFFF086;
	s6 =	sadd.s32 @!p0 s3, s7;
	s7 =	simm.s32 @!p0 $0x108  }
0x21: {  	s3 =	sadd.s32 s3, s9;
	s6 =	sadd.s32 @!p0 $0x88, s6;
	s7 =	simm.s32 @p2 $0x1082  }
0x22: {  	[simem:s7], [sflag:s8] =	dma.local @!p0 [hbm:s6], $0xF7A  }
0x23: {  	s9 =	sor.u32 $0xD0000000, s2;
	s6 =	simm.s32 $0x108;
	_ =	swait.ge @!p0 [sflag:s8], $0x0  }
0x24: {  	s3 =	sadd.s32 $0x88, s3;
	s6 =	simm.s32 @!p1 $0x1082;
	[sflag:s4] =	ssyncset.s32 $0xFFFFF086  }
0x25: {  	[simem:s6], [sflag:s4] =	dma.local [hbm:s3], $0xF7A  }
0x26: {  	[smem:$0x3F9D] =	sst s1;
	(tag) =	ssettag s2;
	_ =	strace s9  }
0x27: {  	s1 =	sld [smem:$0x3FAD]  }
0x28: {  	s2 =	sld [smem:$0x3FAE]  }
0x29: {  	s4 =	sld [smem:$0x3FB0]  }
0x2a: {  	p0 =	seq.s32 s5, $0x0;
	s5 =	sld [smem:$0x3FB1]  }
0x2b: {  	s6 =	sld [smem:$0x3FB2]  }
0x2c: {  	s7 =	sld [smem:$0x3FB3]  }
0x2d: {  	s3 =	simm.s32 $0x108;
	s8 =	sld [smem:$0x3FB4]  }
0x2e: {  	s3 =	simm.s32 @!p0 $0x1082;
	s9 =	sld [smem:$0x3FB5]  }
0x2f: {  	lr =	sadd.s32 s0, s3;
	s0 =	sld [smem:$0x3FAC]  }
0x30: {  	s3 =	sld [smem:$0x3FAF]  }
0x31: {  	[smem:$0x3FB8] =	sst s10  }
0x32: {  	s10 =	sld [smem:$0x3FB6];
	_ =	sdelay $0x3  }
0x33: {  	p0 =	seq.s32 s10, $0x1;
	s10 =	sld [smem:$0x3FB8];
	_ =	sdelay $0x3  }
0x34: {  	[smem:$0x3FB8] =	sst s10  }
0x35: {  	s10 =	sld [smem:$0x3FB7];
	_ =	sdelay $0x3  }
0x36: {  	p1 =	seq.s32 s10, $0x1;
	s10 =	sld [smem:$0x3FB8];
	_ =	sdelay $0x3  }
0x37: {  	[smem:$0x3FB8] =	sst s10  }
0x38: {  	s10 =	sld [smem:$0x3FB9]  }
0x39: {  	_ = 	snop;
	(pc) =	sbr.ind lr, $3  }
0x3a: {  	_ = 	snop  }
0x3b: {  	_ = 	snop  }
0x3c: {  	p2 =	seq.s32 s10, $0x1;
	s10 =	sld [smem:$0x3FB8]  }
0x3d: {  	_ =	shalt  }
0x3e: {  	_ =	shalt  }
0x3f: {  	_ =	shalt  }
0x40: {  	_ =	shalt  }
0x41: {  	_ =	shalt  }
0x42: {  	_ =	shalt  }
0x43: {  	_ =	shalt  }
0x44: {  	_ =	shalt  }
0x45: {  	_ =	shalt  }
0x46: {  	_ =	shalt  }
0x47: {  	_ =	shalt  }
0x48: {  	_ =	shalt  }
0x49: {  	_ =	shalt  }
0x4a: {  	_ =	shalt  }
0x4b: {  	_ =	shalt  }
0x4c: {  	_ =	shalt  }
0x4d: {  	_ =	shalt  }
0x4e: {  	_ =	shalt  }
0x4f: {  	_ =	shalt  }
0x50: {  	_ =	shalt  }
0x51: {  	_ =	shalt  }
0x52: {  	_ =	shalt  }
0x53: {  	_ =	shalt  }
0x54: {  	_ =	shalt  }
0x55: {  	_ =	shalt  }
0x56: {  	_ =	shalt  }
0x57: {  	_ =	shalt  }
0x58: {  	_ =	shalt  }
0x59: {  	_ =	shalt  }
0x5a: {  	_ =	shalt  }
0x5b: {  	_ =	shalt  }
0x5c: {  	_ =	shalt  }
0x5d: {  	_ =	shalt  }
0x5e: {  	_ =	shalt  }
0x5f: {  	_ =	shalt  }
0x60: {  	_ =	shalt  }
0x61: {  	_ =	shalt  }
0x62: {  	_ =	shalt  }
0x63: {  	_ =	shalt  }
0x64: {  	_ =	shalt  }
0x65: {  	_ =	shalt  }
0x66: {  	_ =	shalt  }
0x67: {  	_ =	shalt  }
0x68: {  	_ =	shalt  }
0x69: {  	_ =	shalt  }
0x6a: {  	_ =	shalt  }
0x6b: {  	_ =	shalt  }
0x6c: {  	_ =	shalt  }
0x6d: {  	_ =	shalt  }
0x6e: {  	_ =	shalt  }
0x6f: {  	_ =	shalt  }
0x70: {  	_ =	shalt  }
0x71: {  	_ =	shalt  }
0x72: {  	_ =	shalt  }
0x73: {  	_ =	shalt  }
0x74: {  	_ =	shalt  }
0x75: {  	_ =	shalt  }
0x76: {  	_ =	shalt  }
0x77: {  	_ =	shalt  }
0x78: {  	_ =	shalt  }
0x79: {  	_ =	shalt  }
0x7a: {  	_ =	shalt  }
0x7b: {  	_ =	shalt  }
0x7c: {  	_ =	shalt  }
0x7d: {  	_ =	shalt  }
0x7e: {  	_ =	shalt  }
0x7f: {  	_ =	shalt  }
0x80: {  	_ =	shalt  }
0x81: {  	_ =	shalt  }
0x82: {  	_ =	shalt  }
0x83: {  	_ =	shalt  }
0x84: {  	_ =	shalt  }
0x85: {  	_ =	shalt  }
0x86: {  	_ =	shalt  }
0x87: {  	_ =	shalt  }
.Lfunc_end0:
.L_simem_size_0:
called_computation_lowered:
.L_overlay_start_0:
0x88: {  	s2 =	sld [smem:$0x3FD9]  }
0x89: {  	s3 =	sld [smem:$0x3FFE];
	_ =	sdelay $0x1  }
0x8a: {  	s1 =	srdreg.scid  }
0x8b: {  	s0 =	sand.u32 $0x1, s1  }
0x8c: {  	s17 =	sshll.u32 s0, $0xA;
	s2 =	sadd.s32 s3, s2  }
0x8d: {  	s2 =	sadd.s32 s2, s17  }
0x8e: {  	[smem:$0x3FC4] =	sst s2  }
0x8f: {  	_ = 	snop  }
0x90: {  	s2 =	sld [smem:$0x3FC8];
	(tm) =	ssettm $0x1  }
0x91: {  	s18 =	sld [smem:$0x3FFB];
	_ =	sdelay $0x3  }
0x92: {  	_ =	strace s18  }
0x93: {  	s3 =	sld [smem:$0x3FFC];
	_ =	sdelay $0x3  }
0x94: {  	_ =	strace s3  }
0x95: {  	s3 =	sld [smem:$0x3FFD];
	_ =	sdelay $0x3  }
0x96: {  	_ =	strace s3  }
0x97: {  	_ =	strace $0x8FFFFFFF  }
0x98: {  	s19 =	sld [smem:$0x3FDB];
	_ =	sdelay $0x1  }
0x99: {  	s4 =	simm.s32 $_scs_section_size  }
0x9a: {  	s5 =	simm.s32 $_size__tile_overlayer_lowered;
	s6 =	simm.s32 $_tile_overlayer_lowered  }
0x9b: {  	s22 =	simm.s32 $0x1BFF;
	s21 =	sshll.u32 s6, $0x1;
	s3 =	sadd.s32 s4, s19  }
0x9c: {  	s7 =	simm.s32 $0x0;
	s20 =	sshll.u32 s5, $0x1;
	s5 =	sadd.s32 s21, s3  }
0x9d: {  	[timem:s7], [sflag:s22] =	dma.local [hbm:s5], s20  }
0x9e: {  	_ =	swait.ge [sflag:s22], s20  }
0x9f: {  	s4 =	ssub.s32 $0x0, s20;
	[sflag:s22] =	ssyncset.done $0x0  }
0xa0: {  	[sflag:s22] =	ssyncadd.s32 s4;
	_ =	sdelay $0x1  }
0xa1: {  	s23 =	simm.s32 $0x1B8B  }
0xa2: {  	_ =	swait.ge [sflag:s23], $0x1  }
0xa3: {  	[sflag:s23] =	ssyncset.done $0x0  }
0xa4: {  	s25 =	simm.s32 $0x1B8E;
	s24 =	sld [smem:$0x3FFE];
	[sflag:s23] =	ssyncadd.s32 $0xFFFFFFFF  }
0xa5: {  	s26 =	simm.s32 $execute0_lowered;
	[smem:$0x3FD2] =	sst s25  }
0xa6: {  	s5 =	sshll.u32 s26, $0x1;
	_ =	strace $0x80000046;
	[dreg:$0x1] =	wrdreg $0xFFFFFFFF  }
0xa7: {  	s28 =	simm.s32 $_size_execute0_lowered;
	s3 =	sadd.s32 s3, s5;
	[dreg:$0x0] =	wrdreg $0x0  }
0xa8: {  	s5 =	sshll.u32 s28, $0x1;
	[dreg:$0x2] =	wrdreg s3  }
0xa9: {  	[dreg:$0x3] =	wrdreg s5  }
0xaa: {  	[dreg:$0x4] =	wrdreg $0xC0  }
0xab: {  	_ =	task [dreg:s7], $0x5FFFF  }
0xac: {  	[dreg:$0x1] =	wrdreg $0xFFFFFFFF  }
0xad: {  	[dreg:$0x0] =	wrdreg $0x60  }
0xae: {  	[dreg:$0x2] =	wrdreg s2  }
0xaf: {  	[dreg:$0x3] =	wrdreg s24  }
0xb0: {  	[dreg:$0x4] =	wrdreg $0x55800  }
0xb1: {  	[dreg:$0x5] =	wrdreg $0x9  }
0xb2: {  	_ =	task.clear_ibuf [dreg:s7], $0x6FFFF;
	_ =	strace $0x90000046  }
0xb3: {  	s29 =	simm.s32 $0x9;
	_ =	strace $0x80000048  }
0xb4: {  	_ =	swait.ge [sflag:s29], $0x1  }
0xb5: {  	[sflag:s29] =	ssyncadd.s32 $0xFFFFFFFF  }
0xb6: {  	_ =	strace $0x90000048  }
0xb7: {  	_ =	sfence  }
0xb8: {  	s30 =	sld [smem:$0x0];
	_ =	sdelay $0x2  }
0xb9: {  	s31 =	sshll.u32 s1, $0xD;
	s1 =	sshrl.u32 s1, $0x2  }
0xba: {  	s3 =	sand.u32 $0x4000, s31;
	s1 =	sadd.s32 s1, s30  }
0xbb: {  	s0 =	sor.u32 s3, s0;
	s1 =	sshll.u32 s1, $0x11  }
0xbc: {  	s0 =	sor.u32 s1, s0  }
0xbd: {  	s0 =	sadd.s32 $0x8F2B, s0  }
0xbe: {  	[sflag:s0] =	ssyncadd.remote.s32 $0x1  }
0xbf: {  	_ =	sfence.sel $0xFFFF  }
0xc0: {  	[dreg:$0x0] =	wrdreg $0xFFFFFFFF;
	(pc) =	sbr.abs _section_cstart, $3  }
0xc1: {  	[dreg:$0x1] =	wrdreg $0xFFFFFFFF  }
0xc2: {  	_ =	task.clear_ibuf [dreg:s7], $0x2FFFF;
	_ =	strace $0x9FFFFFFF  }
0xc3: {  	(tm) =	ssettm $0x7FFFFFFF  }
tec
execute0_lowered:
.L_overlay_start_1:
0x0: {  	(tag) =	ssettag $0x1  }
0x1: {  	s6 =	rddreg [dreg:$0x0]  }
0x2: {  	s4 =	rddreg [dreg:$0x1]  }
0x3: {  	s2 =	rddreg [dreg:$0x2]  }
0x4: {  	s0 =	srdreg.scid;
	s1 =	rddreg [dreg:$0x3]  }
0x5: {  	s3 =	simm.s32 $0x0;
	s11 =	simm.s32 $0x80;
	s12 =	simm.s32 $0x2800  }
0x6: {  	s13 =	simm.s32 $0x1;
	s14 =	simm.s32 $0x2B00;
	s5 =	sand.u32 $0x1, s0  }
0x7: {  	s15 =	simm.s32 $0x2D80;
	s0 =	stileid.u32;
	s7 =	smul.u32 $0x28000, s5  }
0x8: {  	s16 =	simm.s32 $0x0;
	[smem:$0x7FF] =	sst s3;
	s8 =	smul.u32 $0x2800, s0  }
0x9: {  	_ =	strace $0x80000047;
	s25 =	ssub.s32 $0x2, s5;
	s26 =	sshll.u32 s5, $0x4  }
0xa: {  	s10 =	smul.u32 $0xA00, s0;
	s29 =	sshll.u32 s5, $0x9;
	s31 =	sshll.u32 s0, $0x5  }
0xb: {  	s9 =	sshrl.u32 s25, $0x1;
	s30 =	sadd.s32 s29, s6;
	s7 =	sadd.s32 s8, s7  }
0xc: {  	s8 =	sor.u32 s0, s26;
	s9 =	ssub.s32 s25, s9;
	s28 =	sshrl.u32 s10, $0x2  }
0xd: {  	s10 =	simm.s32 $0x3;
	s7 =	sshrl.u32 s7, $0x3;
	p0 =	slt.u32 s8, $0x4  }
0xe: {  	s8 =	sadd.s32 s31, s30;
	s7 =	sadd.s32 s7, s4;
	s4 =	simm.s32 $0x4F  }
0xf: {  	s5 =	sadd.s32 s28, s2;
	s8 =	sadd.s32 $0x10, s8;
	s4 =	simm.s32 @!p0 $0x4E  }
0x10: {  	v0 =	vimm.f32 $0.0e+00;
	v1 =	vimm.f32 $1.000000000e+00;
	s6 =	sadd.s32 $0x2800, s7;
	s7 =	smax.u32 s9, $0x1;
	s9 =	simm.s32 $0x2880  }
.LBB2_1:
0x11: {  	p0 =	sle.u32 s4, $0x0  }
0x12: {  	s17 =	simm.s32 $0x1;
	s18 =	sadd.s32 $0x400, s8;
	s19 =	simm.s32 $0x80  }
0x13: {  	s20 =	simm.s32 $0x0;
	s21 =	smov.u32 s8;
	s22 =	simm.s32 @!p0 $0x0  }
.LBB2_2:
0x14: {  	[tilespmem:s20], [sflag:$0x2] =	stream.linear.gather @!p0 [hbm4b:s21+s22], $0x80, $0x38;
	[tilespmem:$0x5800] =	vst v63  }
0x15: {  	s22 =	smov.u32 s17;
	s17 =	sadd.s32 $0x1, s17  }
0x16: {  	p1 =	sne.s32 s17, $0x50  }
.Ltmp0:
0x17: {  	(pc) =	sbr.rel @p1 .LBB2_2-.Ltmp0, $3  }
0x18: {  	s21 =	smov.u32 s18;
	s20 =	smov.u32 s19;
	_ =	sdelay $0x1  }
0x19: {  	p0 =	sge.u32 s22, s4  }
0x1a: {  	s18 =	sadd.s32 $0x400, s18;
	s19 =	sadd.s32 $0x80, s19;
	s22 =	simm.s32 @!p0 $0x0  }
0x1b: {  	[tilespmem:s20], [sflag:$0x2] =	stream.linear.gather @!p0 [hbm4b:s21+s22], $0x80, $0x38;
	[tilespmem:$0x5800] =	vst v63  }
0x1c: {  	[tilespmem:$0x2880] =	vst v0  }
0x1d: {  	[tilespmem:$0x2890] =	vst v0  }
0x1e: {  	[tilespmem:$0x28A0] =	vst v0  }
0x1f: {  	[tilespmem:$0x28B0] =	vst v0  }
0x20: {  	[tilespmem:$0x28C0] =	vst v0  }
0x21: {  	[tilespmem:$0x28D0] =	vst v0  }
0x22: {  	[tilespmem:$0x28E0] =	vst v0  }
0x23: {  	[tilespmem:$0x28F0] =	vst v0  }
0x24: {  	[tilespmem:$0x2900] =	vst v0  }
0x25: {  	[tilespmem:$0x2910] =	vst v0  }
0x26: {  	[tilespmem:$0x2920] =	vst v0  }
0x27: {  	[tilespmem:$0x2930] =	vst v0  }
0x28: {  	[tilespmem:$0x2940] =	vst v0  }
0x29: {  	[tilespmem:$0x2950] =	vst v0  }
0x2a: {  	[tilespmem:$0x2960] =	vst v0  }
0x2b: {  	[tilespmem:$0x2970] =	vst v0  }
0x2c: {  	[tilespmem:$0x2980] =	vst v0  }
0x2d: {  	[tilespmem:$0x2990] =	vst v0  }
0x2e: {  	[tilespmem:$0x29A0] =	vst v0  }
0x2f: {  	[tilespmem:$0x29B0] =	vst v0  }
0x30: {  	[tilespmem:$0x29C0] =	vst v0  }
0x31: {  	[tilespmem:$0x29D0] =	vst v0  }
0x32: {  	[tilespmem:$0x29E0] =	vst v0  }
0x33: {  	[tilespmem:$0x29F0] =	vst v0  }
0x34: {  	[tilespmem:$0x2A00] =	vst v0  }
0x35: {  	[tilespmem:$0x2A10] =	vst v0  }
0x36: {  	[tilespmem:$0x2A20] =	vst v0  }
0x37: {  	[tilespmem:$0x2A30] =	vst v0  }
0x38: {  	[tilespmem:$0x2A40] =	vst v0  }
0x39: {  	[tilespmem:$0x2A50] =	vst v0  }
0x3a: {  	[tilespmem:$0x2A60] =	vst v0  }
0x3b: {  	[tilespmem:$0x2A70] =	vst v0  }
0x3c: {  	[tilespmem:$0x2A80] =	vst v0  }
0x3d: {  	[tilespmem:$0x2A90] =	vst v0  }
0x3e: {  	[tilespmem:$0x2AA0] =	vst v0  }
0x3f: {  	[tilespmem:$0x2AB0] =	vst v0  }
0x40: {  	[tilespmem:$0x2AC0] =	vst v0  }
0x41: {  	[tilespmem:$0x2AD0] =	vst v0  }
0x42: {  	[tilespmem:$0x2AE0] =	vst v0  }
0x43: {  	[tilespmem:$0x2AF0] =	vst v0  }
0x44: {  	[tilespmem:$0x2800] =	vst v1  }
0x45: {  	[tilespmem:$0x2810] =	vst v1  }
0x46: {  	[tilespmem:$0x2820] =	vst v1  }
0x47: {  	[tilespmem:$0x2830] =	vst v1  }
0x48: {  	[tilespmem:$0x2840] =	vst v1  }
0x49: {  	[tilespmem:$0x2850] =	vst v1  }
0x4a: {  	[tilespmem:$0x2860] =	vst v1  }
0x4b: {  	[tilespmem:$0x2870] =	vst v1  }
0x4c: {  	[spmem:s5] =	stream.linear.scatter [tilespmem:s9], [sflag:$0x3], $0x280, $0x38;
	[tilespmem:$0x5800] =	vst v63  }
0x4d: {  	_ =	swait.ge [sflag:s10], $0x280  }
0x4e: {  	p0 =	sle.u32 s4, $0x0;
	[sflag:s10] =	ssyncset.done $0x0  }
0x4f: {  	s18 =	simm.s32 @!p0 $0x2;
	[sflag:s10] =	ssyncadd.s32 $0xFFFFFD80  }
0x50: {  	_ =	swait.ge @!p0 [sflag:s18], $0x80  }
0x51: {  	s17 =	simm.s32 $0x1;
	[sflag:s18] =	ssyncset.done @!p0 $0x0  }
.LBB2_4:
0x52: {  	[sflag:s18] =	ssyncadd.s32 @!p0 $0xFFFFFF80;
	s18 =	smov.u32 s17;
	s17 =	sadd.s32 $0x1, s17  }
0x53: {  	p1 =	sne.s32 s17, $0x50  }
.Ltmp1:
0x54: {  	(pc) =	sbr.rel @p1 .LBB2_4-.Ltmp1, $4  }
0x55: {  	p0 =	sge.u32 s18, s4  }
0x56: {  	s18 =	simm.s32 @!p0 $0x2  }
0x57: {  	_ =	swait.ge @!p0 [sflag:s18], $0x80  }
0x58: {  	[sflag:s18] =	ssyncset.done @!p0 $0x0  }
0x59: {  	[sflag:s18] =	ssyncadd.s32 @!p0 $0xFFFFFF80  }
0x5a: {  	s17 =	simm.s32 $0x0;
	[bflag:$0x0] =	sbarrier.arrive $0xFFFF  }
0x5b: {  	[spmem:s2] =	stream.indirect.scatter.add.f32 [tilespmem:s12], [sflag:$0x1], $0x1, s17, s11, $0xb8;
	[tilespmem:$0x5800] =	vst v63  }
0x5c: {  	s18 =	simm.s32 $0x80  }
0x5d: {  	[spmem:s2] =	stream.indirect.scatter.add.f32 [tilespmem:s12], [sflag:$0x1], $0x1, s18, s11, $0xb8;
	[tilespmem:$0x5800] =	vst v63  }
0x5e: {  	s19 =	simm.s32 $0x100  }
0x5f: {  	[spmem:s2] =	stream.indirect.scatter.add.f32 [tilespmem:s12], [sflag:$0x1], $0x1, s19, s11, $0xb8;
	[tilespmem:$0x5800] =	vst v63  }
0x60: {  	s20 =	simm.s32 $0x180  }
0x61: {  	[spmem:s2] =	stream.indirect.scatter.add.f32 [tilespmem:s12], [sflag:$0x1], $0x1, s20, s11, $0xb8;
	[tilespmem:$0x5800] =	vst v63  }
0x62: {  	s21 =	simm.s32 $0x200  }
0x63: {  	[spmem:s2] =	stream.indirect.scatter.add.f32 [tilespmem:s12], [sflag:$0x1], $0x1, s21, s11, $0xb8;
	[tilespmem:$0x5800] =	vst v63  }
0x64: {  	s22 =	simm.s32 $0x280  }
0x65: {  	[spmem:s2] =	stream.indirect.scatter.add.f32 [tilespmem:s12], [sflag:$0x1], $0x1, s22, s11, $0xb8;
	[tilespmem:$0x5800] =	vst v63  }
0x66: {  	s23 =	simm.s32 $0x300  }
0x67: {  	[spmem:s2] =	stream.indirect.scatter.add.f32 [tilespmem:s12], [sflag:$0x1], $0x1, s23, s11, $0xb8;
	[tilespmem:$0x5800] =	vst v63  }
0x68: {  	s24 =	simm.s32 $0x380  }
0x69: {  	[spmem:s2] =	stream.indirect.scatter.add.f32 [tilespmem:s12], [sflag:$0x1], $0x1, s24, s11, $0xb8;
	[tilespmem:$0x5800] =	vst v63  }
0x6a: {  	s25 =	simm.s32 $0x400  }
0x6b: {  	[spmem:s2] =	stream.indirect.scatter.add.f32 [tilespmem:s12], [sflag:$0x1], $0x1, s25, s11, $0xb8;
	[tilespmem:$0x5800] =	vst v63  }
0x6c: {  	s26 =	simm.s32 $0x480  }
0x6d: {  	[spmem:s2] =	stream.indirect.scatter.add.f32 [tilespmem:s12], [sflag:$0x1], $0x1, s26, s11, $0xb8;
	[tilespmem:$0x5800] =	vst v63  }
0x6e: {  	s28 =	simm.s32 $0x500  }
0x6f: {  	[spmem:s2] =	stream.indirect.scatter.add.f32 [tilespmem:s12], [sflag:$0x1], $0x1, s28, s11, $0xb8;
	[tilespmem:$0x5800] =	vst v63  }
0x70: {  	s29 =	simm.s32 $0x580  }
0x71: {  	[spmem:s2] =	stream.indirect.scatter.add.f32 [tilespmem:s12], [sflag:$0x1], $0x1, s29, s11, $0xb8;
	[tilespmem:$0x5800] =	vst v63  }
0x72: {  	s30 =	simm.s32 $0x600  }
0x73: {  	[spmem:s2] =	stream.indirect.scatter.add.f32 [tilespmem:s12], [sflag:$0x1], $0x1, s30, s11, $0xb8;
	[tilespmem:$0x5800] =	vst v63  }
0x74: {  	s31 =	simm.s32 $0x680;
	p1 =	sle.u32 s4, $0xE;
	p0 =	sle.u32 s4, $0xF  }
0x75: {  	[spmem:s2] =	stream.indirect.scatter.add.f32 [tilespmem:s12], [sflag:$0x1], $0x1, s31, s11, $0xb8;
	[tilespmem:$0x5800] =	vst v63  }
0x76: {  	s17 =	simm.s32 @!p1 $0x2800;
	s18 =	simm.s32 @!p1 $0x700;
	s19 =	simm.s32 @!p1 $0x80  }
0x77: {  	[spmem:s2] =	stream.indirect.scatter.add.f32 @!p1 [tilespmem:s17], [sflag:$0x1], $0x1, s18, s19, $0xb8;
	[tilespmem:$0x5800] =	vst v63  }
0x78: {  	s17 =	simm.s32 @!p0 $0x780;
	s18 =	simm.s32 @!p0 $0x80;
	s19 =	simm.s32 @!p0 $0x2800  }
0x79: {  	[spmem:s2] =	stream.indirect.scatter.add.f32 @!p0 [tilespmem:s19], [sflag:$0x1], $0x1, s17, s18, $0xb8;
	[tilespmem:$0x5800] =	vst v63  }
0x7a: {  	_ =	swait.ge [sflag:s13], $0x80  }
0x7b: {  	[sflag:s13] =	ssyncset.done $0x0  }
0x7c: {  	[sflag:s13] =	ssyncadd.s32 $0xFFFFFF80  }
0x7d: {  	_ =	swait.ge [sflag:s13], $0x80  }
0x7e: {  	[sflag:s13] =	ssyncset.done $0x0  }
0x7f: {  	[sflag:s13] =	ssyncadd.s32 $0xFFFFFF80  }
0x80: {  	_ =	swait.ge [sflag:s13], $0x80  }
0x81: {  	[sflag:s13] =	ssyncset.done $0x0  }
0x82: {  	[sflag:s13] =	ssyncadd.s32 $0xFFFFFF80  }
0x83: {  	_ =	swait.ge [sflag:s13], $0x80  }
0x84: {  	[sflag:s13] =	ssyncset.done $0x0  }
0x85: {  	[sflag:s13] =	ssyncadd.s32 $0xFFFFFF80  }
0x86: {  	_ =	swait.ge [sflag:s13], $0x80  }
0x87: {  	[sflag:s13] =	ssyncset.done $0x0  }
0x88: {  	[sflag:s13] =	ssyncadd.s32 $0xFFFFFF80  }
0x89: {  	_ =	swait.ge [sflag:s13], $0x80  }
0x8a: {  	[sflag:s13] =	ssyncset.done $0x0  }
0x8b: {  	[sflag:s13] =	ssyncadd.s32 $0xFFFFFF80  }
0x8c: {  	_ =	swait.ge [sflag:s13], $0x80  }
0x8d: {  	[sflag:s13] =	ssyncset.done $0x0  }
0x8e: {  	[sflag:s13] =	ssyncadd.s32 $0xFFFFFF80  }
0x8f: {  	_ =	swait.ge [sflag:s13], $0x80  }
0x90: {  	[sflag:s13] =	ssyncset.done $0x0  }
0x91: {  	[sflag:s13] =	ssyncadd.s32 $0xFFFFFF80  }
0x92: {  	_ =	swait.ge [sflag:s13], $0x80  }
0x93: {  	[sflag:s13] =	ssyncset.done $0x0  }
0x94: {  	[sflag:s13] =	ssyncadd.s32 $0xFFFFFF80  }
0x95: {  	_ =	swait.ge [sflag:s13], $0x80  }
0x96: {  	[sflag:s13] =	ssyncset.done $0x0  }
0x97: {  	[sflag:s13] =	ssyncadd.s32 $0xFFFFFF80  }
0x98: {  	_ =	swait.ge [sflag:s13], $0x80  }
0x99: {  	[sflag:s13] =	ssyncset.done $0x0  }
0x9a: {  	[sflag:s13] =	ssyncadd.s32 $0xFFFFFF80  }
0x9b: {  	_ =	swait.ge [sflag:s13], $0x80  }
0x9c: {  	[sflag:s13] =	ssyncset.done $0x0  }
0x9d: {  	[sflag:s13] =	ssyncadd.s32 $0xFFFFFF80  }
0x9e: {  	_ =	swait.ge [sflag:s13], $0x80  }
0x9f: {  	[sflag:s13] =	ssyncset.done $0x0  }
0xa0: {  	[sflag:s13] =	ssyncadd.s32 $0xFFFFFF80  }
0xa1: {  	_ =	swait.ge [sflag:s13], $0x80  }
0xa2: {  	[sflag:s13] =	ssyncset.done $0x0  }
0xa3: {  	s20 =	simm.s32 @!p1 $0x1;
	s21 =	simm.s32 @!p0 $0x1;
	[sflag:s13] =	ssyncadd.s32 $0xFFFFFF80  }
0xa4: {  	s17 =	simm.s32 $0xF;
	s18 =	simm.s32 $0x2000;
	_ =	swait.ge @!p1 [sflag:s20], $0x80  }
.LBB2_6:
0xa5: {  	[sflag:s20] =	ssyncset.done @!p1 $0x0  }
0xa6: {  	s17 =	sadd.s32 $0x10, s17;
	s19 =	smov.u32 s18;
	s18 =	sadd.s32 $0x2000, s18  }
0xa7: {  	s22 =	sshra.s32 s19, $0x2;
	p2 =	sne.s32 s18, $0xA000;
	[sflag:s20] =	ssyncadd.s32 @!p1 $0xFFFFFF80  }
0xa8: {  	_ =	swait.ge @!p0 [sflag:s21], $0x80  }
0xa9: {  	s20 =	sadd.s32 $0x80, s22;
	[sflag:s21] =	ssyncset.done @!p0 $0x0  }
0xaa: {  	[sflag:s21] =	ssyncadd.s32 @!p0 $0xFFFFFF80  }
0xab: {  	s21 =	sadd.s32 $0x100, s22  }
0xac: {  	[spmem:s2] =	stream.indirect.scatter.add.f32 [tilespmem:s12], [sflag:$0x1], $0x1, s22, s11, $0xb8;
	[tilespmem:$0x5800] =	vst v63  }
0xad: {  	s23 =	sadd.s32 $0x180, s22  }
0xae: {  	[spmem:s2] =	stream.indirect.scatter.add.f32 [tilespmem:s12], [sflag:$0x1], $0x1, s20, s11, $0xb8;
	[tilespmem:$0x5800] =	vst v63  }
0xaf: {  	s20 =	sadd.s32 $0x200, s22  }
0xb0: {  	[spmem:s2] =	stream.indirect.scatter.add.f32 [tilespmem:s12], [sflag:$0x1], $0x1, s21, s11, $0xb8;
	[tilespmem:$0x5800] =	vst v63  }
0xb1: {  	s21 =	sadd.s32 $0x280, s22  }
0xb2: {  	[spmem:s2] =	stream.indirect.scatter.add.f32 [tilespmem:s12], [sflag:$0x1], $0x1, s23, s11, $0xb8;
	[tilespmem:$0x5800] =	vst v63  }
0xb3: {  	s23 =	sadd.s32 $0x300, s22  }
0xb4: {  	[spmem:s2] =	stream.indirect.scatter.add.f32 [tilespmem:s12], [sflag:$0x1], $0x1, s20, s11, $0xb8;
	[tilespmem:$0x5800] =	vst v63  }
0xb5: {  	s20 =	sadd.s32 $0x380, s22  }
0xb6: {  	[spmem:s2] =	stream.indirect.scatter.add.f32 [tilespmem:s12], [sflag:$0x1], $0x1, s21, s11, $0xb8;
	[tilespmem:$0x5800] =	vst v63  }
0xb7: {  	s21 =	sadd.s32 $0x400, s22  }
0xb8: {  	[spmem:s2] =	stream.indirect.scatter.add.f32 [tilespmem:s12], [sflag:$0x1], $0x1, s23, s11, $0xb8;
	[tilespmem:$0x5800] =	vst v63  }
0xb9: {  	s23 =	sadd.s32 $0x480, s22  }
0xba: {  	[spmem:s2] =	stream.indirect.scatter.add.f32 [tilespmem:s12], [sflag:$0x1], $0x1, s20, s11, $0xb8;
	[tilespmem:$0x5800] =	vst v63  }
0xbb: {  	s20 =	sadd.s32 $0x500, s22  }
0xbc: {  	[spmem:s2] =	stream.indirect.scatter.add.f32 [tilespmem:s12], [sflag:$0x1], $0x1, s21, s11, $0xb8;
	[tilespmem:$0x5800] =	vst v63  }
0xbd: {  	s21 =	sadd.s32 $0x580, s22  }
0xbe: {  	[spmem:s2] =	stream.indirect.scatter.add.f32 [tilespmem:s12], [sflag:$0x1], $0x1, s23, s11, $0xb8;
	[tilespmem:$0x5800] =	vst v63  }
0xbf: {  	s24 =	sadd.s32 $0xFFFFFFFF, s17;
	s23 =	sadd.s32 $0x600, s22  }
0xc0: {  	[spmem:s2] =	stream.indirect.scatter.add.f32 [tilespmem:s12], [sflag:$0x1], $0x1, s20, s11, $0xb8;
	[tilespmem:$0x5800] =	vst v63  }
0xc1: {  	p1 =	sge.u32 s24, s4;
	p0 =	sge.u32 s17, s4;
	s20 =	sadd.s32 $0x680, s22  }
0xc2: {  	[spmem:s2] =	stream.indirect.scatter.add.f32 [tilespmem:s12], [sflag:$0x1], $0x1, s21, s11, $0xb8;
	[tilespmem:$0x5800] =	vst v63  }
0xc3: {  	s22 =	simm.s32 @!p1 $0x2800;
	s21 =	sshra.s32 @!p1 s19, $0x2;
	s19 =	sshra.s32 @!p0 s19, $0x2  }
0xc4: {  	[spmem:s2] =	stream.indirect.scatter.add.f32 [tilespmem:s12], [sflag:$0x1], $0x1, s23, s11, $0xb8;
	[tilespmem:$0x5800] =	vst v63  }
0xc5: {  	s21 =	sadd.s32 @!p1 $0x700, s21;
	s19 =	sadd.s32 @!p0 $0x780, s19;
	s23 =	simm.s32 @!p1 $0x80  }
0xc6: {  	[spmem:s2] =	stream.indirect.scatter.add.f32 [tilespmem:s12], [sflag:$0x1], $0x1, s20, s11, $0xb8;
	[tilespmem:$0x5800] =	vst v63  }
0xc7: {  	s24 =	simm.s32 @!p0 $0x2800;
	s20 =	simm.s32 @!p0 $0x80  }
0xc8: {  	[spmem:s2] =	stream.indirect.scatter.add.f32 @!p1 [tilespmem:s22], [sflag:$0x1], $0x1, s21, s23, $0xb8;
	[tilespmem:$0x5800] =	vst v63  }
0xc9: {  	_ = 	snop  }
0xca: {  	[spmem:s2] =	stream.indirect.scatter.add.f32 @!p0 [tilespmem:s24], [sflag:$0x1], $0x1, s19, s20, $0xb8;
	[tilespmem:$0x5800] =	vst v63  }
0xcb: {  	_ =	swait.ge [sflag:s13], $0x80  }
0xcc: {  	[sflag:s13] =	ssyncset.done $0x0  }
0xcd: {  	[sflag:s13] =	ssyncadd.s32 $0xFFFFFF80  }
0xce: {  	_ =	swait.ge [sflag:s13], $0x80  }
0xcf: {  	[sflag:s13] =	ssyncset.done $0x0  }
0xd0: {  	[sflag:s13] =	ssyncadd.s32 $0xFFFFFF80  }
0xd1: {  	_ =	swait.ge [sflag:s13], $0x80  }
0xd2: {  	[sflag:s13] =	ssyncset.done $0x0  }
0xd3: {  	[sflag:s13] =	ssyncadd.s32 $0xFFFFFF80  }
0xd4: {  	_ =	swait.ge [sflag:s13], $0x80  }
0xd5: {  	[sflag:s13] =	ssyncset.done $0x0  }
0xd6: {  	[sflag:s13] =	ssyncadd.s32 $0xFFFFFF80  }
0xd7: {  	_ =	swait.ge [sflag:s13], $0x80  }
0xd8: {  	[sflag:s13] =	ssyncset.done $0x0  }
0xd9: {  	[sflag:s13] =	ssyncadd.s32 $0xFFFFFF80  }
0xda: {  	_ =	swait.ge [sflag:s13], $0x80  }
0xdb: {  	[sflag:s13] =	ssyncset.done $0x0  }
0xdc: {  	[sflag:s13] =	ssyncadd.s32 $0xFFFFFF80  }
0xdd: {  	_ =	swait.ge [sflag:s13], $0x80  }
0xde: {  	[sflag:s13] =	ssyncset.done $0x0  }
0xdf: {  	[sflag:s13] =	ssyncadd.s32 $0xFFFFFF80  }
0xe0: {  	_ =	swait.ge [sflag:s13], $0x80  }
0xe1: {  	[sflag:s13] =	ssyncset.done $0x0  }
0xe2: {  	[sflag:s13] =	ssyncadd.s32 $0xFFFFFF80  }
0xe3: {  	_ =	swait.ge [sflag:s13], $0x80  }
0xe4: {  	[sflag:s13] =	ssyncset.done $0x0  }
0xe5: {  	[sflag:s13] =	ssyncadd.s32 $0xFFFFFF80  }
0xe6: {  	_ =	swait.ge [sflag:s13], $0x80  }
0xe7: {  	[sflag:s13] =	ssyncset.done $0x0  }
0xe8: {  	[sflag:s13] =	ssyncadd.s32 $0xFFFFFF80  }
0xe9: {  	_ =	swait.ge [sflag:s13], $0x80  }
0xea: {  	[sflag:s13] =	ssyncset.done $0x0  }
0xeb: {  	[sflag:s13] =	ssyncadd.s32 $0xFFFFFF80  }
0xec: {  	_ =	swait.ge [sflag:s13], $0x80  }
0xed: {  	[sflag:s13] =	ssyncset.done $0x0  }
0xee: {  	[sflag:s13] =	ssyncadd.s32 $0xFFFFFF80  }
0xef: {  	_ =	swait.ge [sflag:s13], $0x80  }
0xf0: {  	[sflag:s13] =	ssyncset.done $0x0  }
.Ltmp2:
0xf1: {  	[sflag:s13] =	ssyncadd.s32 $0xFFFFFF80;
	(pc) =	sbr.rel @p2 .LBB2_6-.Ltmp2, $4  }
0xf2: {  	s20 =	simm.s32 @!p1 $0x1;
	_ =	swait.ge [sflag:s13], $0x80  }
0xf3: {  	[sflag:s13] =	ssyncset.done $0x0  }
0xf4: {  	[sflag:s13] =	ssyncadd.s32 $0xFFFFFF80  }
0xf5: {  	s21 =	simm.s32 @!p0 $0x1;
	_ =	swait.ge @!p1 [sflag:s20], $0x80  }
0xf6: {  	[sflag:s20] =	ssyncset.done @!p1 $0x0  }
0xf7: {  	[sflag:s20] =	ssyncadd.s32 @!p1 $0xFFFFFF80  }
0xf8: {  	_ =	swait.ge @!p0 [sflag:s21], $0x80  }
0xf9: {  	[sflag:s21] =	ssyncset.done @!p0 $0x0  }
0xfa: {  	s17 =	simm.s32 $0x0;
	[sflag:s21] =	ssyncadd.s32 @!p0 $0xFFFFFF80  }
0xfb: {  	v2 =	vmov s17;
	[bflag:$0x0] =	sbarrier.arrive $0xFFFF  }
0xfc: {  	[tilespmem:s14], [sflag:$0x3] =	stream.linear.gather [spmem:s5], $0x280, $0x38;
	[tilespmem:$0x5800] =	vst v63  }
0xfd: {  	_ =	swait.ge [sflag:s10], $0x280  }
0xfe: {  	[sflag:s10] =	ssyncset.done $0x0  }
0xff: {  	[sflag:s10] =	ssyncadd.s32 $0xFFFFFD80  }
0x100: {  	s18 =	simm.s32 $0x1;
	v2 =	vld.idx.msk [tilespmem:v2+s14+$0x0], $0xffff  }
0x101: {  	v3 =	vmov s18  }
0x102: {  	s30 =	sand.u32 $0xFE00, s17  }
0x103: {  	s19 =	sand.u32 $0x70, s17;
	s18 =	sshrl.u32 s30, $0x2  }
0x104: {  	s18 =	sor.u32 s19, s18  }
0x105: {  	[tilespmem:s18+$0x2D80] =	vst v2  }
0x106: {  	s31 =	simm.s32 $0x2;
	v2 =	vld.idx.msk [tilespmem:v3+s14+$0x0], $0xffff  }
0x107: {  	s19 =	simm.s32 $0x3;
	s18 =	simm.s32 $0x40;
	v3 =	vmov s31  }
.LBB2_8:
0x108: {  	p0 =	sne.s32 s19, $0x27F;
	s20 =	sand.u32 $0xFE00, s18;
	s17 =	sadd.s32 $0x10, s17  }
0x109: {  	s21 =	sand.u32 $0x70, s17;
	s20 =	sshrl.u32 s20, $0x2  }
.Ltmp3:
0x10a: {  	s20 =	sor.u32 s21, s20;
	(pc) =	sbr.rel @p0 .LBB2_8-.Ltmp3, $3  }
0x10b: {  	[tilespmem:s20+$0x2D80] =	vst v2  }
0x10c: {  	v2 =	vld.idx.msk [tilespmem:v3+s14+$0x0], $0xffff;
	_ =	sdelay $0x1  }
0x10d: {  	s18 =	sadd.s32 $0x40, s18;
	v3 =	vmov s19;
	s19 =	sadd.s32 $0x1, s19  }
0x10e: {  	s19 =	sand.u32 $0xFE00, s18;
	s17 =	sadd.s32 $0x10, s17  }
0x10f: {  	s20 =	sand.u32 $0x70, s17;
	s19 =	sshrl.u32 s19, $0x2  }
0x110: {  	s19 =	sor.u32 s20, s19  }
0x111: {  	[tilespmem:s19+$0x2D80] =	vst v2  }
0x112: {  	v2 =	vld.idx.msk [tilespmem:v3+s14+$0x0], $0xffff  }
0x113: {  	s31 =	sadd.s32 $0x40, s18  }
0x114: {  	s18 =	sand.u32 $0xFE00, s31;
	s17 =	sadd.s32 $0x10, s17  }
0x115: {  	s16 =	sadd.s32 $0x1, s16;
	s17 =	sand.u32 $0x70, s17;
	s18 =	sshrl.u32 s18, $0x2  }
0x116: {  	p0 =	sne.s32 s16, s7;
	s17 =	sor.u32 s17, s18  }
.Ltmp4:
0x117: {  	[tilespmem:s17+$0x2D80] =	vst v2;
	(pc) =	sbr.rel @p0 .LBB2_1-.Ltmp4, $4  }
0x118: {  	[hbm4b:s6+s3] =	stream.linear.scatter [tilespmem:s15], [sflag:$0x3], $0x2800, $0x38;
	[tilespmem:$0x5800] =	vst v63  }
0x119: {  	_ =	swait.ge [sflag:s10], $0x2800  }
0x11a: {  	[sflag:s10] =	ssyncset.done $0x0  }
0x11b: {  	[sflag:s10] =	ssyncadd.s32 $0xFFFFD800  }
0x11c: {  	_ =	sfence.sel $0x180000  }
0x11d: {  	[bflag:$0x0] =	sbarrier.arrive $0xFFFF  }
0x11e: {  	p0 =	sne.s32 s0, $0x0;
	_ =	strace $0x90000047  }
0x11f: {  	s0 =	sadd.s32 @!p0 $0x100000, s1;
	[bflag:$0x2] =	sbarrier.arrive $0xFFFF  }
0x120: {  	[sflag:s0] =	ssyncadd.tile.s32 @!p0 $0x1;
	_ =	shalt  }
.Lfunc_end2:
_tile_overlayer_lowered:
.L_overlay_start_2:
0x121: {  	(tag) =	ssettag $0x2  }
0x122: {  	s0 =	rddreg [dreg:$0x0];
	s2 =	stileid.u32  }
0x123: {  	s1 =	rddreg [dreg:$0x1];
	p0 =	sne.s32 s2, $0x0  }
0x124: {  	s3 =	rddreg [dreg:$0x2];
	[bflag:$0x3] =	sbarrier.arrive $0xFFFF;
	s2 =	simm.s32 @!p0 $0x1C03  }
0x125: {  	[timem:s3], [sflag:s2] =	dma.local @!p0 [hbm:s0], s1  }
0x126: {  	s0 =	simm.s32 @!p0 $0x3  }
0x127: {  	_ =	swait.ge @!p0 [sflag:s0], s1  }
0x128: {  	s1 =	ssub.s32 @!p0 $0x0, s1;
	[sflag:s0] =	ssyncset.done @!p0 $0x0  }
0x129: {  	[sflag:s0] =	ssyncadd.s32 @!p0 s1  }
0x12a: {  	[bflag:$0x3] =	sbarrier.arrive $0xFFFF  }
0x12b: {  	_ =	shalt  }

</sc_bundles>
